<compile_context>
chip_gen: v7x
topology: tpu7x:2x2x1
jax: 0.10.2.dev20260603
libtpu: 0.0.44.dev20260713+nightly
codegen_flags: <defaults>
</compile_context>

<pallas_src>
import functools

import jax
import jax.numpy as jnp
from jax import lax
from jax.experimental import pallas as pl
from jax.experimental.pallas import tpu as pltpu
from jax.experimental.pallas import tpu_sc as plsc

N = 10000
NPAD = 10240
E = 320000
EPAD = 327680
EROWS = 2560
DUMP = 10008
RPT = NPAD // 16
QD = 4
EROWS64 = 5120
EROWSA = 5152
SPLIT0 = 304
SPLIT1 = 16


def _sc_mesh():
    return plsc.VectorSubcoreMesh(core_axis_name="c", subcore_axis_name="s")


def _sc_deg_both(dst_both, ones128, zeros128):
    rows_per_tile = EROWS64 // 16

    @functools.partial(
        pl.kernel,
        out_type=jax.ShapeDtypeStruct((2, NPAD, 128), jnp.float32),
        mesh=_sc_mesh(),
        scratch_types=[
            pltpu.VMEM((rows_per_tile, 64), jnp.int32),
            pltpu.VMEM((64, 128), jnp.float32),
            pltpu.VMEM_SHARED((NPAD, 128), jnp.float32),
            pltpu.SemaphoreType.DMA,
        ],
    )
    def k(dst_hbm, ones_hbm, zeros_hbm, out_hbm, dst_v, ones_v, acc, ssem):
        c = lax.axis_index("c")
        s = lax.axis_index("s")
        pltpu.sync_copy(zeros_hbm, acc.at[pl.ds(s * RPT, RPT), :])
        pltpu.sync_copy(ones_hbm, ones_v)
        pltpu.sync_copy(dst_hbm.at[c, pl.ds(s * rows_per_tile, rows_per_tile), :], dst_v)
        plsc.subcore_barrier()

        def group(g, carry):
            j0 = g * QD
            sd = [pltpu.async_copy(ones_v, acc.at[dst_v.at[j0 + q]], ssem,
                                   add=True)
                  for q in range(QD)]
            for q in range(QD):
                sd[q].wait()
            return carry

        lax.fori_loop(0, rows_per_tile // QD, group, 0)
        plsc.subcore_barrier()
        pltpu.sync_copy(acc.at[pl.ds(s * RPT, RPT), :],
                        out_hbm.at[c, pl.ds(s * RPT, RPT), :])

    return k(dst_both, ones128, zeros128)


def _sc_scatter_partial(u_pad, src2d, dst2d, zeros, w):
    SG = 8 * QD

    @functools.partial(
        pl.kernel,
        out_type=jax.ShapeDtypeStruct((2, NPAD, w), jnp.float32),
        mesh=_sc_mesh(),
        scratch_types=[
            pltpu.VMEM((SG, 64), jnp.int32),
            pltpu.VMEM((SG, 64), jnp.int32),
            *[pltpu.VMEM((64, w), jnp.float32) for _ in range(QD)],
            pltpu.VMEM_SHARED((NPAD, w), jnp.float32),
            pltpu.SemaphoreType.DMA,
            pltpu.SemaphoreType.DMA,
        ],
    )
    def k(u_hbm, src_hbm, dst_hbm, zeros_hbm, out_hbm, src_v, dst_v,
          b0, b1, b2, b3, acc, gsem, ssem):
        c = lax.axis_index("c")
        s = lax.axis_index("s")
        base = jnp.where(c == 0, s * SPLIT0, 16 * SPLIT0 + s * SPLIT1)
        n_groups = jnp.where(c == 0, SPLIT0 // QD, SPLIT1 // QD)
        pltpu.sync_copy(zeros_hbm, acc.at[pl.ds(s * RPT, RPT), :])
        plsc.subcore_barrier()
        bufs = [b0, b1, b2, b3][:QD]

        def group(g, carry):
            @pl.when(g % (SG // QD) == 0)
            def _():
                sgb = base + (g // (SG // QD)) * SG
                pltpu.sync_copy(src_hbm.at[pl.ds(sgb, SG), :], src_v)
                pltpu.sync_copy(dst_hbm.at[pl.ds(sgb, SG), :], dst_v)

            lr = (g % (SG // QD)) * QD
            gd = [pltpu.async_copy(u_hbm.at[src_v.at[lr + q]], bufs[q], gsem)
                  for q in range(QD)]
            for q in range(QD):
                gd[q].wait()
            sd = [pltpu.async_copy(bufs[q], acc.at[dst_v.at[lr + q]], ssem,
                                   add=True)
                  for q in range(QD)]
            for q in range(QD):
                sd[q].wait()
            return carry

        lax.fori_loop(0, n_groups, group, 0)
        plsc.subcore_barrier()
        pltpu.sync_copy(acc.at[pl.ds(s * RPT, RPT), :],
                        out_hbm.at[c, pl.ds(s * RPT, RPT), :])

    return k(u_pad, src2d, dst2d, zeros)


_TCB = 2560


def _tc_prep(degp16, degl16, xp_pad, xl16, Wl2, Wfp, bl2r, bfm_base):
    grid = NPAD // _TCB

    def body(degp_ref, degl_ref, xp_ref, xl_ref, wl2_ref, wfp_ref, bl2_ref,
             bfm_ref, u1p_ref, u1l_ref, invp_ref, invl_ref, wfold_ref, bfmo_ref):
        invp = lax.rsqrt(degp_ref[:, 0:1] + 1.0)
        invl = lax.rsqrt(degl_ref[:, 0:1] + 1.0)
        u1p_ref[...] = xp_ref[...] * invp
        u1l_ref[...] = jnp.zeros_like(u1l_ref)
        u1l_ref[:, 0:16] = xl_ref[...] * invl
        invp_ref[...] = jnp.broadcast_to(invp, invp_ref.shape)
        invl_ref[...] = jnp.broadcast_to(invl, invl_ref.shape)

        @pl.when(pl.program_id(0) == 0)
        def _():
            wfold_ref[...] = jnp.dot(wl2_ref[...], wfp_ref[...],
                                     preferred_element_type=jnp.float32)
            bfmo_ref[...] = jnp.dot(bl2_ref[...], wfp_ref[...],
                                    preferred_element_type=jnp.float32) + bfm_ref[...]

    return pl.pallas_call(
        body,
        grid=(grid,),
        in_specs=[
            pl.BlockSpec((_TCB, 128), lambda i: (i, 0)),
            pl.BlockSpec((_TCB, 128), lambda i: (i, 0)),
            pl.BlockSpec((_TCB, 128), lambda i: (i, 0)),
            pl.BlockSpec((_TCB, 16), lambda i: (i, 0)),
            pl.BlockSpec((128, 128), lambda i: (0, 0)),
            pl.BlockSpec((128, 16), lambda i: (0, 0)),
            pl.BlockSpec((1, 128), lambda i: (0, 0)),
            pl.BlockSpec((1, 16), lambda i: (0, 0)),
        ],
        out_specs=[
            pl.BlockSpec((_TCB, 128), lambda i: (i, 0)),
            pl.BlockSpec((_TCB, 128), lambda i: (i, 0)),
            pl.BlockSpec((_TCB, 8), lambda i: (i, 0)),
            pl.BlockSpec((_TCB, 8), lambda i: (i, 0)),
            pl.BlockSpec((128, 16), lambda i: (0, 0)),
            pl.BlockSpec((1, 16), lambda i: (0, 0)),
        ],
        out_shape=[
            jax.ShapeDtypeStruct((NPAD, 128), jnp.float32),
            jax.ShapeDtypeStruct((NPAD, 128), jnp.float32),
            jax.ShapeDtypeStruct((NPAD, 8), jnp.float32),
            jax.ShapeDtypeStruct((NPAD, 8), jnp.float32),
            jax.ShapeDtypeStruct((128, 16), jnp.float32),
            jax.ShapeDtypeStruct((1, 16), jnp.float32),
        ],
    )(degp16, degl16, xp_pad, xl16, Wl2, Wfp, bl2r, bfm_base)


def _tc_layer1(Sp, u1, inv8, W1, b1r, kdim):
    grid = NPAD // _TCB

    def body(s0_ref, s1_ref, u1_ref, inv_ref, w_ref, b_ref, u2_ref):
        inv = inv_ref[:, 0:1]
        agg = inv * (s0_ref[...] + s1_ref[...] + u1_ref[...])
        h = jnp.maximum(jnp.dot(agg, w_ref[...],
                                preferred_element_type=jnp.float32) + b_ref[...], 0.0)
        u2_ref[...] = h * inv

    return pl.pallas_call(
        body,
        grid=(grid,),
        in_specs=[
            pl.BlockSpec((_TCB, kdim), lambda i: (i, 0)),
            pl.BlockSpec((_TCB, kdim), lambda i: (i, 0)),
            pl.BlockSpec((_TCB, kdim), lambda i: (i, 0)),
            pl.BlockSpec((_TCB, 8), lambda i: (i, 0)),
            pl.BlockSpec((kdim, 128), lambda i: (0, 0)),
            pl.BlockSpec((1, 128), lambda i: (0, 0)),
        ],
        out_specs=pl.BlockSpec((_TCB, 128), lambda i: (i, 0)),
        out_shape=jax.ShapeDtypeStruct((NPAD, 128), jnp.float32),
    )(Sp[0], Sp[1], u1, inv8, W1, b1r)


_TCB3 = 2000


def _tc_heads(S2p, u2p, invp8, S2l, u2l, invl8, labv16, wfold, bfm):
    grid = N // _TCB3

    def body(sp0_ref, sp1_ref, up_ref, ip_ref, sl0_ref, sl1_ref, ul_ref,
             il_ref, lab_ref, wf_ref, bfm_ref,
             saggp_ref, saggl_ref, logp_ref, slab_ref,
             accp, accl, acclp, acclab):
        i = pl.program_id(0)

        @pl.when(i == 0)
        def _():
            accp[...] = jnp.zeros_like(accp)
            accl[...] = jnp.zeros_like(accl)
            acclp[...] = jnp.zeros_like(acclp)
            acclab[...] = jnp.zeros_like(acclab)

        aggp = ip_ref[:, 0:1] * (sp0_ref[...] + sp1_ref[...] + up_ref[...])
        aggl = il_ref[:, 0:1] * (sl0_ref[...] + sl1_ref[...] + ul_ref[...])
        accp[...] += jnp.sum(aggp, axis=0, keepdims=True)
        accl[...] += jnp.sum(aggl, axis=0, keepdims=True)
        lab = lab_ref[...]
        acclab[...] += jnp.sum(lab, axis=0, keepdims=True)
        logits = jnp.dot(aggl, wf_ref[...],
                         preferred_element_type=jnp.float32) + bfm_ref[...]
        m = jnp.max(logits, axis=1, keepdims=True)
        e = jnp.exp(logits - m)
        probs = e / jnp.sum(e, axis=1, keepdims=True)
        p = jnp.sum(probs * lab, axis=1, keepdims=True)
        acclp[...] += jnp.sum(jnp.log(p), keepdims=True).reshape(1, 1)

        @pl.when(i == grid - 1)
        def _():
            saggp_ref[...] = accp[...]
            saggl_ref[...] = accl[...]
            logp_ref[...] = acclp[...]
            slab_ref[...] = acclab[...]

    return pl.pallas_call(
        body,
        grid=(grid,),
        in_specs=[
            pl.BlockSpec((_TCB3, 128), lambda i: (i, 0)),
            pl.BlockSpec((_TCB3, 128), lambda i: (i, 0)),
            pl.BlockSpec((_TCB3, 128), lambda i: (i, 0)),
            pl.BlockSpec((_TCB3, 8), lambda i: (i, 0)),
            pl.BlockSpec((_TCB3, 128), lambda i: (i, 0)),
            pl.BlockSpec((_TCB3, 128), lambda i: (i, 0)),
            pl.BlockSpec((_TCB3, 128), lambda i: (i, 0)),
            pl.BlockSpec((_TCB3, 8), lambda i: (i, 0)),
            pl.BlockSpec((_TCB3, 16), lambda i: (i, 0)),
            pl.BlockSpec((128, 16), lambda i: (0, 0)),
            pl.BlockSpec((1, 16), lambda i: (0, 0)),
        ],
        out_specs=[
            pl.BlockSpec((1, 128), lambda i: (0, 0)),
            pl.BlockSpec((1, 128), lambda i: (0, 0)),
            pl.BlockSpec((1, 1), lambda i: (0, 0)),
            pl.BlockSpec((1, 16), lambda i: (0, 0)),
        ],
        out_shape=[
            jax.ShapeDtypeStruct((1, 128), jnp.float32),
            jax.ShapeDtypeStruct((1, 128), jnp.float32),
            jax.ShapeDtypeStruct((1, 1), jnp.float32),
            jax.ShapeDtypeStruct((1, 16), jnp.float32),
        ],
        scratch_shapes=[
            pltpu.VMEM((1, 128), jnp.float32),
            pltpu.VMEM((1, 128), jnp.float32),
            pltpu.VMEM((1, 1), jnp.float32),
            pltpu.VMEM((1, 16), jnp.float32),
        ],
    )(S2p[0], S2p[1], u2p, invp8, S2l[0], S2l[1], u2l, invl8,
      labv16, wfold, bfm)


def _tc_decoder(s0d0, labv2, Wd1p, bd1r, Wd2, bd2r, Wp2, bp2r, Wl2, bl2r,
                saggp, saggl, slab):
    NV = float(N + 1)
    ISQ2 = 0.7071067811865476

    def body(idx_ref, lab_ref, wd1_ref, bd1_ref, wd2_ref, bd2_ref, wp2_ref,
             bp2_ref, wl2_ref, bl2_ref, saggp_ref, saggl_ref, slab_ref,
             zv_ref, zp_ref, hi_ref, ht_ref):
        s0 = idx_ref[0]
        d0 = idx_ref[1]
        rows = lax.broadcasted_iota(jnp.int32, (NPAD, 1), 0)
        oh = (rows == d0).astype(jnp.float32)
        oh_s = (rows == s0).astype(jnp.float32)
        valid = (rows < N + 1).astype(jnp.float32)
        inv = 1.0 - oh * (1.0 - ISQ2)
        lab = lab_ref[...]
        u = lab * inv
        u_s0 = jnp.sum(u * oh_s, axis=0, keepdims=True)
        agg1 = inv * (u + oh * u_s0)
        h = jnp.maximum(jnp.dot(agg1, wd1_ref[...],
                                preferred_element_type=jnp.float32) + bd1_ref[...], 0.0)
        u2 = h * inv
        u2_s0 = jnp.sum(u2 * oh_s, axis=0, keepdims=True)
        agg2 = inv * (u2 + oh * u2_s0)
        zv = jnp.dot(agg2, wd2_ref[...],
                     preferred_element_type=jnp.float32) + bd2_ref[...]
        zv_ref[...] = zv
        zv_mean = jnp.sum(zv * valid, axis=0, keepdims=True) / NV
        cols = lax.broadcasted_iota(jnp.int32, (1, 16), 1)
        lab2_mean = (slab_ref[...] + (cols == 10).astype(jnp.float32)) / NV
        ht_ref[...] = jnp.concatenate([zv_mean, lab2_mean], axis=1)
        mz_l = jnp.dot(saggl_ref[...] / float(N), wl2_ref[...],
                       preferred_element_type=jnp.float32) + bl2_ref[...]
        hi_ref[...] = jnp.concatenate([mz_l, slab_ref[...] / float(N)], axis=1)
        zp_ref[...] = jnp.dot(saggp_ref[...] / float(N), wp2_ref[...],
                              preferred_element_type=jnp.float32) + bp2_ref[...]

    return pl.pallas_call(
        body,
        grid=(1,),
        in_specs=[
            pl.BlockSpec(memory_space=pltpu.SMEM),
            pl.BlockSpec((NPAD, 16), lambda i: (0, 0)),
            pl.BlockSpec((16, 128), lambda i: (0, 0)),
            pl.BlockSpec((1, 128), lambda i: (0, 0)),
            pl.BlockSpec((128, 128), lambda i: (0, 0)),
            pl.BlockSpec((1, 128), lambda i: (0, 0)),
            pl.BlockSpec((128, 128), lambda i: (0, 0)),
            pl.BlockSpec((1, 128), lambda i: (0, 0)),
            pl.BlockSpec((128, 128), lambda i: (0, 0)),
            pl.BlockSpec((1, 128), lambda i: (0, 0)),
            pl.BlockSpec((1, 128), lambda i: (0, 0)),
            pl.BlockSpec((1, 128), lambda i: (0, 0)),
            pl.BlockSpec((1, 16), lambda i: (0, 0)),
        ],
        out_specs=[
            pl.BlockSpec((NPAD, 128), lambda i: (0, 0)),
            pl.BlockSpec((1, 128), lambda i: (0, 0)),
            pl.BlockSpec((1, 144), lambda i: (0, 0)),
            pl.BlockSpec((1, 144), lambda i: (0, 0)),
        ],
        out_shape=[
            jax.ShapeDtypeStruct((NPAD, 128), jnp.float32),
            jax.ShapeDtypeStruct((1, 128), jnp.float32),
            jax.ShapeDtypeStruct((1, 144), jnp.float32),
            jax.ShapeDtypeStruct((1, 144), jnp.float32),
        ],
    )(s0d0, labv2, Wd1p, bd1r, Wd2, bd2r, Wp2, bp2r, Wl2, bl2r, saggp, saggl, slab)


def _pad_edges(ei):
    pad = jnp.full((EROWSA * 64 - E,), DUMP, jnp.int32)
    src = jnp.concatenate([ei[0].astype(jnp.int32), pad]).reshape(EROWSA, 64)
    dst = jnp.concatenate([ei[1].astype(jnp.int32), pad]).reshape(EROWSA, 64)
    return src, dst


def kernel(x_p, edge_index_p, x_l, edge_index_l, bfs_init, Wp1, bp1, Wp2, bp2,
           Wl1, bl1, Wl2, bl2, Wd1, bd1, Wd2, bd2, Wf, bf):
    f32 = jnp.float32
    srcp, dstp = _pad_edges(edge_index_p)
    srcl, dstl = _pad_edges(edge_index_l)
    dst_both = jnp.stack([dstp, dstl])
    ones128 = jnp.ones((64, 128), f32)
    zeros128 = jnp.zeros((RPT, 128), f32)

    xp_pad = jnp.pad(x_p, ((0, NPAD - N), (0, 0)))
    xl16 = jnp.pad(x_l, ((0, NPAD - N), (0, 1)))
    labv16 = jnp.pad(x_l[:, 4:], ((0, NPAD - N), (0, 5)))
    stop16 = jnp.zeros((1, 16), f32).at[0, 10].set(1.0)
    labv2 = jnp.concatenate(
        [labv16[:N], stop16, jnp.zeros((NPAD - N - 1, 16), f32)])

    Wl1p = jnp.pad(Wl1, ((0, 113), (0, 0)))
    Wd1p = jnp.pad(Wd1, ((0, 5), (0, 0)))
    Wfp = jnp.pad(Wf, ((0, 0), (0, 5)))
    bfm_base = (jnp.pad(bf, (0, 5)).reshape(1, 16)
                + jnp.concatenate([jnp.zeros((10,), f32),
                                   jnp.full((6,), -1e9, f32)]).reshape(1, 16))

    deg = _sc_deg_both(dst_both, ones128, zeros128)

    u1p, u1l, invp8, invl8, wfold, bfm = _tc_prep(
        deg[0], deg[1], xp_pad, xl16, Wl2, Wfp, bl2.reshape(1, 128), bfm_base)

    S1p = _sc_scatter_partial(u1p, srcp, dstp, zeros128, 128)
    S1l = _sc_scatter_partial(u1l, srcl, dstl, zeros128, 128)
    u2p = _tc_layer1(S1p, u1p, invp8, Wp1, bp1.reshape(1, 128), 128)
    u2l = _tc_layer1(S1l, u1l, invl8, Wl1p, bl1.reshape(1, 128), 128)

    S2p = _sc_scatter_partial(u2p, srcp, dstp, zeros128, 128)
    S2l = _sc_scatter_partial(u2l, srcl, dstl, zeros128, 128)
    saggp, saggl, logp, slab = _tc_heads(
        S2p, u2p, invp8, S2l, u2l, invl8, labv16, wfold, bfm)

    zv_pad, zp, hi, ht = _tc_decoder(
        bfs_init.reshape(2).astype(jnp.int32), labv2, Wd1p,
        bd1.reshape(1, 128), Wd2, bd2.reshape(1, 128), Wp2,
        bp2.reshape(1, 128), Wl2, bl2.reshape(1, 128), saggp, saggl, slab)

    log_prob = logp.reshape(())
    z_pocket = zp.reshape(128)
    z_v = zv_pad[:N + 1]
    H_init = hi.reshape(144)[:139]
    H_t = ht.reshape(144)[:139]
    return (log_prob, z_pocket, z_v, H_init, H_t)

# --- scband reference (transcript-rebuilt; emitter-appended) ---
"""Pipeline reference for scband-teacher-forcer-17806934409667 (READ-ONLY COPY).

The authoritative reference and input builder live on the scoring server;
editing this copy changes nothing except your own understanding.
"""

import jax, jax.numpy as jnp
import numpy as np

N_P = 10000; E_P = 320000; D_P = 128
N_L = 10000; E_L = 320000; D_L = 15
HID = 128; N_ATOM = 11


def gcn_layer(x, src, dst, W, b, n):
    si = jnp.arange(n, dtype=src.dtype)
    s = jnp.concatenate([src, si])
    d = jnp.concatenate([dst, si])
    deg = jnp.zeros((n,), x.dtype).at[d].add(1.0)
    inv = jax.lax.rsqrt(jnp.maximum(deg, 1.0))
    norm = (inv[s] * inv[d])[:, None]
    msg = x[s] * norm
    agg = jax.ops.segment_sum(msg, d, num_segments=n)
    return agg @ W + b


def gcn_encoder(x, edge_index, W1, b1, W2, b2):
    n = x.shape[0]
    src = edge_index[0]
    dst = edge_index[1]
    h = jax.nn.relu(gcn_layer(x, src, dst, W1, b1, n))
    return gcn_layer(h, src, dst, W2, b2, n)


def _forward(x_p, edge_index_p, x_l, edge_index_l, bfs_init, Wp1, bp1, Wp2, bp2, Wl1, bl1, Wl2, bl2, Wd1, bd1, Wd2, bd2, Wf, bf):
    z_pocket_atoms = gcn_encoder(x_p, edge_index_p, Wp1, bp1, Wp2, bp2)
    z_pocket = jnp.mean(z_pocket_atoms, axis=0)
    z_ligand_atoms = gcn_encoder(x_l, edge_index_l, Wl1, bl1, Wl2, bl2)
    n_l = x_l.shape[0]
    label_mask = jnp.concatenate([jnp.zeros((n_l, N_ATOM - 1), jnp.float32), jnp.full((n_l, 1), -1e9, jnp.float32)], axis=1)
    lab_probs = jax.nn.softmax(z_ligand_atoms @ Wf + bf + label_mask, axis=1)
    lab_v = x_l[:, 4:]
    log_prob = jnp.sum(jnp.log(jnp.sum(lab_probs * lab_v, axis=1)))
    H_init = jnp.mean(jnp.concatenate([z_ligand_atoms, lab_v], axis=1), axis=0)
    l_stop = jnp.zeros((N_ATOM,), jnp.float32).at[N_ATOM - 1].set(1.0)
    lab_v2 = jnp.concatenate([lab_v, l_stop[None, :]], axis=0)
    z_v = gcn_encoder(lab_v2, bfs_init, Wd1, bd1, Wd2, bd2)
    H_t = jnp.mean(jnp.concatenate([z_v, lab_v2], axis=1), axis=0)
    return (log_prob, z_pocket, z_v, H_init, H_t)


def setup_inputs(seed: int = 0) -> dict:
    key = jax.random.key(seed)
    ks = [jax.random.fold_in(key, i) for i in range(32)]
    def w(k, shape):
        return jax.random.normal(k, shape, jnp.float32) * 0.05
    inp = {}
    inp['x_p'] = jax.random.normal(ks[0], (N_P, D_P), jnp.float32)
    inp['edge_index_p'] = jax.random.randint(ks[1], (2, E_P), 0, N_P)
    inp['x_l'] = jax.random.uniform(ks[2], (N_L, D_L), jnp.float32)
    inp['edge_index_l'] = jax.random.randint(ks[3], (2, E_L), 0, N_L)
    inp['bfs_init'] = jax.random.randint(ks[4], (2, 1), 0, N_L)
    inp['Wp1'] = w(ks[5], (D_P, HID)); inp['bp1'] = jnp.zeros((HID,), jnp.float32)
    inp['Wp2'] = w(ks[6], (HID, HID)); inp['bp2'] = jnp.zeros((HID,), jnp.float32)
    inp['Wl1'] = w(ks[7], (D_L, HID)); inp['bl1'] = jnp.zeros((HID,), jnp.float32)
    inp['Wl2'] = w(ks[8], (HID, HID)); inp['bl2'] = jnp.zeros((HID,), jnp.float32)
    inp['Wd1'] = w(ks[9], (N_ATOM, HID)); inp['bd1'] = jnp.zeros((HID,), jnp.float32)
    inp['Wd2'] = w(ks[10], (HID, HID)); inp['bd2'] = jnp.zeros((HID,), jnp.float32)
    inp['Wf'] = w(ks[11], (HID, N_ATOM)); inp['bf'] = jnp.zeros((N_ATOM,), jnp.float32)
    return inp


def reference(x_p, edge_index_p, x_l, edge_index_l, bfs_init, Wp1, bp1, Wp2, bp2, Wl1, bl1, Wl2, bl2, Wd1, bd1, Wd2, bd2, Wf, bf):
    return _forward(x_p, edge_index_p, x_l, edge_index_l, bfs_init, Wp1, bp1, Wp2, bp2, Wl1, bl1, Wl2, bl2, Wd1, bd1, Wd2, bd2, Wf, bf)

if __name__ == "__main__":
    import jax
    _d = setup_inputs()
    print(jax.jit(kernel)(*tuple(_d.values())))

</pallas_src>

<mosaic_0001>
#map = affine_map<(d0, d1) -> (0, 0)>
#map1 = affine_map<(d0, d1) -> (0, 0, 0)>
module attributes {stable_mosaic.version = 14 : i64} {
  func.func @k(%arg0: i32, %arg1: i32, %arg2: memref<10240x128xf32, #tpu.memory_space<hbm>>, %arg3: memref<5152x64xi32, #tpu.memory_space<hbm>>, %arg4: memref<5152x64xi32, #tpu.memory_space<hbm>>, %arg5: memref<640x128xf32, #tpu.memory_space<hbm>>, %arg6: memref<2x10240x128xf32, #tpu.memory_space<hbm>>, %arg7: memref<32x64xi32, #tpu.memory_space<vmem>>, %arg8: memref<32x64xi32, #tpu.memory_space<vmem>>, %arg9: memref<64x128xf32, #tpu.memory_space<vmem>>, %arg10: memref<64x128xf32, #tpu.memory_space<vmem>>, %arg11: memref<64x128xf32, #tpu.memory_space<vmem>>, %arg12: memref<64x128xf32, #tpu.memory_space<vmem>>, %arg13: memref<10240x128xf32, #tpu.memory_space<vmem_shared>>, %arg14: memref<!tpu.dma_semaphore, #tpu.memory_space<semaphore_mem>>, %arg15: memref<!tpu.dma_semaphore, #tpu.memory_space<semaphore_mem>>) attributes {dimension_semantics = [#tpu.dimension_semantics<core_parallel>, #tpu.dimension_semantics<subcore_parallel>], iteration_bounds = array<i64: 2, 16>, scalar_prefetch = 0 : i64, scratch_operands = 9 : i64, tpu.core_type = #tpu.core_type<sc_vector_subcore>, window_params = [{transform_indices = #map}, {transform_indices = #map}, {transform_indices = #map}, {transform_indices = #map}, {transform_indices = #map1}]} {
    %eq3A = arith.constant 0 : i32
    %eq3A_0 = arith.cmpi eq, %arg0, %eq3A : i32
    %mul3A = arith.constant 304 : i32
    %mul3A_1 = arith.muli %arg1, %mul3A : i32
    %mul3A_2 = arith.constant 16 : i32
    %mul3A_3 = arith.muli %arg1, %mul3A_2 : i32
    %add3A = arith.constant 4864 : i32
    %add3A_4 = arith.addi %add3A, %mul3A_3 : i32
    %select_n3A = arith.select %eq3A_0, %mul3A_1, %add3A_4 : i32
    %eq3A_5 = arith.constant 0 : i32
    %eq3A_6 = arith.cmpi eq, %arg0, %eq3A_5 : i32
    %jit3A = arith.constant 76 : i32
    %jit3A_7 = arith.constant 4 : i32
    %select_n3A_8 = arith.select %eq3A_6, %jit3A, %jit3A_7 : i32
    %mul3A_9 = arith.constant 640 : i32
    %mul3A_10 = arith.muli %arg1, %mul3A_9 : i32
    "tpu.region"() ({
      %run_scoped3A = tpu.sem_alloc : memref<!tpu.dma_semaphore, #tpu.memory_space<semaphore_mem>>
      %dma_start3A = arith.constant 0 : i32
      %dma_start3A_25 = tpu.memref_slice %arg13[%mul3A_10, %dma_start3A] : memref<10240x128xf32, #tpu.memory_space<vmem_shared>> -> memref<640x128xf32, #tpu.memory_space<vmem_shared>>
      tpu.enqueue_dma source(%arg5 : memref<640x128xf32, #tpu.memory_space<hbm>>) target(%dma_start3A_25 : memref<640x128xf32, #tpu.memory_space<vmem_shared>>) target_semaphore(%run_scoped3A : memref<!tpu.dma_semaphore, #tpu.memory_space<semaphore_mem>>)
      %dma_wait3A = arith.constant 0 : i32
      %dma_wait3A_26 = tpu.memref_slice %arg13[%mul3A_10, %dma_wait3A] : memref<10240x128xf32, #tpu.memory_space<vmem_shared>> -> memref<640x128xf32, #tpu.memory_space<vmem_shared>>
      tpu.wait_dma2 semaphore(%run_scoped3A : memref<!tpu.dma_semaphore, #tpu.memory_space<semaphore_mem>>) src(%arg5 : memref<640x128xf32, #tpu.memory_space<hbm>>) dst(%dma_wait3A_26 : memref<640x128xf32, #tpu.memory_space<vmem_shared>>)
      tpu.yield
    }) : () -> ()
    %barrier3A = arith.constant 0 : index
    tpu.barrier barrier_id(%barrier3A)
    %while3A = arith.constant 0 : i32
    %while3A_11 = arith.constant 0 : i32
    %while3A_12 = arith.subi %select_n3A_8, %while3A_11 : i32
    %while3A_13 = arith.addi %while3A_11, %while3A_12 : i32
    %while3A_14 = arith.constant 1 : i32
    %while3A_15 = arith.divsi %while3A_12, %while3A_14 : i32
    %while3A_16 = arith.muli %while3A_15, %while3A_14 : i32
    %while3A_17 = arith.addi %while3A_11, %while3A_16 : i32
    %while3A_18 = arith.constant 1 : i32
    scf.for %while3A_25 = %while3A_11 to %while3A_17 step %while3A_18  : i32 {
      %jit3A_26 = arith.constant 8 : i32
      %eq3A_27 = arith.constant 0 : i32
      %eq3A_28 = arith.cmpi eq, %jit3A_26, %eq3A_27 : i32
      %jit3A_29 = arith.constant 1 : i32
      %select_n3A_30 = arith.select %eq3A_28, %jit3A_29, %jit3A_26 : i32
      %rem3A = arith.remsi %while3A_25, %select_n3A_30 : i32
      %ne3A = arith.constant 0 : i32
      %ne3A_31 = arith.cmpi ne, %rem3A, %ne3A : i32
      %lt3A = arith.constant 0 : i32
      %lt3A_32 = arith.cmpi slt, %rem3A, %lt3A : i32
      %lt3A_33 = arith.constant 0 : i32
      %lt3A_34 = arith.cmpi slt, %select_n3A_30, %lt3A_33 : i32
      %ne3A_35 = arith.xori %lt3A_32, %lt3A_34 : i1
      %and3A = arith.andi %ne3A_35, %ne3A_31 : i1
      %add3A_36 = arith.addi %rem3A, %select_n3A_30 : i32
      %select_n3A_37 = arith.select %and3A, %add3A_36, %rem3A : i32
      %eq3A_38 = arith.constant 0 : i32
      %eq3A_39 = arith.cmpi eq, %select_n3A_37, %eq3A_38 : i32
      %convert_element_type3A = arith.extui %eq3A_39 : i1 to i32
      %cond3A = arith.constant 0 : i32
      %cond3A_40 = arith.cmpi ne, %convert_element_type3A, %cond3A : i32
      scf.if %cond3A_40 {
        %jit3A_169 = arith.constant 8 : i32
        %div3A = arith.divsi %while3A_25, %jit3A_169 : i32
        %sign3A = arith.constant 0 : i32
        %sign3A_170 = arith.cmpi sgt, %while3A_25, %sign3A : i32
        %sign3A_171 = arith.extui %sign3A_170 : i1 to i32
        %sign3A_172 = arith.constant 0 : i32
        %sign3A_173 = arith.cmpi slt, %while3A_25, %sign3A_172 : i32
        %sign3A_174 = arith.extui %sign3A_173 : i1 to i32
        %sign3A_175 = arith.subi %sign3A_171, %sign3A_174 : i32
        %sign3A_176 = arith.constant 0 : i32
        %sign3A_177 = arith.cmpi sgt, %jit3A_169, %sign3A_176 : i32
        %sign3A_178 = arith.extui %sign3A_177 : i1 to i32
        %sign3A_179 = arith.constant 0 : i32
        %sign3A_180 = arith.cmpi slt, %jit3A_169, %sign3A_179 : i32
        %sign3A_181 = arith.extui %sign3A_180 : i1 to i32
        %sign3A_182 = arith.subi %sign3A_178, %sign3A_181 : i32
        %ne3A_183 = arith.cmpi ne, %sign3A_175, %sign3A_182 : i32
        %rem3A_184 = arith.remsi %while3A_25, %jit3A_169 : i32
        %ne3A_185 = arith.constant 0 : i32
        %ne3A_186 = arith.cmpi ne, %rem3A_184, %ne3A_185 : i32
        %and3A_187 = arith.andi %ne3A_183, %ne3A_186 : i1
        %sub3A = arith.constant 1 : i32
        %sub3A_188 = arith.subi %div3A, %sub3A : i32
        %select_n3A_189 = arith.select %and3A_187, %sub3A_188, %div3A : i32
        %mul3A_190 = arith.constant 32 : i32
        %mul3A_191 = arith.muli %select_n3A_189, %mul3A_190 : i32
        %add3A_192 = arith.addi %select_n3A, %mul3A_191 : i32
        "tpu.region"() ({
          %run_scoped3A = tpu.sem_alloc : memref<!tpu.dma_semaphore, #tpu.memory_space<semaphore_mem>>
          %dma_start3A_193 = arith.constant 0 : i32
          %dma_start3A_194 = tpu.memref_slice %arg3[%add3A_192, %dma_start3A_193] : memref<5152x64xi32, #tpu.memory_space<hbm>> -> memref<32x64xi32, #tpu.memory_space<hbm>>
          %dma_start3A_195 = arith.constant 0 : i32
          %dma_start3A_196 = tpu.memref_slice %arg3[%add3A_192, %dma_start3A_195] : memref<5152x64xi32, #tpu.memory_space<hbm>> -> memref<32x64xi32, #tpu.memory_space<hbm>>
          tpu.enqueue_dma source(%dma_start3A_196 : memref<32x64xi32, #tpu.memory_space<hbm>>) target(%arg7 : memref<32x64xi32, #tpu.memory_space<vmem>>) target_semaphore(%run_scoped3A : memref<!tpu.dma_semaphore, #tpu.memory_space<semaphore_mem>>)
          %dma_wait3A_197 = arith.constant 0 : i32
          %dma_wait3A_198 = tpu.memref_slice %arg3[%add3A_192, %dma_wait3A_197] : memref<5152x64xi32, #tpu.memory_space<hbm>> -> memref<32x64xi32, #tpu.memory_space<hbm>>
          %dma_wait3A_199 = arith.constant 0 : i32
          %dma_wait3A_200 = tpu.memref_slice %arg3[%add3A_192, %dma_wait3A_199] : memref<5152x64xi32, #tpu.memory_space<hbm>> -> memref<32x64xi32, #tpu.memory_space<hbm>>
          tpu.wait_dma2 semaphore(%run_scoped3A : memref<!tpu.dma_semaphore, #tpu.memory_space<semaphore_mem>>) src(%dma_wait3A_200 : memref<32x64xi32, #tpu.memory_space<hbm>>) dst(%arg7 : memref<32x64xi32, #tpu.memory_space<vmem>>)
          tpu.yield
        }) : () -> ()
        "tpu.region"() ({
          %run_scoped3A = tpu.sem_alloc : memref<!tpu.dma_semaphore, #tpu.memory_space<semaphore_mem>>
          %dma_start3A_193 = arith.constant 0 : i32
          %dma_start3A_194 = tpu.memref_slice %arg4[%add3A_192, %dma_start3A_193] : memref<5152x64xi32, #tpu.memory_space<hbm>> -> memref<32x64xi32, #tpu.memory_space<hbm>>
          %dma_start3A_195 = arith.constant 0 : i32
          %dma_start3A_196 = tpu.memref_slice %arg4[%add3A_192, %dma_start3A_195] : memref<5152x64xi32, #tpu.memory_space<hbm>> -> memref<32x64xi32, #tpu.memory_space<hbm>>
          tpu.enqueue_dma source(%dma_start3A_196 : memref<32x64xi32, #tpu.memory_space<hbm>>) target(%arg8 : memref<32x64xi32, #tpu.memory_space<vmem>>) target_semaphore(%run_scoped3A : memref<!tpu.dma_semaphore, #tpu.memory_space<semaphore_mem>>)
          %dma_wait3A_197 = arith.constant 0 : i32
          %dma_wait3A_198 = tpu.memref_slice %arg4[%add3A_192, %dma_wait3A_197] : memref<5152x64xi32, #tpu.memory_space<hbm>> -> memref<32x64xi32, #tpu.memory_space<hbm>>
          %dma_wait3A_199 = arith.constant 0 : i32
          %dma_wait3A_200 = tpu.memref_slice %arg4[%add3A_192, %dma_wait3A_199] : memref<5152x64xi32, #tpu.memory_space<hbm>> -> memref<32x64xi32, #tpu.memory_space<hbm>>
          tpu.wait_dma2 semaphore(%run_scoped3A : memref<!tpu.dma_semaphore, #tpu.memory_space<semaphore_mem>>) src(%dma_wait3A_200 : memref<32x64xi32, #tpu.memory_space<hbm>>) dst(%arg8 : memref<32x64xi32, #tpu.memory_space<vmem>>)
          tpu.yield
        }) : () -> ()
      } else {
      }
      %jit3A_41 = arith.constant 8 : i32
      %eq3A_42 = arith.constant 0 : i32
      %eq3A_43 = arith.cmpi eq, %jit3A_41, %eq3A_42 : i32
      %jit3A_44 = arith.constant 1 : i32
      %select_n3A_45 = arith.select %eq3A_43, %jit3A_44, %jit3A_41 : i32
      %rem3A_46 = arith.remsi %while3A_25, %select_n3A_45 : i32
      %ne3A_47 = arith.constant 0 : i32
      %ne3A_48 = arith.cmpi ne, %rem3A_46, %ne3A_47 : i32
      %lt3A_49 = arith.constant 0 : i32
      %lt3A_50 = arith.cmpi slt, %rem3A_46, %lt3A_49 : i32
      %lt3A_51 = arith.constant 0 : i32
      %lt3A_52 = arith.cmpi slt, %select_n3A_45, %lt3A_51 : i32
      %ne3A_53 = arith.xori %lt3A_50, %lt3A_52 : i1
      %and3A_54 = arith.andi %ne3A_53, %ne3A_48 : i1
      %add3A_55 = arith.addi %rem3A_46, %select_n3A_45 : i32
      %select_n3A_56 = arith.select %and3A_54, %add3A_55, %rem3A_46 : i32
      %mul3A_57 = arith.constant 4 : i32
      %mul3A_58 = arith.muli %select_n3A_56, %mul3A_57 : i32
      %add3A_59 = arith.constant 0 : i32
      %add3A_60 = arith.addi %mul3A_58, %add3A_59 : i32
      %dma_start3A = arith.constant 0 : i32
      %dma_start3A_61 = tpu.memref_slice %arg7[%add3A_60, %dma_start3A] : memref<32x64xi32, #tpu.memory_space<vmem>> -> memref<1x64xi32, #tpu.memory_space<vmem>>
      %dma_start3A_62 = tpu.memref_squeeze %dma_start3A_61 : memref<1x64xi32, #tpu.memory_space<vmem>> -> memref<64xi32, #tpu.memory_space<vmem>>
      %dma_start3A_63 = arith.constant 0 : i32
      %dma_start3A_64 = arith.constant 0 : i32
      %dma_start3A_65 = tpu.memref_slice %arg2[%dma_start3A_63, %dma_start3A_64] : memref<10240x128xf32, #tpu.memory_space<hbm>> -> memref<10240x128xf32, #tpu.memory_space<hbm>>
      tpu.enqueue_indirect_dma source(%dma_start3A_65 : memref<10240x128xf32, #tpu.memory_space<hbm>>) target(%arg9 : memref<64x128xf32, #tpu.memory_space<vmem>>) offsets(%dma_start3A_62 : memref<64xi32, #tpu.memory_space<vmem>>) semaphore(%arg14 : memref<!tpu.dma_semaphore, #tpu.memory_space<semaphore_mem>>)
      %add3A_66 = arith.constant 1 : i32
      %add3A_67 = arith.addi %mul3A_58, %add3A_66 : i32
      %dma_start3A_68 = arith.constant 0 : i32
      %dma_start3A_69 = tpu.memref_slice %arg7[%add3A_67, %dma_start3A_68] : memref<32x64xi32, #tpu.memory_space<vmem>> -> memref<1x64xi32, #tpu.memory_space<vmem>>
      %dma_start3A_70 = tpu.memref_squeeze %dma_start3A_69 : memref<1x64xi32, #tpu.memory_space<vmem>> -> memref<64xi32, #tpu.memory_space<vmem>>
      %dma_start3A_71 = arith.constant 0 : i32
      %dma_start3A_72 = arith.constant 0 : i32
      %dma_start3A_73 = tpu.memref_slice %arg2[%dma_start3A_71, %dma_start3A_72] : memref<10240x128xf32, #tpu.memory_space<hbm>> -> memref<10240x128xf32, #tpu.memory_space<hbm>>
      tpu.enqueue_indirect_dma source(%dma_start3A_73 : memref<10240x128xf32, #tpu.memory_space<hbm>>) target(%arg10 : memref<64x128xf32, #tpu.memory_space<vmem>>) offsets(%dma_start3A_70 : memref<64xi32, #tpu.memory_space<vmem>>) semaphore(%arg14 : memref<!tpu.dma_semaphore, #tpu.memory_space<semaphore_mem>>)
      %add3A_74 = arith.constant 2 : i32
      %add3A_75 = arith.addi %mul3A_58, %add3A_74 : i32
      %dma_start3A_76 = arith.constant 0 : i32
      %dma_start3A_77 = tpu.memref_slice %arg7[%add3A_75, %dma_start3A_76] : memref<32x64xi32, #tpu.memory_space<vmem>> -> memref<1x64xi32, #tpu.memory_space<vmem>>
      %dma_start3A_78 = tpu.memref_squeeze %dma_start3A_77 : memref<1x64xi32, #tpu.memory_space<vmem>> -> memref<64xi32, #tpu.memory_space<vmem>>
      %dma_start3A_79 = arith.constant 0 : i32
      %dma_start3A_80 = arith.constant 0 : i32
      %dma_start3A_81 = tpu.memref_slice %arg2[%dma_start3A_79, %dma_start3A_80] : memref<10240x128xf32, #tpu.memory_space<hbm>> -> memref<10240x128xf32, #tpu.memory_space<hbm>>
      tpu.enqueue_indirect_dma source(%dma_start3A_81 : memref<10240x128xf32, #tpu.memory_space<hbm>>) target(%arg11 : memref<64x128xf32, #tpu.memory_space<vmem>>) offsets(%dma_start3A_78 : memref<64xi32, #tpu.memory_space<vmem>>) semaphore(%arg14 : memref<!tpu.dma_semaphore, #tpu.memory_space<semaphore_mem>>)
      %add3A_82 = arith.constant 3 : i32
      %add3A_83 = arith.addi %mul3A_58, %add3A_82 : i32
      %dma_start3A_84 = arith.constant 0 : i32
      %dma_start3A_85 = tpu.memref_slice %arg7[%add3A_83, %dma_start3A_84] : memref<32x64xi32, #tpu.memory_space<vmem>> -> memref<1x64xi32, #tpu.memory_space<vmem>>
      %dma_start3A_86 = tpu.memref_squeeze %dma_start3A_85 : memref<1x64xi32, #tpu.memory_space<vmem>> -> memref<64xi32, #tpu.memory_space<vmem>>
      %dma_start3A_87 = arith.constant 0 : i32
      %dma_start3A_88 = arith.constant 0 : i32
      %dma_start3A_89 = tpu.memref_slice %arg2[%dma_start3A_87, %dma_start3A_88] : memref<10240x128xf32, #tpu.memory_space<hbm>> -> memref<10240x128xf32, #tpu.memory_space<hbm>>
      tpu.enqueue_indirect_dma source(%dma_start3A_89 : memref<10240x128xf32, #tpu.memory_space<hbm>>) target(%arg12 : memref<64x128xf32, #tpu.memory_space<vmem>>) offsets(%dma_start3A_86 : memref<64xi32, #tpu.memory_space<vmem>>) semaphore(%arg14 : memref<!tpu.dma_semaphore, #tpu.memory_space<semaphore_mem>>)
      %dma_wait3A = arith.constant 0 : i32
      %dma_wait3A_90 = tpu.memref_slice %arg7[%add3A_60, %dma_wait3A] : memref<32x64xi32, #tpu.memory_space<vmem>> -> memref<1x64xi32, #tpu.memory_space<vmem>>
      %dma_wait3A_91 = tpu.memref_squeeze %dma_wait3A_90 : memref<1x64xi32, #tpu.memory_space<vmem>> -> memref<64xi32, #tpu.memory_space<vmem>>
      %dma_wait3A_92 = arith.constant 0 : i32
      %dma_wait3A_93 = arith.constant 0 : i32
      %dma_wait3A_94 = tpu.memref_slice %arg2[%dma_wait3A_92, %dma_wait3A_93] : memref<10240x128xf32, #tpu.memory_space<hbm>> -> memref<10240x128xf32, #tpu.memory_space<hbm>>
      tpu.wait_indirect_dma semaphore(%arg14 : memref<!tpu.dma_semaphore, #tpu.memory_space<semaphore_mem>>) src(%dma_wait3A_94 : memref<10240x128xf32, #tpu.memory_space<hbm>>) dst(%arg9 : memref<64x128xf32, #tpu.memory_space<vmem>>)
      %dma_wait3A_95 = arith.constant 0 : i32
      %dma_wait3A_96 = tpu.memref_slice %arg7[%add3A_67, %dma_wait3A_95] : memref<32x64xi32, #tpu.memory_space<vmem>> -> memref<1x64xi32, #tpu.memory_space<vmem>>
      %dma_wait3A_97 = tpu.memref_squeeze %dma_wait3A_96 : memref<1x64xi32, #tpu.memory_space<vmem>> -> memref<64xi32, #tpu.memory_space<vmem>>
      %dma_wait3A_98 = arith.constant 0 : i32
      %dma_wait3A_99 = arith.constant 0 : i32
      %dma_wait3A_100 = tpu.memref_slice %arg2[%dma_wait3A_98, %dma_wait3A_99] : memref<10240x128xf32, #tpu.memory_space<hbm>> -> memref<10240x128xf32, #tpu.memory_space<hbm>>
      tpu.wait_indirect_dma semaphore(%arg14 : memref<!tpu.dma_semaphore, #tpu.memory_space<semaphore_mem>>) src(%dma_wait3A_100 : memref<10240x128xf32, #tpu.memory_space<hbm>>) dst(%arg10 : memref<64x128xf32, #tpu.memory_space<vmem>>)
      %dma_wait3A_101 = arith.constant 0 : i32
      %dma_wait3A_102 = tpu.memref_slice %arg7[%add3A_75, %dma_wait3A_101] : memref<32x64xi32, #tpu.memory_space<vmem>> -> memref<1x64xi32, #tpu.memory_space<vmem>>
      %dma_wait3A_103 = tpu.memref_squeeze %dma_wait3A_102 : memref<1x64xi32, #tpu.memory_space<vmem>> -> memref<64xi32, #tpu.memory_space<vmem>>
      %dma_wait3A_104 = arith.constant 0 : i32
      %dma_wait3A_105 = arith.constant 0 : i32
      %dma_wait3A_106 = tpu.memref_slice %arg2[%dma_wait3A_104, %dma_wait3A_105] : memref<10240x128xf32, #tpu.memory_space<hbm>> -> memref<10240x128xf32, #tpu.memory_space<hbm>>
      tpu.wait_indirect_dma semaphore(%arg14 : memref<!tpu.dma_semaphore, #tpu.memory_space<semaphore_mem>>) src(%dma_wait3A_106 : memref<10240x128xf32, #tpu.memory_space<hbm>>) dst(%arg11 : memref<64x128xf32, #tpu.memory_space<vmem>>)
      %dma_wait3A_107 = arith.constant 0 : i32
      %dma_wait3A_108 = tpu.memref_slice %arg7[%add3A_83, %dma_wait3A_107] : memref<32x64xi32, #tpu.memory_space<vmem>> -> memref<1x64xi32, #tpu.memory_space<vmem>>
      %dma_wait3A_109 = tpu.memref_squeeze %dma_wait3A_108 : memref<1x64xi32, #tpu.memory_space<vmem>> -> memref<64xi32, #tpu.memory_space<vmem>>
      %dma_wait3A_110 = arith.constant 0 : i32
      %dma_wait3A_111 = arith.constant 0 : i32
      %dma_wait3A_112 = tpu.memref_slice %arg2[%dma_wait3A_110, %dma_wait3A_111] : memref<10240x128xf32, #tpu.memory_space<hbm>> -> memref<10240x128xf32, #tpu.memory_space<hbm>>
      tpu.wait_indirect_dma semaphore(%arg14 : memref<!tpu.dma_semaphore, #tpu.memory_space<semaphore_mem>>) src(%dma_wait3A_112 : memref<10240x128xf32, #tpu.memory_space<hbm>>) dst(%arg12 : memref<64x128xf32, #tpu.memory_space<vmem>>)
      %add3A_113 = arith.constant 0 : i32
      %add3A_114 = arith.addi %mul3A_58, %add3A_113 : i32
      %dma_start3A_115 = arith.constant 0 : i32
      %dma_start3A_116 = tpu.memref_slice %arg8[%add3A_114, %dma_start3A_115] : memref<32x64xi32, #tpu.memory_space<vmem>> -> memref<1x64xi32, #tpu.memory_space<vmem>>
      %dma_start3A_117 = tpu.memref_squeeze %dma_start3A_116 : memref<1x64xi32, #tpu.memory_space<vmem>> -> memref<64xi32, #tpu.memory_space<vmem>>
      %dma_start3A_118 = arith.constant 0 : i32
      %dma_start3A_119 = arith.constant 0 : i32
      %dma_start3A_120 = tpu.memref_slice %arg13[%dma_start3A_118, %dma_start3A_119] : memref<10240x128xf32, #tpu.memory_space<vmem_shared>> -> memref<10240x128xf32, #tpu.memory_space<vmem_shared>>
      tpu.enqueue_indirect_dma source(%arg9 : memref<64x128xf32, #tpu.memory_space<vmem>>) target(%dma_start3A_120 : memref<10240x128xf32, #tpu.memory_space<vmem_shared>>) offsets(%dma_start3A_117 : memref<64xi32, #tpu.memory_space<vmem>>) semaphore(%arg15 : memref<!tpu.dma_semaphore, #tpu.memory_space<semaphore_mem>>) {add = true}
      %add3A_121 = arith.constant 1 : i32
      %add3A_122 = arith.addi %mul3A_58, %add3A_121 : i32
      %dma_start3A_123 = arith.constant 0 : i32
      %dma_start3A_124 = tpu.memref_slice %arg8[%add3A_122, %dma_start3A_123] : memref<32x64xi32, #tpu.memory_space<vmem>> -> memref<1x64xi32, #tpu.memory_space<vmem>>
      %dma_start3A_125 = tpu.memref_squeeze %dma_start3A_124 : memref<1x64xi32, #tpu.memory_space<vmem>> -> memref<64xi32, #tpu.memory_space<vmem>>
      %dma_start3A_126 = arith.constant 0 : i32
      %dma_start3A_127 = arith.constant 0 : i32
      %dma_start3A_128 = tpu.memref_slice %arg13[%dma_start3A_126, %dma_start3A_127] : memref<10240x128xf32, #tpu.memory_space<vmem_shared>> -> memref<10240x128xf32, #tpu.memory_space<vmem_shared>>
      tpu.enqueue_indirect_dma source(%arg10 : memref<64x128xf32, #tpu.memory_space<vmem>>) target(%dma_start3A_128 : memref<10240x128xf32, #tpu.memory_space<vmem_shared>>) offsets(%dma_start3A_125 : memref<64xi32, #tpu.memory_space<vmem>>) semaphore(%arg15 : memref<!tpu.dma_semaphore, #tpu.memory_space<semaphore_mem>>) {add = true}
      %add3A_129 = arith.constant 2 : i32
      %add3A_130 = arith.addi %mul3A_58, %add3A_129 : i32
      %dma_start3A_131 = arith.constant 0 : i32
      %dma_start3A_132 = tpu.memref_slice %arg8[%add3A_130, %dma_start3A_131] : memref<32x64xi32, #tpu.memory_space<vmem>> -> memref<1x64xi32, #tpu.memory_space<vmem>>
      %dma_start3A_133 = tpu.memref_squeeze %dma_start3A_132 : memref<1x64xi32, #tpu.memory_space<vmem>> -> memref<64xi32, #tpu.memory_space<vmem>>
      %dma_start3A_134 = arith.constant 0 : i32
      %dma_start3A_135 = arith.constant 0 : i32
      %dma_start3A_136 = tpu.memref_slice %arg13[%dma_start3A_134, %dma_start3A_135] : memref<10240x128xf32, #tpu.memory_space<vmem_shared>> -> memref<10240x128xf32, #tpu.memory_space<vmem_shared>>
      tpu.enqueue_indirect_dma source(%arg11 : memref<64x128xf32, #tpu.memory_space<vmem>>) target(%dma_start3A_136 : memref<10240x128xf32, #tpu.memory_space<vmem_shared>>) offsets(%dma_start3A_133 : memref<64xi32, #tpu.memory_space<vmem>>) semaphore(%arg15 : memref<!tpu.dma_semaphore, #tpu.memory_space<semaphore_mem>>) {add = true}
      %add3A_137 = arith.constant 3 : i32
      %add3A_138 = arith.addi %mul3A_58, %add3A_137 : i32
      %dma_start3A_139 = arith.constant 0 : i32
      %dma_start3A_140 = tpu.memref_slice %arg8[%add3A_138, %dma_start3A_139] : memref<32x64xi32, #tpu.memory_space<vmem>> -> memref<1x64xi32, #tpu.memory_space<vmem>>
      %dma_start3A_141 = tpu.memref_squeeze %dma_start3A_140 : memref<1x64xi32, #tpu.memory_space<vmem>> -> memref<64xi32, #tpu.memory_space<vmem>>
      %dma_start3A_142 = arith.constant 0 : i32
      %dma_start3A_143 = arith.constant 0 : i32
      %dma_start3A_144 = tpu.memref_slice %arg13[%dma_start3A_142, %dma_start3A_143] : memref<10240x128xf32, #tpu.memory_space<vmem_shared>> -> memref<10240x128xf32, #tpu.memory_space<vmem_shared>>
      tpu.enqueue_indirect_dma source(%arg12 : memref<64x128xf32, #tpu.memory_space<vmem>>) target(%dma_start3A_144 : memref<10240x128xf32, #tpu.memory_space<vmem_shared>>) offsets(%dma_start3A_141 : memref<64xi32, #tpu.memory_space<vmem>>) semaphore(%arg15 : memref<!tpu.dma_semaphore, #tpu.memory_space<semaphore_mem>>) {add = true}
      %dma_wait3A_145 = arith.constant 0 : i32
      %dma_wait3A_146 = tpu.memref_slice %arg8[%add3A_114, %dma_wait3A_145] : memref<32x64xi32, #tpu.memory_space<vmem>> -> memref<1x64xi32, #tpu.memory_space<vmem>>
      %dma_wait3A_147 = tpu.memref_squeeze %dma_wait3A_146 : memref<1x64xi32, #tpu.memory_space<vmem>> -> memref<64xi32, #tpu.memory_space<vmem>>
      %dma_wait3A_148 = arith.constant 0 : i32
      %dma_wait3A_149 = arith.constant 0 : i32
      %dma_wait3A_150 = tpu.memref_slice %arg13[%dma_wait3A_148, %dma_wait3A_149] : memref<10240x128xf32, #tpu.memory_space<vmem_shared>> -> memref<10240x128xf32, #tpu.memory_space<vmem_shared>>
      tpu.wait_indirect_dma semaphore(%arg15 : memref<!tpu.dma_semaphore, #tpu.memory_space<semaphore_mem>>) src(%arg9 : memref<64x128xf32, #tpu.memory_space<vmem>>) dst(%dma_wait3A_150 : memref<10240x128xf32, #tpu.memory_space<vmem_shared>>)
      %dma_wait3A_151 = arith.constant 0 : i32
      %dma_wait3A_152 = tpu.memref_slice %arg8[%add3A_122, %dma_wait3A_151] : memref<32x64xi32, #tpu.memory_space<vmem>> -> memref<1x64xi32, #tpu.memory_space<vmem>>
      %dma_wait3A_153 = tpu.memref_squeeze %dma_wait3A_152 : memref<1x64xi32, #tpu.memory_space<vmem>> -> memref<64xi32, #tpu.memory_space<vmem>>
      %dma_wait3A_154 = arith.constant 0 : i32
      %dma_wait3A_155 = arith.constant 0 : i32
      %dma_wait3A_156 = tpu.memref_slice %arg13[%dma_wait3A_154, %dma_wait3A_155] : memref<10240x128xf32, #tpu.memory_space<vmem_shared>> -> memref<10240x128xf32, #tpu.memory_space<vmem_shared>>
      tpu.wait_indirect_dma semaphore(%arg15 : memref<!tpu.dma_semaphore, #tpu.memory_space<semaphore_mem>>) src(%arg10 : memref<64x128xf32, #tpu.memory_space<vmem>>) dst(%dma_wait3A_156 : memref<10240x128xf32, #tpu.memory_space<vmem_shared>>)
      %dma_wait3A_157 = arith.constant 0 : i32
      %dma_wait3A_158 = tpu.memref_slice %arg8[%add3A_130, %dma_wait3A_157] : memref<32x64xi32, #tpu.memory_space<vmem>> -> memref<1x64xi32, #tpu.memory_space<vmem>>
      %dma_wait3A_159 = tpu.memref_squeeze %dma_wait3A_158 : memref<1x64xi32, #tpu.memory_space<vmem>> -> memref<64xi32, #tpu.memory_space<vmem>>
      %dma_wait3A_160 = arith.constant 0 : i32
      %dma_wait3A_161 = arith.constant 0 : i32
      %dma_wait3A_162 = tpu.memref_slice %arg13[%dma_wait3A_160, %dma_wait3A_161] : memref<10240x128xf32, #tpu.memory_space<vmem_shared>> -> memref<10240x128xf32, #tpu.memory_space<vmem_shared>>
      tpu.wait_indirect_dma semaphore(%arg15 : memref<!tpu.dma_semaphore, #tpu.memory_space<semaphore_mem>>) src(%arg11 : memref<64x128xf32, #tpu.memory_space<vmem>>) dst(%dma_wait3A_162 : memref<10240x128xf32, #tpu.memory_space<vmem_shared>>)
      %dma_wait3A_163 = arith.constant 0 : i32
      %dma_wait3A_164 = tpu.memref_slice %arg8[%add3A_138, %dma_wait3A_163] : memref<32x64xi32, #tpu.memory_space<vmem>> -> memref<1x64xi32, #tpu.memory_space<vmem>>
      %dma_wait3A_165 = tpu.memref_squeeze %dma_wait3A_164 : memref<1x64xi32, #tpu.memory_space<vmem>> -> memref<64xi32, #tpu.memory_space<vmem>>
      %dma_wait3A_166 = arith.constant 0 : i32
      %dma_wait3A_167 = arith.constant 0 : i32
      %dma_wait3A_168 = tpu.memref_slice %arg13[%dma_wait3A_166, %dma_wait3A_167] : memref<10240x128xf32, #tpu.memory_space<vmem_shared>> -> memref<10240x128xf32, #tpu.memory_space<vmem_shared>>
      tpu.wait_indirect_dma semaphore(%arg15 : memref<!tpu.dma_semaphore, #tpu.memory_space<semaphore_mem>>) src(%arg12 : memref<64x128xf32, #tpu.memory_space<vmem>>) dst(%dma_wait3A_168 : memref<10240x128xf32, #tpu.memory_space<vmem_shared>>)
    }
    %while3A_19 = arith.constant 1 : i32
    scf.for %while3A_25 = %while3A_17 to %while3A_13 step %while3A_19  : i32 {
      %jit3A_26 = arith.constant 8 : i32
      %eq3A_27 = arith.constant 0 : i32
      %eq3A_28 = arith.cmpi eq, %jit3A_26, %eq3A_27 : i32
      %jit3A_29 = arith.constant 1 : i32
      %select_n3A_30 = arith.select %eq3A_28, %jit3A_29, %jit3A_26 : i32
      %rem3A = arith.remsi %while3A_25, %select_n3A_30 : i32
      %ne3A = arith.constant 0 : i32
      %ne3A_31 = arith.cmpi ne, %rem3A, %ne3A : i32
      %lt3A = arith.constant 0 : i32
      %lt3A_32 = arith.cmpi slt, %rem3A, %lt3A : i32
      %lt3A_33 = arith.constant 0 : i32
      %lt3A_34 = arith.cmpi slt, %select_n3A_30, %lt3A_33 : i32
      %ne3A_35 = arith.xori %lt3A_32, %lt3A_34 : i1
      %and3A = arith.andi %ne3A_35, %ne3A_31 : i1
      %add3A_36 = arith.addi %rem3A, %select_n3A_30 : i32
      %select_n3A_37 = arith.select %and3A, %add3A_36, %rem3A : i32
      %eq3A_38 = arith.constant 0 : i32
      %eq3A_39 = arith.cmpi eq, %select_n3A_37, %eq3A_38 : i32
      %convert_element_type3A = arith.extui %eq3A_39 : i1 to i32
      %cond3A = arith.constant 0 : i32
      %cond3A_40 = arith.cmpi ne, %convert_element_type3A, %cond3A : i32
      scf.if %cond3A_40 {
        %jit3A_169 = arith.constant 8 : i32
        %div3A = arith.divsi %while3A_25, %jit3A_169 : i32
        %sign3A = arith.constant 0 : i32
        %sign3A_170 = arith.cmpi sgt, %while3A_25, %sign3A : i32
        %sign3A_171 = arith.extui %sign3A_170 : i1 to i32
        %sign3A_172 = arith.constant 0 : i32
        %sign3A_173 = arith.cmpi slt, %while3A_25, %sign3A_172 : i32
        %sign3A_174 = arith.extui %sign3A_173 : i1 to i32
        %sign3A_175 = arith.subi %sign3A_171, %sign3A_174 : i32
        %sign3A_176 = arith.constant 0 : i32
        %sign3A_177 = arith.cmpi sgt, %jit3A_169, %sign3A_176 : i32
        %sign3A_178 = arith.extui %sign3A_177 : i1 to i32
        %sign3A_179 = arith.constant 0 : i32
        %sign3A_180 = arith.cmpi slt, %jit3A_169, %sign3A_179 : i32
        %sign3A_181 = arith.extui %sign3A_180 : i1 to i32
        %sign3A_182 = arith.subi %sign3A_178, %sign3A_181 : i32
        %ne3A_183 = arith.cmpi ne, %sign3A_175, %sign3A_182 : i32
        %rem3A_184 = arith.remsi %while3A_25, %jit3A_169 : i32
        %ne3A_185 = arith.constant 0 : i32
        %ne3A_186 = arith.cmpi ne, %rem3A_184, %ne3A_185 : i32
        %and3A_187 = arith.andi %ne3A_183, %ne3A_186 : i1
        %sub3A = arith.constant 1 : i32
        %sub3A_188 = arith.subi %div3A, %sub3A : i32
        %select_n3A_189 = arith.select %and3A_187, %sub3A_188, %div3A : i32
        %mul3A_190 = arith.constant 32 : i32
        %mul3A_191 = arith.muli %select_n3A_189, %mul3A_190 : i32
        %add3A_192 = arith.addi %select_n3A, %mul3A_191 : i32
        "tpu.region"() ({
          %run_scoped3A = tpu.sem_alloc : memref<!tpu.dma_semaphore, #tpu.memory_space<semaphore_mem>>
          %dma_start3A_193 = arith.constant 0 : i32
          %dma_start3A_194 = tpu.memref_slice %arg3[%add3A_192, %dma_start3A_193] : memref<5152x64xi32, #tpu.memory_space<hbm>> -> memref<32x64xi32, #tpu.memory_space<hbm>>
          %dma_start3A_195 = arith.constant 0 : i32
          %dma_start3A_196 = tpu.memref_slice %arg3[%add3A_192, %dma_start3A_195] : memref<5152x64xi32, #tpu.memory_space<hbm>> -> memref<32x64xi32, #tpu.memory_space<hbm>>
          tpu.enqueue_dma source(%dma_start3A_196 : memref<32x64xi32, #tpu.memory_space<hbm>>) target(%arg7 : memref<32x64xi32, #tpu.memory_space<vmem>>) target_semaphore(%run_scoped3A : memref<!tpu.dma_semaphore, #tpu.memory_space<semaphore_mem>>)
          %dma_wait3A_197 = arith.constant 0 : i32
          %dma_wait3A_198 = tpu.memref_slice %arg3[%add3A_192, %dma_wait3A_197] : memref<5152x64xi32, #tpu.memory_space<hbm>> -> memref<32x64xi32, #tpu.memory_space<hbm>>
          %dma_wait3A_199 = arith.constant 0 : i32
          %dma_wait3A_200 = tpu.memref_slice %arg3[%add3A_192, %dma_wait3A_199] : memref<5152x64xi32, #tpu.memory_space<hbm>> -> memref<32x64xi32, #tpu.memory_space<hbm>>
          tpu.wait_dma2 semaphore(%run_scoped3A : memref<!tpu.dma_semaphore, #tpu.memory_space<semaphore_mem>>) src(%dma_wait3A_200 : memref<32x64xi32, #tpu.memory_space<hbm>>) dst(%arg7 : memref<32x64xi32, #tpu.memory_space<vmem>>)
          tpu.yield
        }) : () -> ()
        "tpu.region"() ({
          %run_scoped3A = tpu.sem_alloc : memref<!tpu.dma_semaphore, #tpu.memory_space<semaphore_mem>>
          %dma_start3A_193 = arith.constant 0 : i32
          %dma_start3A_194 = tpu.memref_slice %arg4[%add3A_192, %dma_start3A_193] : memref<5152x64xi32, #tpu.memory_space<hbm>> -> memref<32x64xi32, #tpu.memory_space<hbm>>
          %dma_start3A_195 = arith.constant 0 : i32
          %dma_start3A_196 = tpu.memref_slice %arg4[%add3A_192, %dma_start3A_195] : memref<5152x64xi32, #tpu.memory_space<hbm>> -> memref<32x64xi32, #tpu.memory_space<hbm>>
          tpu.enqueue_dma source(%dma_start3A_196 : memref<32x64xi32, #tpu.memory_space<hbm>>) target(%arg8 : memref<32x64xi32, #tpu.memory_space<vmem>>) target_semaphore(%run_scoped3A : memref<!tpu.dma_semaphore, #tpu.memory_space<semaphore_mem>>)
          %dma_wait3A_197 = arith.constant 0 : i32
          %dma_wait3A_198 = tpu.memref_slice %arg4[%add3A_192, %dma_wait3A_197] : memref<5152x64xi32, #tpu.memory_space<hbm>> -> memref<32x64xi32, #tpu.memory_space<hbm>>
          %dma_wait3A_199 = arith.constant 0 : i32
          %dma_wait3A_200 = tpu.memref_slice %arg4[%add3A_192, %dma_wait3A_199] : memref<5152x64xi32, #tpu.memory_space<hbm>> -> memref<32x64xi32, #tpu.memory_space<hbm>>
          tpu.wait_dma2 semaphore(%run_scoped3A : memref<!tpu.dma_semaphore, #tpu.memory_space<semaphore_mem>>) src(%dma_wait3A_200 : memref<32x64xi32, #tpu.memory_space<hbm>>) dst(%arg8 : memref<32x64xi32, #tpu.memory_space<vmem>>)
          tpu.yield
        }) : () -> ()
      } else {
      }
      %jit3A_41 = arith.constant 8 : i32
      %eq3A_42 = arith.constant 0 : i32
      %eq3A_43 = arith.cmpi eq, %jit3A_41, %eq3A_42 : i32
      %jit3A_44 = arith.constant 1 : i32
      %select_n3A_45 = arith.select %eq3A_43, %jit3A_44, %jit3A_41 : i32
      %rem3A_46 = arith.remsi %while3A_25, %select_n3A_45 : i32
      %ne3A_47 = arith.constant 0 : i32
      %ne3A_48 = arith.cmpi ne, %rem3A_46, %ne3A_47 : i32
      %lt3A_49 = arith.constant 0 : i32
      %lt3A_50 = arith.cmpi slt, %rem3A_46, %lt3A_49 : i32
      %lt3A_51 = arith.constant 0 : i32
      %lt3A_52 = arith.cmpi slt, %select_n3A_45, %lt3A_51 : i32
      %ne3A_53 = arith.xori %lt3A_50, %lt3A_52 : i1
      %and3A_54 = arith.andi %ne3A_53, %ne3A_48 : i1
      %add3A_55 = arith.addi %rem3A_46, %select_n3A_45 : i32
      %select_n3A_56 = arith.select %and3A_54, %add3A_55, %rem3A_46 : i32
      %mul3A_57 = arith.constant 4 : i32
      %mul3A_58 = arith.muli %select_n3A_56, %mul3A_57 : i32
      %add3A_59 = arith.constant 0 : i32
      %add3A_60 = arith.addi %mul3A_58, %add3A_59 : i32
      %dma_start3A = arith.constant 0 : i32
      %dma_start3A_61 = tpu.memref_slice %arg7[%add3A_60, %dma_start3A] : memref<32x64xi32, #tpu.memory_space<vmem>> -> memref<1x64xi32, #tpu.memory_space<vmem>>
      %dma_start3A_62 = tpu.memref_squeeze %dma_start3A_61 : memref<1x64xi32, #tpu.memory_space<vmem>> -> memref<64xi32, #tpu.memory_space<vmem>>
      %dma_start3A_63 = arith.constant 0 : i32
      %dma_start3A_64 = arith.constant 0 : i32
      %dma_start3A_65 = tpu.memref_slice %arg2[%dma_start3A_63, %dma_start3A_64] : memref<10240x128xf32, #tpu.memory_space<hbm>> -> memref<10240x128xf32, #tpu.memory_space<hbm>>
      tpu.enqueue_indirect_dma source(%dma_start3A_65 : memref<10240x128xf32, #tpu.memory_space<hbm>>) target(%arg9 : memref<64x128xf32, #tpu.memory_space<vmem>>) offsets(%dma_start3A_62 : memref<64xi32, #tpu.memory_space<vmem>>) semaphore(%arg14 : memref<!tpu.dma_semaphore, #tpu.memory_space<semaphore_mem>>)
      %add3A_66 = arith.constant 1 : i32
      %add3A_67 = arith.addi %mul3A_58, %add3A_66 : i32
      %dma_start3A_68 = arith.constant 0 : i32
      %dma_start3A_69 = tpu.memref_slice %arg7[%add3A_67, %dma_start3A_68] : memref<32x64xi32, #tpu.memory_space<vmem>> -> memref<1x64xi32, #tpu.memory_space<vmem>>
      %dma_start3A_70 = tpu.memref_squeeze %dma_start3A_69 : memref<1x64xi32, #tpu.memory_space<vmem>> -> memref<64xi32, #tpu.memory_space<vmem>>
      %dma_start3A_71 = arith.constant 0 : i32
      %dma_start3A_72 = arith.constant 0 : i32
      %dma_start3A_73 = tpu.memref_slice %arg2[%dma_start3A_71, %dma_start3A_72] : memref<10240x128xf32, #tpu.memory_space<hbm>> -> memref<10240x128xf32, #tpu.memory_space<hbm>>
      tpu.enqueue_indirect_dma source(%dma_start3A_73 : memref<10240x128xf32, #tpu.memory_space<hbm>>) target(%arg10 : memref<64x128xf32, #tpu.memory_space<vmem>>) offsets(%dma_start3A_70 : memref<64xi32, #tpu.memory_space<vmem>>) semaphore(%arg14 : memref<!tpu.dma_semaphore, #tpu.memory_space<semaphore_mem>>)
      %add3A_74 = arith.constant 2 : i32
      %add3A_75 = arith.addi %mul3A_58, %add3A_74 : i32
      %dma_start3A_76 = arith.constant 0 : i32
      %dma_start3A_77 = tpu.memref_slice %arg7[%add3A_75, %dma_start3A_76] : memref<32x64xi32, #tpu.memory_space<vmem>> -> memref<1x64xi32, #tpu.memory_space<vmem>>
      %dma_start3A_78 = tpu.memref_squeeze %dma_start3A_77 : memref<1x64xi32, #tpu.memory_space<vmem>> -> memref<64xi32, #tpu.memory_space<vmem>>
      %dma_start3A_79 = arith.constant 0 : i32
      %dma_start3A_80 = arith.constant 0 : i32
      %dma_start3A_81 = tpu.memref_slice %arg2[%dma_start3A_79, %dma_start3A_80] : memref<10240x128xf32, #tpu.memory_space<hbm>> -> memref<10240x128xf32, #tpu.memory_space<hbm>>
      tpu.enqueue_indirect_dma source(%dma_start3A_81 : memref<10240x128xf32, #tpu.memory_space<hbm>>) target(%arg11 : memref<64x128xf32, #tpu.memory_space<vmem>>) offsets(%dma_start3A_78 : memref<64xi32, #tpu.memory_space<vmem>>) semaphore(%arg14 : memref<!tpu.dma_semaphore, #tpu.memory_space<semaphore_mem>>)
      %add3A_82 = arith.constant 3 : i32
      %add3A_83 = arith.addi %mul3A_58, %add3A_82 : i32
      %dma_start3A_84 = arith.constant 0 : i32
      %dma_start3A_85 = tpu.memref_slice %arg7[%add3A_83, %dma_start3A_84] : memref<32x64xi32, #tpu.memory_space<vmem>> -> memref<1x64xi32, #tpu.memory_space<vmem>>
      %dma_start3A_86 = tpu.memref_squeeze %dma_start3A_85 : memref<1x64xi32, #tpu.memory_space<vmem>> -> memref<64xi32, #tpu.memory_space<vmem>>
      %dma_start3A_87 = arith.constant 0 : i32
      %dma_start3A_88 = arith.constant 0 : i32
      %dma_start3A_89 = tpu.memref_slice %arg2[%dma_start3A_87, %dma_start3A_88] : memref<10240x128xf32, #tpu.memory_space<hbm>> -> memref<10240x128xf32, #tpu.memory_space<hbm>>
      tpu.enqueue_indirect_dma source(%dma_start3A_89 : memref<10240x128xf32, #tpu.memory_space<hbm>>) target(%arg12 : memref<64x128xf32, #tpu.memory_space<vmem>>) offsets(%dma_start3A_86 : memref<64xi32, #tpu.memory_space<vmem>>) semaphore(%arg14 : memref<!tpu.dma_semaphore, #tpu.memory_space<semaphore_mem>>)
      %dma_wait3A = arith.constant 0 : i32
      %dma_wait3A_90 = tpu.memref_slice %arg7[%add3A_60, %dma_wait3A] : memref<32x64xi32, #tpu.memory_space<vmem>> -> memref<1x64xi32, #tpu.memory_space<vmem>>
      %dma_wait3A_91 = tpu.memref_squeeze %dma_wait3A_90 : memref<1x64xi32, #tpu.memory_space<vmem>> -> memref<64xi32, #tpu.memory_space<vmem>>
      %dma_wait3A_92 = arith.constant 0 : i32
      %dma_wait3A_93 = arith.constant 0 : i32
      %dma_wait3A_94 = tpu.memref_slice %arg2[%dma_wait3A_92, %dma_wait3A_93] : memref<10240x128xf32, #tpu.memory_space<hbm>> -> memref<10240x128xf32, #tpu.memory_space<hbm>>
      tpu.wait_indirect_dma semaphore(%arg14 : memref<!tpu.dma_semaphore, #tpu.memory_space<semaphore_mem>>) src(%dma_wait3A_94 : memref<10240x128xf32, #tpu.memory_space<hbm>>) dst(%arg9 : memref<64x128xf32, #tpu.memory_space<vmem>>)
      %dma_wait3A_95 = arith.constant 0 : i32
      %dma_wait3A_96 = tpu.memref_slice %arg7[%add3A_67, %dma_wait3A_95] : memref<32x64xi32, #tpu.memory_space<vmem>> -> memref<1x64xi32, #tpu.memory_space<vmem>>
      %dma_wait3A_97 = tpu.memref_squeeze %dma_wait3A_96 : memref<1x64xi32, #tpu.memory_space<vmem>> -> memref<64xi32, #tpu.memory_space<vmem>>
      %dma_wait3A_98 = arith.constant 0 : i32
      %dma_wait3A_99 = arith.constant 0 : i32
      %dma_wait3A_100 = tpu.memref_slice %arg2[%dma_wait3A_98, %dma_wait3A_99] : memref<10240x128xf32, #tpu.memory_space<hbm>> -> memref<10240x128xf32, #tpu.memory_space<hbm>>
      tpu.wait_indirect_dma semaphore(%arg14 : memref<!tpu.dma_semaphore, #tpu.memory_space<semaphore_mem>>) src(%dma_wait3A_100 : memref<10240x128xf32, #tpu.memory_space<hbm>>) dst(%arg10 : memref<64x128xf32, #tpu.memory_space<vmem>>)
      %dma_wait3A_101 = arith.constant 0 : i32
      %dma_wait3A_102 = tpu.memref_slice %arg7[%add3A_75, %dma_wait3A_101] : memref<32x64xi32, #tpu.memory_space<vmem>> -> memref<1x64xi32, #tpu.memory_space<vmem>>
      %dma_wait3A_103 = tpu.memref_squeeze %dma_wait3A_102 : memref<1x64xi32, #tpu.memory_space<vmem>> -> memref<64xi32, #tpu.memory_space<vmem>>
      %dma_wait3A_104 = arith.constant 0 : i32
      %dma_wait3A_105 = arith.constant 0 : i32
      %dma_wait3A_106 = tpu.memref_slice %arg2[%dma_wait3A_104, %dma_wait3A_105] : memref<10240x128xf32, #tpu.memory_space<hbm>> -> memref<10240x128xf32, #tpu.memory_space<hbm>>
      tpu.wait_indirect_dma semaphore(%arg14 : memref<!tpu.dma_semaphore, #tpu.memory_space<semaphore_mem>>) src(%dma_wait3A_106 : memref<10240x128xf32, #tpu.memory_space<hbm>>) dst(%arg11 : memref<64x128xf32, #tpu.memory_space<vmem>>)
      %dma_wait3A_107 = arith.constant 0 : i32
      %dma_wait3A_108 = tpu.memref_slice %arg7[%add3A_83, %dma_wait3A_107] : memref<32x64xi32, #tpu.memory_space<vmem>> -> memref<1x64xi32, #tpu.memory_space<vmem>>
      %dma_wait3A_109 = tpu.memref_squeeze %dma_wait3A_108 : memref<1x64xi32, #tpu.memory_space<vmem>> -> memref<64xi32, #tpu.memory_space<vmem>>
      %dma_wait3A_110 = arith.constant 0 : i32
      %dma_wait3A_111 = arith.constant 0 : i32
      %dma_wait3A_112 = tpu.memref_slice %arg2[%dma_wait3A_110, %dma_wait3A_111] : memref<10240x128xf32, #tpu.memory_space<hbm>> -> memref<10240x128xf32, #tpu.memory_space<hbm>>
      tpu.wait_indirect_dma semaphore(%arg14 : memref<!tpu.dma_semaphore, #tpu.memory_space<semaphore_mem>>) src(%dma_wait3A_112 : memref<10240x128xf32, #tpu.memory_space<hbm>>) dst(%arg12 : memref<64x128xf32, #tpu.memory_space<vmem>>)
      %add3A_113 = arith.constant 0 : i32
      %add3A_114 = arith.addi %mul3A_58, %add3A_113 : i32
      %dma_start3A_115 = arith.constant 0 : i32
      %dma_start3A_116 = tpu.memref_slice %arg8[%add3A_114, %dma_start3A_115] : memref<32x64xi32, #tpu.memory_space<vmem>> -> memref<1x64xi32, #tpu.memory_space<vmem>>
      %dma_start3A_117 = tpu.memref_squeeze %dma_start3A_116 : memref<1x64xi32, #tpu.memory_space<vmem>> -> memref<64xi32, #tpu.memory_space<vmem>>
      %dma_start3A_118 = arith.constant 0 : i32
      %dma_start3A_119 = arith.constant 0 : i32
      %dma_start3A_120 = tpu.memref_slice %arg13[%dma_start3A_118, %dma_start3A_119] : memref<10240x128xf32, #tpu.memory_space<vmem_shared>> -> memref<10240x128xf32, #tpu.memory_space<vmem_shared>>
      tpu.enqueue_indirect_dma source(%arg9 : memref<64x128xf32, #tpu.memory_space<vmem>>) target(%dma_start3A_120 : memref<10240x128xf32, #tpu.memory_space<vmem_shared>>) offsets(%dma_start3A_117 : memref<64xi32, #tpu.memory_space<vmem>>) semaphore(%arg15 : memref<!tpu.dma_semaphore, #tpu.memory_space<semaphore_mem>>) {add = true}
      %add3A_121 = arith.constant 1 : i32
      %add3A_122 = arith.addi %mul3A_58, %add3A_121 : i32
      %dma_start3A_123 = arith.constant 0 : i32
      %dma_start3A_124 = tpu.memref_slice %arg8[%add3A_122, %dma_start3A_123] : memref<32x64xi32, #tpu.memory_space<vmem>> -> memref<1x64xi32, #tpu.memory_space<vmem>>
      %dma_start3A_125 = tpu.memref_squeeze %dma_start3A_124 : memref<1x64xi32, #tpu.memory_space<vmem>> -> memref<64xi32, #tpu.memory_space<vmem>>
      %dma_start3A_126 = arith.constant 0 : i32
      %dma_start3A_127 = arith.constant 0 : i32
      %dma_start3A_128 = tpu.memref_slice %arg13[%dma_start3A_126, %dma_start3A_127] : memref<10240x128xf32, #tpu.memory_space<vmem_shared>> -> memref<10240x128xf32, #tpu.memory_space<vmem_shared>>
      tpu.enqueue_indirect_dma source(%arg10 : memref<64x128xf32, #tpu.memory_space<vmem>>) target(%dma_start3A_128 : memref<10240x128xf32, #tpu.memory_space<vmem_shared>>) offsets(%dma_start3A_125 : memref<64xi32, #tpu.memory_space<vmem>>) semaphore(%arg15 : memref<!tpu.dma_semaphore, #tpu.memory_space<semaphore_mem>>) {add = true}
      %add3A_129 = arith.constant 2 : i32
      %add3A_130 = arith.addi %mul3A_58, %add3A_129 : i32
      %dma_start3A_131 = arith.constant 0 : i32
      %dma_start3A_132 = tpu.memref_slice %arg8[%add3A_130, %dma_start3A_131] : memref<32x64xi32, #tpu.memory_space<vmem>> -> memref<1x64xi32, #tpu.memory_space<vmem>>
      %dma_start3A_133 = tpu.memref_squeeze %dma_start3A_132 : memref<1x64xi32, #tpu.memory_space<vmem>> -> memref<64xi32, #tpu.memory_space<vmem>>
      %dma_start3A_134 = arith.constant 0 : i32
      %dma_start3A_135 = arith.constant 0 : i32
      %dma_start3A_136 = tpu.memref_slice %arg13[%dma_start3A_134, %dma_start3A_135] : memref<10240x128xf32, #tpu.memory_space<vmem_shared>> -> memref<10240x128xf32, #tpu.memory_space<vmem_shared>>
      tpu.enqueue_indirect_dma source(%arg11 : memref<64x128xf32, #tpu.memory_space<vmem>>) target(%dma_start3A_136 : memref<10240x128xf32, #tpu.memory_space<vmem_shared>>) offsets(%dma_start3A_133 : memref<64xi32, #tpu.memory_space<vmem>>) semaphore(%arg15 : memref<!tpu.dma_semaphore, #tpu.memory_space<semaphore_mem>>) {add = true}
      %add3A_137 = arith.constant 3 : i32
      %add3A_138 = arith.addi %mul3A_58, %add3A_137 : i32
      %dma_start3A_139 = arith.constant 0 : i32
      %dma_start3A_140 = tpu.memref_slice %arg8[%add3A_138, %dma_start3A_139] : memref<32x64xi32, #tpu.memory_space<vmem>> -> memref<1x64xi32, #tpu.memory_space<vmem>>
      %dma_start3A_141 = tpu.memref_squeeze %dma_start3A_140 : memref<1x64xi32, #tpu.memory_space<vmem>> -> memref<64xi32, #tpu.memory_space<vmem>>
      %dma_start3A_142 = arith.constant 0 : i32
      %dma_start3A_143 = arith.constant 0 : i32
      %dma_start3A_144 = tpu.memref_slice %arg13[%dma_start3A_142, %dma_start3A_143] : memref<10240x128xf32, #tpu.memory_space<vmem_shared>> -> memref<10240x128xf32, #tpu.memory_space<vmem_shared>>
      tpu.enqueue_indirect_dma source(%arg12 : memref<64x128xf32, #tpu.memory_space<vmem>>) target(%dma_start3A_144 : memref<10240x128xf32, #tpu.memory_space<vmem_shared>>) offsets(%dma_start3A_141 : memref<64xi32, #tpu.memory_space<vmem>>) semaphore(%arg15 : memref<!tpu.dma_semaphore, #tpu.memory_space<semaphore_mem>>) {add = true}
      %dma_wait3A_145 = arith.constant 0 : i32
      %dma_wait3A_146 = tpu.memref_slice %arg8[%add3A_114, %dma_wait3A_145] : memref<32x64xi32, #tpu.memory_space<vmem>> -> memref<1x64xi32, #tpu.memory_space<vmem>>
      %dma_wait3A_147 = tpu.memref_squeeze %dma_wait3A_146 : memref<1x64xi32, #tpu.memory_space<vmem>> -> memref<64xi32, #tpu.memory_space<vmem>>
      %dma_wait3A_148 = arith.constant 0 : i32
      %dma_wait3A_149 = arith.constant 0 : i32
      %dma_wait3A_150 = tpu.memref_slice %arg13[%dma_wait3A_148, %dma_wait3A_149] : memref<10240x128xf32, #tpu.memory_space<vmem_shared>> -> memref<10240x128xf32, #tpu.memory_space<vmem_shared>>
      tpu.wait_indirect_dma semaphore(%arg15 : memref<!tpu.dma_semaphore, #tpu.memory_space<semaphore_mem>>) src(%arg9 : memref<64x128xf32, #tpu.memory_space<vmem>>) dst(%dma_wait3A_150 : memref<10240x128xf32, #tpu.memory_space<vmem_shared>>)
      %dma_wait3A_151 = arith.constant 0 : i32
      %dma_wait3A_152 = tpu.memref_slice %arg8[%add3A_122, %dma_wait3A_151] : memref<32x64xi32, #tpu.memory_space<vmem>> -> memref<1x64xi32, #tpu.memory_space<vmem>>
      %dma_wait3A_153 = tpu.memref_squeeze %dma_wait3A_152 : memref<1x64xi32, #tpu.memory_space<vmem>> -> memref<64xi32, #tpu.memory_space<vmem>>
      %dma_wait3A_154 = arith.constant 0 : i32
      %dma_wait3A_155 = arith.constant 0 : i32
      %dma_wait3A_156 = tpu.memref_slice %arg13[%dma_wait3A_154, %dma_wait3A_155] : memref<10240x128xf32, #tpu.memory_space<vmem_shared>> -> memref<10240x128xf32, #tpu.memory_space<vmem_shared>>
      tpu.wait_indirect_dma semaphore(%arg15 : memref<!tpu.dma_semaphore, #tpu.memory_space<semaphore_mem>>) src(%arg10 : memref<64x128xf32, #tpu.memory_space<vmem>>) dst(%dma_wait3A_156 : memref<10240x128xf32, #tpu.memory_space<vmem_shared>>)
      %dma_wait3A_157 = arith.constant 0 : i32
      %dma_wait3A_158 = tpu.memref_slice %arg8[%add3A_130, %dma_wait3A_157] : memref<32x64xi32, #tpu.memory_space<vmem>> -> memref<1x64xi32, #tpu.memory_space<vmem>>
      %dma_wait3A_159 = tpu.memref_squeeze %dma_wait3A_158 : memref<1x64xi32, #tpu.memory_space<vmem>> -> memref<64xi32, #tpu.memory_space<vmem>>
      %dma_wait3A_160 = arith.constant 0 : i32
      %dma_wait3A_161 = arith.constant 0 : i32
      %dma_wait3A_162 = tpu.memref_slice %arg13[%dma_wait3A_160, %dma_wait3A_161] : memref<10240x128xf32, #tpu.memory_space<vmem_shared>> -> memref<10240x128xf32, #tpu.memory_space<vmem_shared>>
      tpu.wait_indirect_dma semaphore(%arg15 : memref<!tpu.dma_semaphore, #tpu.memory_space<semaphore_mem>>) src(%arg11 : memref<64x128xf32, #tpu.memory_space<vmem>>) dst(%dma_wait3A_162 : memref<10240x128xf32, #tpu.memory_space<vmem_shared>>)
      %dma_wait3A_163 = arith.constant 0 : i32
      %dma_wait3A_164 = tpu.memref_slice %arg8[%add3A_138, %dma_wait3A_163] : memref<32x64xi32, #tpu.memory_space<vmem>> -> memref<1x64xi32, #tpu.memory_space<vmem>>
      %dma_wait3A_165 = tpu.memref_squeeze %dma_wait3A_164 : memref<1x64xi32, #tpu.memory_space<vmem>> -> memref<64xi32, #tpu.memory_space<vmem>>
      %dma_wait3A_166 = arith.constant 0 : i32
      %dma_wait3A_167 = arith.constant 0 : i32
      %dma_wait3A_168 = tpu.memref_slice %arg13[%dma_wait3A_166, %dma_wait3A_167] : memref<10240x128xf32, #tpu.memory_space<vmem_shared>> -> memref<10240x128xf32, #tpu.memory_space<vmem_shared>>
      tpu.wait_indirect_dma semaphore(%arg15 : memref<!tpu.dma_semaphore, #tpu.memory_space<semaphore_mem>>) src(%arg12 : memref<64x128xf32, #tpu.memory_space<vmem>>) dst(%dma_wait3A_168 : memref<10240x128xf32, #tpu.memory_space<vmem_shared>>)
    }
    %barrier3A_20 = arith.constant 0 : index
    tpu.barrier barrier_id(%barrier3A_20)
    %mul3A_21 = arith.constant 640 : i32
    %mul3A_22 = arith.muli %arg1, %mul3A_21 : i32
    %mul3A_23 = arith.constant 640 : i32
    %mul3A_24 = arith.muli %arg1, %mul3A_23 : i32
    "tpu.region"() ({
      %run_scoped3A = tpu.sem_alloc : memref<!tpu.dma_semaphore, #tpu.memory_space<semaphore_mem>>
      %dma_start3A = arith.constant 0 : i32
      %dma_start3A_25 = tpu.memref_slice %arg6[%arg0, %mul3A_24, %dma_start3A] : memref<2x10240x128xf32, #tpu.memory_space<hbm>> -> memref<1x640x128xf32, #tpu.memory_space<hbm>>
      %dma_start3A_26 = tpu.memref_squeeze %dma_start3A_25 : memref<1x640x128xf32, #tpu.memory_space<hbm>> -> memref<640x128xf32, #tpu.memory_space<hbm>>
      %dma_start3A_27 = arith.constant 0 : i32
      %dma_start3A_28 = tpu.memref_slice %arg13[%mul3A_22, %dma_start3A_27] : memref<10240x128xf32, #tpu.memory_space<vmem_shared>> -> memref<640x128xf32, #tpu.memory_space<vmem_shared>>
      tpu.enqueue_dma source(%dma_start3A_28 : memref<640x128xf32, #tpu.memory_space<vmem_shared>>) target(%dma_start3A_26 : memref<640x128xf32, #tpu.memory_space<hbm>>) target_semaphore(%run_scoped3A : memref<!tpu.dma_semaphore, #tpu.memory_space<semaphore_mem>>)
      %dma_wait3A = arith.constant 0 : i32
      %dma_wait3A_29 = tpu.memref_slice %arg6[%arg0, %mul3A_24, %dma_wait3A] : memref<2x10240x128xf32, #tpu.memory_space<hbm>> -> memref<1x640x128xf32, #tpu.memory_space<hbm>>
      %dma_wait3A_30 = tpu.memref_squeeze %dma_wait3A_29 : memref<1x640x128xf32, #tpu.memory_space<hbm>> -> memref<640x128xf32, #tpu.memory_space<hbm>>
      %dma_wait3A_31 = arith.constant 0 : i32
      %dma_wait3A_32 = tpu.memref_slice %arg13[%mul3A_22, %dma_wait3A_31] : memref<10240x128xf32, #tpu.memory_space<vmem_shared>> -> memref<640x128xf32, #tpu.memory_space<vmem_shared>>
      tpu.wait_dma2 semaphore(%run_scoped3A : memref<!tpu.dma_semaphore, #tpu.memory_space<semaphore_mem>>) src(%dma_wait3A_32 : memref<640x128xf32, #tpu.memory_space<vmem_shared>>) dst(%dma_wait3A_30 : memref<640x128xf32, #tpu.memory_space<hbm>>)
      tpu.yield
    }) : () -> ()
    return
  }
}

#map = affine_map<(d0, d1) -> (0, 0, 0)>
#map1 = affine_map<(d0, d1) -> (0, 0)>
module attributes {stable_mosaic.version = 14 : i64} {
  func.func @k(%arg0: i32, %arg1: i32, %arg2: memref<2x5152x64xi32, #tpu.memory_space<hbm>>, %arg3: memref<64x128xf32, #tpu.memory_space<hbm>>, %arg4: memref<640x128xf32, #tpu.memory_space<hbm>>, %arg5: memref<2x10240x128xf32, #tpu.memory_space<hbm>>, %arg6: memref<320x64xi32, #tpu.memory_space<vmem>>, %arg7: memref<64x128xf32, #tpu.memory_space<vmem>>, %arg8: memref<10240x128xf32, #tpu.memory_space<vmem_shared>>, %arg9: memref<!tpu.dma_semaphore, #tpu.memory_space<semaphore_mem>>) attributes {dimension_semantics = [#tpu.dimension_semantics<core_parallel>, #tpu.dimension_semantics<subcore_parallel>], iteration_bounds = array<i64: 2, 16>, scalar_prefetch = 0 : i64, scratch_operands = 4 : i64, tpu.core_type = #tpu.core_type<sc_vector_subcore>, window_params = [{transform_indices = #map}, {transform_indices = #map1}, {transform_indices = #map1}, {transform_indices = #map}]} {
    %mul3A = arith.constant 640 : i32
    %mul3A_0 = arith.muli %arg1, %mul3A : i32
    "tpu.region"() ({
      %run_scoped3A = tpu.sem_alloc : memref<!tpu.dma_semaphore, #tpu.memory_space<semaphore_mem>>
      %dma_start3A = arith.constant 0 : i32
      %dma_start3A_13 = tpu.memref_slice %arg8[%mul3A_0, %dma_start3A] : memref<10240x128xf32, #tpu.memory_space<vmem_shared>> -> memref<640x128xf32, #tpu.memory_space<vmem_shared>>
      tpu.enqueue_dma source(%arg4 : memref<640x128xf32, #tpu.memory_space<hbm>>) target(%dma_start3A_13 : memref<640x128xf32, #tpu.memory_space<vmem_shared>>) target_semaphore(%run_scoped3A : memref<!tpu.dma_semaphore, #tpu.memory_space<semaphore_mem>>)
      %dma_wait3A = arith.constant 0 : i32
      %dma_wait3A_14 = tpu.memref_slice %arg8[%mul3A_0, %dma_wait3A] : memref<10240x128xf32, #tpu.memory_space<vmem_shared>> -> memref<640x128xf32, #tpu.memory_space<vmem_shared>>
      tpu.wait_dma2 semaphore(%run_scoped3A : memref<!tpu.dma_semaphore, #tpu.memory_space<semaphore_mem>>) src(%arg4 : memref<640x128xf32, #tpu.memory_space<hbm>>) dst(%dma_wait3A_14 : memref<640x128xf32, #tpu.memory_space<vmem_shared>>)
      tpu.yield
    }) : () -> ()
    "tpu.region"() ({
      %run_scoped3A = tpu.sem_alloc : memref<!tpu.dma_semaphore, #tpu.memory_space<semaphore_mem>>
      tpu.enqueue_dma source(%arg3 : memref<64x128xf32, #tpu.memory_space<hbm>>) target(%arg7 : memref<64x128xf32, #tpu.memory_space<vmem>>) target_semaphore(%run_scoped3A : memref<!tpu.dma_semaphore, #tpu.memory_space<semaphore_mem>>)
      tpu.wait_dma2 semaphore(%run_scoped3A : memref<!tpu.dma_semaphore, #tpu.memory_space<semaphore_mem>>) src(%arg3 : memref<64x128xf32, #tpu.memory_space<hbm>>) dst(%arg7 : memref<64x128xf32, #tpu.memory_space<vmem>>)
      tpu.yield
    }) : () -> ()
    %mul3A_1 = arith.constant 320 : i32
    %mul3A_2 = arith.muli %arg1, %mul3A_1 : i32
    "tpu.region"() ({
      %run_scoped3A = tpu.sem_alloc : memref<!tpu.dma_semaphore, #tpu.memory_space<semaphore_mem>>
      %dma_start3A = arith.constant 0 : i32
      %dma_start3A_13 = tpu.memref_slice %arg2[%arg0, %mul3A_2, %dma_start3A] : memref<2x5152x64xi32, #tpu.memory_space<hbm>> -> memref<1x320x64xi32, #tpu.memory_space<hbm>>
      %dma_start3A_14 = tpu.memref_squeeze %dma_start3A_13 : memref<1x320x64xi32, #tpu.memory_space<hbm>> -> memref<320x64xi32, #tpu.memory_space<hbm>>
      %dma_start3A_15 = arith.constant 0 : i32
      %dma_start3A_16 = tpu.memref_slice %arg2[%arg0, %mul3A_2, %dma_start3A_15] : memref<2x5152x64xi32, #tpu.memory_space<hbm>> -> memref<1x320x64xi32, #tpu.memory_space<hbm>>
      %dma_start3A_17 = tpu.memref_squeeze %dma_start3A_16 : memref<1x320x64xi32, #tpu.memory_space<hbm>> -> memref<320x64xi32, #tpu.memory_space<hbm>>
      tpu.enqueue_dma source(%dma_start3A_17 : memref<320x64xi32, #tpu.memory_space<hbm>>) target(%arg6 : memref<320x64xi32, #tpu.memory_space<vmem>>) target_semaphore(%run_scoped3A : memref<!tpu.dma_semaphore, #tpu.memory_space<semaphore_mem>>)
      %dma_wait3A = arith.constant 0 : i32
      %dma_wait3A_18 = tpu.memref_slice %arg2[%arg0, %mul3A_2, %dma_wait3A] : memref<2x5152x64xi32, #tpu.memory_space<hbm>> -> memref<1x320x64xi32, #tpu.memory_space<hbm>>
      %dma_wait3A_19 = tpu.memref_squeeze %dma_wait3A_18 : memref<1x320x64xi32, #tpu.memory_space<hbm>> -> memref<320x64xi32, #tpu.memory_space<hbm>>
      %dma_wait3A_20 = arith.constant 0 : i32
      %dma_wait3A_21 = tpu.memref_slice %arg2[%arg0, %mul3A_2, %dma_wait3A_20] : memref<2x5152x64xi32, #tpu.memory_space<hbm>> -> memref<1x320x64xi32, #tpu.memory_space<hbm>>
      %dma_wait3A_22 = tpu.memref_squeeze %dma_wait3A_21 : memref<1x320x64xi32, #tpu.memory_space<hbm>> -> memref<320x64xi32, #tpu.memory_space<hbm>>
      tpu.wait_dma2 semaphore(%run_scoped3A : memref<!tpu.dma_semaphore, #tpu.memory_space<semaphore_mem>>) src(%dma_wait3A_22 : memref<320x64xi32, #tpu.memory_space<hbm>>) dst(%arg6 : memref<320x64xi32, #tpu.memory_space<vmem>>)
      tpu.yield
    }) : () -> ()
    %barrier3A = arith.constant 0 : index
    tpu.barrier barrier_id(%barrier3A)
    %scan3A = arith.constant 0 : i32
    %scan3A_3 = arith.constant 0 : i32
    %scan3A_4 = arith.constant 80 : i32
    %scan3A_5 = arith.addi %scan3A_3, %scan3A_4 : i32
    %scan3A_6 = arith.constant 1 : i32
    scf.for %scan3A_13 = %scan3A_3 to %scan3A_5 step %scan3A_6  : i32 {
      %mul3A_14 = arith.constant 4 : i32
      %mul3A_15 = arith.muli %scan3A_13, %mul3A_14 : i32
      %add3A = arith.constant 0 : i32
      %add3A_16 = arith.addi %mul3A_15, %add3A : i32
      %dma_start3A = arith.constant 0 : i32
      %dma_start3A_17 = tpu.memref_slice %arg6[%add3A_16, %dma_start3A] : memref<320x64xi32, #tpu.memory_space<vmem>> -> memref<1x64xi32, #tpu.memory_space<vmem>>
      %dma_start3A_18 = tpu.memref_squeeze %dma_start3A_17 : memref<1x64xi32, #tpu.memory_space<vmem>> -> memref<64xi32, #tpu.memory_space<vmem>>
      %dma_start3A_19 = arith.constant 0 : i32
      %dma_start3A_20 = arith.constant 0 : i32
      %dma_start3A_21 = tpu.memref_slice %arg8[%dma_start3A_19, %dma_start3A_20] : memref<10240x128xf32, #tpu.memory_space<vmem_shared>> -> memref<10240x128xf32, #tpu.memory_space<vmem_shared>>
      tpu.enqueue_indirect_dma source(%arg7 : memref<64x128xf32, #tpu.memory_space<vmem>>) target(%dma_start3A_21 : memref<10240x128xf32, #tpu.memory_space<vmem_shared>>) offsets(%dma_start3A_18 : memref<64xi32, #tpu.memory_space<vmem>>) semaphore(%arg9 : memref<!tpu.dma_semaphore, #tpu.memory_space<semaphore_mem>>) {add = true}
      %add3A_22 = arith.constant 1 : i32
      %add3A_23 = arith.addi %mul3A_15, %add3A_22 : i32
      %dma_start3A_24 = arith.constant 0 : i32
      %dma_start3A_25 = tpu.memref_slice %arg6[%add3A_23, %dma_start3A_24] : memref<320x64xi32, #tpu.memory_space<vmem>> -> memref<1x64xi32, #tpu.memory_space<vmem>>
      %dma_start3A_26 = tpu.memref_squeeze %dma_start3A_25 : memref<1x64xi32, #tpu.memory_space<vmem>> -> memref<64xi32, #tpu.memory_space<vmem>>
      %dma_start3A_27 = arith.constant 0 : i32
      %dma_start3A_28 = arith.constant 0 : i32
      %dma_start3A_29 = tpu.memref_slice %arg8[%dma_start3A_27, %dma_start3A_28] : memref<10240x128xf32, #tpu.memory_space<vmem_shared>> -> memref<10240x128xf32, #tpu.memory_space<vmem_shared>>
      tpu.enqueue_indirect_dma source(%arg7 : memref<64x128xf32, #tpu.memory_space<vmem>>) target(%dma_start3A_29 : memref<10240x128xf32, #tpu.memory_space<vmem_shared>>) offsets(%dma_start3A_26 : memref<64xi32, #tpu.memory_space<vmem>>) semaphore(%arg9 : memref<!tpu.dma_semaphore, #tpu.memory_space<semaphore_mem>>) {add = true}
      %add3A_30 = arith.constant 2 : i32
      %add3A_31 = arith.addi %mul3A_15, %add3A_30 : i32
      %dma_start3A_32 = arith.constant 0 : i32
      %dma_start3A_33 = tpu.memref_slice %arg6[%add3A_31, %dma_start3A_32] : memref<320x64xi32, #tpu.memory_space<vmem>> -> memref<1x64xi32, #tpu.memory_space<vmem>>
      %dma_start3A_34 = tpu.memref_squeeze %dma_start3A_33 : memref<1x64xi32, #tpu.memory_space<vmem>> -> memref<64xi32, #tpu.memory_space<vmem>>
      %dma_start3A_35 = arith.constant 0 : i32
      %dma_start3A_36 = arith.constant 0 : i32
      %dma_start3A_37 = tpu.memref_slice %arg8[%dma_start3A_35, %dma_start3A_36] : memref<10240x128xf32, #tpu.memory_space<vmem_shared>> -> memref<10240x128xf32, #tpu.memory_space<vmem_shared>>
      tpu.enqueue_indirect_dma source(%arg7 : memref<64x128xf32, #tpu.memory_space<vmem>>) target(%dma_start3A_37 : memref<10240x128xf32, #tpu.memory_space<vmem_shared>>) offsets(%dma_start3A_34 : memref<64xi32, #tpu.memory_space<vmem>>) semaphore(%arg9 : memref<!tpu.dma_semaphore, #tpu.memory_space<semaphore_mem>>) {add = true}
      %add3A_38 = arith.constant 3 : i32
      %add3A_39 = arith.addi %mul3A_15, %add3A_38 : i32
      %dma_start3A_40 = arith.constant 0 : i32
      %dma_start3A_41 = tpu.memref_slice %arg6[%add3A_39, %dma_start3A_40] : memref<320x64xi32, #tpu.memory_space<vmem>> -> memref<1x64xi32, #tpu.memory_space<vmem>>
      %dma_start3A_42 = tpu.memref_squeeze %dma_start3A_41 : memref<1x64xi32, #tpu.memory_space<vmem>> -> memref<64xi32, #tpu.memory_space<vmem>>
      %dma_start3A_43 = arith.constant 0 : i32
      %dma_start3A_44 = arith.constant 0 : i32
      %dma_start3A_45 = tpu.memref_slice %arg8[%dma_start3A_43, %dma_start3A_44] : memref<10240x128xf32, #tpu.memory_space<vmem_shared>> -> memref<10240x128xf32, #tpu.memory_space<vmem_shared>>
      tpu.enqueue_indirect_dma source(%arg7 : memref<64x128xf32, #tpu.memory_space<vmem>>) target(%dma_start3A_45 : memref<10240x128xf32, #tpu.memory_space<vmem_shared>>) offsets(%dma_start3A_42 : memref<64xi32, #tpu.memory_space<vmem>>) semaphore(%arg9 : memref<!tpu.dma_semaphore, #tpu.memory_space<semaphore_mem>>) {add = true}
      %dma_wait3A = arith.constant 0 : i32
      %dma_wait3A_46 = tpu.memref_slice %arg6[%add3A_16, %dma_wait3A] : memref<320x64xi32, #tpu.memory_space<vmem>> -> memref<1x64xi32, #tpu.memory_space<vmem>>
      %dma_wait3A_47 = tpu.memref_squeeze %dma_wait3A_46 : memref<1x64xi32, #tpu.memory_space<vmem>> -> memref<64xi32, #tpu.memory_space<vmem>>
      %dma_wait3A_48 = arith.constant 0 : i32
      %dma_wait3A_49 = arith.constant 0 : i32
      %dma_wait3A_50 = tpu.memref_slice %arg8[%dma_wait3A_48, %dma_wait3A_49] : memref<10240x128xf32, #tpu.memory_space<vmem_shared>> -> memref<10240x128xf32, #tpu.memory_space<vmem_shared>>
      tpu.wait_indirect_dma semaphore(%arg9 : memref<!tpu.dma_semaphore, #tpu.memory_space<semaphore_mem>>) src(%arg7 : memref<64x128xf32, #tpu.memory_space<vmem>>) dst(%dma_wait3A_50 : memref<10240x128xf32, #tpu.memory_space<vmem_shared>>)
      %dma_wait3A_51 = arith.constant 0 : i32
      %dma_wait3A_52 = tpu.memref_slice %arg6[%add3A_23, %dma_wait3A_51] : memref<320x64xi32, #tpu.memory_space<vmem>> -> memref<1x64xi32, #tpu.memory_space<vmem>>
      %dma_wait3A_53 = tpu.memref_squeeze %dma_wait3A_52 : memref<1x64xi32, #tpu.memory_space<vmem>> -> memref<64xi32, #tpu.memory_space<vmem>>
      %dma_wait3A_54 = arith.constant 0 : i32
      %dma_wait3A_55 = arith.constant 0 : i32
      %dma_wait3A_56 = tpu.memref_slice %arg8[%dma_wait3A_54, %dma_wait3A_55] : memref<10240x128xf32, #tpu.memory_space<vmem_shared>> -> memref<10240x128xf32, #tpu.memory_space<vmem_shared>>
      tpu.wait_indirect_dma semaphore(%arg9 : memref<!tpu.dma_semaphore, #tpu.memory_space<semaphore_mem>>) src(%arg7 : memref<64x128xf32, #tpu.memory_space<vmem>>) dst(%dma_wait3A_56 : memref<10240x128xf32, #tpu.memory_space<vmem_shared>>)
      %dma_wait3A_57 = arith.constant 0 : i32
      %dma_wait3A_58 = tpu.memref_slice %arg6[%add3A_31, %dma_wait3A_57] : memref<320x64xi32, #tpu.memory_space<vmem>> -> memref<1x64xi32, #tpu.memory_space<vmem>>
      %dma_wait3A_59 = tpu.memref_squeeze %dma_wait3A_58 : memref<1x64xi32, #tpu.memory_space<vmem>> -> memref<64xi32, #tpu.memory_space<vmem>>
      %dma_wait3A_60 = arith.constant 0 : i32
      %dma_wait3A_61 = arith.constant 0 : i32
      %dma_wait3A_62 = tpu.memref_slice %arg8[%dma_wait3A_60, %dma_wait3A_61] : memref<10240x128xf32, #tpu.memory_space<vmem_shared>> -> memref<10240x128xf32, #tpu.memory_space<vmem_shared>>
      tpu.wait_indirect_dma semaphore(%arg9 : memref<!tpu.dma_semaphore, #tpu.memory_space<semaphore_mem>>) src(%arg7 : memref<64x128xf32, #tpu.memory_space<vmem>>) dst(%dma_wait3A_62 : memref<10240x128xf32, #tpu.memory_space<vmem_shared>>)
      %dma_wait3A_63 = arith.constant 0 : i32
      %dma_wait3A_64 = tpu.memref_slice %arg6[%add3A_39, %dma_wait3A_63] : memref<320x64xi32, #tpu.memory_space<vmem>> -> memref<1x64xi32, #tpu.memory_space<vmem>>
      %dma_wait3A_65 = tpu.memref_squeeze %dma_wait3A_64 : memref<1x64xi32, #tpu.memory_space<vmem>> -> memref<64xi32, #tpu.memory_space<vmem>>
      %dma_wait3A_66 = arith.constant 0 : i32
      %dma_wait3A_67 = arith.constant 0 : i32
      %dma_wait3A_68 = tpu.memref_slice %arg8[%dma_wait3A_66, %dma_wait3A_67] : memref<10240x128xf32, #tpu.memory_space<vmem_shared>> -> memref<10240x128xf32, #tpu.memory_space<vmem_shared>>
      tpu.wait_indirect_dma semaphore(%arg9 : memref<!tpu.dma_semaphore, #tpu.memory_space<semaphore_mem>>) src(%arg7 : memref<64x128xf32, #tpu.memory_space<vmem>>) dst(%dma_wait3A_68 : memref<10240x128xf32, #tpu.memory_space<vmem_shared>>)
    }
    %scan3A_7 = arith.constant 80 : i32
    %barrier3A_8 = arith.constant 0 : index
    tpu.barrier barrier_id(%barrier3A_8)
    %mul3A_9 = arith.constant 640 : i32
    %mul3A_10 = arith.muli %arg1, %mul3A_9 : i32
    %mul3A_11 = arith.constant 640 : i32
    %mul3A_12 = arith.muli %arg1, %mul3A_11 : i32
    "tpu.region"() ({
      %run_scoped3A = tpu.sem_alloc : memref<!tpu.dma_semaphore, #tpu.memory_space<semaphore_mem>>
      %dma_start3A = arith.constant 0 : i32
      %dma_start3A_13 = tpu.memref_slice %arg5[%arg0, %mul3A_12, %dma_start3A] : memref<2x10240x128xf32, #tpu.memory_space<hbm>> -> memref<1x640x128xf32, #tpu.memory_space<hbm>>
      %dma_start3A_14 = tpu.memref_squeeze %dma_start3A_13 : memref<1x640x128xf32, #tpu.memory_space<hbm>> -> memref<640x128xf32, #tpu.memory_space<hbm>>
      %dma_start3A_15 = arith.constant 0 : i32
      %dma_start3A_16 = tpu.memref_slice %arg8[%mul3A_10, %dma_start3A_15] : memref<10240x128xf32, #tpu.memory_space<vmem_shared>> -> memref<640x128xf32, #tpu.memory_space<vmem_shared>>
      tpu.enqueue_dma source(%dma_start3A_16 : memref<640x128xf32, #tpu.memory_space<vmem_shared>>) target(%dma_start3A_14 : memref<640x128xf32, #tpu.memory_space<hbm>>) target_semaphore(%run_scoped3A : memref<!tpu.dma_semaphore, #tpu.memory_space<semaphore_mem>>)
      %dma_wait3A = arith.constant 0 : i32
      %dma_wait3A_17 = tpu.memref_slice %arg5[%arg0, %mul3A_12, %dma_wait3A] : memref<2x10240x128xf32, #tpu.memory_space<hbm>> -> memref<1x640x128xf32, #tpu.memory_space<hbm>>
      %dma_wait3A_18 = tpu.memref_squeeze %dma_wait3A_17 : memref<1x640x128xf32, #tpu.memory_space<hbm>> -> memref<640x128xf32, #tpu.memory_space<hbm>>
      %dma_wait3A_19 = arith.constant 0 : i32
      %dma_wait3A_20 = tpu.memref_slice %arg8[%mul3A_10, %dma_wait3A_19] : memref<10240x128xf32, #tpu.memory_space<vmem_shared>> -> memref<640x128xf32, #tpu.memory_space<vmem_shared>>
      tpu.wait_dma2 semaphore(%run_scoped3A : memref<!tpu.dma_semaphore, #tpu.memory_space<semaphore_mem>>) src(%dma_wait3A_20 : memref<640x128xf32, #tpu.memory_space<vmem_shared>>) dst(%dma_wait3A_18 : memref<640x128xf32, #tpu.memory_space<hbm>>)
      tpu.yield
    }) : () -> ()
    return
  }
}

#map = affine_map<(d0, d1) -> (0, 0)>
#map1 = affine_map<(d0, d1) -> (0, 0, 0)>
module attributes {stable_mosaic.version = 14 : i64} {
  func.func @k(%arg0: i32, %arg1: i32, %arg2: memref<10240x128xf32, #tpu.memory_space<hbm>>, %arg3: memref<5152x64xi32, #tpu.memory_space<hbm>>, %arg4: memref<5152x64xi32, #tpu.memory_space<hbm>>, %arg5: memref<640x128xf32, #tpu.memory_space<hbm>>, %arg6: memref<2x10240x128xf32, #tpu.memory_space<hbm>>, %arg7: memref<32x64xi32, #tpu.memory_space<vmem>>, %arg8: memref<32x64xi32, #tpu.memory_space<vmem>>, %arg9: memref<64x128xf32, #tpu.memory_space<vmem>>, %arg10: memref<64x128xf32, #tpu.memory_space<vmem>>, %arg11: memref<64x128xf32, #tpu.memory_space<vmem>>, %arg12: memref<64x128xf32, #tpu.memory_space<vmem>>, %arg13: memref<10240x128xf32, #tpu.memory_space<vmem_shared>>, %arg14: memref<!tpu.dma_semaphore, #tpu.memory_space<semaphore_mem>>, %arg15: memref<!tpu.dma_semaphore, #tpu.memory_space<semaphore_mem>>) attributes {dimension_semantics = [#tpu.dimension_semantics<core_parallel>, #tpu.dimension_semantics<subcore_parallel>], iteration_bounds = array<i64: 2, 16>, scalar_prefetch = 0 : i64, scratch_operands = 9 : i64, tpu.core_type = #tpu.core_type<sc_vector_subcore>, window_params = [{transform_indices = #map}, {transform_indices = #map}, {transform_indices = #map}, {transform_indices = #map}, {transform_indices = #map1}]} {
    %eq3A = arith.constant 0 : i32
    %eq3A_0 = arith.cmpi eq, %arg0, %eq3A : i32
    %mul3A = arith.constant 304 : i32
    %mul3A_1 = arith.muli %arg1, %mul3A : i32
    %mul3A_2 = arith.constant 16 : i32
    %mul3A_3 = arith.muli %arg1, %mul3A_2 : i32
    %add3A = arith.constant 4864 : i32
    %add3A_4 = arith.addi %add3A, %mul3A_3 : i32
    %select_n3A = arith.select %eq3A_0, %mul3A_1, %add3A_4 : i32
    %eq3A_5 = arith.constant 0 : i32
    %eq3A_6 = arith.cmpi eq, %arg0, %eq3A_5 : i32
    %jit3A = arith.constant 76 : i32
    %jit3A_7 = arith.constant 4 : i32
    %select_n3A_8 = arith.select %eq3A_6, %jit3A, %jit3A_7 : i32
    %mul3A_9 = arith.constant 640 : i32
    %mul3A_10 = arith.muli %arg1, %mul3A_9 : i32
    "tpu.region"() ({
      %run_scoped3A = tpu.sem_alloc : memref<!tpu.dma_semaphore, #tpu.memory_space<semaphore_mem>>
      %dma_start3A = arith.constant 0 : i32
      %dma_start3A_25 = tpu.memref_slice %arg13[%mul3A_10, %dma_start3A] : memref<10240x128xf32, #tpu.memory_space<vmem_shared>> -> memref<640x128xf32, #tpu.memory_space<vmem_shared>>
      tpu.enqueue_dma source(%arg5 : memref<640x128xf32, #tpu.memory_space<hbm>>) target(%dma_start3A_25 : memref<640x128xf32, #tpu.memory_space<vmem_shared>>) target_semaphore(%run_scoped3A : memref<!tpu.dma_semaphore, #tpu.memory_space<semaphore_mem>>)
      %dma_wait3A = arith.constant 0 : i32
      %dma_wait3A_26 = tpu.memref_slice %arg13[%mul3A_10, %dma_wait3A] : memref<10240x128xf32, #tpu.memory_space<vmem_shared>> -> memref<640x128xf32, #tpu.memory_space<vmem_shared>>
      tpu.wait_dma2 semaphore(%run_scoped3A : memref<!tpu.dma_semaphore, #tpu.memory_space<semaphore_mem>>) src(%arg5 : memref<640x128xf32, #tpu.memory_space<hbm>>) dst(%dma_wait3A_26 : memref<640x128xf32, #tpu.memory_space<vmem_shared>>)
      tpu.yield
    }) : () -> ()
    %barrier3A = arith.constant 0 : index
    tpu.barrier barrier_id(%barrier3A)
    %while3A = arith.constant 0 : i32
    %while3A_11 = arith.constant 0 : i32
    %while3A_12 = arith.subi %select_n3A_8, %while3A_11 : i32
    %while3A_13 = arith.addi %while3A_11, %while3A_12 : i32
    %while3A_14 = arith.constant 1 : i32
    %while3A_15 = arith.divsi %while3A_12, %while3A_14 : i32
    %while3A_16 = arith.muli %while3A_15, %while3A_14 : i32
    %while3A_17 = arith.addi %while3A_11, %while3A_16 : i32
    %while3A_18 = arith.constant 1 : i32
    scf.for %while3A_25 = %while3A_11 to %while3A_17 step %while3A_18  : i32 {
      %jit3A_26 = arith.constant 8 : i32
      %eq3A_27 = arith.constant 0 : i32
      %eq3A_28 = arith.cmpi eq, %jit3A_26, %eq3A_27 : i32
      %jit3A_29 = arith.constant 1 : i32
      %select_n3A_30 = arith.select %eq3A_28, %jit3A_29, %jit3A_26 : i32
      %rem3A = arith.remsi %while3A_25, %select_n3A_30 : i32
      %ne3A = arith.constant 0 : i32
      %ne3A_31 = arith.cmpi ne, %rem3A, %ne3A : i32
      %lt3A = arith.constant 0 : i32
      %lt3A_32 = arith.cmpi slt, %rem3A, %lt3A : i32
      %lt3A_33 = arith.constant 0 : i32
      %lt3A_34 = arith.cmpi slt, %select_n3A_30, %lt3A_33 : i32
      %ne3A_35 = arith.xori %lt3A_32, %lt3A_34 : i1
      %and3A = arith.andi %ne3A_35, %ne3A_31 : i1
      %add3A_36 = arith.addi %rem3A, %select_n3A_30 : i32
      %select_n3A_37 = arith.select %and3A, %add3A_36, %rem3A : i32
      %eq3A_38 = arith.constant 0 : i32
      %eq3A_39 = arith.cmpi eq, %select_n3A_37, %eq3A_38 : i32
      %convert_element_type3A = arith.extui %eq3A_39 : i1 to i32
      %cond3A = arith.constant 0 : i32
      %cond3A_40 = arith.cmpi ne, %convert_element_type3A, %cond3A : i32
      scf.if %cond3A_40 {
        %jit3A_169 = arith.constant 8 : i32
        %div3A = arith.divsi %while3A_25, %jit3A_169 : i32
        %sign3A = arith.constant 0 : i32
        %sign3A_170 = arith.cmpi sgt, %while3A_25, %sign3A : i32
        %sign3A_171 = arith.extui %sign3A_170 : i1 to i32
        %sign3A_172 = arith.constant 0 : i32
        %sign3A_173 = arith.cmpi slt, %while3A_25, %sign3A_172 : i32
        %sign3A_174 = arith.extui %sign3A_173 : i1 to i32
        %sign3A_175 = arith.subi %sign3A_171, %sign3A_174 : i32
        %sign3A_176 = arith.constant 0 : i32
        %sign3A_177 = arith.cmpi sgt, %jit3A_169, %sign3A_176 : i32
        %sign3A_178 = arith.extui %sign3A_177 : i1 to i32
        %sign3A_179 = arith.constant 0 : i32
        %sign3A_180 = arith.cmpi slt, %jit3A_169, %sign3A_179 : i32
        %sign3A_181 = arith.extui %sign3A_180 : i1 to i32
        %sign3A_182 = arith.subi %sign3A_178, %sign3A_181 : i32
        %ne3A_183 = arith.cmpi ne, %sign3A_175, %sign3A_182 : i32
        %rem3A_184 = arith.remsi %while3A_25, %jit3A_169 : i32
        %ne3A_185 = arith.constant 0 : i32
        %ne3A_186 = arith.cmpi ne, %rem3A_184, %ne3A_185 : i32
        %and3A_187 = arith.andi %ne3A_183, %ne3A_186 : i1
        %sub3A = arith.constant 1 : i32
        %sub3A_188 = arith.subi %div3A, %sub3A : i32
        %select_n3A_189 = arith.select %and3A_187, %sub3A_188, %div3A : i32
        %mul3A_190 = arith.constant 32 : i32
        %mul3A_191 = arith.muli %select_n3A_189, %mul3A_190 : i32
        %add3A_192 = arith.addi %select_n3A, %mul3A_191 : i32
        "tpu.region"() ({
          %run_scoped3A = tpu.sem_alloc : memref<!tpu.dma_semaphore, #tpu.memory_space<semaphore_mem>>
          %dma_start3A_193 = arith.constant 0 : i32
          %dma_start3A_194 = tpu.memref_slice %arg3[%add3A_192, %dma_start3A_193] : memref<5152x64xi32, #tpu.memory_space<hbm>> -> memref<32x64xi32, #tpu.memory_space<hbm>>
          %dma_start3A_195 = arith.constant 0 : i32
          %dma_start3A_196 = tpu.memref_slice %arg3[%add3A_192, %dma_start3A_195] : memref<5152x64xi32, #tpu.memory_space<hbm>> -> memref<32x64xi32, #tpu.memory_space<hbm>>
          tpu.enqueue_dma source(%dma_start3A_196 : memref<32x64xi32, #tpu.memory_space<hbm>>) target(%arg7 : memref<32x64xi32, #tpu.memory_space<vmem>>) target_semaphore(%run_scoped3A : memref<!tpu.dma_semaphore, #tpu.memory_space<semaphore_mem>>)
          %dma_wait3A_197 = arith.constant 0 : i32
          %dma_wait3A_198 = tpu.memref_slice %arg3[%add3A_192, %dma_wait3A_197] : memref<5152x64xi32, #tpu.memory_space<hbm>> -> memref<32x64xi32, #tpu.memory_space<hbm>>
          %dma_wait3A_199 = arith.constant 0 : i32
          %dma_wait3A_200 = tpu.memref_slice %arg3[%add3A_192, %dma_wait3A_199] : memref<5152x64xi32, #tpu.memory_space<hbm>> -> memref<32x64xi32, #tpu.memory_space<hbm>>
          tpu.wait_dma2 semaphore(%run_scoped3A : memref<!tpu.dma_semaphore, #tpu.memory_space<semaphore_mem>>) src(%dma_wait3A_200 : memref<32x64xi32, #tpu.memory_space<hbm>>) dst(%arg7 : memref<32x64xi32, #tpu.memory_space<vmem>>)
          tpu.yield
        }) : () -> ()
        "tpu.region"() ({
          %run_scoped3A = tpu.sem_alloc : memref<!tpu.dma_semaphore, #tpu.memory_space<semaphore_mem>>
          %dma_start3A_193 = arith.constant 0 : i32
          %dma_start3A_194 = tpu.memref_slice %arg4[%add3A_192, %dma_start3A_193] : memref<5152x64xi32, #tpu.memory_space<hbm>> -> memref<32x64xi32, #tpu.memory_space<hbm>>
          %dma_start3A_195 = arith.constant 0 : i32
          %dma_start3A_196 = tpu.memref_slice %arg4[%add3A_192, %dma_start3A_195] : memref<5152x64xi32, #tpu.memory_space<hbm>> -> memref<32x64xi32, #tpu.memory_space<hbm>>
          tpu.enqueue_dma source(%dma_start3A_196 : memref<32x64xi32, #tpu.memory_space<hbm>>) target(%arg8 : memref<32x64xi32, #tpu.memory_space<vmem>>) target_semaphore(%run_scoped3A : memref<!tpu.dma_semaphore, #tpu.memory_space<semaphore_mem>>)
          %dma_wait3A_197 = arith.constant 0 : i32
          %dma_wait3A_198 = tpu.memref_slice %arg4[%add3A_192, %dma_wait3A_197] : memref<5152x64xi32, #tpu.memory_space<hbm>> -> memref<32x64xi32, #tpu.memory_space<hbm>>
          %dma_wait3A_199 = arith.constant 0 : i32
          %dma_wait3A_200 = tpu.memref_slice %arg4[%add3A_192, %dma_wait3A_199] : memref<5152x64xi32, #tpu.memory_space<hbm>> -> memref<32x64xi32, #tpu.memory_space<hbm>>
          tpu.wait_dma2 semaphore(%run_scoped3A : memref<!tpu.dma_semaphore, #tpu.memory_space<semaphore_mem>>) src(%dma_wait3A_200 : memref<32x64xi32, #tpu.memory_space<hbm>>) dst(%arg8 : memref<32x64xi32, #tpu.memory_space<vmem>>)
          tpu.yield
        }) : () -> ()
      } else {
      }
      %jit3A_41 = arith.constant 8 : i32
      %eq3A_42 = arith.constant 0 : i32
      %eq3A_43 = arith.cmpi eq, %jit3A_41, %eq3A_42 : i32
      %jit3A_44 = arith.constant 1 : i32
      %select_n3A_45 = arith.select %eq3A_43, %jit3A_44, %jit3A_41 : i32
      %rem3A_46 = arith.remsi %while3A_25, %select_n3A_45 : i32
      %ne3A_47 = arith.constant 0 : i32
      %ne3A_48 = arith.cmpi ne, %rem3A_46, %ne3A_47 : i32
      %lt3A_49 = arith.constant 0 : i32
      %lt3A_50 = arith.cmpi slt, %rem3A_46, %lt3A_49 : i32
      %lt3A_51 = arith.constant 0 : i32
      %lt3A_52 = arith.cmpi slt, %select_n3A_45, %lt3A_51 : i32
      %ne3A_53 = arith.xori %lt3A_50, %lt3A_52 : i1
      %and3A_54 = arith.andi %ne3A_53, %ne3A_48 : i1
      %add3A_55 = arith.addi %rem3A_46, %select_n3A_45 : i32
      %select_n3A_56 = arith.select %and3A_54, %add3A_55, %rem3A_46 : i32
      %mul3A_57 = arith.constant 4 : i32
      %mul3A_58 = arith.muli %select_n3A_56, %mul3A_57 : i32
      %add3A_59 = arith.constant 0 : i32
      %add3A_60 = arith.addi %mul3A_58, %add3A_59 : i32
      %dma_start3A = arith.constant 0 : i32
      %dma_start3A_61 = tpu.memref_slice %arg7[%add3A_60, %dma_start3A] : memref<32x64xi32, #tpu.memory_space<vmem>> -> memref<1x64xi32, #tpu.memory_space<vmem>>
      %dma_start3A_62 = tpu.memref_squeeze %dma_start3A_61 : memref<1x64xi32, #tpu.memory_space<vmem>> -> memref<64xi32, #tpu.memory_space<vmem>>
      %dma_start3A_63 = arith.constant 0 : i32
      %dma_start3A_64 = arith.constant 0 : i32
      %dma_start3A_65 = tpu.memref_slice %arg2[%dma_start3A_63, %dma_start3A_64] : memref<10240x128xf32, #tpu.memory_space<hbm>> -> memref<10240x128xf32, #tpu.memory_space<hbm>>
      tpu.enqueue_indirect_dma source(%dma_start3A_65 : memref<10240x128xf32, #tpu.memory_space<hbm>>) target(%arg9 : memref<64x128xf32, #tpu.memory_space<vmem>>) offsets(%dma_start3A_62 : memref<64xi32, #tpu.memory_space<vmem>>) semaphore(%arg14 : memref<!tpu.dma_semaphore, #tpu.memory_space<semaphore_mem>>)
      %add3A_66 = arith.constant 1 : i32
      %add3A_67 = arith.addi %mul3A_58, %add3A_66 : i32
      %dma_start3A_68 = arith.constant 0 : i32
      %dma_start3A_69 = tpu.memref_slice %arg7[%add3A_67, %dma_start3A_68] : memref<32x64xi32, #tpu.memory_space<vmem>> -> memref<1x64xi32, #tpu.memory_space<vmem>>
      %dma_start3A_70 = tpu.memref_squeeze %dma_start3A_69 : memref<1x64xi32, #tpu.memory_space<vmem>> -> memref<64xi32, #tpu.memory_space<vmem>>
      %dma_start3A_71 = arith.constant 0 : i32
      %dma_start3A_72 = arith.constant 0 : i32
      %dma_start3A_73 = tpu.memref_slice %arg2[%dma_start3A_71, %dma_start3A_72] : memref<10240x128xf32, #tpu.memory_space<hbm>> -> memref<10240x128xf32, #tpu.memory_space<hbm>>
      tpu.enqueue_indirect_dma source(%dma_start3A_73 : memref<10240x128xf32, #tpu.memory_space<hbm>>) target(%arg10 : memref<64x128xf32, #tpu.memory_space<vmem>>) offsets(%dma_start3A_70 : memref<64xi32, #tpu.memory_space<vmem>>) semaphore(%arg14 : memref<!tpu.dma_semaphore, #tpu.memory_space<semaphore_mem>>)
      %add3A_74 = arith.constant 2 : i32
      %add3A_75 = arith.addi %mul3A_58, %add3A_74 : i32
      %dma_start3A_76 = arith.constant 0 : i32
      %dma_start3A_77 = tpu.memref_slice %arg7[%add3A_75, %dma_start3A_76] : memref<32x64xi32, #tpu.memory_space<vmem>> -> memref<1x64xi32, #tpu.memory_space<vmem>>
      %dma_start3A_78 = tpu.memref_squeeze %dma_start3A_77 : memref<1x64xi32, #tpu.memory_space<vmem>> -> memref<64xi32, #tpu.memory_space<vmem>>
      %dma_start3A_79 = arith.constant 0 : i32
      %dma_start3A_80 = arith.constant 0 : i32
      %dma_start3A_81 = tpu.memref_slice %arg2[%dma_start3A_79, %dma_start3A_80] : memref<10240x128xf32, #tpu.memory_space<hbm>> -> memref<10240x128xf32, #tpu.memory_space<hbm>>
      tpu.enqueue_indirect_dma source(%dma_start3A_81 : memref<10240x128xf32, #tpu.memory_space<hbm>>) target(%arg11 : memref<64x128xf32, #tpu.memory_space<vmem>>) offsets(%dma_start3A_78 : memref<64xi32, #tpu.memory_space<vmem>>) semaphore(%arg14 : memref<!tpu.dma_semaphore, #tpu.memory_space<semaphore_mem>>)
      %add3A_82 = arith.constant 3 : i32
      %add3A_83 = arith.addi %mul3A_58, %add3A_82 : i32
      %dma_start3A_84 = arith.constant 0 : i32
      %dma_start3A_85 = tpu.memref_slice %arg7[%add3A_83, %dma_start3A_84] : memref<32x64xi32, #tpu.memory_space<vmem>> -> memref<1x64xi32, #tpu.memory_space<vmem>>
      %dma_start3A_86 = tpu.memref_squeeze %dma_start3A_85 : memref<1x64xi32, #tpu.memory_space<vmem>> -> memref<64xi32, #tpu.memory_space<vmem>>
      %dma_start3A_87 = arith.constant 0 : i32
      %dma_start3A_88 = arith.constant 0 : i32
      %dma_start3A_89 = tpu.memref_slice %arg2[%dma_start3A_87, %dma_start3A_88] : memref<10240x128xf32, #tpu.memory_space<hbm>> -> memref<10240x128xf32, #tpu.memory_space<hbm>>
      tpu.enqueue_indirect_dma source(%dma_start3A_89 : memref<10240x128xf32, #tpu.memory_space<hbm>>) target(%arg12 : memref<64x128xf32, #tpu.memory_space<vmem>>) offsets(%dma_start3A_86 : memref<64xi32, #tpu.memory_space<vmem>>) semaphore(%arg14 : memref<!tpu.dma_semaphore, #tpu.memory_space<semaphore_mem>>)
      %dma_wait3A = arith.constant 0 : i32
      %dma_wait3A_90 = tpu.memref_slice %arg7[%add3A_60, %dma_wait3A] : memref<32x64xi32, #tpu.memory_space<vmem>> -> memref<1x64xi32, #tpu.memory_space<vmem>>
      %dma_wait3A_91 = tpu.memref_squeeze %dma_wait3A_90 : memref<1x64xi32, #tpu.memory_space<vmem>> -> memref<64xi32, #tpu.memory_space<vmem>>
      %dma_wait3A_92 = arith.constant 0 : i32
      %dma_wait3A_93 = arith.constant 0 : i32
      %dma_wait3A_94 = tpu.memref_slice %arg2[%dma_wait3A_92, %dma_wait3A_93] : memref<10240x128xf32, #tpu.memory_space<hbm>> -> memref<10240x128xf32, #tpu.memory_space<hbm>>
      tpu.wait_indirect_dma semaphore(%arg14 : memref<!tpu.dma_semaphore, #tpu.memory_space<semaphore_mem>>) src(%dma_wait3A_94 : memref<10240x128xf32, #tpu.memory_space<hbm>>) dst(%arg9 : memref<64x128xf32, #tpu.memory_space<vmem>>)
      %dma_wait3A_95 = arith.constant 0 : i32
      %dma_wait3A_96 = tpu.memref_slice %arg7[%add3A_67, %dma_wait3A_95] : memref<32x64xi32, #tpu.memory_space<vmem>> -> memref<1x64xi32, #tpu.memory_space<vmem>>
      %dma_wait3A_97 = tpu.memref_squeeze %dma_wait3A_96 : memref<1x64xi32, #tpu.memory_space<vmem>> -> memref<64xi32, #tpu.memory_space<vmem>>
      %dma_wait3A_98 = arith.constant 0 : i32
      %dma_wait3A_99 = arith.constant 0 : i32
      %dma_wait3A_100 = tpu.memref_slice %arg2[%dma_wait3A_98, %dma_wait3A_99] : memref<10240x128xf32, #tpu.memory_space<hbm>> -> memref<10240x128xf32, #tpu.memory_space<hbm>>
      tpu.wait_indirect_dma semaphore(%arg14 : memref<!tpu.dma_semaphore, #tpu.memory_space<semaphore_mem>>) src(%dma_wait3A_100 : memref<10240x128xf32, #tpu.memory_space<hbm>>) dst(%arg10 : memref<64x128xf32, #tpu.memory_space<vmem>>)
      %dma_wait3A_101 = arith.constant 0 : i32
      %dma_wait3A_102 = tpu.memref_slice %arg7[%add3A_75, %dma_wait3A_101] : memref<32x64xi32, #tpu.memory_space<vmem>> -> memref<1x64xi32, #tpu.memory_space<vmem>>
      %dma_wait3A_103 = tpu.memref_squeeze %dma_wait3A_102 : memref<1x64xi32, #tpu.memory_space<vmem>> -> memref<64xi32, #tpu.memory_space<vmem>>
      %dma_wait3A_104 = arith.constant 0 : i32
      %dma_wait3A_105 = arith.constant 0 : i32
      %dma_wait3A_106 = tpu.memref_slice %arg2[%dma_wait3A_104, %dma_wait3A_105] : memref<10240x128xf32, #tpu.memory_space<hbm>> -> memref<10240x128xf32, #tpu.memory_space<hbm>>
      tpu.wait_indirect_dma semaphore(%arg14 : memref<!tpu.dma_semaphore, #tpu.memory_space<semaphore_mem>>) src(%dma_wait3A_106 : memref<10240x128xf32, #tpu.memory_space<hbm>>) dst(%arg11 : memref<64x128xf32, #tpu.memory_space<vmem>>)
      %dma_wait3A_107 = arith.constant 0 : i32
      %dma_wait3A_108 = tpu.memref_slice %arg7[%add3A_83, %dma_wait3A_107] : memref<32x64xi32, #tpu.memory_space<vmem>> -> memref<1x64xi32, #tpu.memory_space<vmem>>
      %dma_wait3A_109 = tpu.memref_squeeze %dma_wait3A_108 : memref<1x64xi32, #tpu.memory_space<vmem>> -> memref<64xi32, #tpu.memory_space<vmem>>
      %dma_wait3A_110 = arith.constant 0 : i32
      %dma_wait3A_111 = arith.constant 0 : i32
      %dma_wait3A_112 = tpu.memref_slice %arg2[%dma_wait3A_110, %dma_wait3A_111] : memref<10240x128xf32, #tpu.memory_space<hbm>> -> memref<10240x128xf32, #tpu.memory_space<hbm>>
      tpu.wait_indirect_dma semaphore(%arg14 : memref<!tpu.dma_semaphore, #tpu.memory_space<semaphore_mem>>) src(%dma_wait3A_112 : memref<10240x128xf32, #tpu.memory_space<hbm>>) dst(%arg12 : memref<64x128xf32, #tpu.memory_space<vmem>>)
      %add3A_113 = arith.constant 0 : i32
      %add3A_114 = arith.addi %mul3A_58, %add3A_113 : i32
      %dma_start3A_115 = arith.constant 0 : i32
      %dma_start3A_116 = tpu.memref_slice %arg8[%add3A_114, %dma_start3A_115] : memref<32x64xi32, #tpu.memory_space<vmem>> -> memref<1x64xi32, #tpu.memory_space<vmem>>
      %dma_start3A_117 = tpu.memref_squeeze %dma_start3A_116 : memref<1x64xi32, #tpu.memory_space<vmem>> -> memref<64xi32, #tpu.memory_space<vmem>>
      %dma_start3A_118 = arith.constant 0 : i32
      %dma_start3A_119 = arith.constant 0 : i32
      %dma_start3A_120 = tpu.memref_slice %arg13[%dma_start3A_118, %dma_start3A_119] : memref<10240x128xf32, #tpu.memory_space<vmem_shared>> -> memref<10240x128xf32, #tpu.memory_space<vmem_shared>>
      tpu.enqueue_indirect_dma source(%arg9 : memref<64x128xf32, #tpu.memory_space<vmem>>) target(%dma_start3A_120 : memref<10240x128xf32, #tpu.memory_space<vmem_shared>>) offsets(%dma_start3A_117 : memref<64xi32, #tpu.memory_space<vmem>>) semaphore(%arg15 : memref<!tpu.dma_semaphore, #tpu.memory_space<semaphore_mem>>) {add = true}
      %add3A_121 = arith.constant 1 : i32
      %add3A_122 = arith.addi %mul3A_58, %add3A_121 : i32
      %dma_start3A_123 = arith.constant 0 : i32
      %dma_start3A_124 = tpu.memref_slice %arg8[%add3A_122, %dma_start3A_123] : memref<32x64xi32, #tpu.memory_space<vmem>> -> memref<1x64xi32, #tpu.memory_space<vmem>>
      %dma_start3A_125 = tpu.memref_squeeze %dma_start3A_124 : memref<1x64xi32, #tpu.memory_space<vmem>> -> memref<64xi32, #tpu.memory_space<vmem>>
      %dma_start3A_126 = arith.constant 0 : i32
      %dma_start3A_127 = arith.constant 0 : i32
      %dma_start3A_128 = tpu.memref_slice %arg13[%dma_start3A_126, %dma_start3A_127] : memref<10240x128xf32, #tpu.memory_space<vmem_shared>> -> memref<10240x128xf32, #tpu.memory_space<vmem_shared>>
      tpu.enqueue_indirect_dma source(%arg10 : memref<64x128xf32, #tpu.memory_space<vmem>>) target(%dma_start3A_128 : memref<10240x128xf32, #tpu.memory_space<vmem_shared>>) offsets(%dma_start3A_125 : memref<64xi32, #tpu.memory_space<vmem>>) semaphore(%arg15 : memref<!tpu.dma_semaphore, #tpu.memory_space<semaphore_mem>>) {add = true}
      %add3A_129 = arith.constant 2 : i32
      %add3A_130 = arith.addi %mul3A_58, %add3A_129 : i32
      %dma_start3A_131 = arith.constant 0 : i32
      %dma_start3A_132 = tpu.memref_slice %arg8[%add3A_130, %dma_start3A_131] : memref<32x64xi32, #tpu.memory_space<vmem>> -> memref<1x64xi32, #tpu.memory_space<vmem>>
      %dma_start3A_133 = tpu.memref_squeeze %dma_start3A_132 : memref<1x64xi32, #tpu.memory_space<vmem>> -> memref<64xi32, #tpu.memory_space<vmem>>
      %dma_start3A_134 = arith.constant 0 : i32
      %dma_start3A_135 = arith.constant 0 : i32
      %dma_start3A_136 = tpu.memref_slice %arg13[%dma_start3A_134, %dma_start3A_135] : memref<10240x128xf32, #tpu.memory_space<vmem_shared>> -> memref<10240x128xf32, #tpu.memory_space<vmem_shared>>
      tpu.enqueue_indirect_dma source(%arg11 : memref<64x128xf32, #tpu.memory_space<vmem>>) target(%dma_start3A_136 : memref<10240x128xf32, #tpu.memory_space<vmem_shared>>) offsets(%dma_start3A_133 : memref<64xi32, #tpu.memory_space<vmem>>) semaphore(%arg15 : memref<!tpu.dma_semaphore, #tpu.memory_space<semaphore_mem>>) {add = true}
      %add3A_137 = arith.constant 3 : i32
      %add3A_138 = arith.addi %mul3A_58, %add3A_137 : i32
      %dma_start3A_139 = arith.constant 0 : i32
      %dma_start3A_140 = tpu.memref_slice %arg8[%add3A_138, %dma_start3A_139] : memref<32x64xi32, #tpu.memory_space<vmem>> -> memref<1x64xi32, #tpu.memory_space<vmem>>
      %dma_start3A_141 = tpu.memref_squeeze %dma_start3A_140 : memref<1x64xi32, #tpu.memory_space<vmem>> -> memref<64xi32, #tpu.memory_space<vmem>>
      %dma_start3A_142 = arith.constant 0 : i32
      %dma_start3A_143 = arith.constant 0 : i32
      %dma_start3A_144 = tpu.memref_slice %arg13[%dma_start3A_142, %dma_start3A_143] : memref<10240x128xf32, #tpu.memory_space<vmem_shared>> -> memref<10240x128xf32, #tpu.memory_space<vmem_shared>>
      tpu.enqueue_indirect_dma source(%arg12 : memref<64x128xf32, #tpu.memory_space<vmem>>) target(%dma_start3A_144 : memref<10240x128xf32, #tpu.memory_space<vmem_shared>>) offsets(%dma_start3A_141 : memref<64xi32, #tpu.memory_space<vmem>>) semaphore(%arg15 : memref<!tpu.dma_semaphore, #tpu.memory_space<semaphore_mem>>) {add = true}
      %dma_wait3A_145 = arith.constant 0 : i32
      %dma_wait3A_146 = tpu.memref_slice %arg8[%add3A_114, %dma_wait3A_145] : memref<32x64xi32, #tpu.memory_space<vmem>> -> memref<1x64xi32, #tpu.memory_space<vmem>>
      %dma_wait3A_147 = tpu.memref_squeeze %dma_wait3A_146 : memref<1x64xi32, #tpu.memory_space<vmem>> -> memref<64xi32, #tpu.memory_space<vmem>>
      %dma_wait3A_148 = arith.constant 0 : i32
      %dma_wait3A_149 = arith.constant 0 : i32
      %dma_wait3A_150 = tpu.memref_slice %arg13[%dma_wait3A_148, %dma_wait3A_149] : memref<10240x128xf32, #tpu.memory_space<vmem_shared>> -> memref<10240x128xf32, #tpu.memory_space<vmem_shared>>
      tpu.wait_indirect_dma semaphore(%arg15 : memref<!tpu.dma_semaphore, #tpu.memory_space<semaphore_mem>>) src(%arg9 : memref<64x128xf32, #tpu.memory_space<vmem>>) dst(%dma_wait3A_150 : memref<10240x128xf32, #tpu.memory_space<vmem_shared>>)
      %dma_wait3A_151 = arith.constant 0 : i32
      %dma_wait3A_152 = tpu.memref_slice %arg8[%add3A_122, %dma_wait3A_151] : memref<32x64xi32, #tpu.memory_space<vmem>> -> memref<1x64xi32, #tpu.memory_space<vmem>>
      %dma_wait3A_153 = tpu.memref_squeeze %dma_wait3A_152 : memref<1x64xi32, #tpu.memory_space<vmem>> -> memref<64xi32, #tpu.memory_space<vmem>>
      %dma_wait3A_154 = arith.constant 0 : i32
      %dma_wait3A_155 = arith.constant 0 : i32
      %dma_wait3A_156 = tpu.memref_slice %arg13[%dma_wait3A_154, %dma_wait3A_155] : memref<10240x128xf32, #tpu.memory_space<vmem_shared>> -> memref<10240x128xf32, #tpu.memory_space<vmem_shared>>
      tpu.wait_indirect_dma semaphore(%arg15 : memref<!tpu.dma_semaphore, #tpu.memory_space<semaphore_mem>>) src(%arg10 : memref<64x128xf32, #tpu.memory_space<vmem>>) dst(%dma_wait3A_156 : memref<10240x128xf32, #tpu.memory_space<vmem_shared>>)
      %dma_wait3A_157 = arith.constant 0 : i32
      %dma_wait3A_158 = tpu.memref_slice %arg8[%add3A_130, %dma_wait3A_157] : memref<32x64xi32, #tpu.memory_space<vmem>> -> memref<1x64xi32, #tpu.memory_space<vmem>>
      %dma_wait3A_159 = tpu.memref_squeeze %dma_wait3A_158 : memref<1x64xi32, #tpu.memory_space<vmem>> -> memref<64xi32, #tpu.memory_space<vmem>>
      %dma_wait3A_160 = arith.constant 0 : i32
      %dma_wait3A_161 = arith.constant 0 : i32
      %dma_wait3A_162 = tpu.memref_slice %arg13[%dma_wait3A_160, %dma_wait3A_161] : memref<10240x128xf32, #tpu.memory_space<vmem_shared>> -> memref<10240x128xf32, #tpu.memory_space<vmem_shared>>
      tpu.wait_indirect_dma semaphore(%arg15 : memref<!tpu.dma_semaphore, #tpu.memory_space<semaphore_mem>>) src(%arg11 : memref<64x128xf32, #tpu.memory_space<vmem>>) dst(%dma_wait3A_162 : memref<10240x128xf32, #tpu.memory_space<vmem_shared>>)
      %dma_wait3A_163 = arith.constant 0 : i32
      %dma_wait3A_164 = tpu.memref_slice %arg8[%add3A_138, %dma_wait3A_163] : memref<32x64xi32, #tpu.memory_space<vmem>> -> memref<1x64xi32, #tpu.memory_space<vmem>>
      %dma_wait3A_165 = tpu.memref_squeeze %dma_wait3A_164 : memref<1x64xi32, #tpu.memory_space<vmem>> -> memref<64xi32, #tpu.memory_space<vmem>>
      %dma_wait3A_166 = arith.constant 0 : i32
      %dma_wait3A_167 = arith.constant 0 : i32
      %dma_wait3A_168 = tpu.memref_slice %arg13[%dma_wait3A_166, %dma_wait3A_167] : memref<10240x128xf32, #tpu.memory_space<vmem_shared>> -> memref<10240x128xf32, #tpu.memory_space<vmem_shared>>
      tpu.wait_indirect_dma semaphore(%arg15 : memref<!tpu.dma_semaphore, #tpu.memory_space<semaphore_mem>>) src(%arg12 : memref<64x128xf32, #tpu.memory_space<vmem>>) dst(%dma_wait3A_168 : memref<10240x128xf32, #tpu.memory_space<vmem_shared>>)
    }
    %while3A_19 = arith.constant 1 : i32
    scf.for %while3A_25 = %while3A_17 to %while3A_13 step %while3A_19  : i32 {
      %jit3A_26 = arith.constant 8 : i32
      %eq3A_27 = arith.constant 0 : i32
      %eq3A_28 = arith.cmpi eq, %jit3A_26, %eq3A_27 : i32
      %jit3A_29 = arith.constant 1 : i32
      %select_n3A_30 = arith.select %eq3A_28, %jit3A_29, %jit3A_26 : i32
      %rem3A = arith.remsi %while3A_25, %select_n3A_30 : i32
      %ne3A = arith.constant 0 : i32
      %ne3A_31 = arith.cmpi ne, %rem3A, %ne3A : i32
      %lt3A = arith.constant 0 : i32
      %lt3A_32 = arith.cmpi slt, %rem3A, %lt3A : i32
      %lt3A_33 = arith.constant 0 : i32
      %lt3A_34 = arith.cmpi slt, %select_n3A_30, %lt3A_33 : i32
      %ne3A_35 = arith.xori %lt3A_32, %lt3A_34 : i1
      %and3A = arith.andi %ne3A_35, %ne3A_31 : i1
      %add3A_36 = arith.addi %rem3A, %select_n3A_30 : i32
      %select_n3A_37 = arith.select %and3A, %add3A_36, %rem3A : i32
      %eq3A_38 = arith.constant 0 : i32
      %eq3A_39 = arith.cmpi eq, %select_n3A_37, %eq3A_38 : i32
      %convert_element_type3A = arith.extui %eq3A_39 : i1 to i32
      %cond3A = arith.constant 0 : i32
      %cond3A_40 = arith.cmpi ne, %convert_element_type3A, %cond3A : i32
      scf.if %cond3A_40 {
        %jit3A_169 = arith.constant 8 : i32
        %div3A = arith.divsi %while3A_25, %jit3A_169 : i32
        %sign3A = arith.constant 0 : i32
        %sign3A_170 = arith.cmpi sgt, %while3A_25, %sign3A : i32
        %sign3A_171 = arith.extui %sign3A_170 : i1 to i32
        %sign3A_172 = arith.constant 0 : i32
        %sign3A_173 = arith.cmpi slt, %while3A_25, %sign3A_172 : i32
        %sign3A_174 = arith.extui %sign3A_173 : i1 to i32
        %sign3A_175 = arith.subi %sign3A_171, %sign3A_174 : i32
        %sign3A_176 = arith.constant 0 : i32
        %sign3A_177 = arith.cmpi sgt, %jit3A_169, %sign3A_176 : i32
        %sign3A_178 = arith.extui %sign3A_177 : i1 to i32
        %sign3A_179 = arith.constant 0 : i32
        %sign3A_180 = arith.cmpi slt, %jit3A_169, %sign3A_179 : i32
        %sign3A_181 = arith.extui %sign3A_180 : i1 to i32
        %sign3A_182 = arith.subi %sign3A_178, %sign3A_181 : i32
        %ne3A_183 = arith.cmpi ne, %sign3A_175, %sign3A_182 : i32
        %rem3A_184 = arith.remsi %while3A_25, %jit3A_169 : i32
        %ne3A_185 = arith.constant 0 : i32
        %ne3A_186 = arith.cmpi ne, %rem3A_184, %ne3A_185 : i32
        %and3A_187 = arith.andi %ne3A_183, %ne3A_186 : i1
        %sub3A = arith.constant 1 : i32
        %sub3A_188 = arith.subi %div3A, %sub3A : i32
        %select_n3A_189 = arith.select %and3A_187, %sub3A_188, %div3A : i32
        %mul3A_190 = arith.constant 32 : i32
        %mul3A_191 = arith.muli %select_n3A_189, %mul3A_190 : i32
        %add3A_192 = arith.addi %select_n3A, %mul3A_191 : i32
        "tpu.region"() ({
          %run_scoped3A = tpu.sem_alloc : memref<!tpu.dma_semaphore, #tpu.memory_space<semaphore_mem>>
          %dma_start3A_193 = arith.constant 0 : i32
          %dma_start3A_194 = tpu.memref_slice %arg3[%add3A_192, %dma_start3A_193] : memref<5152x64xi32, #tpu.memory_space<hbm>> -> memref<32x64xi32, #tpu.memory_space<hbm>>
          %dma_start3A_195 = arith.constant 0 : i32
          %dma_start3A_196 = tpu.memref_slice %arg3[%add3A_192, %dma_start3A_195] : memref<5152x64xi32, #tpu.memory_space<hbm>> -> memref<32x64xi32, #tpu.memory_space<hbm>>
          tpu.enqueue_dma source(%dma_start3A_196 : memref<32x64xi32, #tpu.memory_space<hbm>>) target(%arg7 : memref<32x64xi32, #tpu.memory_space<vmem>>) target_semaphore(%run_scoped3A : memref<!tpu.dma_semaphore, #tpu.memory_space<semaphore_mem>>)
          %dma_wait3A_197 = arith.constant 0 : i32
          %dma_wait3A_198 = tpu.memref_slice %arg3[%add3A_192, %dma_wait3A_197] : memref<5152x64xi32, #tpu.memory_space<hbm>> -> memref<32x64xi32, #tpu.memory_space<hbm>>
          %dma_wait3A_199 = arith.constant 0 : i32
          %dma_wait3A_200 = tpu.memref_slice %arg3[%add3A_192, %dma_wait3A_199] : memref<5152x64xi32, #tpu.memory_space<hbm>> -> memref<32x64xi32, #tpu.memory_space<hbm>>
          tpu.wait_dma2 semaphore(%run_scoped3A : memref<!tpu.dma_semaphore, #tpu.memory_space<semaphore_mem>>) src(%dma_wait3A_200 : memref<32x64xi32, #tpu.memory_space<hbm>>) dst(%arg7 : memref<32x64xi32, #tpu.memory_space<vmem>>)
          tpu.yield
        }) : () -> ()
        "tpu.region"() ({
          %run_scoped3A = tpu.sem_alloc : memref<!tpu.dma_semaphore, #tpu.memory_space<semaphore_mem>>
          %dma_start3A_193 = arith.constant 0 : i32
          %dma_start3A_194 = tpu.memref_slice %arg4[%add3A_192, %dma_start3A_193] : memref<5152x64xi32, #tpu.memory_space<hbm>> -> memref<32x64xi32, #tpu.memory_space<hbm>>
          %dma_start3A_195 = arith.constant 0 : i32
          %dma_start3A_196 = tpu.memref_slice %arg4[%add3A_192, %dma_start3A_195] : memref<5152x64xi32, #tpu.memory_space<hbm>> -> memref<32x64xi32, #tpu.memory_space<hbm>>
          tpu.enqueue_dma source(%dma_start3A_196 : memref<32x64xi32, #tpu.memory_space<hbm>>) target(%arg8 : memref<32x64xi32, #tpu.memory_space<vmem>>) target_semaphore(%run_scoped3A : memref<!tpu.dma_semaphore, #tpu.memory_space<semaphore_mem>>)
          %dma_wait3A_197 = arith.constant 0 : i32
          %dma_wait3A_198 = tpu.memref_slice %arg4[%add3A_192, %dma_wait3A_197] : memref<5152x64xi32, #tpu.memory_space<hbm>> -> memref<32x64xi32, #tpu.memory_space<hbm>>
          %dma_wait3A_199 = arith.constant 0 : i32
          %dma_wait3A_200 = tpu.memref_slice %arg4[%add3A_192, %dma_wait3A_199] : memref<5152x64xi32, #tpu.memory_space<hbm>> -> memref<32x64xi32, #tpu.memory_space<hbm>>
          tpu.wait_dma2 semaphore(%run_scoped3A : memref<!tpu.dma_semaphore, #tpu.memory_space<semaphore_mem>>) src(%dma_wait3A_200 : memref<32x64xi32, #tpu.memory_space<hbm>>) dst(%arg8 : memref<32x64xi32, #tpu.memory_space<vmem>>)
          tpu.yield
        }) : () -> ()
      } else {
      }
      %jit3A_41 = arith.constant 8 : i32
      %eq3A_42 = arith.constant 0 : i32
      %eq3A_43 = arith.cmpi eq, %jit3A_41, %eq3A_42 : i32
      %jit3A_44 = arith.constant 1 : i32
      %select_n3A_45 = arith.select %eq3A_43, %jit3A_44, %jit3A_41 : i32
      %rem3A_46 = arith.remsi %while3A_25, %select_n3A_45 : i32
      %ne3A_47 = arith.constant 0 : i32
      %ne3A_48 = arith.cmpi ne, %rem3A_46, %ne3A_47 : i32
      %lt3A_49 = arith.constant 0 : i32
      %lt3A_50 = arith.cmpi slt, %rem3A_46, %lt3A_49 : i32
      %lt3A_51 = arith.constant 0 : i32
      %lt3A_52 = arith.cmpi slt, %select_n3A_45, %lt3A_51 : i32
      %ne3A_53 = arith.xori %lt3A_50, %lt3A_52 : i1
      %and3A_54 = arith.andi %ne3A_53, %ne3A_48 : i1
      %add3A_55 = arith.addi %rem3A_46, %select_n3A_45 : i32
      %select_n3A_56 = arith.select %and3A_54, %add3A_55, %rem3A_46 : i32
      %mul3A_57 = arith.constant 4 : i32
      %mul3A_58 = arith.muli %select_n3A_56, %mul3A_57 : i32
      %add3A_59 = arith.constant 0 : i32
      %add3A_60 = arith.addi %mul3A_58, %add3A_59 : i32
      %dma_start3A = arith.constant 0 : i32
      %dma_start3A_61 = tpu.memref_slice %arg7[%add3A_60, %dma_start3A] : memref<32x64xi32, #tpu.memory_space<vmem>> -> memref<1x64xi32, #tpu.memory_space<vmem>>
      %dma_start3A_62 = tpu.memref_squeeze %dma_start3A_61 : memref<1x64xi32, #tpu.memory_space<vmem>> -> memref<64xi32, #tpu.memory_space<vmem>>
      %dma_start3A_63 = arith.constant 0 : i32
      %dma_start3A_64 = arith.constant 0 : i32
      %dma_start3A_65 = tpu.memref_slice %arg2[%dma_start3A_63, %dma_start3A_64] : memref<10240x128xf32, #tpu.memory_space<hbm>> -> memref<10240x128xf32, #tpu.memory_space<hbm>>
      tpu.enqueue_indirect_dma source(%dma_start3A_65 : memref<10240x128xf32, #tpu.memory_space<hbm>>) target(%arg9 : memref<64x128xf32, #tpu.memory_space<vmem>>) offsets(%dma_start3A_62 : memref<64xi32, #tpu.memory_space<vmem>>) semaphore(%arg14 : memref<!tpu.dma_semaphore, #tpu.memory_space<semaphore_mem>>)
      %add3A_66 = arith.constant 1 : i32
      %add3A_67 = arith.addi %mul3A_58, %add3A_66 : i32
      %dma_start3A_68 = arith.constant 0 : i32
      %dma_start3A_69 = tpu.memref_slice %arg7[%add3A_67, %dma_start3A_68] : memref<32x64xi32, #tpu.memory_space<vmem>> -> memref<1x64xi32, #tpu.memory_space<vmem>>
      %dma_start3A_70 = tpu.memref_squeeze %dma_start3A_69 : memref<1x64xi32, #tpu.memory_space<vmem>> -> memref<64xi32, #tpu.memory_space<vmem>>
      %dma_start3A_71 = arith.constant 0 : i32
      %dma_start3A_72 = arith.constant 0 : i32
      %dma_start3A_73 = tpu.memref_slice %arg2[%dma_start3A_71, %dma_start3A_72] : memref<10240x128xf32, #tpu.memory_space<hbm>> -> memref<10240x128xf32, #tpu.memory_space<hbm>>
      tpu.enqueue_indirect_dma source(%dma_start3A_73 : memref<10240x128xf32, #tpu.memory_space<hbm>>) target(%arg10 : memref<64x128xf32, #tpu.memory_space<vmem>>) offsets(%dma_start3A_70 : memref<64xi32, #tpu.memory_space<vmem>>) semaphore(%arg14 : memref<!tpu.dma_semaphore, #tpu.memory_space<semaphore_mem>>)
      %add3A_74 = arith.constant 2 : i32
      %add3A_75 = arith.addi %mul3A_58, %add3A_74 : i32
      %dma_start3A_76 = arith.constant 0 : i32
      %dma_start3A_77 = tpu.memref_slice %arg7[%add3A_75, %dma_start3A_76] : memref<32x64xi32, #tpu.memory_space<vmem>> -> memref<1x64xi32, #tpu.memory_space<vmem>>
      %dma_start3A_78 = tpu.memref_squeeze %dma_start3A_77 : memref<1x64xi32, #tpu.memory_space<vmem>> -> memref<64xi32, #tpu.memory_space<vmem>>
      %dma_start3A_79 = arith.constant 0 : i32
      %dma_start3A_80 = arith.constant 0 : i32
      %dma_start3A_81 = tpu.memref_slice %arg2[%dma_start3A_79, %dma_start3A_80] : memref<10240x128xf32, #tpu.memory_space<hbm>> -> memref<10240x128xf32, #tpu.memory_space<hbm>>
      tpu.enqueue_indirect_dma source(%dma_start3A_81 : memref<10240x128xf32, #tpu.memory_space<hbm>>) target(%arg11 : memref<64x128xf32, #tpu.memory_space<vmem>>) offsets(%dma_start3A_78 : memref<64xi32, #tpu.memory_space<vmem>>) semaphore(%arg14 : memref<!tpu.dma_semaphore, #tpu.memory_space<semaphore_mem>>)
      %add3A_82 = arith.constant 3 : i32
      %add3A_83 = arith.addi %mul3A_58, %add3A_82 : i32
      %dma_start3A_84 = arith.constant 0 : i32
      %dma_start3A_85 = tpu.memref_slice %arg7[%add3A_83, %dma_start3A_84] : memref<32x64xi32, #tpu.memory_space<vmem>> -> memref<1x64xi32, #tpu.memory_space<vmem>>
      %dma_start3A_86 = tpu.memref_squeeze %dma_start3A_85 : memref<1x64xi32, #tpu.memory_space<vmem>> -> memref<64xi32, #tpu.memory_space<vmem>>
      %dma_start3A_87 = arith.constant 0 : i32
      %dma_start3A_88 = arith.constant 0 : i32
      %dma_start3A_89 = tpu.memref_slice %arg2[%dma_start3A_87, %dma_start3A_88] : memref<10240x128xf32, #tpu.memory_space<hbm>> -> memref<10240x128xf32, #tpu.memory_space<hbm>>
      tpu.enqueue_indirect_dma source(%dma_start3A_89 : memref<10240x128xf32, #tpu.memory_space<hbm>>) target(%arg12 : memref<64x128xf32, #tpu.memory_space<vmem>>) offsets(%dma_start3A_86 : memref<64xi32, #tpu.memory_space<vmem>>) semaphore(%arg14 : memref<!tpu.dma_semaphore, #tpu.memory_space<semaphore_mem>>)
      %dma_wait3A = arith.constant 0 : i32
      %dma_wait3A_90 = tpu.memref_slice %arg7[%add3A_60, %dma_wait3A] : memref<32x64xi32, #tpu.memory_space<vmem>> -> memref<1x64xi32, #tpu.memory_space<vmem>>
      %dma_wait3A_91 = tpu.memref_squeeze %dma_wait3A_90 : memref<1x64xi32, #tpu.memory_space<vmem>> -> memref<64xi32, #tpu.memory_space<vmem>>
      %dma_wait3A_92 = arith.constant 0 : i32
      %dma_wait3A_93 = arith.constant 0 : i32
      %dma_wait3A_94 = tpu.memref_slice %arg2[%dma_wait3A_92, %dma_wait3A_93] : memref<10240x128xf32, #tpu.memory_space<hbm>> -> memref<10240x128xf32, #tpu.memory_space<hbm>>
      tpu.wait_indirect_dma semaphore(%arg14 : memref<!tpu.dma_semaphore, #tpu.memory_space<semaphore_mem>>) src(%dma_wait3A_94 : memref<10240x128xf32, #tpu.memory_space<hbm>>) dst(%arg9 : memref<64x128xf32, #tpu.memory_space<vmem>>)
      %dma_wait3A_95 = arith.constant 0 : i32
      %dma_wait3A_96 = tpu.memref_slice %arg7[%add3A_67, %dma_wait3A_95] : memref<32x64xi32, #tpu.memory_space<vmem>> -> memref<1x64xi32, #tpu.memory_space<vmem>>
      %dma_wait3A_97 = tpu.memref_squeeze %dma_wait3A_96 : memref<1x64xi32, #tpu.memory_space<vmem>> -> memref<64xi32, #tpu.memory_space<vmem>>
      %dma_wait3A_98 = arith.constant 0 : i32
      %dma_wait3A_99 = arith.constant 0 : i32
      %dma_wait3A_100 = tpu.memref_slice %arg2[%dma_wait3A_98, %dma_wait3A_99] : memref<10240x128xf32, #tpu.memory_space<hbm>> -> memref<10240x128xf32, #tpu.memory_space<hbm>>
      tpu.wait_indirect_dma semaphore(%arg14 : memref<!tpu.dma_semaphore, #tpu.memory_space<semaphore_mem>>) src(%dma_wait3A_100 : memref<10240x128xf32, #tpu.memory_space<hbm>>) dst(%arg10 : memref<64x128xf32, #tpu.memory_space<vmem>>)
      %dma_wait3A_101 = arith.constant 0 : i32
      %dma_wait3A_102 = tpu.memref_slice %arg7[%add3A_75, %dma_wait3A_101] : memref<32x64xi32, #tpu.memory_space<vmem>> -> memref<1x64xi32, #tpu.memory_space<vmem>>
      %dma_wait3A_103 = tpu.memref_squeeze %dma_wait3A_102 : memref<1x64xi32, #tpu.memory_space<vmem>> -> memref<64xi32, #tpu.memory_space<vmem>>
      %dma_wait3A_104 = arith.constant 0 : i32
      %dma_wait3A_105 = arith.constant 0 : i32
      %dma_wait3A_106 = tpu.memref_slice %arg2[%dma_wait3A_104, %dma_wait3A_105] : memref<10240x128xf32, #tpu.memory_space<hbm>> -> memref<10240x128xf32, #tpu.memory_space<hbm>>
      tpu.wait_indirect_dma semaphore(%arg14 : memref<!tpu.dma_semaphore, #tpu.memory_space<semaphore_mem>>) src(%dma_wait3A_106 : memref<10240x128xf32, #tpu.memory_space<hbm>>) dst(%arg11 : memref<64x128xf32, #tpu.memory_space<vmem>>)
      %dma_wait3A_107 = arith.constant 0 : i32
      %dma_wait3A_108 = tpu.memref_slice %arg7[%add3A_83, %dma_wait3A_107] : memref<32x64xi32, #tpu.memory_space<vmem>> -> memref<1x64xi32, #tpu.memory_space<vmem>>
      %dma_wait3A_109 = tpu.memref_squeeze %dma_wait3A_108 : memref<1x64xi32, #tpu.memory_space<vmem>> -> memref<64xi32, #tpu.memory_space<vmem>>
      %dma_wait3A_110 = arith.constant 0 : i32
      %dma_wait3A_111 = arith.constant 0 : i32
      %dma_wait3A_112 = tpu.memref_slice %arg2[%dma_wait3A_110, %dma_wait3A_111] : memref<10240x128xf32, #tpu.memory_space<hbm>> -> memref<10240x128xf32, #tpu.memory_space<hbm>>
      tpu.wait_indirect_dma semaphore(%arg14 : memref<!tpu.dma_semaphore, #tpu.memory_space<semaphore_mem>>) src(%dma_wait3A_112 : memref<10240x128xf32, #tpu.memory_space<hbm>>) dst(%arg12 : memref<64x128xf32, #tpu.memory_space<vmem>>)
      %add3A_113 = arith.constant 0 : i32
      %add3A_114 = arith.addi %mul3A_58, %add3A_113 : i32
      %dma_start3A_115 = arith.constant 0 : i32
      %dma_start3A_116 = tpu.memref_slice %arg8[%add3A_114, %dma_start3A_115] : memref<32x64xi32, #tpu.memory_space<vmem>> -> memref<1x64xi32, #tpu.memory_space<vmem>>
      %dma_start3A_117 = tpu.memref_squeeze %dma_start3A_116 : memref<1x64xi32, #tpu.memory_space<vmem>> -> memref<64xi32, #tpu.memory_space<vmem>>
      %dma_start3A_118 = arith.constant 0 : i32
      %dma_start3A_119 = arith.constant 0 : i32
      %dma_start3A_120 = tpu.memref_slice %arg13[%dma_start3A_118, %dma_start3A_119] : memref<10240x128xf32, #tpu.memory_space<vmem_shared>> -> memref<10240x128xf32, #tpu.memory_space<vmem_shared>>
      tpu.enqueue_indirect_dma source(%arg9 : memref<64x128xf32, #tpu.memory_space<vmem>>) target(%dma_start3A_120 : memref<10240x128xf32, #tpu.memory_space<vmem_shared>>) offsets(%dma_start3A_117 : memref<64xi32, #tpu.memory_space<vmem>>) semaphore(%arg15 : memref<!tpu.dma_semaphore, #tpu.memory_space<semaphore_mem>>) {add = true}
      %add3A_121 = arith.constant 1 : i32
      %add3A_122 = arith.addi %mul3A_58, %add3A_121 : i32
      %dma_start3A_123 = arith.constant 0 : i32
      %dma_start3A_124 = tpu.memref_slice %arg8[%add3A_122, %dma_start3A_123] : memref<32x64xi32, #tpu.memory_space<vmem>> -> memref<1x64xi32, #tpu.memory_space<vmem>>
      %dma_start3A_125 = tpu.memref_squeeze %dma_start3A_124 : memref<1x64xi32, #tpu.memory_space<vmem>> -> memref<64xi32, #tpu.memory_space<vmem>>
      %dma_start3A_126 = arith.constant 0 : i32
      %dma_start3A_127 = arith.constant 0 : i32
      %dma_start3A_128 = tpu.memref_slice %arg13[%dma_start3A_126, %dma_start3A_127] : memref<10240x128xf32, #tpu.memory_space<vmem_shared>> -> memref<10240x128xf32, #tpu.memory_space<vmem_shared>>
      tpu.enqueue_indirect_dma source(%arg10 : memref<64x128xf32, #tpu.memory_space<vmem>>) target(%dma_start3A_128 : memref<10240x128xf32, #tpu.memory_space<vmem_shared>>) offsets(%dma_start3A_125 : memref<64xi32, #tpu.memory_space<vmem>>) semaphore(%arg15 : memref<!tpu.dma_semaphore, #tpu.memory_space<semaphore_mem>>) {add = true}
      %add3A_129 = arith.constant 2 : i32
      %add3A_130 = arith.addi %mul3A_58, %add3A_129 : i32
      %dma_start3A_131 = arith.constant 0 : i32
      %dma_start3A_132 = tpu.memref_slice %arg8[%add3A_130, %dma_start3A_131] : memref<32x64xi32, #tpu.memory_space<vmem>> -> memref<1x64xi32, #tpu.memory_space<vmem>>
      %dma_start3A_133 = tpu.memref_squeeze %dma_start3A_132 : memref<1x64xi32, #tpu.memory_space<vmem>> -> memref<64xi32, #tpu.memory_space<vmem>>
      %dma_start3A_134 = arith.constant 0 : i32
      %dma_start3A_135 = arith.constant 0 : i32
      %dma_start3A_136 = tpu.memref_slice %arg13[%dma_start3A_134, %dma_start3A_135] : memref<10240x128xf32, #tpu.memory_space<vmem_shared>> -> memref<10240x128xf32, #tpu.memory_space<vmem_shared>>
      tpu.enqueue_indirect_dma source(%arg11 : memref<64x128xf32, #tpu.memory_space<vmem>>) target(%dma_start3A_136 : memref<10240x128xf32, #tpu.memory_space<vmem_shared>>) offsets(%dma_start3A_133 : memref<64xi32, #tpu.memory_space<vmem>>) semaphore(%arg15 : memref<!tpu.dma_semaphore, #tpu.memory_space<semaphore_mem>>) {add = true}
      %add3A_137 = arith.constant 3 : i32
      %add3A_138 = arith.addi %mul3A_58, %add3A_137 : i32
      %dma_start3A_139 = arith.constant 0 : i32
      %dma_start3A_140 = tpu.memref_slice %arg8[%add3A_138, %dma_start3A_139] : memref<32x64xi32, #tpu.memory_space<vmem>> -> memref<1x64xi32, #tpu.memory_space<vmem>>
      %dma_start3A_141 = tpu.memref_squeeze %dma_start3A_140 : memref<1x64xi32, #tpu.memory_space<vmem>> -> memref<64xi32, #tpu.memory_space<vmem>>
      %dma_start3A_142 = arith.constant 0 : i32
      %dma_start3A_143 = arith.constant 0 : i32
      %dma_start3A_144 = tpu.memref_slice %arg13[%dma_start3A_142, %dma_start3A_143] : memref<10240x128xf32, #tpu.memory_space<vmem_shared>> -> memref<10240x128xf32, #tpu.memory_space<vmem_shared>>
      tpu.enqueue_indirect_dma source(%arg12 : memref<64x128xf32, #tpu.memory_space<vmem>>) target(%dma_start3A_144 : memref<10240x128xf32, #tpu.memory_space<vmem_shared>>) offsets(%dma_start3A_141 : memref<64xi32, #tpu.memory_space<vmem>>) semaphore(%arg15 : memref<!tpu.dma_semaphore, #tpu.memory_space<semaphore_mem>>) {add = true}
      %dma_wait3A_145 = arith.constant 0 : i32
      %dma_wait3A_146 = tpu.memref_slice %arg8[%add3A_114, %dma_wait3A_145] : memref<32x64xi32, #tpu.memory_space<vmem>> -> memref<1x64xi32, #tpu.memory_space<vmem>>
      %dma_wait3A_147 = tpu.memref_squeeze %dma_wait3A_146 : memref<1x64xi32, #tpu.memory_space<vmem>> -> memref<64xi32, #tpu.memory_space<vmem>>
      %dma_wait3A_148 = arith.constant 0 : i32
      %dma_wait3A_149 = arith.constant 0 : i32
      %dma_wait3A_150 = tpu.memref_slice %arg13[%dma_wait3A_148, %dma_wait3A_149] : memref<10240x128xf32, #tpu.memory_space<vmem_shared>> -> memref<10240x128xf32, #tpu.memory_space<vmem_shared>>
      tpu.wait_indirect_dma semaphore(%arg15 : memref<!tpu.dma_semaphore, #tpu.memory_space<semaphore_mem>>) src(%arg9 : memref<64x128xf32, #tpu.memory_space<vmem>>) dst(%dma_wait3A_150 : memref<10240x128xf32, #tpu.memory_space<vmem_shared>>)
      %dma_wait3A_151 = arith.constant 0 : i32
      %dma_wait3A_152 = tpu.memref_slice %arg8[%add3A_122, %dma_wait3A_151] : memref<32x64xi32, #tpu.memory_space<vmem>> -> memref<1x64xi32, #tpu.memory_space<vmem>>
      %dma_wait3A_153 = tpu.memref_squeeze %dma_wait3A_152 : memref<1x64xi32, #tpu.memory_space<vmem>> -> memref<64xi32, #tpu.memory_space<vmem>>
      %dma_wait3A_154 = arith.constant 0 : i32
      %dma_wait3A_155 = arith.constant 0 : i32
      %dma_wait3A_156 = tpu.memref_slice %arg13[%dma_wait3A_154, %dma_wait3A_155] : memref<10240x128xf32, #tpu.memory_space<vmem_shared>> -> memref<10240x128xf32, #tpu.memory_space<vmem_shared>>
      tpu.wait_indirect_dma semaphore(%arg15 : memref<!tpu.dma_semaphore, #tpu.memory_space<semaphore_mem>>) src(%arg10 : memref<64x128xf32, #tpu.memory_space<vmem>>) dst(%dma_wait3A_156 : memref<10240x128xf32, #tpu.memory_space<vmem_shared>>)
      %dma_wait3A_157 = arith.constant 0 : i32
      %dma_wait3A_158 = tpu.memref_slice %arg8[%add3A_130, %dma_wait3A_157] : memref<32x64xi32, #tpu.memory_space<vmem>> -> memref<1x64xi32, #tpu.memory_space<vmem>>
      %dma_wait3A_159 = tpu.memref_squeeze %dma_wait3A_158 : memref<1x64xi32, #tpu.memory_space<vmem>> -> memref<64xi32, #tpu.memory_space<vmem>>
      %dma_wait3A_160 = arith.constant 0 : i32
      %dma_wait3A_161 = arith.constant 0 : i32
      %dma_wait3A_162 = tpu.memref_slice %arg13[%dma_wait3A_160, %dma_wait3A_161] : memref<10240x128xf32, #tpu.memory_space<vmem_shared>> -> memref<10240x128xf32, #tpu.memory_space<vmem_shared>>
      tpu.wait_indirect_dma semaphore(%arg15 : memref<!tpu.dma_semaphore, #tpu.memory_space<semaphore_mem>>) src(%arg11 : memref<64x128xf32, #tpu.memory_space<vmem>>) dst(%dma_wait3A_162 : memref<10240x128xf32, #tpu.memory_space<vmem_shared>>)
      %dma_wait3A_163 = arith.constant 0 : i32
      %dma_wait3A_164 = tpu.memref_slice %arg8[%add3A_138, %dma_wait3A_163] : memref<32x64xi32, #tpu.memory_space<vmem>> -> memref<1x64xi32, #tpu.memory_space<vmem>>
      %dma_wait3A_165 = tpu.memref_squeeze %dma_wait3A_164 : memref<1x64xi32, #tpu.memory_space<vmem>> -> memref<64xi32, #tpu.memory_space<vmem>>
      %dma_wait3A_166 = arith.constant 0 : i32
      %dma_wait3A_167 = arith.constant 0 : i32
      %dma_wait3A_168 = tpu.memref_slice %arg13[%dma_wait3A_166, %dma_wait3A_167] : memref<10240x128xf32, #tpu.memory_space<vmem_shared>> -> memref<10240x128xf32, #tpu.memory_space<vmem_shared>>
      tpu.wait_indirect_dma semaphore(%arg15 : memref<!tpu.dma_semaphore, #tpu.memory_space<semaphore_mem>>) src(%arg12 : memref<64x128xf32, #tpu.memory_space<vmem>>) dst(%dma_wait3A_168 : memref<10240x128xf32, #tpu.memory_space<vmem_shared>>)
    }
    %barrier3A_20 = arith.constant 0 : index
    tpu.barrier barrier_id(%barrier3A_20)
    %mul3A_21 = arith.constant 640 : i32
    %mul3A_22 = arith.muli %arg1, %mul3A_21 : i32
    %mul3A_23 = arith.constant 640 : i32
    %mul3A_24 = arith.muli %arg1, %mul3A_23 : i32
    "tpu.region"() ({
      %run_scoped3A = tpu.sem_alloc : memref<!tpu.dma_semaphore, #tpu.memory_space<semaphore_mem>>
      %dma_start3A = arith.constant 0 : i32
      %dma_start3A_25 = tpu.memref_slice %arg6[%arg0, %mul3A_24, %dma_start3A] : memref<2x10240x128xf32, #tpu.memory_space<hbm>> -> memref<1x640x128xf32, #tpu.memory_space<hbm>>
      %dma_start3A_26 = tpu.memref_squeeze %dma_start3A_25 : memref<1x640x128xf32, #tpu.memory_space<hbm>> -> memref<640x128xf32, #tpu.memory_space<hbm>>
      %dma_start3A_27 = arith.constant 0 : i32
      %dma_start3A_28 = tpu.memref_slice %arg13[%mul3A_22, %dma_start3A_27] : memref<10240x128xf32, #tpu.memory_space<vmem_shared>> -> memref<640x128xf32, #tpu.memory_space<vmem_shared>>
      tpu.enqueue_dma source(%dma_start3A_28 : memref<640x128xf32, #tpu.memory_space<vmem_shared>>) target(%dma_start3A_26 : memref<640x128xf32, #tpu.memory_space<hbm>>) target_semaphore(%run_scoped3A : memref<!tpu.dma_semaphore, #tpu.memory_space<semaphore_mem>>)
      %dma_wait3A = arith.constant 0 : i32
      %dma_wait3A_29 = tpu.memref_slice %arg6[%arg0, %mul3A_24, %dma_wait3A] : memref<2x10240x128xf32, #tpu.memory_space<hbm>> -> memref<1x640x128xf32, #tpu.memory_space<hbm>>
      %dma_wait3A_30 = tpu.memref_squeeze %dma_wait3A_29 : memref<1x640x128xf32, #tpu.memory_space<hbm>> -> memref<640x128xf32, #tpu.memory_space<hbm>>
      %dma_wait3A_31 = arith.constant 0 : i32
      %dma_wait3A_32 = tpu.memref_slice %arg13[%mul3A_22, %dma_wait3A_31] : memref<10240x128xf32, #tpu.memory_space<vmem_shared>> -> memref<640x128xf32, #tpu.memory_space<vmem_shared>>
      tpu.wait_dma2 semaphore(%run_scoped3A : memref<!tpu.dma_semaphore, #tpu.memory_space<semaphore_mem>>) src(%dma_wait3A_32 : memref<640x128xf32, #tpu.memory_space<vmem_shared>>) dst(%dma_wait3A_30 : memref<640x128xf32, #tpu.memory_space<hbm>>)
      tpu.yield
    }) : () -> ()
    return
  }
}

#map = affine_map<(d0, d1) -> (0, 0)>
#map1 = affine_map<(d0, d1) -> (0, 0, 0)>
module attributes {stable_mosaic.version = 14 : i64} {
  func.func @k(%arg0: i32, %arg1: i32, %arg2: memref<10240x128xf32, #tpu.memory_space<hbm>>, %arg3: memref<5152x64xi32, #tpu.memory_space<hbm>>, %arg4: memref<5152x64xi32, #tpu.memory_space<hbm>>, %arg5: memref<640x128xf32, #tpu.memory_space<hbm>>, %arg6: memref<2x10240x128xf32, #tpu.memory_space<hbm>>, %arg7: memref<32x64xi32, #tpu.memory_space<vmem>>, %arg8: memref<32x64xi32, #tpu.memory_space<vmem>>, %arg9: memref<64x128xf32, #tpu.memory_space<vmem>>, %arg10: memref<64x128xf32, #tpu.memory_space<vmem>>, %arg11: memref<64x128xf32, #tpu.memory_space<vmem>>, %arg12: memref<64x128xf32, #tpu.memory_space<vmem>>, %arg13: memref<10240x128xf32, #tpu.memory_space<vmem_shared>>, %arg14: memref<!tpu.dma_semaphore, #tpu.memory_space<semaphore_mem>>, %arg15: memref<!tpu.dma_semaphore, #tpu.memory_space<semaphore_mem>>) attributes {dimension_semantics = [#tpu.dimension_semantics<core_parallel>, #tpu.dimension_semantics<subcore_parallel>], iteration_bounds = array<i64: 2, 16>, scalar_prefetch = 0 : i64, scratch_operands = 9 : i64, tpu.core_type = #tpu.core_type<sc_vector_subcore>, window_params = [{transform_indices = #map}, {transform_indices = #map}, {transform_indices = #map}, {transform_indices = #map}, {transform_indices = #map1}]} {
    %eq3A = arith.constant 0 : i32
    %eq3A_0 = arith.cmpi eq, %arg0, %eq3A : i32
    %mul3A = arith.constant 304 : i32
    %mul3A_1 = arith.muli %arg1, %mul3A : i32
    %mul3A_2 = arith.constant 16 : i32
    %mul3A_3 = arith.muli %arg1, %mul3A_2 : i32
    %add3A = arith.constant 4864 : i32
    %add3A_4 = arith.addi %add3A, %mul3A_3 : i32
    %select_n3A = arith.select %eq3A_0, %mul3A_1, %add3A_4 : i32
    %eq3A_5 = arith.constant 0 : i32
    %eq3A_6 = arith.cmpi eq, %arg0, %eq3A_5 : i32
    %jit3A = arith.constant 76 : i32
    %jit3A_7 = arith.constant 4 : i32
    %select_n3A_8 = arith.select %eq3A_6, %jit3A, %jit3A_7 : i32
    %mul3A_9 = arith.constant 640 : i32
    %mul3A_10 = arith.muli %arg1, %mul3A_9 : i32
    "tpu.region"() ({
      %run_scoped3A = tpu.sem_alloc : memref<!tpu.dma_semaphore, #tpu.memory_space<semaphore_mem>>
      %dma_start3A = arith.constant 0 : i32
      %dma_start3A_25 = tpu.memref_slice %arg13[%mul3A_10, %dma_start3A] : memref<10240x128xf32, #tpu.memory_space<vmem_shared>> -> memref<640x128xf32, #tpu.memory_space<vmem_shared>>
      tpu.enqueue_dma source(%arg5 : memref<640x128xf32, #tpu.memory_space<hbm>>) target(%dma_start3A_25 : memref<640x128xf32, #tpu.memory_space<vmem_shared>>) target_semaphore(%run_scoped3A : memref<!tpu.dma_semaphore, #tpu.memory_space<semaphore_mem>>)
      %dma_wait3A = arith.constant 0 : i32
      %dma_wait3A_26 = tpu.memref_slice %arg13[%mul3A_10, %dma_wait3A] : memref<10240x128xf32, #tpu.memory_space<vmem_shared>> -> memref<640x128xf32, #tpu.memory_space<vmem_shared>>
      tpu.wait_dma2 semaphore(%run_scoped3A : memref<!tpu.dma_semaphore, #tpu.memory_space<semaphore_mem>>) src(%arg5 : memref<640x128xf32, #tpu.memory_space<hbm>>) dst(%dma_wait3A_26 : memref<640x128xf32, #tpu.memory_space<vmem_shared>>)
      tpu.yield
    }) : () -> ()
    %barrier3A = arith.constant 0 : index
    tpu.barrier barrier_id(%barrier3A)
    %while3A = arith.constant 0 : i32
    %while3A_11 = arith.constant 0 : i32
    %while3A_12 = arith.subi %select_n3A_8, %while3A_11 : i32
    %while3A_13 = arith.addi %while3A_11, %while3A_12 : i32
    %while3A_14 = arith.constant 1 : i32
    %while3A_15 = arith.divsi %while3A_12, %while3A_14 : i32
    %while3A_16 = arith.muli %while3A_15, %while3A_14 : i32
    %while3A_17 = arith.addi %while3A_11, %while3A_16 : i32
    %while3A_18 = arith.constant 1 : i32
    scf.for %while3A_25 = %while3A_11 to %while3A_17 step %while3A_18  : i32 {
      %jit3A_26 = arith.constant 8 : i32
      %eq3A_27 = arith.constant 0 : i32
      %eq3A_28 = arith.cmpi eq, %jit3A_26, %eq3A_27 : i32
      %jit3A_29 = arith.constant 1 : i32
      %select_n3A_30 = arith.select %eq3A_28, %jit3A_29, %jit3A_26 : i32
      %rem3A = arith.remsi %while3A_25, %select_n3A_30 : i32
      %ne3A = arith.constant 0 : i32
      %ne3A_31 = arith.cmpi ne, %rem3A, %ne3A : i32
      %lt3A = arith.constant 0 : i32
      %lt3A_32 = arith.cmpi slt, %rem3A, %lt3A : i32
      %lt3A_33 = arith.constant 0 : i32
      %lt3A_34 = arith.cmpi slt, %select_n3A_30, %lt3A_33 : i32
      %ne3A_35 = arith.xori %lt3A_32, %lt3A_34 : i1
      %and3A = arith.andi %ne3A_35, %ne3A_31 : i1
      %add3A_36 = arith.addi %rem3A, %select_n3A_30 : i32
      %select_n3A_37 = arith.select %and3A, %add3A_36, %rem3A : i32
      %eq3A_38 = arith.constant 0 : i32
      %eq3A_39 = arith.cmpi eq, %select_n3A_37, %eq3A_38 : i32
      %convert_element_type3A = arith.extui %eq3A_39 : i1 to i32
      %cond3A = arith.constant 0 : i32
      %cond3A_40 = arith.cmpi ne, %convert_element_type3A, %cond3A : i32
      scf.if %cond3A_40 {
        %jit3A_169 = arith.constant 8 : i32
        %div3A = arith.divsi %while3A_25, %jit3A_169 : i32
        %sign3A = arith.constant 0 : i32
        %sign3A_170 = arith.cmpi sgt, %while3A_25, %sign3A : i32
        %sign3A_171 = arith.extui %sign3A_170 : i1 to i32
        %sign3A_172 = arith.constant 0 : i32
        %sign3A_173 = arith.cmpi slt, %while3A_25, %sign3A_172 : i32
        %sign3A_174 = arith.extui %sign3A_173 : i1 to i32
        %sign3A_175 = arith.subi %sign3A_171, %sign3A_174 : i32
        %sign3A_176 = arith.constant 0 : i32
        %sign3A_177 = arith.cmpi sgt, %jit3A_169, %sign3A_176 : i32
        %sign3A_178 = arith.extui %sign3A_177 : i1 to i32
        %sign3A_179 = arith.constant 0 : i32
        %sign3A_180 = arith.cmpi slt, %jit3A_169, %sign3A_179 : i32
        %sign3A_181 = arith.extui %sign3A_180 : i1 to i32
        %sign3A_182 = arith.subi %sign3A_178, %sign3A_181 : i32
        %ne3A_183 = arith.cmpi ne, %sign3A_175, %sign3A_182 : i32
        %rem3A_184 = arith.remsi %while3A_25, %jit3A_169 : i32
        %ne3A_185 = arith.constant 0 : i32
        %ne3A_186 = arith.cmpi ne, %rem3A_184, %ne3A_185 : i32
        %and3A_187 = arith.andi %ne3A_183, %ne3A_186 : i1
        %sub3A = arith.constant 1 : i32
        %sub3A_188 = arith.subi %div3A, %sub3A : i32
        %select_n3A_189 = arith.select %and3A_187, %sub3A_188, %div3A : i32
        %mul3A_190 = arith.constant 32 : i32
        %mul3A_191 = arith.muli %select_n3A_189, %mul3A_190 : i32
        %add3A_192 = arith.addi %select_n3A, %mul3A_191 : i32
        "tpu.region"() ({
          %run_scoped3A = tpu.sem_alloc : memref<!tpu.dma_semaphore, #tpu.memory_space<semaphore_mem>>
          %dma_start3A_193 = arith.constant 0 : i32
          %dma_start3A_194 = tpu.memref_slice %arg3[%add3A_192, %dma_start3A_193] : memref<5152x64xi32, #tpu.memory_space<hbm>> -> memref<32x64xi32, #tpu.memory_space<hbm>>
          %dma_start3A_195 = arith.constant 0 : i32
          %dma_start3A_196 = tpu.memref_slice %arg3[%add3A_192, %dma_start3A_195] : memref<5152x64xi32, #tpu.memory_space<hbm>> -> memref<32x64xi32, #tpu.memory_space<hbm>>
          tpu.enqueue_dma source(%dma_start3A_196 : memref<32x64xi32, #tpu.memory_space<hbm>>) target(%arg7 : memref<32x64xi32, #tpu.memory_space<vmem>>) target_semaphore(%run_scoped3A : memref<!tpu.dma_semaphore, #tpu.memory_space<semaphore_mem>>)
          %dma_wait3A_197 = arith.constant 0 : i32
          %dma_wait3A_198 = tpu.memref_slice %arg3[%add3A_192, %dma_wait3A_197] : memref<5152x64xi32, #tpu.memory_space<hbm>> -> memref<32x64xi32, #tpu.memory_space<hbm>>
          %dma_wait3A_199 = arith.constant 0 : i32
          %dma_wait3A_200 = tpu.memref_slice %arg3[%add3A_192, %dma_wait3A_199] : memref<5152x64xi32, #tpu.memory_space<hbm>> -> memref<32x64xi32, #tpu.memory_space<hbm>>
          tpu.wait_dma2 semaphore(%run_scoped3A : memref<!tpu.dma_semaphore, #tpu.memory_space<semaphore_mem>>) src(%dma_wait3A_200 : memref<32x64xi32, #tpu.memory_space<hbm>>) dst(%arg7 : memref<32x64xi32, #tpu.memory_space<vmem>>)
          tpu.yield
        }) : () -> ()
        "tpu.region"() ({
          %run_scoped3A = tpu.sem_alloc : memref<!tpu.dma_semaphore, #tpu.memory_space<semaphore_mem>>
          %dma_start3A_193 = arith.constant 0 : i32
          %dma_start3A_194 = tpu.memref_slice %arg4[%add3A_192, %dma_start3A_193] : memref<5152x64xi32, #tpu.memory_space<hbm>> -> memref<32x64xi32, #tpu.memory_space<hbm>>
          %dma_start3A_195 = arith.constant 0 : i32
          %dma_start3A_196 = tpu.memref_slice %arg4[%add3A_192, %dma_start3A_195] : memref<5152x64xi32, #tpu.memory_space<hbm>> -> memref<32x64xi32, #tpu.memory_space<hbm>>
          tpu.enqueue_dma source(%dma_start3A_196 : memref<32x64xi32, #tpu.memory_space<hbm>>) target(%arg8 : memref<32x64xi32, #tpu.memory_space<vmem>>) target_semaphore(%run_scoped3A : memref<!tpu.dma_semaphore, #tpu.memory_space<semaphore_mem>>)
          %dma_wait3A_197 = arith.constant 0 : i32
          %dma_wait3A_198 = tpu.memref_slice %arg4[%add3A_192, %dma_wait3A_197] : memref<5152x64xi32, #tpu.memory_space<hbm>> -> memref<32x64xi32, #tpu.memory_space<hbm>>
          %dma_wait3A_199 = arith.constant 0 : i32
          %dma_wait3A_200 = tpu.memref_slice %arg4[%add3A_192, %dma_wait3A_199] : memref<5152x64xi32, #tpu.memory_space<hbm>> -> memref<32x64xi32, #tpu.memory_space<hbm>>
          tpu.wait_dma2 semaphore(%run_scoped3A : memref<!tpu.dma_semaphore, #tpu.memory_space<semaphore_mem>>) src(%dma_wait3A_200 : memref<32x64xi32, #tpu.memory_space<hbm>>) dst(%arg8 : memref<32x64xi32, #tpu.memory_space<vmem>>)
          tpu.yield
        }) : () -> ()
      } else {
      }
      %jit3A_41 = arith.constant 8 : i32
      %eq3A_42 = arith.constant 0 : i32
      %eq3A_43 = arith.cmpi eq, %jit3A_41, %eq3A_42 : i32
      %jit3A_44 = arith.constant 1 : i32
      %select_n3A_45 = arith.select %eq3A_43, %jit3A_44, %jit3A_41 : i32
      %rem3A_46 = arith.remsi %while3A_25, %select_n3A_45 : i32
      %ne3A_47 = arith.constant 0 : i32
      %ne3A_48 = arith.cmpi ne, %rem3A_46, %ne3A_47 : i32
      %lt3A_49 = arith.constant 0 : i32
      %lt3A_50 = arith.cmpi slt, %rem3A_46, %lt3A_49 : i32
      %lt3A_51 = arith.constant 0 : i32
      %lt3A_52 = arith.cmpi slt, %select_n3A_45, %lt3A_51 : i32
      %ne3A_53 = arith.xori %lt3A_50, %lt3A_52 : i1
      %and3A_54 = arith.andi %ne3A_53, %ne3A_48 : i1
      %add3A_55 = arith.addi %rem3A_46, %select_n3A_45 : i32
      %select_n3A_56 = arith.select %and3A_54, %add3A_55, %rem3A_46 : i32
      %mul3A_57 = arith.constant 4 : i32
      %mul3A_58 = arith.muli %select_n3A_56, %mul3A_57 : i32
      %add3A_59 = arith.constant 0 : i32
      %add3A_60 = arith.addi %mul3A_58, %add3A_59 : i32
      %dma_start3A = arith.constant 0 : i32
      %dma_start3A_61 = tpu.memref_slice %arg7[%add3A_60, %dma_start3A] : memref<32x64xi32, #tpu.memory_space<vmem>> -> memref<1x64xi32, #tpu.memory_space<vmem>>
      %dma_start3A_62 = tpu.memref_squeeze %dma_start3A_61 : memref<1x64xi32, #tpu.memory_space<vmem>> -> memref<64xi32, #tpu.memory_space<vmem>>
      %dma_start3A_63 = arith.constant 0 : i32
      %dma_start3A_64 = arith.constant 0 : i32
      %dma_start3A_65 = tpu.memref_slice %arg2[%dma_start3A_63, %dma_start3A_64] : memref<10240x128xf32, #tpu.memory_space<hbm>> -> memref<10240x128xf32, #tpu.memory_space<hbm>>
      tpu.enqueue_indirect_dma source(%dma_start3A_65 : memref<10240x128xf32, #tpu.memory_space<hbm>>) target(%arg9 : memref<64x128xf32, #tpu.memory_space<vmem>>) offsets(%dma_start3A_62 : memref<64xi32, #tpu.memory_space<vmem>>) semaphore(%arg14 : memref<!tpu.dma_semaphore, #tpu.memory_space<semaphore_mem>>)
      %add3A_66 = arith.constant 1 : i32
      %add3A_67 = arith.addi %mul3A_58, %add3A_66 : i32
      %dma_start3A_68 = arith.constant 0 : i32
      %dma_start3A_69 = tpu.memref_slice %arg7[%add3A_67, %dma_start3A_68] : memref<32x64xi32, #tpu.memory_space<vmem>> -> memref<1x64xi32, #tpu.memory_space<vmem>>
      %dma_start3A_70 = tpu.memref_squeeze %dma_start3A_69 : memref<1x64xi32, #tpu.memory_space<vmem>> -> memref<64xi32, #tpu.memory_space<vmem>>
      %dma_start3A_71 = arith.constant 0 : i32
      %dma_start3A_72 = arith.constant 0 : i32
      %dma_start3A_73 = tpu.memref_slice %arg2[%dma_start3A_71, %dma_start3A_72] : memref<10240x128xf32, #tpu.memory_space<hbm>> -> memref<10240x128xf32, #tpu.memory_space<hbm>>
      tpu.enqueue_indirect_dma source(%dma_start3A_73 : memref<10240x128xf32, #tpu.memory_space<hbm>>) target(%arg10 : memref<64x128xf32, #tpu.memory_space<vmem>>) offsets(%dma_start3A_70 : memref<64xi32, #tpu.memory_space<vmem>>) semaphore(%arg14 : memref<!tpu.dma_semaphore, #tpu.memory_space<semaphore_mem>>)
      %add3A_74 = arith.constant 2 : i32
      %add3A_75 = arith.addi %mul3A_58, %add3A_74 : i32
      %dma_start3A_76 = arith.constant 0 : i32
      %dma_start3A_77 = tpu.memref_slice %arg7[%add3A_75, %dma_start3A_76] : memref<32x64xi32, #tpu.memory_space<vmem>> -> memref<1x64xi32, #tpu.memory_space<vmem>>
      %dma_start3A_78 = tpu.memref_squeeze %dma_start3A_77 : memref<1x64xi32, #tpu.memory_space<vmem>> -> memref<64xi32, #tpu.memory_space<vmem>>
      %dma_start3A_79 = arith.constant 0 : i32
      %dma_start3A_80 = arith.constant 0 : i32
      %dma_start3A_81 = tpu.memref_slice %arg2[%dma_start3A_79, %dma_start3A_80] : memref<10240x128xf32, #tpu.memory_space<hbm>> -> memref<10240x128xf32, #tpu.memory_space<hbm>>
      tpu.enqueue_indirect_dma source(%dma_start3A_81 : memref<10240x128xf32, #tpu.memory_space<hbm>>) target(%arg11 : memref<64x128xf32, #tpu.memory_space<vmem>>) offsets(%dma_start3A_78 : memref<64xi32, #tpu.memory_space<vmem>>) semaphore(%arg14 : memref<!tpu.dma_semaphore, #tpu.memory_space<semaphore_mem>>)
      %add3A_82 = arith.constant 3 : i32
      %add3A_83 = arith.addi %mul3A_58, %add3A_82 : i32
      %dma_start3A_84 = arith.constant 0 : i32
      %dma_start3A_85 = tpu.memref_slice %arg7[%add3A_83, %dma_start3A_84] : memref<32x64xi32, #tpu.memory_space<vmem>> -> memref<1x64xi32, #tpu.memory_space<vmem>>
      %dma_start3A_86 = tpu.memref_squeeze %dma_start3A_85 : memref<1x64xi32, #tpu.memory_space<vmem>> -> memref<64xi32, #tpu.memory_space<vmem>>
      %dma_start3A_87 = arith.constant 0 : i32
      %dma_start3A_88 = arith.constant 0 : i32
      %dma_start3A_89 = tpu.memref_slice %arg2[%dma_start3A_87, %dma_start3A_88] : memref<10240x128xf32, #tpu.memory_space<hbm>> -> memref<10240x128xf32, #tpu.memory_space<hbm>>
      tpu.enqueue_indirect_dma source(%dma_start3A_89 : memref<10240x128xf32, #tpu.memory_space<hbm>>) target(%arg12 : memref<64x128xf32, #tpu.memory_space<vmem>>) offsets(%dma_start3A_86 : memref<64xi32, #tpu.memory_space<vmem>>) semaphore(%arg14 : memref<!tpu.dma_semaphore, #tpu.memory_space<semaphore_mem>>)
      %dma_wait3A = arith.constant 0 : i32
      %dma_wait3A_90 = tpu.memref_slice %arg7[%add3A_60, %dma_wait3A] : memref<32x64xi32, #tpu.memory_space<vmem>> -> memref<1x64xi32, #tpu.memory_space<vmem>>
      %dma_wait3A_91 = tpu.memref_squeeze %dma_wait3A_90 : memref<1x64xi32, #tpu.memory_space<vmem>> -> memref<64xi32, #tpu.memory_space<vmem>>
      %dma_wait3A_92 = arith.constant 0 : i32
      %dma_wait3A_93 = arith.constant 0 : i32
      %dma_wait3A_94 = tpu.memref_slice %arg2[%dma_wait3A_92, %dma_wait3A_93] : memref<10240x128xf32, #tpu.memory_space<hbm>> -> memref<10240x128xf32, #tpu.memory_space<hbm>>
      tpu.wait_indirect_dma semaphore(%arg14 : memref<!tpu.dma_semaphore, #tpu.memory_space<semaphore_mem>>) src(%dma_wait3A_94 : memref<10240x128xf32, #tpu.memory_space<hbm>>) dst(%arg9 : memref<64x128xf32, #tpu.memory_space<vmem>>)
      %dma_wait3A_95 = arith.constant 0 : i32
      %dma_wait3A_96 = tpu.memref_slice %arg7[%add3A_67, %dma_wait3A_95] : memref<32x64xi32, #tpu.memory_space<vmem>> -> memref<1x64xi32, #tpu.memory_space<vmem>>
      %dma_wait3A_97 = tpu.memref_squeeze %dma_wait3A_96 : memref<1x64xi32, #tpu.memory_space<vmem>> -> memref<64xi32, #tpu.memory_space<vmem>>
      %dma_wait3A_98 = arith.constant 0 : i32
      %dma_wait3A_99 = arith.constant 0 : i32
      %dma_wait3A_100 = tpu.memref_slice %arg2[%dma_wait3A_98, %dma_wait3A_99] : memref<10240x128xf32, #tpu.memory_space<hbm>> -> memref<10240x128xf32, #tpu.memory_space<hbm>>
      tpu.wait_indirect_dma semaphore(%arg14 : memref<!tpu.dma_semaphore, #tpu.memory_space<semaphore_mem>>) src(%dma_wait3A_100 : memref<10240x128xf32, #tpu.memory_space<hbm>>) dst(%arg10 : memref<64x128xf32, #tpu.memory_space<vmem>>)
      %dma_wait3A_101 = arith.constant 0 : i32
      %dma_wait3A_102 = tpu.memref_slice %arg7[%add3A_75, %dma_wait3A_101] : memref<32x64xi32, #tpu.memory_space<vmem>> -> memref<1x64xi32, #tpu.memory_space<vmem>>
      %dma_wait3A_103 = tpu.memref_squeeze %dma_wait3A_102 : memref<1x64xi32, #tpu.memory_space<vmem>> -> memref<64xi32, #tpu.memory_space<vmem>>
      %dma_wait3A_104 = arith.constant 0 : i32
      %dma_wait3A_105 = arith.constant 0 : i32
      %dma_wait3A_106 = tpu.memref_slice %arg2[%dma_wait3A_104, %dma_wait3A_105] : memref<10240x128xf32, #tpu.memory_space<hbm>> -> memref<10240x128xf32, #tpu.memory_space<hbm>>
      tpu.wait_indirect_dma semaphore(%arg14 : memref<!tpu.dma_semaphore, #tpu.memory_space<semaphore_mem>>) src(%dma_wait3A_106 : memref<10240x128xf32, #tpu.memory_space<hbm>>) dst(%arg11 : memref<64x128xf32, #tpu.memory_space<vmem>>)
      %dma_wait3A_107 = arith.constant 0 : i32
      %dma_wait3A_108 = tpu.memref_slice %arg7[%add3A_83, %dma_wait3A_107] : memref<32x64xi32, #tpu.memory_space<vmem>> -> memref<1x64xi32, #tpu.memory_space<vmem>>
      %dma_wait3A_109 = tpu.memref_squeeze %dma_wait3A_108 : memref<1x64xi32, #tpu.memory_space<vmem>> -> memref<64xi32, #tpu.memory_space<vmem>>
      %dma_wait3A_110 = arith.constant 0 : i32
      %dma_wait3A_111 = arith.constant 0 : i32
      %dma_wait3A_112 = tpu.memref_slice %arg2[%dma_wait3A_110, %dma_wait3A_111] : memref<10240x128xf32, #tpu.memory_space<hbm>> -> memref<10240x128xf32, #tpu.memory_space<hbm>>
      tpu.wait_indirect_dma semaphore(%arg14 : memref<!tpu.dma_semaphore, #tpu.memory_space<semaphore_mem>>) src(%dma_wait3A_112 : memref<10240x128xf32, #tpu.memory_space<hbm>>) dst(%arg12 : memref<64x128xf32, #tpu.memory_space<vmem>>)
      %add3A_113 = arith.constant 0 : i32
      %add3A_114 = arith.addi %mul3A_58, %add3A_113 : i32
      %dma_start3A_115 = arith.constant 0 : i32
      %dma_start3A_116 = tpu.memref_slice %arg8[%add3A_114, %dma_start3A_115] : memref<32x64xi32, #tpu.memory_space<vmem>> -> memref<1x64xi32, #tpu.memory_space<vmem>>
      %dma_start3A_117 = tpu.memref_squeeze %dma_start3A_116 : memref<1x64xi32, #tpu.memory_space<vmem>> -> memref<64xi32, #tpu.memory_space<vmem>>
      %dma_start3A_118 = arith.constant 0 : i32
      %dma_start3A_119 = arith.constant 0 : i32
      %dma_start3A_120 = tpu.memref_slice %arg13[%dma_start3A_118, %dma_start3A_119] : memref<10240x128xf32, #tpu.memory_space<vmem_shared>> -> memref<10240x128xf32, #tpu.memory_space<vmem_shared>>
      tpu.enqueue_indirect_dma source(%arg9 : memref<64x128xf32, #tpu.memory_space<vmem>>) target(%dma_start3A_120 : memref<10240x128xf32, #tpu.memory_space<vmem_shared>>) offsets(%dma_start3A_117 : memref<64xi32, #tpu.memory_space<vmem>>) semaphore(%arg15 : memref<!tpu.dma_semaphore, #tpu.memory_space<semaphore_mem>>) {add = true}
      %add3A_121 = arith.constant 1 : i32
      %add3A_122 = arith.addi %mul3A_58, %add3A_121 : i32
      %dma_start3A_123 = arith.constant 0 : i32
      %dma_start3A_124 = tpu.memref_slice %arg8[%add3A_122, %dma_start3A_123] : memref<32x64xi32, #tpu.memory_space<vmem>> -> memref<1x64xi32, #tpu.memory_space<vmem>>
      %dma_start3A_125 = tpu.memref_squeeze %dma_start3A_124 : memref<1x64xi32, #tpu.memory_space<vmem>> -> memref<64xi32, #tpu.memory_space<vmem>>
      %dma_start3A_126 = arith.constant 0 : i32
      %dma_start3A_127 = arith.constant 0 : i32
      %dma_start3A_128 = tpu.memref_slice %arg13[%dma_start3A_126, %dma_start3A_127] : memref<10240x128xf32, #tpu.memory_space<vmem_shared>> -> memref<10240x128xf32, #tpu.memory_space<vmem_shared>>
      tpu.enqueue_indirect_dma source(%arg10 : memref<64x128xf32, #tpu.memory_space<vmem>>) target(%dma_start3A_128 : memref<10240x128xf32, #tpu.memory_space<vmem_shared>>) offsets(%dma_start3A_125 : memref<64xi32, #tpu.memory_space<vmem>>) semaphore(%arg15 : memref<!tpu.dma_semaphore, #tpu.memory_space<semaphore_mem>>) {add = true}
      %add3A_129 = arith.constant 2 : i32
      %add3A_130 = arith.addi %mul3A_58, %add3A_129 : i32
      %dma_start3A_131 = arith.constant 0 : i32
      %dma_start3A_132 = tpu.memref_slice %arg8[%add3A_130, %dma_start3A_131] : memref<32x64xi32, #tpu.memory_space<vmem>> -> memref<1x64xi32, #tpu.memory_space<vmem>>
      %dma_start3A_133 = tpu.memref_squeeze %dma_start3A_132 : memref<1x64xi32, #tpu.memory_space<vmem>> -> memref<64xi32, #tpu.memory_space<vmem>>
      %dma_start3A_134 = arith.constant 0 : i32
      %dma_start3A_135 = arith.constant 0 : i32
      %dma_start3A_136 = tpu.memref_slice %arg13[%dma_start3A_134, %dma_start3A_135] : memref<10240x128xf32, #tpu.memory_space<vmem_shared>> -> memref<10240x128xf32, #tpu.memory_space<vmem_shared>>
      tpu.enqueue_indirect_dma source(%arg11 : memref<64x128xf32, #tpu.memory_space<vmem>>) target(%dma_start3A_136 : memref<10240x128xf32, #tpu.memory_space<vmem_shared>>) offsets(%dma_start3A_133 : memref<64xi32, #tpu.memory_space<vmem>>) semaphore(%arg15 : memref<!tpu.dma_semaphore, #tpu.memory_space<semaphore_mem>>) {add = true}
      %add3A_137 = arith.constant 3 : i32
      %add3A_138 = arith.addi %mul3A_58, %add3A_137 : i32
      %dma_start3A_139 = arith.constant 0 : i32
      %dma_start3A_140 = tpu.memref_slice %arg8[%add3A_138, %dma_start3A_139] : memref<32x64xi32, #tpu.memory_space<vmem>> -> memref<1x64xi32, #tpu.memory_space<vmem>>
      %dma_start3A_141 = tpu.memref_squeeze %dma_start3A_140 : memref<1x64xi32, #tpu.memory_space<vmem>> -> memref<64xi32, #tpu.memory_space<vmem>>
      %dma_start3A_142 = arith.constant 0 : i32
      %dma_start3A_143 = arith.constant 0 : i32
      %dma_start3A_144 = tpu.memref_slice %arg13[%dma_start3A_142, %dma_start3A_143] : memref<10240x128xf32, #tpu.memory_space<vmem_shared>> -> memref<10240x128xf32, #tpu.memory_space<vmem_shared>>
      tpu.enqueue_indirect_dma source(%arg12 : memref<64x128xf32, #tpu.memory_space<vmem>>) target(%dma_start3A_144 : memref<10240x128xf32, #tpu.memory_space<vmem_shared>>) offsets(%dma_start3A_141 : memref<64xi32, #tpu.memory_space<vmem>>) semaphore(%arg15 : memref<!tpu.dma_semaphore, #tpu.memory_space<semaphore_mem>>) {add = true}
      %dma_wait3A_145 = arith.constant 0 : i32
      %dma_wait3A_146 = tpu.memref_slice %arg8[%add3A_114, %dma_wait3A_145] : memref<32x64xi32, #tpu.memory_space<vmem>> -> memref<1x64xi32, #tpu.memory_space<vmem>>
      %dma_wait3A_147 = tpu.memref_squeeze %dma_wait3A_146 : memref<1x64xi32, #tpu.memory_space<vmem>> -> memref<64xi32, #tpu.memory_space<vmem>>
      %dma_wait3A_148 = arith.constant 0 : i32
      %dma_wait3A_149 = arith.constant 0 : i32
      %dma_wait3A_150 = tpu.memref_slice %arg13[%dma_wait3A_148, %dma_wait3A_149] : memref<10240x128xf32, #tpu.memory_space<vmem_shared>> -> memref<10240x128xf32, #tpu.memory_space<vmem_shared>>
      tpu.wait_indirect_dma semaphore(%arg15 : memref<!tpu.dma_semaphore, #tpu.memory_space<semaphore_mem>>) src(%arg9 : memref<64x128xf32, #tpu.memory_space<vmem>>) dst(%dma_wait3A_150 : memref<10240x128xf32, #tpu.memory_space<vmem_shared>>)
      %dma_wait3A_151 = arith.constant 0 : i32
      %dma_wait3A_152 = tpu.memref_slice %arg8[%add3A_122, %dma_wait3A_151] : memref<32x64xi32, #tpu.memory_space<vmem>> -> memref<1x64xi32, #tpu.memory_space<vmem>>
      %dma_wait3A_153 = tpu.memref_squeeze %dma_wait3A_152 : memref<1x64xi32, #tpu.memory_space<vmem>> -> memref<64xi32, #tpu.memory_space<vmem>>
      %dma_wait3A_154 = arith.constant 0 : i32
      %dma_wait3A_155 = arith.constant 0 : i32
      %dma_wait3A_156 = tpu.memref_slice %arg13[%dma_wait3A_154, %dma_wait3A_155] : memref<10240x128xf32, #tpu.memory_space<vmem_shared>> -> memref<10240x128xf32, #tpu.memory_space<vmem_shared>>
      tpu.wait_indirect_dma semaphore(%arg15 : memref<!tpu.dma_semaphore, #tpu.memory_space<semaphore_mem>>) src(%arg10 : memref<64x128xf32, #tpu.memory_space<vmem>>) dst(%dma_wait3A_156 : memref<10240x128xf32, #tpu.memory_space<vmem_shared>>)
      %dma_wait3A_157 = arith.constant 0 : i32
      %dma_wait3A_158 = tpu.memref_slice %arg8[%add3A_130, %dma_wait3A_157] : memref<32x64xi32, #tpu.memory_space<vmem>> -> memref<1x64xi32, #tpu.memory_space<vmem>>
      %dma_wait3A_159 = tpu.memref_squeeze %dma_wait3A_158 : memref<1x64xi32, #tpu.memory_space<vmem>> -> memref<64xi32, #tpu.memory_space<vmem>>
      %dma_wait3A_160 = arith.constant 0 : i32
      %dma_wait3A_161 = arith.constant 0 : i32
      %dma_wait3A_162 = tpu.memref_slice %arg13[%dma_wait3A_160, %dma_wait3A_161] : memref<10240x128xf32, #tpu.memory_space<vmem_shared>> -> memref<10240x128xf32, #tpu.memory_space<vmem_shared>>
      tpu.wait_indirect_dma semaphore(%arg15 : memref<!tpu.dma_semaphore, #tpu.memory_space<semaphore_mem>>) src(%arg11 : memref<64x128xf32, #tpu.memory_space<vmem>>) dst(%dma_wait3A_162 : memref<10240x128xf32, #tpu.memory_space<vmem_shared>>)
      %dma_wait3A_163 = arith.constant 0 : i32
      %dma_wait3A_164 = tpu.memref_slice %arg8[%add3A_138, %dma_wait3A_163] : memref<32x64xi32, #tpu.memory_space<vmem>> -> memref<1x64xi32, #tpu.memory_space<vmem>>
      %dma_wait3A_165 = tpu.memref_squeeze %dma_wait3A_164 : memref<1x64xi32, #tpu.memory_space<vmem>> -> memref<64xi32, #tpu.memory_space<vmem>>
      %dma_wait3A_166 = arith.constant 0 : i32
      %dma_wait3A_167 = arith.constant 0 : i32
      %dma_wait3A_168 = tpu.memref_slice %arg13[%dma_wait3A_166, %dma_wait3A_167] : memref<10240x128xf32, #tpu.memory_space<vmem_shared>> -> memref<10240x128xf32, #tpu.memory_space<vmem_shared>>
      tpu.wait_indirect_dma semaphore(%arg15 : memref<!tpu.dma_semaphore, #tpu.memory_space<semaphore_mem>>) src(%arg12 : memref<64x128xf32, #tpu.memory_space<vmem>>) dst(%dma_wait3A_168 : memref<10240x128xf32, #tpu.memory_space<vmem_shared>>)
    }
    %while3A_19 = arith.constant 1 : i32
    scf.for %while3A_25 = %while3A_17 to %while3A_13 step %while3A_19  : i32 {
      %jit3A_26 = arith.constant 8 : i32
      %eq3A_27 = arith.constant 0 : i32
      %eq3A_28 = arith.cmpi eq, %jit3A_26, %eq3A_27 : i32
      %jit3A_29 = arith.constant 1 : i32
      %select_n3A_30 = arith.select %eq3A_28, %jit3A_29, %jit3A_26 : i32
      %rem3A = arith.remsi %while3A_25, %select_n3A_30 : i32
      %ne3A = arith.constant 0 : i32
      %ne3A_31 = arith.cmpi ne, %rem3A, %ne3A : i32
      %lt3A = arith.constant 0 : i32
      %lt3A_32 = arith.cmpi slt, %rem3A, %lt3A : i32
      %lt3A_33 = arith.constant 0 : i32
      %lt3A_34 = arith.cmpi slt, %select_n3A_30, %lt3A_33 : i32
      %ne3A_35 = arith.xori %lt3A_32, %lt3A_34 : i1
      %and3A = arith.andi %ne3A_35, %ne3A_31 : i1
      %add3A_36 = arith.addi %rem3A, %select_n3A_30 : i32
      %select_n3A_37 = arith.select %and3A, %add3A_36, %rem3A : i32
      %eq3A_38 = arith.constant 0 : i32
      %eq3A_39 = arith.cmpi eq, %select_n3A_37, %eq3A_38 : i32
      %convert_element_type3A = arith.extui %eq3A_39 : i1 to i32
      %cond3A = arith.constant 0 : i32
      %cond3A_40 = arith.cmpi ne, %convert_element_type3A, %cond3A : i32
      scf.if %cond3A_40 {
        %jit3A_169 = arith.constant 8 : i32
        %div3A = arith.divsi %while3A_25, %jit3A_169 : i32
        %sign3A = arith.constant 0 : i32
        %sign3A_170 = arith.cmpi sgt, %while3A_25, %sign3A : i32
        %sign3A_171 = arith.extui %sign3A_170 : i1 to i32
        %sign3A_172 = arith.constant 0 : i32
        %sign3A_173 = arith.cmpi slt, %while3A_25, %sign3A_172 : i32
        %sign3A_174 = arith.extui %sign3A_173 : i1 to i32
        %sign3A_175 = arith.subi %sign3A_171, %sign3A_174 : i32
        %sign3A_176 = arith.constant 0 : i32
        %sign3A_177 = arith.cmpi sgt, %jit3A_169, %sign3A_176 : i32
        %sign3A_178 = arith.extui %sign3A_177 : i1 to i32
        %sign3A_179 = arith.constant 0 : i32
        %sign3A_180 = arith.cmpi slt, %jit3A_169, %sign3A_179 : i32
        %sign3A_181 = arith.extui %sign3A_180 : i1 to i32
        %sign3A_182 = arith.subi %sign3A_178, %sign3A_181 : i32
        %ne3A_183 = arith.cmpi ne, %sign3A_175, %sign3A_182 : i32
        %rem3A_184 = arith.remsi %while3A_25, %jit3A_169 : i32
        %ne3A_185 = arith.constant 0 : i32
        %ne3A_186 = arith.cmpi ne, %rem3A_184, %ne3A_185 : i32
        %and3A_187 = arith.andi %ne3A_183, %ne3A_186 : i1
        %sub3A = arith.constant 1 : i32
        %sub3A_188 = arith.subi %div3A, %sub3A : i32
        %select_n3A_189 = arith.select %and3A_187, %sub3A_188, %div3A : i32
        %mul3A_190 = arith.constant 32 : i32
        %mul3A_191 = arith.muli %select_n3A_189, %mul3A_190 : i32
        %add3A_192 = arith.addi %select_n3A, %mul3A_191 : i32
        "tpu.region"() ({
          %run_scoped3A = tpu.sem_alloc : memref<!tpu.dma_semaphore, #tpu.memory_space<semaphore_mem>>
          %dma_start3A_193 = arith.constant 0 : i32
          %dma_start3A_194 = tpu.memref_slice %arg3[%add3A_192, %dma_start3A_193] : memref<5152x64xi32, #tpu.memory_space<hbm>> -> memref<32x64xi32, #tpu.memory_space<hbm>>
          %dma_start3A_195 = arith.constant 0 : i32
          %dma_start3A_196 = tpu.memref_slice %arg3[%add3A_192, %dma_start3A_195] : memref<5152x64xi32, #tpu.memory_space<hbm>> -> memref<32x64xi32, #tpu.memory_space<hbm>>
          tpu.enqueue_dma source(%dma_start3A_196 : memref<32x64xi32, #tpu.memory_space<hbm>>) target(%arg7 : memref<32x64xi32, #tpu.memory_space<vmem>>) target_semaphore(%run_scoped3A : memref<!tpu.dma_semaphore, #tpu.memory_space<semaphore_mem>>)
          %dma_wait3A_197 = arith.constant 0 : i32
          %dma_wait3A_198 = tpu.memref_slice %arg3[%add3A_192, %dma_wait3A_197] : memref<5152x64xi32, #tpu.memory_space<hbm>> -> memref<32x64xi32, #tpu.memory_space<hbm>>
          %dma_wait3A_199 = arith.constant 0 : i32
          %dma_wait3A_200 = tpu.memref_slice %arg3[%add3A_192, %dma_wait3A_199] : memref<5152x64xi32, #tpu.memory_space<hbm>> -> memref<32x64xi32, #tpu.memory_space<hbm>>
          tpu.wait_dma2 semaphore(%run_scoped3A : memref<!tpu.dma_semaphore, #tpu.memory_space<semaphore_mem>>) src(%dma_wait3A_200 : memref<32x64xi32, #tpu.memory_space<hbm>>) dst(%arg7 : memref<32x64xi32, #tpu.memory_space<vmem>>)
          tpu.yield
        }) : () -> ()
        "tpu.region"() ({
          %run_scoped3A = tpu.sem_alloc : memref<!tpu.dma_semaphore, #tpu.memory_space<semaphore_mem>>
          %dma_start3A_193 = arith.constant 0 : i32
          %dma_start3A_194 = tpu.memref_slice %arg4[%add3A_192, %dma_start3A_193] : memref<5152x64xi32, #tpu.memory_space<hbm>> -> memref<32x64xi32, #tpu.memory_space<hbm>>
          %dma_start3A_195 = arith.constant 0 : i32
          %dma_start3A_196 = tpu.memref_slice %arg4[%add3A_192, %dma_start3A_195] : memref<5152x64xi32, #tpu.memory_space<hbm>> -> memref<32x64xi32, #tpu.memory_space<hbm>>
          tpu.enqueue_dma source(%dma_start3A_196 : memref<32x64xi32, #tpu.memory_space<hbm>>) target(%arg8 : memref<32x64xi32, #tpu.memory_space<vmem>>) target_semaphore(%run_scoped3A : memref<!tpu.dma_semaphore, #tpu.memory_space<semaphore_mem>>)
          %dma_wait3A_197 = arith.constant 0 : i32
          %dma_wait3A_198 = tpu.memref_slice %arg4[%add3A_192, %dma_wait3A_197] : memref<5152x64xi32, #tpu.memory_space<hbm>> -> memref<32x64xi32, #tpu.memory_space<hbm>>
          %dma_wait3A_199 = arith.constant 0 : i32
          %dma_wait3A_200 = tpu.memref_slice %arg4[%add3A_192, %dma_wait3A_199] : memref<5152x64xi32, #tpu.memory_space<hbm>> -> memref<32x64xi32, #tpu.memory_space<hbm>>
          tpu.wait_dma2 semaphore(%run_scoped3A : memref<!tpu.dma_semaphore, #tpu.memory_space<semaphore_mem>>) src(%dma_wait3A_200 : memref<32x64xi32, #tpu.memory_space<hbm>>) dst(%arg8 : memref<32x64xi32, #tpu.memory_space<vmem>>)
          tpu.yield
        }) : () -> ()
      } else {
      }
      %jit3A_41 = arith.constant 8 : i32
      %eq3A_42 = arith.constant 0 : i32
      %eq3A_43 = arith.cmpi eq, %jit3A_41, %eq3A_42 : i32
      %jit3A_44 = arith.constant 1 : i32
      %select_n3A_45 = arith.select %eq3A_43, %jit3A_44, %jit3A_41 : i32
      %rem3A_46 = arith.remsi %while3A_25, %select_n3A_45 : i32
      %ne3A_47 = arith.constant 0 : i32
      %ne3A_48 = arith.cmpi ne, %rem3A_46, %ne3A_47 : i32
      %lt3A_49 = arith.constant 0 : i32
      %lt3A_50 = arith.cmpi slt, %rem3A_46, %lt3A_49 : i32
      %lt3A_51 = arith.constant 0 : i32
      %lt3A_52 = arith.cmpi slt, %select_n3A_45, %lt3A_51 : i32
      %ne3A_53 = arith.xori %lt3A_50, %lt3A_52 : i1
      %and3A_54 = arith.andi %ne3A_53, %ne3A_48 : i1
      %add3A_55 = arith.addi %rem3A_46, %select_n3A_45 : i32
      %select_n3A_56 = arith.select %and3A_54, %add3A_55, %rem3A_46 : i32
      %mul3A_57 = arith.constant 4 : i32
      %mul3A_58 = arith.muli %select_n3A_56, %mul3A_57 : i32
      %add3A_59 = arith.constant 0 : i32
      %add3A_60 = arith.addi %mul3A_58, %add3A_59 : i32
      %dma_start3A = arith.constant 0 : i32
      %dma_start3A_61 = tpu.memref_slice %arg7[%add3A_60, %dma_start3A] : memref<32x64xi32, #tpu.memory_space<vmem>> -> memref<1x64xi32, #tpu.memory_space<vmem>>
      %dma_start3A_62 = tpu.memref_squeeze %dma_start3A_61 : memref<1x64xi32, #tpu.memory_space<vmem>> -> memref<64xi32, #tpu.memory_space<vmem>>
      %dma_start3A_63 = arith.constant 0 : i32
      %dma_start3A_64 = arith.constant 0 : i32
      %dma_start3A_65 = tpu.memref_slice %arg2[%dma_start3A_63, %dma_start3A_64] : memref<10240x128xf32, #tpu.memory_space<hbm>> -> memref<10240x128xf32, #tpu.memory_space<hbm>>
      tpu.enqueue_indirect_dma source(%dma_start3A_65 : memref<10240x128xf32, #tpu.memory_space<hbm>>) target(%arg9 : memref<64x128xf32, #tpu.memory_space<vmem>>) offsets(%dma_start3A_62 : memref<64xi32, #tpu.memory_space<vmem>>) semaphore(%arg14 : memref<!tpu.dma_semaphore, #tpu.memory_space<semaphore_mem>>)
      %add3A_66 = arith.constant 1 : i32
      %add3A_67 = arith.addi %mul3A_58, %add3A_66 : i32
      %dma_start3A_68 = arith.constant 0 : i32
      %dma_start3A_69 = tpu.memref_slice %arg7[%add3A_67, %dma_start3A_68] : memref<32x64xi32, #tpu.memory_space<vmem>> -> memref<1x64xi32, #tpu.memory_space<vmem>>
      %dma_start3A_70 = tpu.memref_squeeze %dma_start3A_69 : memref<1x64xi32, #tpu.memory_space<vmem>> -> memref<64xi32, #tpu.memory_space<vmem>>
      %dma_start3A_71 = arith.constant 0 : i32
      %dma_start3A_72 = arith.constant 0 : i32
      %dma_start3A_73 = tpu.memref_slice %arg2[%dma_start3A_71, %dma_start3A_72] : memref<10240x128xf32, #tpu.memory_space<hbm>> -> memref<10240x128xf32, #tpu.memory_space<hbm>>
      tpu.enqueue_indirect_dma source(%dma_start3A_73 : memref<10240x128xf32, #tpu.memory_space<hbm>>) target(%arg10 : memref<64x128xf32, #tpu.memory_space<vmem>>) offsets(%dma_start3A_70 : memref<64xi32, #tpu.memory_space<vmem>>) semaphore(%arg14 : memref<!tpu.dma_semaphore, #tpu.memory_space<semaphore_mem>>)
      %add3A_74 = arith.constant 2 : i32
      %add3A_75 = arith.addi %mul3A_58, %add3A_74 : i32
      %dma_start3A_76 = arith.constant 0 : i32
      %dma_start3A_77 = tpu.memref_slice %arg7[%add3A_75, %dma_start3A_76] : memref<32x64xi32, #tpu.memory_space<vmem>> -> memref<1x64xi32, #tpu.memory_space<vmem>>
      %dma_start3A_78 = tpu.memref_squeeze %dma_start3A_77 : memref<1x64xi32, #tpu.memory_space<vmem>> -> memref<64xi32, #tpu.memory_space<vmem>>
      %dma_start3A_79 = arith.constant 0 : i32
      %dma_start3A_80 = arith.constant 0 : i32
      %dma_start3A_81 = tpu.memref_slice %arg2[%dma_start3A_79, %dma_start3A_80] : memref<10240x128xf32, #tpu.memory_space<hbm>> -> memref<10240x128xf32, #tpu.memory_space<hbm>>
      tpu.enqueue_indirect_dma source(%dma_start3A_81 : memref<10240x128xf32, #tpu.memory_space<hbm>>) target(%arg11 : memref<64x128xf32, #tpu.memory_space<vmem>>) offsets(%dma_start3A_78 : memref<64xi32, #tpu.memory_space<vmem>>) semaphore(%arg14 : memref<!tpu.dma_semaphore, #tpu.memory_space<semaphore_mem>>)
      %add3A_82 = arith.constant 3 : i32
      %add3A_83 = arith.addi %mul3A_58, %add3A_82 : i32
      %dma_start3A_84 = arith.constant 0 : i32
      %dma_start3A_85 = tpu.memref_slice %arg7[%add3A_83, %dma_start3A_84] : memref<32x64xi32, #tpu.memory_space<vmem>> -> memref<1x64xi32, #tpu.memory_space<vmem>>
      %dma_start3A_86 = tpu.memref_squeeze %dma_start3A_85 : memref<1x64xi32, #tpu.memory_space<vmem>> -> memref<64xi32, #tpu.memory_space<vmem>>
      %dma_start3A_87 = arith.constant 0 : i32
      %dma_start3A_88 = arith.constant 0 : i32
      %dma_start3A_89 = tpu.memref_slice %arg2[%dma_start3A_87, %dma_start3A_88] : memref<10240x128xf32, #tpu.memory_space<hbm>> -> memref<10240x128xf32, #tpu.memory_space<hbm>>
      tpu.enqueue_indirect_dma source(%dma_start3A_89 : memref<10240x128xf32, #tpu.memory_space<hbm>>) target(%arg12 : memref<64x128xf32, #tpu.memory_space<vmem>>) offsets(%dma_start3A_86 : memref<64xi32, #tpu.memory_space<vmem>>) semaphore(%arg14 : memref<!tpu.dma_semaphore, #tpu.memory_space<semaphore_mem>>)
      %dma_wait3A = arith.constant 0 : i32
      %dma_wait3A_90 = tpu.memref_slice %arg7[%add3A_60, %dma_wait3A] : memref<32x64xi32, #tpu.memory_space<vmem>> -> memref<1x64xi32, #tpu.memory_space<vmem>>
      %dma_wait3A_91 = tpu.memref_squeeze %dma_wait3A_90 : memref<1x64xi32, #tpu.memory_space<vmem>> -> memref<64xi32, #tpu.memory_space<vmem>>
      %dma_wait3A_92 = arith.constant 0 : i32
      %dma_wait3A_93 = arith.constant 0 : i32
      %dma_wait3A_94 = tpu.memref_slice %arg2[%dma_wait3A_92, %dma_wait3A_93] : memref<10240x128xf32, #tpu.memory_space<hbm>> -> memref<10240x128xf32, #tpu.memory_space<hbm>>
      tpu.wait_indirect_dma semaphore(%arg14 : memref<!tpu.dma_semaphore, #tpu.memory_space<semaphore_mem>>) src(%dma_wait3A_94 : memref<10240x128xf32, #tpu.memory_space<hbm>>) dst(%arg9 : memref<64x128xf32, #tpu.memory_space<vmem>>)
      %dma_wait3A_95 = arith.constant 0 : i32
      %dma_wait3A_96 = tpu.memref_slice %arg7[%add3A_67, %dma_wait3A_95] : memref<32x64xi32, #tpu.memory_space<vmem>> -> memref<1x64xi32, #tpu.memory_space<vmem>>
      %dma_wait3A_97 = tpu.memref_squeeze %dma_wait3A_96 : memref<1x64xi32, #tpu.memory_space<vmem>> -> memref<64xi32, #tpu.memory_space<vmem>>
      %dma_wait3A_98 = arith.constant 0 : i32
      %dma_wait3A_99 = arith.constant 0 : i32
      %dma_wait3A_100 = tpu.memref_slice %arg2[%dma_wait3A_98, %dma_wait3A_99] : memref<10240x128xf32, #tpu.memory_space<hbm>> -> memref<10240x128xf32, #tpu.memory_space<hbm>>
      tpu.wait_indirect_dma semaphore(%arg14 : memref<!tpu.dma_semaphore, #tpu.memory_space<semaphore_mem>>) src(%dma_wait3A_100 : memref<10240x128xf32, #tpu.memory_space<hbm>>) dst(%arg10 : memref<64x128xf32, #tpu.memory_space<vmem>>)
      %dma_wait3A_101 = arith.constant 0 : i32
      %dma_wait3A_102 = tpu.memref_slice %arg7[%add3A_75, %dma_wait3A_101] : memref<32x64xi32, #tpu.memory_space<vmem>> -> memref<1x64xi32, #tpu.memory_space<vmem>>
      %dma_wait3A_103 = tpu.memref_squeeze %dma_wait3A_102 : memref<1x64xi32, #tpu.memory_space<vmem>> -> memref<64xi32, #tpu.memory_space<vmem>>
      %dma_wait3A_104 = arith.constant 0 : i32
      %dma_wait3A_105 = arith.constant 0 : i32
      %dma_wait3A_106 = tpu.memref_slice %arg2[%dma_wait3A_104, %dma_wait3A_105] : memref<10240x128xf32, #tpu.memory_space<hbm>> -> memref<10240x128xf32, #tpu.memory_space<hbm>>
      tpu.wait_indirect_dma semaphore(%arg14 : memref<!tpu.dma_semaphore, #tpu.memory_space<semaphore_mem>>) src(%dma_wait3A_106 : memref<10240x128xf32, #tpu.memory_space<hbm>>) dst(%arg11 : memref<64x128xf32, #tpu.memory_space<vmem>>)
      %dma_wait3A_107 = arith.constant 0 : i32
      %dma_wait3A_108 = tpu.memref_slice %arg7[%add3A_83, %dma_wait3A_107] : memref<32x64xi32, #tpu.memory_space<vmem>> -> memref<1x64xi32, #tpu.memory_space<vmem>>
      %dma_wait3A_109 = tpu.memref_squeeze %dma_wait3A_108 : memref<1x64xi32, #tpu.memory_space<vmem>> -> memref<64xi32, #tpu.memory_space<vmem>>
      %dma_wait3A_110 = arith.constant 0 : i32
      %dma_wait3A_111 = arith.constant 0 : i32
      %dma_wait3A_112 = tpu.memref_slice %arg2[%dma_wait3A_110, %dma_wait3A_111] : memref<10240x128xf32, #tpu.memory_space<hbm>> -> memref<10240x128xf32, #tpu.memory_space<hbm>>
      tpu.wait_indirect_dma semaphore(%arg14 : memref<!tpu.dma_semaphore, #tpu.memory_space<semaphore_mem>>) src(%dma_wait3A_112 : memref<10240x128xf32, #tpu.memory_space<hbm>>) dst(%arg12 : memref<64x128xf32, #tpu.memory_space<vmem>>)
      %add3A_113 = arith.constant 0 : i32
      %add3A_114 = arith.addi %mul3A_58, %add3A_113 : i32
      %dma_start3A_115 = arith.constant 0 : i32
      %dma_start3A_116 = tpu.memref_slice %arg8[%add3A_114, %dma_start3A_115] : memref<32x64xi32, #tpu.memory_space<vmem>> -> memref<1x64xi32, #tpu.memory_space<vmem>>
      %dma_start3A_117 = tpu.memref_squeeze %dma_start3A_116 : memref<1x64xi32, #tpu.memory_space<vmem>> -> memref<64xi32, #tpu.memory_space<vmem>>
      %dma_start3A_118 = arith.constant 0 : i32
      %dma_start3A_119 = arith.constant 0 : i32
      %dma_start3A_120 = tpu.memref_slice %arg13[%dma_start3A_118, %dma_start3A_119] : memref<10240x128xf32, #tpu.memory_space<vmem_shared>> -> memref<10240x128xf32, #tpu.memory_space<vmem_shared>>
      tpu.enqueue_indirect_dma source(%arg9 : memref<64x128xf32, #tpu.memory_space<vmem>>) target(%dma_start3A_120 : memref<10240x128xf32, #tpu.memory_space<vmem_shared>>) offsets(%dma_start3A_117 : memref<64xi32, #tpu.memory_space<vmem>>) semaphore(%arg15 : memref<!tpu.dma_semaphore, #tpu.memory_space<semaphore_mem>>) {add = true}
      %add3A_121 = arith.constant 1 : i32
      %add3A_122 = arith.addi %mul3A_58, %add3A_121 : i32
      %dma_start3A_123 = arith.constant 0 : i32
      %dma_start3A_124 = tpu.memref_slice %arg8[%add3A_122, %dma_start3A_123] : memref<32x64xi32, #tpu.memory_space<vmem>> -> memref<1x64xi32, #tpu.memory_space<vmem>>
      %dma_start3A_125 = tpu.memref_squeeze %dma_start3A_124 : memref<1x64xi32, #tpu.memory_space<vmem>> -> memref<64xi32, #tpu.memory_space<vmem>>
      %dma_start3A_126 = arith.constant 0 : i32
      %dma_start3A_127 = arith.constant 0 : i32
      %dma_start3A_128 = tpu.memref_slice %arg13[%dma_start3A_126, %dma_start3A_127] : memref<10240x128xf32, #tpu.memory_space<vmem_shared>> -> memref<10240x128xf32, #tpu.memory_space<vmem_shared>>
      tpu.enqueue_indirect_dma source(%arg10 : memref<64x128xf32, #tpu.memory_space<vmem>>) target(%dma_start3A_128 : memref<10240x128xf32, #tpu.memory_space<vmem_shared>>) offsets(%dma_start3A_125 : memref<64xi32, #tpu.memory_space<vmem>>) semaphore(%arg15 : memref<!tpu.dma_semaphore, #tpu.memory_space<semaphore_mem>>) {add = true}
      %add3A_129 = arith.constant 2 : i32
      %add3A_130 = arith.addi %mul3A_58, %add3A_129 : i32
      %dma_start3A_131 = arith.constant 0 : i32
      %dma_start3A_132 = tpu.memref_slice %arg8[%add3A_130, %dma_start3A_131] : memref<32x64xi32, #tpu.memory_space<vmem>> -> memref<1x64xi32, #tpu.memory_space<vmem>>
      %dma_start3A_133 = tpu.memref_squeeze %dma_start3A_132 : memref<1x64xi32, #tpu.memory_space<vmem>> -> memref<64xi32, #tpu.memory_space<vmem>>
      %dma_start3A_134 = arith.constant 0 : i32
      %dma_start3A_135 = arith.constant 0 : i32
      %dma_start3A_136 = tpu.memref_slice %arg13[%dma_start3A_134, %dma_start3A_135] : memref<10240x128xf32, #tpu.memory_space<vmem_shared>> -> memref<10240x128xf32, #tpu.memory_space<vmem_shared>>
      tpu.enqueue_indirect_dma source(%arg11 : memref<64x128xf32, #tpu.memory_space<vmem>>) target(%dma_start3A_136 : memref<10240x128xf32, #tpu.memory_space<vmem_shared>>) offsets(%dma_start3A_133 : memref<64xi32, #tpu.memory_space<vmem>>) semaphore(%arg15 : memref<!tpu.dma_semaphore, #tpu.memory_space<semaphore_mem>>) {add = true}
      %add3A_137 = arith.constant 3 : i32
      %add3A_138 = arith.addi %mul3A_58, %add3A_137 : i32
      %dma_start3A_139 = arith.constant 0 : i32
      %dma_start3A_140 = tpu.memref_slice %arg8[%add3A_138, %dma_start3A_139] : memref<32x64xi32, #tpu.memory_space<vmem>> -> memref<1x64xi32, #tpu.memory_space<vmem>>
      %dma_start3A_141 = tpu.memref_squeeze %dma_start3A_140 : memref<1x64xi32, #tpu.memory_space<vmem>> -> memref<64xi32, #tpu.memory_space<vmem>>
      %dma_start3A_142 = arith.constant 0 : i32
      %dma_start3A_143 = arith.constant 0 : i32
      %dma_start3A_144 = tpu.memref_slice %arg13[%dma_start3A_142, %dma_start3A_143] : memref<10240x128xf32, #tpu.memory_space<vmem_shared>> -> memref<10240x128xf32, #tpu.memory_space<vmem_shared>>
      tpu.enqueue_indirect_dma source(%arg12 : memref<64x128xf32, #tpu.memory_space<vmem>>) target(%dma_start3A_144 : memref<10240x128xf32, #tpu.memory_space<vmem_shared>>) offsets(%dma_start3A_141 : memref<64xi32, #tpu.memory_space<vmem>>) semaphore(%arg15 : memref<!tpu.dma_semaphore, #tpu.memory_space<semaphore_mem>>) {add = true}
      %dma_wait3A_145 = arith.constant 0 : i32
      %dma_wait3A_146 = tpu.memref_slice %arg8[%add3A_114, %dma_wait3A_145] : memref<32x64xi32, #tpu.memory_space<vmem>> -> memref<1x64xi32, #tpu.memory_space<vmem>>
      %dma_wait3A_147 = tpu.memref_squeeze %dma_wait3A_146 : memref<1x64xi32, #tpu.memory_space<vmem>> -> memref<64xi32, #tpu.memory_space<vmem>>
      %dma_wait3A_148 = arith.constant 0 : i32
      %dma_wait3A_149 = arith.constant 0 : i32
      %dma_wait3A_150 = tpu.memref_slice %arg13[%dma_wait3A_148, %dma_wait3A_149] : memref<10240x128xf32, #tpu.memory_space<vmem_shared>> -> memref<10240x128xf32, #tpu.memory_space<vmem_shared>>
      tpu.wait_indirect_dma semaphore(%arg15 : memref<!tpu.dma_semaphore, #tpu.memory_space<semaphore_mem>>) src(%arg9 : memref<64x128xf32, #tpu.memory_space<vmem>>) dst(%dma_wait3A_150 : memref<10240x128xf32, #tpu.memory_space<vmem_shared>>)
      %dma_wait3A_151 = arith.constant 0 : i32
      %dma_wait3A_152 = tpu.memref_slice %arg8[%add3A_122, %dma_wait3A_151] : memref<32x64xi32, #tpu.memory_space<vmem>> -> memref<1x64xi32, #tpu.memory_space<vmem>>
      %dma_wait3A_153 = tpu.memref_squeeze %dma_wait3A_152 : memref<1x64xi32, #tpu.memory_space<vmem>> -> memref<64xi32, #tpu.memory_space<vmem>>
      %dma_wait3A_154 = arith.constant 0 : i32
      %dma_wait3A_155 = arith.constant 0 : i32
      %dma_wait3A_156 = tpu.memref_slice %arg13[%dma_wait3A_154, %dma_wait3A_155] : memref<10240x128xf32, #tpu.memory_space<vmem_shared>> -> memref<10240x128xf32, #tpu.memory_space<vmem_shared>>
      tpu.wait_indirect_dma semaphore(%arg15 : memref<!tpu.dma_semaphore, #tpu.memory_space<semaphore_mem>>) src(%arg10 : memref<64x128xf32, #tpu.memory_space<vmem>>) dst(%dma_wait3A_156 : memref<10240x128xf32, #tpu.memory_space<vmem_shared>>)
      %dma_wait3A_157 = arith.constant 0 : i32
      %dma_wait3A_158 = tpu.memref_slice %arg8[%add3A_130, %dma_wait3A_157] : memref<32x64xi32, #tpu.memory_space<vmem>> -> memref<1x64xi32, #tpu.memory_space<vmem>>
      %dma_wait3A_159 = tpu.memref_squeeze %dma_wait3A_158 : memref<1x64xi32, #tpu.memory_space<vmem>> -> memref<64xi32, #tpu.memory_space<vmem>>
      %dma_wait3A_160 = arith.constant 0 : i32
      %dma_wait3A_161 = arith.constant 0 : i32
      %dma_wait3A_162 = tpu.memref_slice %arg13[%dma_wait3A_160, %dma_wait3A_161] : memref<10240x128xf32, #tpu.memory_space<vmem_shared>> -> memref<10240x128xf32, #tpu.memory_space<vmem_shared>>
      tpu.wait_indirect_dma semaphore(%arg15 : memref<!tpu.dma_semaphore, #tpu.memory_space<semaphore_mem>>) src(%arg11 : memref<64x128xf32, #tpu.memory_space<vmem>>) dst(%dma_wait3A_162 : memref<10240x128xf32, #tpu.memory_space<vmem_shared>>)
      %dma_wait3A_163 = arith.constant 0 : i32
      %dma_wait3A_164 = tpu.memref_slice %arg8[%add3A_138, %dma_wait3A_163] : memref<32x64xi32, #tpu.memory_space<vmem>> -> memref<1x64xi32, #tpu.memory_space<vmem>>
      %dma_wait3A_165 = tpu.memref_squeeze %dma_wait3A_164 : memref<1x64xi32, #tpu.memory_space<vmem>> -> memref<64xi32, #tpu.memory_space<vmem>>
      %dma_wait3A_166 = arith.constant 0 : i32
      %dma_wait3A_167 = arith.constant 0 : i32
      %dma_wait3A_168 = tpu.memref_slice %arg13[%dma_wait3A_166, %dma_wait3A_167] : memref<10240x128xf32, #tpu.memory_space<vmem_shared>> -> memref<10240x128xf32, #tpu.memory_space<vmem_shared>>
      tpu.wait_indirect_dma semaphore(%arg15 : memref<!tpu.dma_semaphore, #tpu.memory_space<semaphore_mem>>) src(%arg12 : memref<64x128xf32, #tpu.memory_space<vmem>>) dst(%dma_wait3A_168 : memref<10240x128xf32, #tpu.memory_space<vmem_shared>>)
    }
    %barrier3A_20 = arith.constant 0 : index
    tpu.barrier barrier_id(%barrier3A_20)
    %mul3A_21 = arith.constant 640 : i32
    %mul3A_22 = arith.muli %arg1, %mul3A_21 : i32
    %mul3A_23 = arith.constant 640 : i32
    %mul3A_24 = arith.muli %arg1, %mul3A_23 : i32
    "tpu.region"() ({
      %run_scoped3A = tpu.sem_alloc : memref<!tpu.dma_semaphore, #tpu.memory_space<semaphore_mem>>
      %dma_start3A = arith.constant 0 : i32
      %dma_start3A_25 = tpu.memref_slice %arg6[%arg0, %mul3A_24, %dma_start3A] : memref<2x10240x128xf32, #tpu.memory_space<hbm>> -> memref<1x640x128xf32, #tpu.memory_space<hbm>>
      %dma_start3A_26 = tpu.memref_squeeze %dma_start3A_25 : memref<1x640x128xf32, #tpu.memory_space<hbm>> -> memref<640x128xf32, #tpu.memory_space<hbm>>
      %dma_start3A_27 = arith.constant 0 : i32
      %dma_start3A_28 = tpu.memref_slice %arg13[%mul3A_22, %dma_start3A_27] : memref<10240x128xf32, #tpu.memory_space<vmem_shared>> -> memref<640x128xf32, #tpu.memory_space<vmem_shared>>
      tpu.enqueue_dma source(%dma_start3A_28 : memref<640x128xf32, #tpu.memory_space<vmem_shared>>) target(%dma_start3A_26 : memref<640x128xf32, #tpu.memory_space<hbm>>) target_semaphore(%run_scoped3A : memref<!tpu.dma_semaphore, #tpu.memory_space<semaphore_mem>>)
      %dma_wait3A = arith.constant 0 : i32
      %dma_wait3A_29 = tpu.memref_slice %arg6[%arg0, %mul3A_24, %dma_wait3A] : memref<2x10240x128xf32, #tpu.memory_space<hbm>> -> memref<1x640x128xf32, #tpu.memory_space<hbm>>
      %dma_wait3A_30 = tpu.memref_squeeze %dma_wait3A_29 : memref<1x640x128xf32, #tpu.memory_space<hbm>> -> memref<640x128xf32, #tpu.memory_space<hbm>>
      %dma_wait3A_31 = arith.constant 0 : i32
      %dma_wait3A_32 = tpu.memref_slice %arg13[%mul3A_22, %dma_wait3A_31] : memref<10240x128xf32, #tpu.memory_space<vmem_shared>> -> memref<640x128xf32, #tpu.memory_space<vmem_shared>>
      tpu.wait_dma2 semaphore(%run_scoped3A : memref<!tpu.dma_semaphore, #tpu.memory_space<semaphore_mem>>) src(%dma_wait3A_32 : memref<640x128xf32, #tpu.memory_space<vmem_shared>>) dst(%dma_wait3A_30 : memref<640x128xf32, #tpu.memory_space<hbm>>)
      tpu.yield
    }) : () -> ()
    return
  }
}

#map = affine_map<(d0, d1) -> (0, 0)>
#map1 = affine_map<(d0, d1) -> (0, 0, 0)>
module attributes {stable_mosaic.version = 14 : i64} {
  func.func @k(%arg0: i32, %arg1: i32, %arg2: memref<10240x128xf32, #tpu.memory_space<hbm>>, %arg3: memref<5152x64xi32, #tpu.memory_space<hbm>>, %arg4: memref<5152x64xi32, #tpu.memory_space<hbm>>, %arg5: memref<640x128xf32, #tpu.memory_space<hbm>>, %arg6: memref<2x10240x128xf32, #tpu.memory_space<hbm>>, %arg7: memref<32x64xi32, #tpu.memory_space<vmem>>, %arg8: memref<32x64xi32, #tpu.memory_space<vmem>>, %arg9: memref<64x128xf32, #tpu.memory_space<vmem>>, %arg10: memref<64x128xf32, #tpu.memory_space<vmem>>, %arg11: memref<64x128xf32, #tpu.memory_space<vmem>>, %arg12: memref<64x128xf32, #tpu.memory_space<vmem>>, %arg13: memref<10240x128xf32, #tpu.memory_space<vmem_shared>>, %arg14: memref<!tpu.dma_semaphore, #tpu.memory_space<semaphore_mem>>, %arg15: memref<!tpu.dma_semaphore, #tpu.memory_space<semaphore_mem>>) attributes {dimension_semantics = [#tpu.dimension_semantics<core_parallel>, #tpu.dimension_semantics<subcore_parallel>], iteration_bounds = array<i64: 2, 16>, scalar_prefetch = 0 : i64, scratch_operands = 9 : i64, tpu.core_type = #tpu.core_type<sc_vector_subcore>, window_params = [{transform_indices = #map}, {transform_indices = #map}, {transform_indices = #map}, {transform_indices = #map}, {transform_indices = #map1}]} {
    %eq3A = arith.constant 0 : i32
    %eq3A_0 = arith.cmpi eq, %arg0, %eq3A : i32
    %mul3A = arith.constant 304 : i32
    %mul3A_1 = arith.muli %arg1, %mul3A : i32
    %mul3A_2 = arith.constant 16 : i32
    %mul3A_3 = arith.muli %arg1, %mul3A_2 : i32
    %add3A = arith.constant 4864 : i32
    %add3A_4 = arith.addi %add3A, %mul3A_3 : i32
    %select_n3A = arith.select %eq3A_0, %mul3A_1, %add3A_4 : i32
    %eq3A_5 = arith.constant 0 : i32
    %eq3A_6 = arith.cmpi eq, %arg0, %eq3A_5 : i32
    %jit3A = arith.constant 76 : i32
    %jit3A_7 = arith.constant 4 : i32
    %select_n3A_8 = arith.select %eq3A_6, %jit3A, %jit3A_7 : i32
    %mul3A_9 = arith.constant 640 : i32
    %mul3A_10 = arith.muli %arg1, %mul3A_9 : i32
    "tpu.region"() ({
      %run_scoped3A = tpu.sem_alloc : memref<!tpu.dma_semaphore, #tpu.memory_space<semaphore_mem>>
      %dma_start3A = arith.constant 0 : i32
      %dma_start3A_25 = tpu.memref_slice %arg13[%mul3A_10, %dma_start3A] : memref<10240x128xf32, #tpu.memory_space<vmem_shared>> -> memref<640x128xf32, #tpu.memory_space<vmem_shared>>
      tpu.enqueue_dma source(%arg5 : memref<640x128xf32, #tpu.memory_space<hbm>>) target(%dma_start3A_25 : memref<640x128xf32, #tpu.memory_space<vmem_shared>>) target_semaphore(%run_scoped3A : memref<!tpu.dma_semaphore, #tpu.memory_space<semaphore_mem>>)
      %dma_wait3A = arith.constant 0 : i32
      %dma_wait3A_26 = tpu.memref_slice %arg13[%mul3A_10, %dma_wait3A] : memref<10240x128xf32, #tpu.memory_space<vmem_shared>> -> memref<640x128xf32, #tpu.memory_space<vmem_shared>>
      tpu.wait_dma2 semaphore(%run_scoped3A : memref<!tpu.dma_semaphore, #tpu.memory_space<semaphore_mem>>) src(%arg5 : memref<640x128xf32, #tpu.memory_space<hbm>>) dst(%dma_wait3A_26 : memref<640x128xf32, #tpu.memory_space<vmem_shared>>)
      tpu.yield
    }) : () -> ()
    %barrier3A = arith.constant 0 : index
    tpu.barrier barrier_id(%barrier3A)
    %while3A = arith.constant 0 : i32
    %while3A_11 = arith.constant 0 : i32
    %while3A_12 = arith.subi %select_n3A_8, %while3A_11 : i32
    %while3A_13 = arith.addi %while3A_11, %while3A_12 : i32
    %while3A_14 = arith.constant 1 : i32
    %while3A_15 = arith.divsi %while3A_12, %while3A_14 : i32
    %while3A_16 = arith.muli %while3A_15, %while3A_14 : i32
    %while3A_17 = arith.addi %while3A_11, %while3A_16 : i32
    %while3A_18 = arith.constant 1 : i32
    scf.for %while3A_25 = %while3A_11 to %while3A_17 step %while3A_18  : i32 {
      %jit3A_26 = arith.constant 8 : i32
      %eq3A_27 = arith.constant 0 : i32
      %eq3A_28 = arith.cmpi eq, %jit3A_26, %eq3A_27 : i32
      %jit3A_29 = arith.constant 1 : i32
      %select_n3A_30 = arith.select %eq3A_28, %jit3A_29, %jit3A_26 : i32
      %rem3A = arith.remsi %while3A_25, %select_n3A_30 : i32
      %ne3A = arith.constant 0 : i32
      %ne3A_31 = arith.cmpi ne, %rem3A, %ne3A : i32
      %lt3A = arith.constant 0 : i32
      %lt3A_32 = arith.cmpi slt, %rem3A, %lt3A : i32
      %lt3A_33 = arith.constant 0 : i32
      %lt3A_34 = arith.cmpi slt, %select_n3A_30, %lt3A_33 : i32
      %ne3A_35 = arith.xori %lt3A_32, %lt3A_34 : i1
      %and3A = arith.andi %ne3A_35, %ne3A_31 : i1
      %add3A_36 = arith.addi %rem3A, %select_n3A_30 : i32
      %select_n3A_37 = arith.select %and3A, %add3A_36, %rem3A : i32
      %eq3A_38 = arith.constant 0 : i32
      %eq3A_39 = arith.cmpi eq, %select_n3A_37, %eq3A_38 : i32
      %convert_element_type3A = arith.extui %eq3A_39 : i1 to i32
      %cond3A = arith.constant 0 : i32
      %cond3A_40 = arith.cmpi ne, %convert_element_type3A, %cond3A : i32
      scf.if %cond3A_40 {
        %jit3A_169 = arith.constant 8 : i32
        %div3A = arith.divsi %while3A_25, %jit3A_169 : i32
        %sign3A = arith.constant 0 : i32
        %sign3A_170 = arith.cmpi sgt, %while3A_25, %sign3A : i32
        %sign3A_171 = arith.extui %sign3A_170 : i1 to i32
        %sign3A_172 = arith.constant 0 : i32
        %sign3A_173 = arith.cmpi slt, %while3A_25, %sign3A_172 : i32
        %sign3A_174 = arith.extui %sign3A_173 : i1 to i32
        %sign3A_175 = arith.subi %sign3A_171, %sign3A_174 : i32
        %sign3A_176 = arith.constant 0 : i32
        %sign3A_177 = arith.cmpi sgt, %jit3A_169, %sign3A_176 : i32
        %sign3A_178 = arith.extui %sign3A_177 : i1 to i32
        %sign3A_179 = arith.constant 0 : i32
        %sign3A_180 = arith.cmpi slt, %jit3A_169, %sign3A_179 : i32
        %sign3A_181 = arith.extui %sign3A_180 : i1 to i32
        %sign3A_182 = arith.subi %sign3A_178, %sign3A_181 : i32
        %ne3A_183 = arith.cmpi ne, %sign3A_175, %sign3A_182 : i32
        %rem3A_184 = arith.remsi %while3A_25, %jit3A_169 : i32
        %ne3A_185 = arith.constant 0 : i32
        %ne3A_186 = arith.cmpi ne, %rem3A_184, %ne3A_185 : i32
        %and3A_187 = arith.andi %ne3A_183, %ne3A_186 : i1
        %sub3A = arith.constant 1 : i32
        %sub3A_188 = arith.subi %div3A, %sub3A : i32
        %select_n3A_189 = arith.select %and3A_187, %sub3A_188, %div3A : i32
        %mul3A_190 = arith.constant 32 : i32
        %mul3A_191 = arith.muli %select_n3A_189, %mul3A_190 : i32
        %add3A_192 = arith.addi %select_n3A, %mul3A_191 : i32
        "tpu.region"() ({
          %run_scoped3A = tpu.sem_alloc : memref<!tpu.dma_semaphore, #tpu.memory_space<semaphore_mem>>
          %dma_start3A_193 = arith.constant 0 : i32
          %dma_start3A_194 = tpu.memref_slice %arg3[%add3A_192, %dma_start3A_193] : memref<5152x64xi32, #tpu.memory_space<hbm>> -> memref<32x64xi32, #tpu.memory_space<hbm>>
          %dma_start3A_195 = arith.constant 0 : i32
          %dma_start3A_196 = tpu.memref_slice %arg3[%add3A_192, %dma_start3A_195] : memref<5152x64xi32, #tpu.memory_space<hbm>> -> memref<32x64xi32, #tpu.memory_space<hbm>>
          tpu.enqueue_dma source(%dma_start3A_196 : memref<32x64xi32, #tpu.memory_space<hbm>>) target(%arg7 : memref<32x64xi32, #tpu.memory_space<vmem>>) target_semaphore(%run_scoped3A : memref<!tpu.dma_semaphore, #tpu.memory_space<semaphore_mem>>)
          %dma_wait3A_197 = arith.constant 0 : i32
          %dma_wait3A_198 = tpu.memref_slice %arg3[%add3A_192, %dma_wait3A_197] : memref<5152x64xi32, #tpu.memory_space<hbm>> -> memref<32x64xi32, #tpu.memory_space<hbm>>
          %dma_wait3A_199 = arith.constant 0 : i32
          %dma_wait3A_200 = tpu.memref_slice %arg3[%add3A_192, %dma_wait3A_199] : memref<5152x64xi32, #tpu.memory_space<hbm>> -> memref<32x64xi32, #tpu.memory_space<hbm>>
          tpu.wait_dma2 semaphore(%run_scoped3A : memref<!tpu.dma_semaphore, #tpu.memory_space<semaphore_mem>>) src(%dma_wait3A_200 : memref<32x64xi32, #tpu.memory_space<hbm>>) dst(%arg7 : memref<32x64xi32, #tpu.memory_space<vmem>>)
          tpu.yield
        }) : () -> ()
        "tpu.region"() ({
          %run_scoped3A = tpu.sem_alloc : memref<!tpu.dma_semaphore, #tpu.memory_space<semaphore_mem>>
          %dma_start3A_193 = arith.constant 0 : i32
          %dma_start3A_194 = tpu.memref_slice %arg4[%add3A_192, %dma_start3A_193] : memref<5152x64xi32, #tpu.memory_space<hbm>> -> memref<32x64xi32, #tpu.memory_space<hbm>>
          %dma_start3A_195 = arith.constant 0 : i32
          %dma_start3A_196 = tpu.memref_slice %arg4[%add3A_192, %dma_start3A_195] : memref<5152x64xi32, #tpu.memory_space<hbm>> -> memref<32x64xi32, #tpu.memory_space<hbm>>
          tpu.enqueue_dma source(%dma_start3A_196 : memref<32x64xi32, #tpu.memory_space<hbm>>) target(%arg8 : memref<32x64xi32, #tpu.memory_space<vmem>>) target_semaphore(%run_scoped3A : memref<!tpu.dma_semaphore, #tpu.memory_space<semaphore_mem>>)
          %dma_wait3A_197 = arith.constant 0 : i32
          %dma_wait3A_198 = tpu.memref_slice %arg4[%add3A_192, %dma_wait3A_197] : memref<5152x64xi32, #tpu.memory_space<hbm>> -> memref<32x64xi32, #tpu.memory_space<hbm>>
          %dma_wait3A_199 = arith.constant 0 : i32
          %dma_wait3A_200 = tpu.memref_slice %arg4[%add3A_192, %dma_wait3A_199] : memref<5152x64xi32, #tpu.memory_space<hbm>> -> memref<32x64xi32, #tpu.memory_space<hbm>>
          tpu.wait_dma2 semaphore(%run_scoped3A : memref<!tpu.dma_semaphore, #tpu.memory_space<semaphore_mem>>) src(%dma_wait3A_200 : memref<32x64xi32, #tpu.memory_space<hbm>>) dst(%arg8 : memref<32x64xi32, #tpu.memory_space<vmem>>)
          tpu.yield
        }) : () -> ()
      } else {
      }
      %jit3A_41 = arith.constant 8 : i32
      %eq3A_42 = arith.constant 0 : i32
      %eq3A_43 = arith.cmpi eq, %jit3A_41, %eq3A_42 : i32
      %jit3A_44 = arith.constant 1 : i32
      %select_n3A_45 = arith.select %eq3A_43, %jit3A_44, %jit3A_41 : i32
      %rem3A_46 = arith.remsi %while3A_25, %select_n3A_45 : i32
      %ne3A_47 = arith.constant 0 : i32
      %ne3A_48 = arith.cmpi ne, %rem3A_46, %ne3A_47 : i32
      %lt3A_49 = arith.constant 0 : i32
      %lt3A_50 = arith.cmpi slt, %rem3A_46, %lt3A_49 : i32
      %lt3A_51 = arith.constant 0 : i32
      %lt3A_52 = arith.cmpi slt, %select_n3A_45, %lt3A_51 : i32
      %ne3A_53 = arith.xori %lt3A_50, %lt3A_52 : i1
      %and3A_54 = arith.andi %ne3A_53, %ne3A_48 : i1
      %add3A_55 = arith.addi %rem3A_46, %select_n3A_45 : i32
      %select_n3A_56 = arith.select %and3A_54, %add3A_55, %rem3A_46 : i32
      %mul3A_57 = arith.constant 4 : i32
      %mul3A_58 = arith.muli %select_n3A_56, %mul3A_57 : i32
      %add3A_59 = arith.constant 0 : i32
      %add3A_60 = arith.addi %mul3A_58, %add3A_59 : i32
      %dma_start3A = arith.constant 0 : i32
      %dma_start3A_61 = tpu.memref_slice %arg7[%add3A_60, %dma_start3A] : memref<32x64xi32, #tpu.memory_space<vmem>> -> memref<1x64xi32, #tpu.memory_space<vmem>>
      %dma_start3A_62 = tpu.memref_squeeze %dma_start3A_61 : memref<1x64xi32, #tpu.memory_space<vmem>> -> memref<64xi32, #tpu.memory_space<vmem>>
      %dma_start3A_63 = arith.constant 0 : i32
      %dma_start3A_64 = arith.constant 0 : i32
      %dma_start3A_65 = tpu.memref_slice %arg2[%dma_start3A_63, %dma_start3A_64] : memref<10240x128xf32, #tpu.memory_space<hbm>> -> memref<10240x128xf32, #tpu.memory_space<hbm>>
      tpu.enqueue_indirect_dma source(%dma_start3A_65 : memref<10240x128xf32, #tpu.memory_space<hbm>>) target(%arg9 : memref<64x128xf32, #tpu.memory_space<vmem>>) offsets(%dma_start3A_62 : memref<64xi32, #tpu.memory_space<vmem>>) semaphore(%arg14 : memref<!tpu.dma_semaphore, #tpu.memory_space<semaphore_mem>>)
      %add3A_66 = arith.constant 1 : i32
      %add3A_67 = arith.addi %mul3A_58, %add3A_66 : i32
      %dma_start3A_68 = arith.constant 0 : i32
      %dma_start3A_69 = tpu.memref_slice %arg7[%add3A_67, %dma_start3A_68] : memref<32x64xi32, #tpu.memory_space<vmem>> -> memref<1x64xi32, #tpu.memory_space<vmem>>
      %dma_start3A_70 = tpu.memref_squeeze %dma_start3A_69 : memref<1x64xi32, #tpu.memory_space<vmem>> -> memref<64xi32, #tpu.memory_space<vmem>>
      %dma_start3A_71 = arith.constant 0 : i32
      %dma_start3A_72 = arith.constant 0 : i32
      %dma_start3A_73 = tpu.memref_slice %arg2[%dma_start3A_71, %dma_start3A_72] : memref<10240x128xf32, #tpu.memory_space<hbm>> -> memref<10240x128xf32, #tpu.memory_space<hbm>>
      tpu.enqueue_indirect_dma source(%dma_start3A_73 : memref<10240x128xf32, #tpu.memory_space<hbm>>) target(%arg10 : memref<64x128xf32, #tpu.memory_space<vmem>>) offsets(%dma_start3A_70 : memref<64xi32, #tpu.memory_space<vmem>>) semaphore(%arg14 : memref<!tpu.dma_semaphore, #tpu.memory_space<semaphore_mem>>)
      %add3A_74 = arith.constant 2 : i32
      %add3A_75 = arith.addi %mul3A_58, %add3A_74 : i32
      %dma_start3A_76 = arith.constant 0 : i32
      %dma_start3A_77 = tpu.memref_slice %arg7[%add3A_75, %dma_start3A_76] : memref<32x64xi32, #tpu.memory_space<vmem>> -> memref<1x64xi32, #tpu.memory_space<vmem>>
      %dma_start3A_78 = tpu.memref_squeeze %dma_start3A_77 : memref<1x64xi32, #tpu.memory_space<vmem>> -> memref<64xi32, #tpu.memory_space<vmem>>
      %dma_start3A_79 = arith.constant 0 : i32
      %dma_start3A_80 = arith.constant 0 : i32
      %dma_start3A_81 = tpu.memref_slice %arg2[%dma_start3A_79, %dma_start3A_80] : memref<10240x128xf32, #tpu.memory_space<hbm>> -> memref<10240x128xf32, #tpu.memory_space<hbm>>
      tpu.enqueue_indirect_dma source(%dma_start3A_81 : memref<10240x128xf32, #tpu.memory_space<hbm>>) target(%arg11 : memref<64x128xf32, #tpu.memory_space<vmem>>) offsets(%dma_start3A_78 : memref<64xi32, #tpu.memory_space<vmem>>) semaphore(%arg14 : memref<!tpu.dma_semaphore, #tpu.memory_space<semaphore_mem>>)
      %add3A_82 = arith.constant 3 : i32
      %add3A_83 = arith.addi %mul3A_58, %add3A_82 : i32
      %dma_start3A_84 = arith.constant 0 : i32
      %dma_start3A_85 = tpu.memref_slice %arg7[%add3A_83, %dma_start3A_84] : memref<32x64xi32, #tpu.memory_space<vmem>> -> memref<1x64xi32, #tpu.memory_space<vmem>>
      %dma_start3A_86 = tpu.memref_squeeze %dma_start3A_85 : memref<1x64xi32, #tpu.memory_space<vmem>> -> memref<64xi32, #tpu.memory_space<vmem>>
      %dma_start3A_87 = arith.constant 0 : i32
      %dma_start3A_88 = arith.constant 0 : i32
      %dma_start3A_89 = tpu.memref_slice %arg2[%dma_start3A_87, %dma_start3A_88] : memref<10240x128xf32, #tpu.memory_space<hbm>> -> memref<10240x128xf32, #tpu.memory_space<hbm>>
      tpu.enqueue_indirect_dma source(%dma_start3A_89 : memref<10240x128xf32, #tpu.memory_space<hbm>>) target(%arg12 : memref<64x128xf32, #tpu.memory_space<vmem>>) offsets(%dma_start3A_86 : memref<64xi32, #tpu.memory_space<vmem>>) semaphore(%arg14 : memref<!tpu.dma_semaphore, #tpu.memory_space<semaphore_mem>>)
      %dma_wait3A = arith.constant 0 : i32
      %dma_wait3A_90 = tpu.memref_slice %arg7[%add3A_60, %dma_wait3A] : memref<32x64xi32, #tpu.memory_space<vmem>> -> memref<1x64xi32, #tpu.memory_space<vmem>>
      %dma_wait3A_91 = tpu.memref_squeeze %dma_wait3A_90 : memref<1x64xi32, #tpu.memory_space<vmem>> -> memref<64xi32, #tpu.memory_space<vmem>>
      %dma_wait3A_92 = arith.constant 0 : i32
      %dma_wait3A_93 = arith.constant 0 : i32
      %dma_wait3A_94 = tpu.memref_slice %arg2[%dma_wait3A_92, %dma_wait3A_93] : memref<10240x128xf32, #tpu.memory_space<hbm>> -> memref<10240x128xf32, #tpu.memory_space<hbm>>
      tpu.wait_indirect_dma semaphore(%arg14 : memref<!tpu.dma_semaphore, #tpu.memory_space<semaphore_mem>>) src(%dma_wait3A_94 : memref<10240x128xf32, #tpu.memory_space<hbm>>) dst(%arg9 : memref<64x128xf32, #tpu.memory_space<vmem>>)
      %dma_wait3A_95 = arith.constant 0 : i32
      %dma_wait3A_96 = tpu.memref_slice %arg7[%add3A_67, %dma_wait3A_95] : memref<32x64xi32, #tpu.memory_space<vmem>> -> memref<1x64xi32, #tpu.memory_space<vmem>>
      %dma_wait3A_97 = tpu.memref_squeeze %dma_wait3A_96 : memref<1x64xi32, #tpu.memory_space<vmem>> -> memref<64xi32, #tpu.memory_space<vmem>>
      %dma_wait3A_98 = arith.constant 0 : i32
      %dma_wait3A_99 = arith.constant 0 : i32
      %dma_wait3A_100 = tpu.memref_slice %arg2[%dma_wait3A_98, %dma_wait3A_99] : memref<10240x128xf32, #tpu.memory_space<hbm>> -> memref<10240x128xf32, #tpu.memory_space<hbm>>
      tpu.wait_indirect_dma semaphore(%arg14 : memref<!tpu.dma_semaphore, #tpu.memory_space<semaphore_mem>>) src(%dma_wait3A_100 : memref<10240x128xf32, #tpu.memory_space<hbm>>) dst(%arg10 : memref<64x128xf32, #tpu.memory_space<vmem>>)
      %dma_wait3A_101 = arith.constant 0 : i32
      %dma_wait3A_102 = tpu.memref_slice %arg7[%add3A_75, %dma_wait3A_101] : memref<32x64xi32, #tpu.memory_space<vmem>> -> memref<1x64xi32, #tpu.memory_space<vmem>>
      %dma_wait3A_103 = tpu.memref_squeeze %dma_wait3A_102 : memref<1x64xi32, #tpu.memory_space<vmem>> -> memref<64xi32, #tpu.memory_space<vmem>>
      %dma_wait3A_104 = arith.constant 0 : i32
      %dma_wait3A_105 = arith.constant 0 : i32
      %dma_wait3A_106 = tpu.memref_slice %arg2[%dma_wait3A_104, %dma_wait3A_105] : memref<10240x128xf32, #tpu.memory_space<hbm>> -> memref<10240x128xf32, #tpu.memory_space<hbm>>
      tpu.wait_indirect_dma semaphore(%arg14 : memref<!tpu.dma_semaphore, #tpu.memory_space<semaphore_mem>>) src(%dma_wait3A_106 : memref<10240x128xf32, #tpu.memory_space<hbm>>) dst(%arg11 : memref<64x128xf32, #tpu.memory_space<vmem>>)
      %dma_wait3A_107 = arith.constant 0 : i32
      %dma_wait3A_108 = tpu.memref_slice %arg7[%add3A_83, %dma_wait3A_107] : memref<32x64xi32, #tpu.memory_space<vmem>> -> memref<1x64xi32, #tpu.memory_space<vmem>>
      %dma_wait3A_109 = tpu.memref_squeeze %dma_wait3A_108 : memref<1x64xi32, #tpu.memory_space<vmem>> -> memref<64xi32, #tpu.memory_space<vmem>>
      %dma_wait3A_110 = arith.constant 0 : i32
      %dma_wait3A_111 = arith.constant 0 : i32
      %dma_wait3A_112 = tpu.memref_slice %arg2[%dma_wait3A_110, %dma_wait3A_111] : memref<10240x128xf32, #tpu.memory_space<hbm>> -> memref<10240x128xf32, #tpu.memory_space<hbm>>
      tpu.wait_indirect_dma semaphore(%arg14 : memref<!tpu.dma_semaphore, #tpu.memory_space<semaphore_mem>>) src(%dma_wait3A_112 : memref<10240x128xf32, #tpu.memory_space<hbm>>) dst(%arg12 : memref<64x128xf32, #tpu.memory_space<vmem>>)
      %add3A_113 = arith.constant 0 : i32
      %add3A_114 = arith.addi %mul3A_58, %add3A_113 : i32
      %dma_start3A_115 = arith.constant 0 : i32
      %dma_start3A_116 = tpu.memref_slice %arg8[%add3A_114, %dma_start3A_115] : memref<32x64xi32, #tpu.memory_space<vmem>> -> memref<1x64xi32, #tpu.memory_space<vmem>>
      %dma_start3A_117 = tpu.memref_squeeze %dma_start3A_116 : memref<1x64xi32, #tpu.memory_space<vmem>> -> memref<64xi32, #tpu.memory_space<vmem>>
      %dma_start3A_118 = arith.constant 0 : i32
      %dma_start3A_119 = arith.constant 0 : i32
      %dma_start3A_120 = tpu.memref_slice %arg13[%dma_start3A_118, %dma_start3A_119] : memref<10240x128xf32, #tpu.memory_space<vmem_shared>> -> memref<10240x128xf32, #tpu.memory_space<vmem_shared>>
      tpu.enqueue_indirect_dma source(%arg9 : memref<64x128xf32, #tpu.memory_space<vmem>>) target(%dma_start3A_120 : memref<10240x128xf32, #tpu.memory_space<vmem_shared>>) offsets(%dma_start3A_117 : memref<64xi32, #tpu.memory_space<vmem>>) semaphore(%arg15 : memref<!tpu.dma_semaphore, #tpu.memory_space<semaphore_mem>>) {add = true}
      %add3A_121 = arith.constant 1 : i32
      %add3A_122 = arith.addi %mul3A_58, %add3A_121 : i32
      %dma_start3A_123 = arith.constant 0 : i32
      %dma_start3A_124 = tpu.memref_slice %arg8[%add3A_122, %dma_start3A_123] : memref<32x64xi32, #tpu.memory_space<vmem>> -> memref<1x64xi32, #tpu.memory_space<vmem>>
      %dma_start3A_125 = tpu.memref_squeeze %dma_start3A_124 : memref<1x64xi32, #tpu.memory_space<vmem>> -> memref<64xi32, #tpu.memory_space<vmem>>
      %dma_start3A_126 = arith.constant 0 : i32
      %dma_start3A_127 = arith.constant 0 : i32
      %dma_start3A_128 = tpu.memref_slice %arg13[%dma_start3A_126, %dma_start3A_127] : memref<10240x128xf32, #tpu.memory_space<vmem_shared>> -> memref<10240x128xf32, #tpu.memory_space<vmem_shared>>
      tpu.enqueue_indirect_dma source(%arg10 : memref<64x128xf32, #tpu.memory_space<vmem>>) target(%dma_start3A_128 : memref<10240x128xf32, #tpu.memory_space<vmem_shared>>) offsets(%dma_start3A_125 : memref<64xi32, #tpu.memory_space<vmem>>) semaphore(%arg15 : memref<!tpu.dma_semaphore, #tpu.memory_space<semaphore_mem>>) {add = true}
      %add3A_129 = arith.constant 2 : i32
      %add3A_130 = arith.addi %mul3A_58, %add3A_129 : i32
      %dma_start3A_131 = arith.constant 0 : i32
      %dma_start3A_132 = tpu.memref_slice %arg8[%add3A_130, %dma_start3A_131] : memref<32x64xi32, #tpu.memory_space<vmem>> -> memref<1x64xi32, #tpu.memory_space<vmem>>
      %dma_start3A_133 = tpu.memref_squeeze %dma_start3A_132 : memref<1x64xi32, #tpu.memory_space<vmem>> -> memref<64xi32, #tpu.memory_space<vmem>>
      %dma_start3A_134 = arith.constant 0 : i32
      %dma_start3A_135 = arith.constant 0 : i32
      %dma_start3A_136 = tpu.memref_slice %arg13[%dma_start3A_134, %dma_start3A_135] : memref<10240x128xf32, #tpu.memory_space<vmem_shared>> -> memref<10240x128xf32, #tpu.memory_space<vmem_shared>>
      tpu.enqueue_indirect_dma source(%arg11 : memref<64x128xf32, #tpu.memory_space<vmem>>) target(%dma_start3A_136 : memref<10240x128xf32, #tpu.memory_space<vmem_shared>>) offsets(%dma_start3A_133 : memref<64xi32, #tpu.memory_space<vmem>>) semaphore(%arg15 : memref<!tpu.dma_semaphore, #tpu.memory_space<semaphore_mem>>) {add = true}
      %add3A_137 = arith.constant 3 : i32
      %add3A_138 = arith.addi %mul3A_58, %add3A_137 : i32
      %dma_start3A_139 = arith.constant 0 : i32
      %dma_start3A_140 = tpu.memref_slice %arg8[%add3A_138, %dma_start3A_139] : memref<32x64xi32, #tpu.memory_space<vmem>> -> memref<1x64xi32, #tpu.memory_space<vmem>>
      %dma_start3A_141 = tpu.memref_squeeze %dma_start3A_140 : memref<1x64xi32, #tpu.memory_space<vmem>> -> memref<64xi32, #tpu.memory_space<vmem>>
      %dma_start3A_142 = arith.constant 0 : i32
      %dma_start3A_143 = arith.constant 0 : i32
      %dma_start3A_144 = tpu.memref_slice %arg13[%dma_start3A_142, %dma_start3A_143] : memref<10240x128xf32, #tpu.memory_space<vmem_shared>> -> memref<10240x128xf32, #tpu.memory_space<vmem_shared>>
      tpu.enqueue_indirect_dma source(%arg12 : memref<64x128xf32, #tpu.memory_space<vmem>>) target(%dma_start3A_144 : memref<10240x128xf32, #tpu.memory_space<vmem_shared>>) offsets(%dma_start3A_141 : memref<64xi32, #tpu.memory_space<vmem>>) semaphore(%arg15 : memref<!tpu.dma_semaphore, #tpu.memory_space<semaphore_mem>>) {add = true}
      %dma_wait3A_145 = arith.constant 0 : i32
      %dma_wait3A_146 = tpu.memref_slice %arg8[%add3A_114, %dma_wait3A_145] : memref<32x64xi32, #tpu.memory_space<vmem>> -> memref<1x64xi32, #tpu.memory_space<vmem>>
      %dma_wait3A_147 = tpu.memref_squeeze %dma_wait3A_146 : memref<1x64xi32, #tpu.memory_space<vmem>> -> memref<64xi32, #tpu.memory_space<vmem>>
      %dma_wait3A_148 = arith.constant 0 : i32
      %dma_wait3A_149 = arith.constant 0 : i32
      %dma_wait3A_150 = tpu.memref_slice %arg13[%dma_wait3A_148, %dma_wait3A_149] : memref<10240x128xf32, #tpu.memory_space<vmem_shared>> -> memref<10240x128xf32, #tpu.memory_space<vmem_shared>>
      tpu.wait_indirect_dma semaphore(%arg15 : memref<!tpu.dma_semaphore, #tpu.memory_space<semaphore_mem>>) src(%arg9 : memref<64x128xf32, #tpu.memory_space<vmem>>) dst(%dma_wait3A_150 : memref<10240x128xf32, #tpu.memory_space<vmem_shared>>)
      %dma_wait3A_151 = arith.constant 0 : i32
      %dma_wait3A_152 = tpu.memref_slice %arg8[%add3A_122, %dma_wait3A_151] : memref<32x64xi32, #tpu.memory_space<vmem>> -> memref<1x64xi32, #tpu.memory_space<vmem>>
      %dma_wait3A_153 = tpu.memref_squeeze %dma_wait3A_152 : memref<1x64xi32, #tpu.memory_space<vmem>> -> memref<64xi32, #tpu.memory_space<vmem>>
      %dma_wait3A_154 = arith.constant 0 : i32
      %dma_wait3A_155 = arith.constant 0 : i32
      %dma_wait3A_156 = tpu.memref_slice %arg13[%dma_wait3A_154, %dma_wait3A_155] : memref<10240x128xf32, #tpu.memory_space<vmem_shared>> -> memref<10240x128xf32, #tpu.memory_space<vmem_shared>>
      tpu.wait_indirect_dma semaphore(%arg15 : memref<!tpu.dma_semaphore, #tpu.memory_space<semaphore_mem>>) src(%arg10 : memref<64x128xf32, #tpu.memory_space<vmem>>) dst(%dma_wait3A_156 : memref<10240x128xf32, #tpu.memory_space<vmem_shared>>)
      %dma_wait3A_157 = arith.constant 0 : i32
      %dma_wait3A_158 = tpu.memref_slice %arg8[%add3A_130, %dma_wait3A_157] : memref<32x64xi32, #tpu.memory_space<vmem>> -> memref<1x64xi32, #tpu.memory_space<vmem>>
      %dma_wait3A_159 = tpu.memref_squeeze %dma_wait3A_158 : memref<1x64xi32, #tpu.memory_space<vmem>> -> memref<64xi32, #tpu.memory_space<vmem>>
      %dma_wait3A_160 = arith.constant 0 : i32
      %dma_wait3A_161 = arith.constant 0 : i32
      %dma_wait3A_162 = tpu.memref_slice %arg13[%dma_wait3A_160, %dma_wait3A_161] : memref<10240x128xf32, #tpu.memory_space<vmem_shared>> -> memref<10240x128xf32, #tpu.memory_space<vmem_shared>>
      tpu.wait_indirect_dma semaphore(%arg15 : memref<!tpu.dma_semaphore, #tpu.memory_space<semaphore_mem>>) src(%arg11 : memref<64x128xf32, #tpu.memory_space<vmem>>) dst(%dma_wait3A_162 : memref<10240x128xf32, #tpu.memory_space<vmem_shared>>)
      %dma_wait3A_163 = arith.constant 0 : i32
      %dma_wait3A_164 = tpu.memref_slice %arg8[%add3A_138, %dma_wait3A_163] : memref<32x64xi32, #tpu.memory_space<vmem>> -> memref<1x64xi32, #tpu.memory_space<vmem>>
      %dma_wait3A_165 = tpu.memref_squeeze %dma_wait3A_164 : memref<1x64xi32, #tpu.memory_space<vmem>> -> memref<64xi32, #tpu.memory_space<vmem>>
      %dma_wait3A_166 = arith.constant 0 : i32
      %dma_wait3A_167 = arith.constant 0 : i32
      %dma_wait3A_168 = tpu.memref_slice %arg13[%dma_wait3A_166, %dma_wait3A_167] : memref<10240x128xf32, #tpu.memory_space<vmem_shared>> -> memref<10240x128xf32, #tpu.memory_space<vmem_shared>>
      tpu.wait_indirect_dma semaphore(%arg15 : memref<!tpu.dma_semaphore, #tpu.memory_space<semaphore_mem>>) src(%arg12 : memref<64x128xf32, #tpu.memory_space<vmem>>) dst(%dma_wait3A_168 : memref<10240x128xf32, #tpu.memory_space<vmem_shared>>)
    }
    %while3A_19 = arith.constant 1 : i32
    scf.for %while3A_25 = %while3A_17 to %while3A_13 step %while3A_19  : i32 {
      %jit3A_26 = arith.constant 8 : i32
      %eq3A_27 = arith.constant 0 : i32
      %eq3A_28 = arith.cmpi eq, %jit3A_26, %eq3A_27 : i32
      %jit3A_29 = arith.constant 1 : i32
      %select_n3A_30 = arith.select %eq3A_28, %jit3A_29, %jit3A_26 : i32
      %rem3A = arith.remsi %while3A_25, %select_n3A_30 : i32
      %ne3A = arith.constant 0 : i32
      %ne3A_31 = arith.cmpi ne, %rem3A, %ne3A : i32
      %lt3A = arith.constant 0 : i32
      %lt3A_32 = arith.cmpi slt, %rem3A, %lt3A : i32
      %lt3A_33 = arith.constant 0 : i32
      %lt3A_34 = arith.cmpi slt, %select_n3A_30, %lt3A_33 : i32
      %ne3A_35 = arith.xori %lt3A_32, %lt3A_34 : i1
      %and3A = arith.andi %ne3A_35, %ne3A_31 : i1
      %add3A_36 = arith.addi %rem3A, %select_n3A_30 : i32
      %select_n3A_37 = arith.select %and3A, %add3A_36, %rem3A : i32
      %eq3A_38 = arith.constant 0 : i32
      %eq3A_39 = arith.cmpi eq, %select_n3A_37, %eq3A_38 : i32
      %convert_element_type3A = arith.extui %eq3A_39 : i1 to i32
      %cond3A = arith.constant 0 : i32
      %cond3A_40 = arith.cmpi ne, %convert_element_type3A, %cond3A : i32
      scf.if %cond3A_40 {
        %jit3A_169 = arith.constant 8 : i32
        %div3A = arith.divsi %while3A_25, %jit3A_169 : i32
        %sign3A = arith.constant 0 : i32
        %sign3A_170 = arith.cmpi sgt, %while3A_25, %sign3A : i32
        %sign3A_171 = arith.extui %sign3A_170 : i1 to i32
        %sign3A_172 = arith.constant 0 : i32
        %sign3A_173 = arith.cmpi slt, %while3A_25, %sign3A_172 : i32
        %sign3A_174 = arith.extui %sign3A_173 : i1 to i32
        %sign3A_175 = arith.subi %sign3A_171, %sign3A_174 : i32
        %sign3A_176 = arith.constant 0 : i32
        %sign3A_177 = arith.cmpi sgt, %jit3A_169, %sign3A_176 : i32
        %sign3A_178 = arith.extui %sign3A_177 : i1 to i32
        %sign3A_179 = arith.constant 0 : i32
        %sign3A_180 = arith.cmpi slt, %jit3A_169, %sign3A_179 : i32
        %sign3A_181 = arith.extui %sign3A_180 : i1 to i32
        %sign3A_182 = arith.subi %sign3A_178, %sign3A_181 : i32
        %ne3A_183 = arith.cmpi ne, %sign3A_175, %sign3A_182 : i32
        %rem3A_184 = arith.remsi %while3A_25, %jit3A_169 : i32
        %ne3A_185 = arith.constant 0 : i32
        %ne3A_186 = arith.cmpi ne, %rem3A_184, %ne3A_185 : i32
        %and3A_187 = arith.andi %ne3A_183, %ne3A_186 : i1
        %sub3A = arith.constant 1 : i32
        %sub3A_188 = arith.subi %div3A, %sub3A : i32
        %select_n3A_189 = arith.select %and3A_187, %sub3A_188, %div3A : i32
        %mul3A_190 = arith.constant 32 : i32
        %mul3A_191 = arith.muli %select_n3A_189, %mul3A_190 : i32
        %add3A_192 = arith.addi %select_n3A, %mul3A_191 : i32
        "tpu.region"() ({
          %run_scoped3A = tpu.sem_alloc : memref<!tpu.dma_semaphore, #tpu.memory_space<semaphore_mem>>
          %dma_start3A_193 = arith.constant 0 : i32
          %dma_start3A_194 = tpu.memref_slice %arg3[%add3A_192, %dma_start3A_193] : memref<5152x64xi32, #tpu.memory_space<hbm>> -> memref<32x64xi32, #tpu.memory_space<hbm>>
          %dma_start3A_195 = arith.constant 0 : i32
          %dma_start3A_196 = tpu.memref_slice %arg3[%add3A_192, %dma_start3A_195] : memref<5152x64xi32, #tpu.memory_space<hbm>> -> memref<32x64xi32, #tpu.memory_space<hbm>>
          tpu.enqueue_dma source(%dma_start3A_196 : memref<32x64xi32, #tpu.memory_space<hbm>>) target(%arg7 : memref<32x64xi32, #tpu.memory_space<vmem>>) target_semaphore(%run_scoped3A : memref<!tpu.dma_semaphore, #tpu.memory_space<semaphore_mem>>)
          %dma_wait3A_197 = arith.constant 0 : i32
          %dma_wait3A_198 = tpu.memref_slice %arg3[%add3A_192, %dma_wait3A_197] : memref<5152x64xi32, #tpu.memory_space<hbm>> -> memref<32x64xi32, #tpu.memory_space<hbm>>
          %dma_wait3A_199 = arith.constant 0 : i32
          %dma_wait3A_200 = tpu.memref_slice %arg3[%add3A_192, %dma_wait3A_199] : memref<5152x64xi32, #tpu.memory_space<hbm>> -> memref<32x64xi32, #tpu.memory_space<hbm>>
          tpu.wait_dma2 semaphore(%run_scoped3A : memref<!tpu.dma_semaphore, #tpu.memory_space<semaphore_mem>>) src(%dma_wait3A_200 : memref<32x64xi32, #tpu.memory_space<hbm>>) dst(%arg7 : memref<32x64xi32, #tpu.memory_space<vmem>>)
          tpu.yield
        }) : () -> ()
        "tpu.region"() ({
          %run_scoped3A = tpu.sem_alloc : memref<!tpu.dma_semaphore, #tpu.memory_space<semaphore_mem>>
          %dma_start3A_193 = arith.constant 0 : i32
          %dma_start3A_194 = tpu.memref_slice %arg4[%add3A_192, %dma_start3A_193] : memref<5152x64xi32, #tpu.memory_space<hbm>> -> memref<32x64xi32, #tpu.memory_space<hbm>>
          %dma_start3A_195 = arith.constant 0 : i32
          %dma_start3A_196 = tpu.memref_slice %arg4[%add3A_192, %dma_start3A_195] : memref<5152x64xi32, #tpu.memory_space<hbm>> -> memref<32x64xi32, #tpu.memory_space<hbm>>
          tpu.enqueue_dma source(%dma_start3A_196 : memref<32x64xi32, #tpu.memory_space<hbm>>) target(%arg8 : memref<32x64xi32, #tpu.memory_space<vmem>>) target_semaphore(%run_scoped3A : memref<!tpu.dma_semaphore, #tpu.memory_space<semaphore_mem>>)
          %dma_wait3A_197 = arith.constant 0 : i32
          %dma_wait3A_198 = tpu.memref_slice %arg4[%add3A_192, %dma_wait3A_197] : memref<5152x64xi32, #tpu.memory_space<hbm>> -> memref<32x64xi32, #tpu.memory_space<hbm>>
          %dma_wait3A_199 = arith.constant 0 : i32
          %dma_wait3A_200 = tpu.memref_slice %arg4[%add3A_192, %dma_wait3A_199] : memref<5152x64xi32, #tpu.memory_space<hbm>> -> memref<32x64xi32, #tpu.memory_space<hbm>>
          tpu.wait_dma2 semaphore(%run_scoped3A : memref<!tpu.dma_semaphore, #tpu.memory_space<semaphore_mem>>) src(%dma_wait3A_200 : memref<32x64xi32, #tpu.memory_space<hbm>>) dst(%arg8 : memref<32x64xi32, #tpu.memory_space<vmem>>)
          tpu.yield
        }) : () -> ()
      } else {
      }
      %jit3A_41 = arith.constant 8 : i32
      %eq3A_42 = arith.constant 0 : i32
      %eq3A_43 = arith.cmpi eq, %jit3A_41, %eq3A_42 : i32
      %jit3A_44 = arith.constant 1 : i32
      %select_n3A_45 = arith.select %eq3A_43, %jit3A_44, %jit3A_41 : i32
      %rem3A_46 = arith.remsi %while3A_25, %select_n3A_45 : i32
      %ne3A_47 = arith.constant 0 : i32
      %ne3A_48 = arith.cmpi ne, %rem3A_46, %ne3A_47 : i32
      %lt3A_49 = arith.constant 0 : i32
      %lt3A_50 = arith.cmpi slt, %rem3A_46, %lt3A_49 : i32
      %lt3A_51 = arith.constant 0 : i32
      %lt3A_52 = arith.cmpi slt, %select_n3A_45, %lt3A_51 : i32
      %ne3A_53 = arith.xori %lt3A_50, %lt3A_52 : i1
      %and3A_54 = arith.andi %ne3A_53, %ne3A_48 : i1
      %add3A_55 = arith.addi %rem3A_46, %select_n3A_45 : i32
      %select_n3A_56 = arith.select %and3A_54, %add3A_55, %rem3A_46 : i32
      %mul3A_57 = arith.constant 4 : i32
      %mul3A_58 = arith.muli %select_n3A_56, %mul3A_57 : i32
      %add3A_59 = arith.constant 0 : i32
      %add3A_60 = arith.addi %mul3A_58, %add3A_59 : i32
      %dma_start3A = arith.constant 0 : i32
      %dma_start3A_61 = tpu.memref_slice %arg7[%add3A_60, %dma_start3A] : memref<32x64xi32, #tpu.memory_space<vmem>> -> memref<1x64xi32, #tpu.memory_space<vmem>>
      %dma_start3A_62 = tpu.memref_squeeze %dma_start3A_61 : memref<1x64xi32, #tpu.memory_space<vmem>> -> memref<64xi32, #tpu.memory_space<vmem>>
      %dma_start3A_63 = arith.constant 0 : i32
      %dma_start3A_64 = arith.constant 0 : i32
      %dma_start3A_65 = tpu.memref_slice %arg2[%dma_start3A_63, %dma_start3A_64] : memref<10240x128xf32, #tpu.memory_space<hbm>> -> memref<10240x128xf32, #tpu.memory_space<hbm>>
      tpu.enqueue_indirect_dma source(%dma_start3A_65 : memref<10240x128xf32, #tpu.memory_space<hbm>>) target(%arg9 : memref<64x128xf32, #tpu.memory_space<vmem>>) offsets(%dma_start3A_62 : memref<64xi32, #tpu.memory_space<vmem>>) semaphore(%arg14 : memref<!tpu.dma_semaphore, #tpu.memory_space<semaphore_mem>>)
      %add3A_66 = arith.constant 1 : i32
      %add3A_67 = arith.addi %mul3A_58, %add3A_66 : i32
      %dma_start3A_68 = arith.constant 0 : i32
      %dma_start3A_69 = tpu.memref_slice %arg7[%add3A_67, %dma_start3A_68] : memref<32x64xi32, #tpu.memory_space<vmem>> -> memref<1x64xi32, #tpu.memory_space<vmem>>
      %dma_start3A_70 = tpu.memref_squeeze %dma_start3A_69 : memref<1x64xi32, #tpu.memory_space<vmem>> -> memref<64xi32, #tpu.memory_space<vmem>>
      %dma_start3A_71 = arith.constant 0 : i32
      %dma_start3A_72 = arith.constant 0 : i32
      %dma_start3A_73 = tpu.memref_slice %arg2[%dma_start3A_71, %dma_start3A_72] : memref<10240x128xf32, #tpu.memory_space<hbm>> -> memref<10240x128xf32, #tpu.memory_space<hbm>>
      tpu.enqueue_indirect_dma source(%dma_start3A_73 : memref<10240x128xf32, #tpu.memory_space<hbm>>) target(%arg10 : memref<64x128xf32, #tpu.memory_space<vmem>>) offsets(%dma_start3A_70 : memref<64xi32, #tpu.memory_space<vmem>>) semaphore(%arg14 : memref<!tpu.dma_semaphore, #tpu.memory_space<semaphore_mem>>)
      %add3A_74 = arith.constant 2 : i32
      %add3A_75 = arith.addi %mul3A_58, %add3A_74 : i32
      %dma_start3A_76 = arith.constant 0 : i32
      %dma_start3A_77 = tpu.memref_slice %arg7[%add3A_75, %dma_start3A_76] : memref<32x64xi32, #tpu.memory_space<vmem>> -> memref<1x64xi32, #tpu.memory_space<vmem>>
      %dma_start3A_78 = tpu.memref_squeeze %dma_start3A_77 : memref<1x64xi32, #tpu.memory_space<vmem>> -> memref<64xi32, #tpu.memory_space<vmem>>
      %dma_start3A_79 = arith.constant 0 : i32
      %dma_start3A_80 = arith.constant 0 : i32
      %dma_start3A_81 = tpu.memref_slice %arg2[%dma_start3A_79, %dma_start3A_80] : memref<10240x128xf32, #tpu.memory_space<hbm>> -> memref<10240x128xf32, #tpu.memory_space<hbm>>
      tpu.enqueue_indirect_dma source(%dma_start3A_81 : memref<10240x128xf32, #tpu.memory_space<hbm>>) target(%arg11 : memref<64x128xf32, #tpu.memory_space<vmem>>) offsets(%dma_start3A_78 : memref<64xi32, #tpu.memory_space<vmem>>) semaphore(%arg14 : memref<!tpu.dma_semaphore, #tpu.memory_space<semaphore_mem>>)
      %add3A_82 = arith.constant 3 : i32
      %add3A_83 = arith.addi %mul3A_58, %add3A_82 : i32
      %dma_start3A_84 = arith.constant 0 : i32
      %dma_start3A_85 = tpu.memref_slice %arg7[%add3A_83, %dma_start3A_84] : memref<32x64xi32, #tpu.memory_space<vmem>> -> memref<1x64xi32, #tpu.memory_space<vmem>>
      %dma_start3A_86 = tpu.memref_squeeze %dma_start3A_85 : memref<1x64xi32, #tpu.memory_space<vmem>> -> memref<64xi32, #tpu.memory_space<vmem>>
      %dma_start3A_87 = arith.constant 0 : i32
      %dma_start3A_88 = arith.constant 0 : i32
      %dma_start3A_89 = tpu.memref_slice %arg2[%dma_start3A_87, %dma_start3A_88] : memref<10240x128xf32, #tpu.memory_space<hbm>> -> memref<10240x128xf32, #tpu.memory_space<hbm>>
      tpu.enqueue_indirect_dma source(%dma_start3A_89 : memref<10240x128xf32, #tpu.memory_space<hbm>>) target(%arg12 : memref<64x128xf32, #tpu.memory_space<vmem>>) offsets(%dma_start3A_86 : memref<64xi32, #tpu.memory_space<vmem>>) semaphore(%arg14 : memref<!tpu.dma_semaphore, #tpu.memory_space<semaphore_mem>>)
      %dma_wait3A = arith.constant 0 : i32
      %dma_wait3A_90 = tpu.memref_slice %arg7[%add3A_60, %dma_wait3A] : memref<32x64xi32, #tpu.memory_space<vmem>> -> memref<1x64xi32, #tpu.memory_space<vmem>>
      %dma_wait3A_91 = tpu.memref_squeeze %dma_wait3A_90 : memref<1x64xi32, #tpu.memory_space<vmem>> -> memref<64xi32, #tpu.memory_space<vmem>>
      %dma_wait3A_92 = arith.constant 0 : i32
      %dma_wait3A_93 = arith.constant 0 : i32
      %dma_wait3A_94 = tpu.memref_slice %arg2[%dma_wait3A_92, %dma_wait3A_93] : memref<10240x128xf32, #tpu.memory_space<hbm>> -> memref<10240x128xf32, #tpu.memory_space<hbm>>
      tpu.wait_indirect_dma semaphore(%arg14 : memref<!tpu.dma_semaphore, #tpu.memory_space<semaphore_mem>>) src(%dma_wait3A_94 : memref<10240x128xf32, #tpu.memory_space<hbm>>) dst(%arg9 : memref<64x128xf32, #tpu.memory_space<vmem>>)
      %dma_wait3A_95 = arith.constant 0 : i32
      %dma_wait3A_96 = tpu.memref_slice %arg7[%add3A_67, %dma_wait3A_95] : memref<32x64xi32, #tpu.memory_space<vmem>> -> memref<1x64xi32, #tpu.memory_space<vmem>>
      %dma_wait3A_97 = tpu.memref_squeeze %dma_wait3A_96 : memref<1x64xi32, #tpu.memory_space<vmem>> -> memref<64xi32, #tpu.memory_space<vmem>>
      %dma_wait3A_98 = arith.constant 0 : i32
      %dma_wait3A_99 = arith.constant 0 : i32
      %dma_wait3A_100 = tpu.memref_slice %arg2[%dma_wait3A_98, %dma_wait3A_99] : memref<10240x128xf32, #tpu.memory_space<hbm>> -> memref<10240x128xf32, #tpu.memory_space<hbm>>
      tpu.wait_indirect_dma semaphore(%arg14 : memref<!tpu.dma_semaphore, #tpu.memory_space<semaphore_mem>>) src(%dma_wait3A_100 : memref<10240x128xf32, #tpu.memory_space<hbm>>) dst(%arg10 : memref<64x128xf32, #tpu.memory_space<vmem>>)
      %dma_wait3A_101 = arith.constant 0 : i32
      %dma_wait3A_102 = tpu.memref_slice %arg7[%add3A_75, %dma_wait3A_101] : memref<32x64xi32, #tpu.memory_space<vmem>> -> memref<1x64xi32, #tpu.memory_space<vmem>>
      %dma_wait3A_103 = tpu.memref_squeeze %dma_wait3A_102 : memref<1x64xi32, #tpu.memory_space<vmem>> -> memref<64xi32, #tpu.memory_space<vmem>>
      %dma_wait3A_104 = arith.constant 0 : i32
      %dma_wait3A_105 = arith.constant 0 : i32
      %dma_wait3A_106 = tpu.memref_slice %arg2[%dma_wait3A_104, %dma_wait3A_105] : memref<10240x128xf32, #tpu.memory_space<hbm>> -> memref<10240x128xf32, #tpu.memory_space<hbm>>
      tpu.wait_indirect_dma semaphore(%arg14 : memref<!tpu.dma_semaphore, #tpu.memory_space<semaphore_mem>>) src(%dma_wait3A_106 : memref<10240x128xf32, #tpu.memory_space<hbm>>) dst(%arg11 : memref<64x128xf32, #tpu.memory_space<vmem>>)
      %dma_wait3A_107 = arith.constant 0 : i32
      %dma_wait3A_108 = tpu.memref_slice %arg7[%add3A_83, %dma_wait3A_107] : memref<32x64xi32, #tpu.memory_space<vmem>> -> memref<1x64xi32, #tpu.memory_space<vmem>>
      %dma_wait3A_109 = tpu.memref_squeeze %dma_wait3A_108 : memref<1x64xi32, #tpu.memory_space<vmem>> -> memref<64xi32, #tpu.memory_space<vmem>>
      %dma_wait3A_110 = arith.constant 0 : i32
      %dma_wait3A_111 = arith.constant 0 : i32
      %dma_wait3A_112 = tpu.memref_slice %arg2[%dma_wait3A_110, %dma_wait3A_111] : memref<10240x128xf32, #tpu.memory_space<hbm>> -> memref<10240x128xf32, #tpu.memory_space<hbm>>
      tpu.wait_indirect_dma semaphore(%arg14 : memref<!tpu.dma_semaphore, #tpu.memory_space<semaphore_mem>>) src(%dma_wait3A_112 : memref<10240x128xf32, #tpu.memory_space<hbm>>) dst(%arg12 : memref<64x128xf32, #tpu.memory_space<vmem>>)
      %add3A_113 = arith.constant 0 : i32
      %add3A_114 = arith.addi %mul3A_58, %add3A_113 : i32
      %dma_start3A_115 = arith.constant 0 : i32
      %dma_start3A_116 = tpu.memref_slice %arg8[%add3A_114, %dma_start3A_115] : memref<32x64xi32, #tpu.memory_space<vmem>> -> memref<1x64xi32, #tpu.memory_space<vmem>>
      %dma_start3A_117 = tpu.memref_squeeze %dma_start3A_116 : memref<1x64xi32, #tpu.memory_space<vmem>> -> memref<64xi32, #tpu.memory_space<vmem>>
      %dma_start3A_118 = arith.constant 0 : i32
      %dma_start3A_119 = arith.constant 0 : i32
      %dma_start3A_120 = tpu.memref_slice %arg13[%dma_start3A_118, %dma_start3A_119] : memref<10240x128xf32, #tpu.memory_space<vmem_shared>> -> memref<10240x128xf32, #tpu.memory_space<vmem_shared>>
      tpu.enqueue_indirect_dma source(%arg9 : memref<64x128xf32, #tpu.memory_space<vmem>>) target(%dma_start3A_120 : memref<10240x128xf32, #tpu.memory_space<vmem_shared>>) offsets(%dma_start3A_117 : memref<64xi32, #tpu.memory_space<vmem>>) semaphore(%arg15 : memref<!tpu.dma_semaphore, #tpu.memory_space<semaphore_mem>>) {add = true}
      %add3A_121 = arith.constant 1 : i32
      %add3A_122 = arith.addi %mul3A_58, %add3A_121 : i32
      %dma_start3A_123 = arith.constant 0 : i32
      %dma_start3A_124 = tpu.memref_slice %arg8[%add3A_122, %dma_start3A_123] : memref<32x64xi32, #tpu.memory_space<vmem>> -> memref<1x64xi32, #tpu.memory_space<vmem>>
      %dma_start3A_125 = tpu.memref_squeeze %dma_start3A_124 : memref<1x64xi32, #tpu.memory_space<vmem>> -> memref<64xi32, #tpu.memory_space<vmem>>
      %dma_start3A_126 = arith.constant 0 : i32
      %dma_start3A_127 = arith.constant 0 : i32
      %dma_start3A_128 = tpu.memref_slice %arg13[%dma_start3A_126, %dma_start3A_127] : memref<10240x128xf32, #tpu.memory_space<vmem_shared>> -> memref<10240x128xf32, #tpu.memory_space<vmem_shared>>
      tpu.enqueue_indirect_dma source(%arg10 : memref<64x128xf32, #tpu.memory_space<vmem>>) target(%dma_start3A_128 : memref<10240x128xf32, #tpu.memory_space<vmem_shared>>) offsets(%dma_start3A_125 : memref<64xi32, #tpu.memory_space<vmem>>) semaphore(%arg15 : memref<!tpu.dma_semaphore, #tpu.memory_space<semaphore_mem>>) {add = true}
      %add3A_129 = arith.constant 2 : i32
      %add3A_130 = arith.addi %mul3A_58, %add3A_129 : i32
      %dma_start3A_131 = arith.constant 0 : i32
      %dma_start3A_132 = tpu.memref_slice %arg8[%add3A_130, %dma_start3A_131] : memref<32x64xi32, #tpu.memory_space<vmem>> -> memref<1x64xi32, #tpu.memory_space<vmem>>
      %dma_start3A_133 = tpu.memref_squeeze %dma_start3A_132 : memref<1x64xi32, #tpu.memory_space<vmem>> -> memref<64xi32, #tpu.memory_space<vmem>>
      %dma_start3A_134 = arith.constant 0 : i32
      %dma_start3A_135 = arith.constant 0 : i32
      %dma_start3A_136 = tpu.memref_slice %arg13[%dma_start3A_134, %dma_start3A_135] : memref<10240x128xf32, #tpu.memory_space<vmem_shared>> -> memref<10240x128xf32, #tpu.memory_space<vmem_shared>>
      tpu.enqueue_indirect_dma source(%arg11 : memref<64x128xf32, #tpu.memory_space<vmem>>) target(%dma_start3A_136 : memref<10240x128xf32, #tpu.memory_space<vmem_shared>>) offsets(%dma_start3A_133 : memref<64xi32, #tpu.memory_space<vmem>>) semaphore(%arg15 : memref<!tpu.dma_semaphore, #tpu.memory_space<semaphore_mem>>) {add = true}
      %add3A_137 = arith.constant 3 : i32
      %add3A_138 = arith.addi %mul3A_58, %add3A_137 : i32
      %dma_start3A_139 = arith.constant 0 : i32
      %dma_start3A_140 = tpu.memref_slice %arg8[%add3A_138, %dma_start3A_139] : memref<32x64xi32, #tpu.memory_space<vmem>> -> memref<1x64xi32, #tpu.memory_space<vmem>>
      %dma_start3A_141 = tpu.memref_squeeze %dma_start3A_140 : memref<1x64xi32, #tpu.memory_space<vmem>> -> memref<64xi32, #tpu.memory_space<vmem>>
      %dma_start3A_142 = arith.constant 0 : i32
      %dma_start3A_143 = arith.constant 0 : i32
      %dma_start3A_144 = tpu.memref_slice %arg13[%dma_start3A_142, %dma_start3A_143] : memref<10240x128xf32, #tpu.memory_space<vmem_shared>> -> memref<10240x128xf32, #tpu.memory_space<vmem_shared>>
      tpu.enqueue_indirect_dma source(%arg12 : memref<64x128xf32, #tpu.memory_space<vmem>>) target(%dma_start3A_144 : memref<10240x128xf32, #tpu.memory_space<vmem_shared>>) offsets(%dma_start3A_141 : memref<64xi32, #tpu.memory_space<vmem>>) semaphore(%arg15 : memref<!tpu.dma_semaphore, #tpu.memory_space<semaphore_mem>>) {add = true}
      %dma_wait3A_145 = arith.constant 0 : i32
      %dma_wait3A_146 = tpu.memref_slice %arg8[%add3A_114, %dma_wait3A_145] : memref<32x64xi32, #tpu.memory_space<vmem>> -> memref<1x64xi32, #tpu.memory_space<vmem>>
      %dma_wait3A_147 = tpu.memref_squeeze %dma_wait3A_146 : memref<1x64xi32, #tpu.memory_space<vmem>> -> memref<64xi32, #tpu.memory_space<vmem>>
      %dma_wait3A_148 = arith.constant 0 : i32
      %dma_wait3A_149 = arith.constant 0 : i32
      %dma_wait3A_150 = tpu.memref_slice %arg13[%dma_wait3A_148, %dma_wait3A_149] : memref<10240x128xf32, #tpu.memory_space<vmem_shared>> -> memref<10240x128xf32, #tpu.memory_space<vmem_shared>>
      tpu.wait_indirect_dma semaphore(%arg15 : memref<!tpu.dma_semaphore, #tpu.memory_space<semaphore_mem>>) src(%arg9 : memref<64x128xf32, #tpu.memory_space<vmem>>) dst(%dma_wait3A_150 : memref<10240x128xf32, #tpu.memory_space<vmem_shared>>)
      %dma_wait3A_151 = arith.constant 0 : i32
      %dma_wait3A_152 = tpu.memref_slice %arg8[%add3A_122, %dma_wait3A_151] : memref<32x64xi32, #tpu.memory_space<vmem>> -> memref<1x64xi32, #tpu.memory_space<vmem>>
      %dma_wait3A_153 = tpu.memref_squeeze %dma_wait3A_152 : memref<1x64xi32, #tpu.memory_space<vmem>> -> memref<64xi32, #tpu.memory_space<vmem>>
      %dma_wait3A_154 = arith.constant 0 : i32
      %dma_wait3A_155 = arith.constant 0 : i32
      %dma_wait3A_156 = tpu.memref_slice %arg13[%dma_wait3A_154, %dma_wait3A_155] : memref<10240x128xf32, #tpu.memory_space<vmem_shared>> -> memref<10240x128xf32, #tpu.memory_space<vmem_shared>>
      tpu.wait_indirect_dma semaphore(%arg15 : memref<!tpu.dma_semaphore, #tpu.memory_space<semaphore_mem>>) src(%arg10 : memref<64x128xf32, #tpu.memory_space<vmem>>) dst(%dma_wait3A_156 : memref<10240x128xf32, #tpu.memory_space<vmem_shared>>)
      %dma_wait3A_157 = arith.constant 0 : i32
      %dma_wait3A_158 = tpu.memref_slice %arg8[%add3A_130, %dma_wait3A_157] : memref<32x64xi32, #tpu.memory_space<vmem>> -> memref<1x64xi32, #tpu.memory_space<vmem>>
      %dma_wait3A_159 = tpu.memref_squeeze %dma_wait3A_158 : memref<1x64xi32, #tpu.memory_space<vmem>> -> memref<64xi32, #tpu.memory_space<vmem>>
      %dma_wait3A_160 = arith.constant 0 : i32
      %dma_wait3A_161 = arith.constant 0 : i32
      %dma_wait3A_162 = tpu.memref_slice %arg13[%dma_wait3A_160, %dma_wait3A_161] : memref<10240x128xf32, #tpu.memory_space<vmem_shared>> -> memref<10240x128xf32, #tpu.memory_space<vmem_shared>>
      tpu.wait_indirect_dma semaphore(%arg15 : memref<!tpu.dma_semaphore, #tpu.memory_space<semaphore_mem>>) src(%arg11 : memref<64x128xf32, #tpu.memory_space<vmem>>) dst(%dma_wait3A_162 : memref<10240x128xf32, #tpu.memory_space<vmem_shared>>)
      %dma_wait3A_163 = arith.constant 0 : i32
      %dma_wait3A_164 = tpu.memref_slice %arg8[%add3A_138, %dma_wait3A_163] : memref<32x64xi32, #tpu.memory_space<vmem>> -> memref<1x64xi32, #tpu.memory_space<vmem>>
      %dma_wait3A_165 = tpu.memref_squeeze %dma_wait3A_164 : memref<1x64xi32, #tpu.memory_space<vmem>> -> memref<64xi32, #tpu.memory_space<vmem>>
      %dma_wait3A_166 = arith.constant 0 : i32
      %dma_wait3A_167 = arith.constant 0 : i32
      %dma_wait3A_168 = tpu.memref_slice %arg13[%dma_wait3A_166, %dma_wait3A_167] : memref<10240x128xf32, #tpu.memory_space<vmem_shared>> -> memref<10240x128xf32, #tpu.memory_space<vmem_shared>>
      tpu.wait_indirect_dma semaphore(%arg15 : memref<!tpu.dma_semaphore, #tpu.memory_space<semaphore_mem>>) src(%arg12 : memref<64x128xf32, #tpu.memory_space<vmem>>) dst(%dma_wait3A_168 : memref<10240x128xf32, #tpu.memory_space<vmem_shared>>)
    }
    %barrier3A_20 = arith.constant 0 : index
    tpu.barrier barrier_id(%barrier3A_20)
    %mul3A_21 = arith.constant 640 : i32
    %mul3A_22 = arith.muli %arg1, %mul3A_21 : i32
    %mul3A_23 = arith.constant 640 : i32
    %mul3A_24 = arith.muli %arg1, %mul3A_23 : i32
    "tpu.region"() ({
      %run_scoped3A = tpu.sem_alloc : memref<!tpu.dma_semaphore, #tpu.memory_space<semaphore_mem>>
      %dma_start3A = arith.constant 0 : i32
      %dma_start3A_25 = tpu.memref_slice %arg6[%arg0, %mul3A_24, %dma_start3A] : memref<2x10240x128xf32, #tpu.memory_space<hbm>> -> memref<1x640x128xf32, #tpu.memory_space<hbm>>
      %dma_start3A_26 = tpu.memref_squeeze %dma_start3A_25 : memref<1x640x128xf32, #tpu.memory_space<hbm>> -> memref<640x128xf32, #tpu.memory_space<hbm>>
      %dma_start3A_27 = arith.constant 0 : i32
      %dma_start3A_28 = tpu.memref_slice %arg13[%mul3A_22, %dma_start3A_27] : memref<10240x128xf32, #tpu.memory_space<vmem_shared>> -> memref<640x128xf32, #tpu.memory_space<vmem_shared>>
      tpu.enqueue_dma source(%dma_start3A_28 : memref<640x128xf32, #tpu.memory_space<vmem_shared>>) target(%dma_start3A_26 : memref<640x128xf32, #tpu.memory_space<hbm>>) target_semaphore(%run_scoped3A : memref<!tpu.dma_semaphore, #tpu.memory_space<semaphore_mem>>)
      %dma_wait3A = arith.constant 0 : i32
      %dma_wait3A_29 = tpu.memref_slice %arg6[%arg0, %mul3A_24, %dma_wait3A] : memref<2x10240x128xf32, #tpu.memory_space<hbm>> -> memref<1x640x128xf32, #tpu.memory_space<hbm>>
      %dma_wait3A_30 = tpu.memref_squeeze %dma_wait3A_29 : memref<1x640x128xf32, #tpu.memory_space<hbm>> -> memref<640x128xf32, #tpu.memory_space<hbm>>
      %dma_wait3A_31 = arith.constant 0 : i32
      %dma_wait3A_32 = tpu.memref_slice %arg13[%mul3A_22, %dma_wait3A_31] : memref<10240x128xf32, #tpu.memory_space<vmem_shared>> -> memref<640x128xf32, #tpu.memory_space<vmem_shared>>
      tpu.wait_dma2 semaphore(%run_scoped3A : memref<!tpu.dma_semaphore, #tpu.memory_space<semaphore_mem>>) src(%dma_wait3A_32 : memref<640x128xf32, #tpu.memory_space<vmem_shared>>) dst(%dma_wait3A_30 : memref<640x128xf32, #tpu.memory_space<hbm>>)
      tpu.yield
    }) : () -> ()
    return
  }
}

module attributes {stable_mosaic.version = 14 : i64} {
  func.func @body(%arg0: i32, %arg1: memref<2560x128xf32, #tpu.memory_space<vmem>>, %arg2: memref<2560x128xf32, #tpu.memory_space<vmem>>, %arg3: memref<2560x128xf32, #tpu.memory_space<vmem>>, %arg4: memref<2560x16xf32, #tpu.memory_space<vmem>>, %arg5: memref<128x128xf32, #tpu.memory_space<vmem>>, %arg6: memref<128x16xf32, #tpu.memory_space<vmem>>, %arg7: memref<1x128xf32, #tpu.memory_space<vmem>>, %arg8: memref<1x16xf32, #tpu.memory_space<vmem>>, %arg9: memref<2560x128xf32, #tpu.memory_space<vmem>>, %arg10: memref<2560x128xf32, #tpu.memory_space<vmem>>, %arg11: memref<2560x8xf32, #tpu.memory_space<vmem>>, %arg12: memref<2560x8xf32, #tpu.memory_space<vmem>>, %arg13: memref<128x16xf32, #tpu.memory_space<vmem>>, %arg14: memref<1x16xf32, #tpu.memory_space<vmem>>) attributes {dimension_semantics = [#tpu.dimension_semantics<arbitrary>], iteration_bounds = array<i64: 4>, scalar_prefetch = 0 : i64, scratch_operands = 0 : i64, tpu.core_type = #tpu.core_type<tc>, window_params = [{transform_indices = @transform_0, window_bounds = array<i64: 2560, 128>}, {transform_indices = @transform_1, window_bounds = array<i64: 2560, 128>}, {transform_indices = @transform_2, window_bounds = array<i64: 2560, 128>}, {transform_indices = @transform_3, window_bounds = array<i64: 2560, 16>}, {pipeline_mode = #tpu.pipeline_mode<synchronous>, transform_indices = @transform_4, window_bounds = array<i64: 128, 128>}, {pipeline_mode = #tpu.pipeline_mode<synchronous>, transform_indices = @transform_5, window_bounds = array<i64: 128, 16>}, {pipeline_mode = #tpu.pipeline_mode<synchronous>, transform_indices = @transform_6, window_bounds = array<i64: 1, 128>}, {pipeline_mode = #tpu.pipeline_mode<synchronous>, transform_indices = @transform_7, window_bounds = array<i64: 1, 16>}, {transform_indices = @transform_8, window_bounds = array<i64: 2560, 128>}, {transform_indices = @transform_9, window_bounds = array<i64: 2560, 128>}, {transform_indices = @transform_10, window_bounds = array<i64: 2560, 8>}, {transform_indices = @transform_11, window_bounds = array<i64: 2560, 8>}, {pipeline_mode = #tpu.pipeline_mode<synchronous>, transform_indices = @transform_12, window_bounds = array<i64: 128, 16>}, {pipeline_mode = #tpu.pipeline_mode<synchronous>, transform_indices = @transform_13, window_bounds = array<i64: 1, 16>}]} {
    %get3A = arith.constant 0 : index
    %get3A_0 = arith.constant 0 : index
    %get3A_1 = vector.load %arg1[%get3A, %get3A_0] : memref<2560x128xf32, #tpu.memory_space<vmem>>, vector<2560x1xf32>
    %add3A = arith.constant 1.000000e+00 : f32
    %add3A_2 = vector.broadcast %add3A : f32 to vector<2560x1xf32>
    %add3A_3 = arith.addf %get3A_1, %add3A_2 : vector<2560x1xf32>
    %rsqrt3A = math.rsqrt %add3A_3 : vector<2560x1xf32>
    %get3A_4 = arith.constant 0 : index
    %get3A_5 = arith.constant 0 : index
    %get3A_6 = vector.load %arg2[%get3A_4, %get3A_5] : memref<2560x128xf32, #tpu.memory_space<vmem>>, vector<2560x1xf32>
    %add3A_7 = arith.constant 1.000000e+00 : f32
    %add3A_8 = vector.broadcast %add3A_7 : f32 to vector<2560x1xf32>
    %add3A_9 = arith.addf %get3A_6, %add3A_8 : vector<2560x1xf32>
    %rsqrt3A_10 = math.rsqrt %add3A_9 : vector<2560x1xf32>
    %get3A_11 = arith.constant 0 : index
    %get3A_12 = arith.constant 0 : index
    %get3A_13 = vector.load %arg3[%get3A_11, %get3A_12] : memref<2560x128xf32, #tpu.memory_space<vmem>>, vector<2560x128xf32>
    %mul3A = vector.broadcast %rsqrt3A : vector<2560x1xf32> to vector<2560x128xf32>
    %mul3A_14 = arith.mulf %get3A_13, %mul3A : vector<2560x128xf32>
    %swap3A = arith.constant 0 : index
    %swap3A_15 = arith.constant 0 : index
    %swap3A_16 = vector.load %arg9[%swap3A, %swap3A_15] : memref<2560x128xf32, #tpu.memory_space<vmem>>, vector<2560x128xf32>
    tpu.vector_store %arg9[%swap3A, %swap3A_15], %mul3A_14 {strides = array<i32>} : memref<2560x128xf32, #tpu.memory_space<vmem>>, vector<2560x128xf32>,
    %broadcast_in_dim3A = arith.constant 0.000000e+00 : f32
    %broadcast_in_dim3A_17 = vector.broadcast %broadcast_in_dim3A : f32 to vector<2560x128xf32>
    %swap3A_18 = arith.constant 0 : index
    %swap3A_19 = arith.constant 0 : index
    %swap3A_20 = vector.load %arg10[%swap3A_18, %swap3A_19] : memref<2560x128xf32, #tpu.memory_space<vmem>>, vector<2560x128xf32>
    tpu.vector_store %arg10[%swap3A_18, %swap3A_19], %broadcast_in_dim3A_17 {strides = array<i32>} : memref<2560x128xf32, #tpu.memory_space<vmem>>, vector<2560x128xf32>,
    %get3A_21 = arith.constant 0 : index
    %get3A_22 = arith.constant 0 : index
    %get3A_23 = vector.load %arg4[%get3A_21, %get3A_22] : memref<2560x16xf32, #tpu.memory_space<vmem>>, vector<2560x16xf32>
    %mul3A_24 = vector.broadcast %rsqrt3A_10 : vector<2560x1xf32> to vector<2560x16xf32>
    %mul3A_25 = arith.mulf %get3A_23, %mul3A_24 : vector<2560x16xf32>
    %swap3A_26 = arith.constant 0 : index
    %swap3A_27 = arith.constant 0 : index
    %swap3A_28 = vector.load %arg10[%swap3A_26, %swap3A_27] : memref<2560x128xf32, #tpu.memory_space<vmem>>, vector<2560x16xf32>
    tpu.vector_store %arg10[%swap3A_26, %swap3A_27], %mul3A_25 {strides = array<i32>} : memref<2560x128xf32, #tpu.memory_space<vmem>>, vector<2560x16xf32>,
    %broadcast_in_dim3A_29 = vector.shape_cast %rsqrt3A : vector<2560x1xf32> to vector<2560x1xf32>
    %broadcast_in_dim3A_30 = vector.broadcast %broadcast_in_dim3A_29 : vector<2560x1xf32> to vector<2560x8xf32>
    %swap3A_31 = arith.constant 0 : index
    %swap3A_32 = arith.constant 0 : index
    %swap3A_33 = vector.load %arg11[%swap3A_31, %swap3A_32] : memref<2560x8xf32, #tpu.memory_space<vmem>>, vector<2560x8xf32>
    tpu.vector_store %arg11[%swap3A_31, %swap3A_32], %broadcast_in_dim3A_30 {strides = array<i32>} : memref<2560x8xf32, #tpu.memory_space<vmem>>, vector<2560x8xf32>,
    %broadcast_in_dim3A_34 = vector.shape_cast %rsqrt3A_10 : vector<2560x1xf32> to vector<2560x1xf32>
    %broadcast_in_dim3A_35 = vector.broadcast %broadcast_in_dim3A_34 : vector<2560x1xf32> to vector<2560x8xf32>
    %swap3A_36 = arith.constant 0 : index
    %swap3A_37 = arith.constant 0 : index
    %swap3A_38 = vector.load %arg12[%swap3A_36, %swap3A_37] : memref<2560x8xf32, #tpu.memory_space<vmem>>, vector<2560x8xf32>
    tpu.vector_store %arg12[%swap3A_36, %swap3A_37], %broadcast_in_dim3A_35 {strides = array<i32>} : memref<2560x8xf32, #tpu.memory_space<vmem>>, vector<2560x8xf32>,
    %eq3A = arith.constant 0 : i32
    %eq3A_39 = arith.cmpi eq, %arg0, %eq3A : i32
    %convert_element_type3A = arith.extui %eq3A_39 : i1 to i32
    %cond3A = arith.constant 0 : i32
    %cond3A_40 = arith.cmpi ne, %convert_element_type3A, %cond3A : i32
    scf.if %cond3A_40 {
      %get3A_41 = arith.constant 0 : index
      %get3A_42 = arith.constant 0 : index
      %get3A_43 = vector.load %arg5[%get3A_41, %get3A_42] : memref<128x128xf32, #tpu.memory_space<vmem>>, vector<128x128xf32>
      %get3A_44 = arith.constant 0 : index
      %get3A_45 = arith.constant 0 : index
      %get3A_46 = vector.load %arg6[%get3A_44, %get3A_45] : memref<128x16xf32, #tpu.memory_space<vmem>>, vector<128x16xf32>
      %dot_general3A = arith.constant dense<0.000000e+00> : vector<128x16xf32>
      %dot_general3A_47 = tpu.matmul %get3A_43, %get3A_46, %dot_general3A {dimension_numbers = #tpu.dot_dimension_numbers<[1], [0], [0], [1], [0, 0, 1, 1], [], []>, transpose_lhs_hint = false} : vector<128x128xf32>, vector<128x16xf32>, vector<128x16xf32> -> vector<128x16xf32>
      %swap3A_48 = arith.constant 0 : index
      %swap3A_49 = arith.constant 0 : index
      %swap3A_50 = vector.load %arg13[%swap3A_48, %swap3A_49] : memref<128x16xf32, #tpu.memory_space<vmem>>, vector<128x16xf32>
      tpu.vector_store %arg13[%swap3A_48, %swap3A_49], %dot_general3A_47 {strides = array<i32>} : memref<128x16xf32, #tpu.memory_space<vmem>>, vector<128x16xf32>,
      %get3A_51 = arith.constant 0 : index
      %get3A_52 = arith.constant 0 : index
      %get3A_53 = vector.load %arg7[%get3A_51, %get3A_52] : memref<1x128xf32, #tpu.memory_space<vmem>>, vector<1x128xf32>
      %get3A_54 = arith.constant 0 : index
      %get3A_55 = arith.constant 0 : index
      %get3A_56 = vector.load %arg6[%get3A_54, %get3A_55] : memref<128x16xf32, #tpu.memory_space<vmem>>, vector<128x16xf32>
      %dot_general3A_57 = arith.constant dense<0.000000e+00> : vector<1x16xf32>
      %dot_general3A_58 = tpu.matmul %get3A_53, %get3A_56, %dot_general3A_57 {dimension_numbers = #tpu.dot_dimension_numbers<[1], [0], [0], [1], [0, 0, 1, 1], [], []>, transpose_lhs_hint = false} : vector<1x128xf32>, vector<128x16xf32>, vector<1x16xf32> -> vector<1x16xf32>
      %get3A_59 = arith.constant 0 : index
      %get3A_60 = arith.constant 0 : index
      %get3A_61 = vector.load %arg8[%get3A_59, %get3A_60] : memref<1x16xf32, #tpu.memory_space<vmem>>, vector<1x16xf32>
      %add3A_62 = arith.addf %dot_general3A_58, %get3A_61 : vector<1x16xf32>
      %swap3A_63 = arith.constant 0 : index
      %swap3A_64 = arith.constant 0 : index
      %swap3A_65 = vector.load %arg14[%swap3A_63, %swap3A_64] : memref<1x16xf32, #tpu.memory_space<vmem>>, vector<1x16xf32>
      tpu.vector_store %arg14[%swap3A_63, %swap3A_64], %add3A_62 {strides = array<i32>} : memref<1x16xf32, #tpu.memory_space<vmem>>, vector<1x16xf32>,
    } else {
    }
    return
  }
  func.func @transform_0(%arg0: i32) -> (i32, i32) {
    %c0_i32 = arith.constant 0 : i32
    %c0_i32_0 = arith.constant 0 : i32
    return %arg0, %c0_i32 : i32, i32
  }
  func.func @transform_1(%arg0: i32) -> (i32, i32) {
    %c0_i32 = arith.constant 0 : i32
    %c0_i32_0 = arith.constant 0 : i32
    return %arg0, %c0_i32 : i32, i32
  }
  func.func @transform_2(%arg0: i32) -> (i32, i32) {
    %c0_i32 = arith.constant 0 : i32
    %c0_i32_0 = arith.constant 0 : i32
    return %arg0, %c0_i32 : i32, i32
  }
  func.func @transform_3(%arg0: i32) -> (i32, i32) {
    %c0_i32 = arith.constant 0 : i32
    %c0_i32_0 = arith.constant 0 : i32
    return %arg0, %c0_i32 : i32, i32
  }
  func.func @transform_4(%arg0: i32) -> (i32, i32) {
    %c0_i32 = arith.constant 0 : i32
    %c0_i32_0 = arith.constant 0 : i32
    %c0_i32_1 = arith.constant 0 : i32
    return %c0_i32, %c0_i32_0 : i32, i32
  }
  func.func @transform_5(%arg0: i32) -> (i32, i32) {
    %c0_i32 = arith.constant 0 : i32
    %c0_i32_0 = arith.constant 0 : i32
    %c0_i32_1 = arith.constant 0 : i32
    return %c0_i32, %c0_i32_0 : i32, i32
  }
  func.func @transform_6(%arg0: i32) -> (i32, i32) {
    %c0_i32 = arith.constant 0 : i32
    %c0_i32_0 = arith.constant 0 : i32
    %c0_i32_1 = arith.constant 0 : i32
    return %c0_i32, %c0_i32_0 : i32, i32
  }
  func.func @transform_7(%arg0: i32) -> (i32, i32) {
    %c0_i32 = arith.constant 0 : i32
    %c0_i32_0 = arith.constant 0 : i32
    %c0_i32_1 = arith.constant 0 : i32
    return %c0_i32, %c0_i32_0 : i32, i32
  }
  func.func @transform_8(%arg0: i32) -> (i32, i32) {
    %c0_i32 = arith.constant 0 : i32
    %c0_i32_0 = arith.constant 0 : i32
    return %arg0, %c0_i32 : i32, i32
  }
  func.func @transform_9(%arg0: i32) -> (i32, i32) {
    %c0_i32 = arith.constant 0 : i32
    %c0_i32_0 = arith.constant 0 : i32
    return %arg0, %c0_i32 : i32, i32
  }
  func.func @transform_10(%arg0: i32) -> (i32, i32) {
    %c0_i32 = arith.constant 0 : i32
    %c0_i32_0 = arith.constant 0 : i32
    return %arg0, %c0_i32 : i32, i32
  }
  func.func @transform_11(%arg0: i32) -> (i32, i32) {
    %c0_i32 = arith.constant 0 : i32
    %c0_i32_0 = arith.constant 0 : i32
    return %arg0, %c0_i32 : i32, i32
  }
  func.func @transform_12(%arg0: i32) -> (i32, i32) {
    %c0_i32 = arith.constant 0 : i32
    %c0_i32_0 = arith.constant 0 : i32
    %c0_i32_1 = arith.constant 0 : i32
    return %c0_i32, %c0_i32_0 : i32, i32
  }
  func.func @transform_13(%arg0: i32) -> (i32, i32) {
    %c0_i32 = arith.constant 0 : i32
    %c0_i32_0 = arith.constant 0 : i32
    %c0_i32_1 = arith.constant 0 : i32
    return %c0_i32, %c0_i32_0 : i32, i32
  }
}

module attributes {stable_mosaic.version = 14 : i64} {
  func.func @body(%arg0: i32, %arg1: memref<2560x128xf32, #tpu.memory_space<vmem>>, %arg2: memref<2560x128xf32, #tpu.memory_space<vmem>>, %arg3: memref<2560x128xf32, #tpu.memory_space<vmem>>, %arg4: memref<2560x8xf32, #tpu.memory_space<vmem>>, %arg5: memref<128x128xf32, #tpu.memory_space<vmem>>, %arg6: memref<1x128xf32, #tpu.memory_space<vmem>>, %arg7: memref<2560x128xf32, #tpu.memory_space<vmem>>) attributes {dimension_semantics = [#tpu.dimension_semantics<arbitrary>], iteration_bounds = array<i64: 4>, scalar_prefetch = 0 : i64, scratch_operands = 0 : i64, tpu.core_type = #tpu.core_type<tc>, window_params = [{transform_indices = @transform_0, window_bounds = array<i64: 2560, 128>}, {transform_indices = @transform_1, window_bounds = array<i64: 2560, 128>}, {transform_indices = @transform_2, window_bounds = array<i64: 2560, 128>}, {transform_indices = @transform_3, window_bounds = array<i64: 2560, 8>}, {pipeline_mode = #tpu.pipeline_mode<synchronous>, transform_indices = @transform_4, window_bounds = array<i64: 128, 128>}, {pipeline_mode = #tpu.pipeline_mode<synchronous>, transform_indices = @transform_5, window_bounds = array<i64: 1, 128>}, {transform_indices = @transform_6, window_bounds = array<i64: 2560, 128>}]} {
    %get3A = arith.constant 0 : index
    %get3A_0 = arith.constant 0 : index
    %get3A_1 = vector.load %arg4[%get3A, %get3A_0] : memref<2560x8xf32, #tpu.memory_space<vmem>>, vector<2560x1xf32>
    %get3A_2 = arith.constant 0 : index
    %get3A_3 = arith.constant 0 : index
    %get3A_4 = vector.load %arg1[%get3A_2, %get3A_3] : memref<2560x128xf32, #tpu.memory_space<vmem>>, vector<2560x128xf32>
    %get3A_5 = arith.constant 0 : index
    %get3A_6 = arith.constant 0 : index
    %get3A_7 = vector.load %arg2[%get3A_5, %get3A_6] : memref<2560x128xf32, #tpu.memory_space<vmem>>, vector<2560x128xf32>
    %add3A = arith.addf %get3A_4, %get3A_7 : vector<2560x128xf32>
    %get3A_8 = arith.constant 0 : index
    %get3A_9 = arith.constant 0 : index
    %get3A_10 = vector.load %arg3[%get3A_8, %get3A_9] : memref<2560x128xf32, #tpu.memory_space<vmem>>, vector<2560x128xf32>
    %add3A_11 = arith.addf %add3A, %get3A_10 : vector<2560x128xf32>
    %mul3A = vector.broadcast %get3A_1 : vector<2560x1xf32> to vector<2560x128xf32>
    %mul3A_12 = arith.mulf %mul3A, %add3A_11 : vector<2560x128xf32>
    %get3A_13 = arith.constant 0 : index
    %get3A_14 = arith.constant 0 : index
    %get3A_15 = vector.load %arg5[%get3A_13, %get3A_14] : memref<128x128xf32, #tpu.memory_space<vmem>>, vector<128x128xf32>
    %dot_general3A = arith.constant dense<0.000000e+00> : vector<2560x128xf32>
    %dot_general3A_16 = tpu.matmul %mul3A_12, %get3A_15, %dot_general3A {dimension_numbers = #tpu.dot_dimension_numbers<[1], [0], [0], [1], [0, 0, 1, 1], [], []>, transpose_lhs_hint = false} : vector<2560x128xf32>, vector<128x128xf32>, vector<2560x128xf32> -> vector<2560x128xf32>
    %get3A_17 = arith.constant 0 : index
    %get3A_18 = arith.constant 0 : index
    %get3A_19 = vector.load %arg6[%get3A_17, %get3A_18] : memref<1x128xf32, #tpu.memory_space<vmem>>, vector<1x128xf32>
    %add3A_20 = vector.broadcast %get3A_19 : vector<1x128xf32> to vector<2560x128xf32>
    %add3A_21 = arith.addf %dot_general3A_16, %add3A_20 : vector<2560x128xf32>
    %max3A = arith.constant 0.000000e+00 : f32
    %max3A_22 = vector.broadcast %max3A : f32 to vector<2560x128xf32>
    %max3A_23 = arith.maximumf %add3A_21, %max3A_22 : vector<2560x128xf32>
    %mul3A_24 = vector.broadcast %get3A_1 : vector<2560x1xf32> to vector<2560x128xf32>
    %mul3A_25 = arith.mulf %max3A_23, %mul3A_24 : vector<2560x128xf32>
    %swap3A = arith.constant 0 : index
    %swap3A_26 = arith.constant 0 : index
    %swap3A_27 = vector.load %arg7[%swap3A, %swap3A_26] : memref<2560x128xf32, #tpu.memory_space<vmem>>, vector<2560x128xf32>
    tpu.vector_store %arg7[%swap3A, %swap3A_26], %mul3A_25 {strides = array<i32>} : memref<2560x128xf32, #tpu.memory_space<vmem>>, vector<2560x128xf32>,
    return
  }
  func.func @transform_0(%arg0: i32) -> (i32, i32) {
    %c0_i32 = arith.constant 0 : i32
    %c0_i32_0 = arith.constant 0 : i32
    return %arg0, %c0_i32 : i32, i32
  }
  func.func @transform_1(%arg0: i32) -> (i32, i32) {
    %c0_i32 = arith.constant 0 : i32
    %c0_i32_0 = arith.constant 0 : i32
    return %arg0, %c0_i32 : i32, i32
  }
  func.func @transform_2(%arg0: i32) -> (i32, i32) {
    %c0_i32 = arith.constant 0 : i32
    %c0_i32_0 = arith.constant 0 : i32
    return %arg0, %c0_i32 : i32, i32
  }
  func.func @transform_3(%arg0: i32) -> (i32, i32) {
    %c0_i32 = arith.constant 0 : i32
    %c0_i32_0 = arith.constant 0 : i32
    return %arg0, %c0_i32 : i32, i32
  }
  func.func @transform_4(%arg0: i32) -> (i32, i32) {
    %c0_i32 = arith.constant 0 : i32
    %c0_i32_0 = arith.constant 0 : i32
    %c0_i32_1 = arith.constant 0 : i32
    return %c0_i32, %c0_i32_0 : i32, i32
  }
  func.func @transform_5(%arg0: i32) -> (i32, i32) {
    %c0_i32 = arith.constant 0 : i32
    %c0_i32_0 = arith.constant 0 : i32
    %c0_i32_1 = arith.constant 0 : i32
    return %c0_i32, %c0_i32_0 : i32, i32
  }
  func.func @transform_6(%arg0: i32) -> (i32, i32) {
    %c0_i32 = arith.constant 0 : i32
    %c0_i32_0 = arith.constant 0 : i32
    return %arg0, %c0_i32 : i32, i32
  }
}

module attributes {stable_mosaic.version = 14 : i64} {
  func.func @body(%arg0: i32, %arg1: memref<2000x128xf32, #tpu.memory_space<vmem>>, %arg2: memref<2000x128xf32, #tpu.memory_space<vmem>>, %arg3: memref<2000x128xf32, #tpu.memory_space<vmem>>, %arg4: memref<2000x8xf32, #tpu.memory_space<vmem>>, %arg5: memref<2000x128xf32, #tpu.memory_space<vmem>>, %arg6: memref<2000x128xf32, #tpu.memory_space<vmem>>, %arg7: memref<2000x128xf32, #tpu.memory_space<vmem>>, %arg8: memref<2000x8xf32, #tpu.memory_space<vmem>>, %arg9: memref<2000x16xf32, #tpu.memory_space<vmem>>, %arg10: memref<128x16xf32, #tpu.memory_space<vmem>>, %arg11: memref<1x16xf32, #tpu.memory_space<vmem>>, %arg12: memref<1x128xf32, #tpu.memory_space<vmem>>, %arg13: memref<1x128xf32, #tpu.memory_space<vmem>>, %arg14: memref<1x1xf32, #tpu.memory_space<vmem>>, %arg15: memref<1x16xf32, #tpu.memory_space<vmem>>, %arg16: memref<1x128xf32, #tpu.memory_space<vmem>>, %arg17: memref<1x128xf32, #tpu.memory_space<vmem>>, %arg18: memref<1x1xf32, #tpu.memory_space<vmem>>, %arg19: memref<1x16xf32, #tpu.memory_space<vmem>>) attributes {dimension_semantics = [#tpu.dimension_semantics<arbitrary>], iteration_bounds = array<i64: 5>, scalar_prefetch = 0 : i64, scratch_operands = 4 : i64, tpu.core_type = #tpu.core_type<tc>, window_params = [{transform_indices = @transform_0, window_bounds = array<i64: 2000, 128>}, {transform_indices = @transform_1, window_bounds = array<i64: 2000, 128>}, {transform_indices = @transform_2, window_bounds = array<i64: 2000, 128>}, {transform_indices = @transform_3, window_bounds = array<i64: 2000, 8>}, {transform_indices = @transform_4, window_bounds = array<i64: 2000, 128>}, {transform_indices = @transform_5, window_bounds = array<i64: 2000, 128>}, {transform_indices = @transform_6, window_bounds = array<i64: 2000, 128>}, {transform_indices = @transform_7, window_bounds = array<i64: 2000, 8>}, {transform_indices = @transform_8, window_bounds = array<i64: 2000, 16>}, {pipeline_mode = #tpu.pipeline_mode<synchronous>, transform_indices = @transform_9, window_bounds = array<i64: 128, 16>}, {pipeline_mode = #tpu.pipeline_mode<synchronous>, transform_indices = @transform_10, window_bounds = array<i64: 1, 16>}, {pipeline_mode = #tpu.pipeline_mode<synchronous>, transform_indices = @transform_11, window_bounds = array<i64: 1, 128>}, {pipeline_mode = #tpu.pipeline_mode<synchronous>, transform_indices = @transform_12, window_bounds = array<i64: 1, 128>}, {pipeline_mode = #tpu.pipeline_mode<synchronous>, transform_indices = @transform_13, window_bounds = array<i64: 1, 1>}, {pipeline_mode = #tpu.pipeline_mode<synchronous>, transform_indices = @transform_14, window_bounds = array<i64: 1, 16>}]} {
    %eq3A = arith.constant 0 : i32
    %eq3A_0 = arith.cmpi eq, %arg0, %eq3A : i32
    %convert_element_type3A = arith.extui %eq3A_0 : i1 to i32
    %cond3A = arith.constant 0 : i32
    %cond3A_1 = arith.cmpi ne, %convert_element_type3A, %cond3A : i32
    scf.if %cond3A_1 {
      %broadcast_in_dim3A_99 = arith.constant 0.000000e+00 : f32
      %broadcast_in_dim3A_100 = vector.broadcast %broadcast_in_dim3A_99 : f32 to vector<1x128xf32>
      %swap3A_101 = arith.constant 0 : index
      %swap3A_102 = arith.constant 0 : index
      %swap3A_103 = vector.load %arg16[%swap3A_101, %swap3A_102] : memref<1x128xf32, #tpu.memory_space<vmem>>, vector<1x128xf32>
      tpu.vector_store %arg16[%swap3A_101, %swap3A_102], %broadcast_in_dim3A_100 {strides = array<i32>} : memref<1x128xf32, #tpu.memory_space<vmem>>, vector<1x128xf32>,
      %broadcast_in_dim3A_104 = arith.constant 0.000000e+00 : f32
      %broadcast_in_dim3A_105 = vector.broadcast %broadcast_in_dim3A_104 : f32 to vector<1x128xf32>
      %swap3A_106 = arith.constant 0 : index
      %swap3A_107 = arith.constant 0 : index
      %swap3A_108 = vector.load %arg17[%swap3A_106, %swap3A_107] : memref<1x128xf32, #tpu.memory_space<vmem>>, vector<1x128xf32>
      tpu.vector_store %arg17[%swap3A_106, %swap3A_107], %broadcast_in_dim3A_105 {strides = array<i32>} : memref<1x128xf32, #tpu.memory_space<vmem>>, vector<1x128xf32>,
      %broadcast_in_dim3A_109 = arith.constant 0.000000e+00 : f32
      %broadcast_in_dim3A_110 = vector.broadcast %broadcast_in_dim3A_109 : f32 to vector<1x1xf32>
      %swap3A_111 = arith.constant 0 : index
      %swap3A_112 = arith.constant 0 : index
      %swap3A_113 = vector.load %arg18[%swap3A_111, %swap3A_112] : memref<1x1xf32, #tpu.memory_space<vmem>>, vector<1x1xf32>
      tpu.vector_store %arg18[%swap3A_111, %swap3A_112], %broadcast_in_dim3A_110 {strides = array<i32>} : memref<1x1xf32, #tpu.memory_space<vmem>>, vector<1x1xf32>,
      %broadcast_in_dim3A_114 = arith.constant 0.000000e+00 : f32
      %broadcast_in_dim3A_115 = vector.broadcast %broadcast_in_dim3A_114 : f32 to vector<1x16xf32>
      %swap3A_116 = arith.constant 0 : index
      %swap3A_117 = arith.constant 0 : index
      %swap3A_118 = vector.load %arg19[%swap3A_116, %swap3A_117] : memref<1x16xf32, #tpu.memory_space<vmem>>, vector<1x16xf32>
      tpu.vector_store %arg19[%swap3A_116, %swap3A_117], %broadcast_in_dim3A_115 {strides = array<i32>} : memref<1x16xf32, #tpu.memory_space<vmem>>, vector<1x16xf32>,
    } else {
    }
    %get3A = arith.constant 0 : index
    %get3A_2 = arith.constant 0 : index
    %get3A_3 = vector.load %arg4[%get3A, %get3A_2] : memref<2000x8xf32, #tpu.memory_space<vmem>>, vector<2000x1xf32>
    %get3A_4 = arith.constant 0 : index
    %get3A_5 = arith.constant 0 : index
    %get3A_6 = vector.load %arg1[%get3A_4, %get3A_5] : memref<2000x128xf32, #tpu.memory_space<vmem>>, vector<2000x128xf32>
    %get3A_7 = arith.constant 0 : index
    %get3A_8 = arith.constant 0 : index
    %get3A_9 = vector.load %arg2[%get3A_7, %get3A_8] : memref<2000x128xf32, #tpu.memory_space<vmem>>, vector<2000x128xf32>
    %add3A = arith.addf %get3A_6, %get3A_9 : vector<2000x128xf32>
    %get3A_10 = arith.constant 0 : index
    %get3A_11 = arith.constant 0 : index
    %get3A_12 = vector.load %arg3[%get3A_10, %get3A_11] : memref<2000x128xf32, #tpu.memory_space<vmem>>, vector<2000x128xf32>
    %add3A_13 = arith.addf %add3A, %get3A_12 : vector<2000x128xf32>
    %mul3A = vector.broadcast %get3A_3 : vector<2000x1xf32> to vector<2000x128xf32>
    %mul3A_14 = arith.mulf %mul3A, %add3A_13 : vector<2000x128xf32>
    %get3A_15 = arith.constant 0 : index
    %get3A_16 = arith.constant 0 : index
    %get3A_17 = vector.load %arg8[%get3A_15, %get3A_16] : memref<2000x8xf32, #tpu.memory_space<vmem>>, vector<2000x1xf32>
    %get3A_18 = arith.constant 0 : index
    %get3A_19 = arith.constant 0 : index
    %get3A_20 = vector.load %arg5[%get3A_18, %get3A_19] : memref<2000x128xf32, #tpu.memory_space<vmem>>, vector<2000x128xf32>
    %get3A_21 = arith.constant 0 : index
    %get3A_22 = arith.constant 0 : index
    %get3A_23 = vector.load %arg6[%get3A_21, %get3A_22] : memref<2000x128xf32, #tpu.memory_space<vmem>>, vector<2000x128xf32>
    %add3A_24 = arith.addf %get3A_20, %get3A_23 : vector<2000x128xf32>
    %get3A_25 = arith.constant 0 : index
    %get3A_26 = arith.constant 0 : index
    %get3A_27 = vector.load %arg7[%get3A_25, %get3A_26] : memref<2000x128xf32, #tpu.memory_space<vmem>>, vector<2000x128xf32>
    %add3A_28 = arith.addf %add3A_24, %get3A_27 : vector<2000x128xf32>
    %mul3A_29 = vector.broadcast %get3A_17 : vector<2000x1xf32> to vector<2000x128xf32>
    %mul3A_30 = arith.mulf %mul3A_29, %add3A_28 : vector<2000x128xf32>
    %get3A_31 = arith.constant 0 : index
    %get3A_32 = arith.constant 0 : index
    %get3A_33 = vector.load %arg16[%get3A_31, %get3A_32] : memref<1x128xf32, #tpu.memory_space<vmem>>, vector<1x128xf32>
    %reduce_sum3A = arith.constant dense<0.000000e+00> : vector<128xf32>
    %reduce_sum3A_34 = vector.multi_reduction <add>, %mul3A_14, %reduce_sum3A [0] : vector<2000x128xf32> to vector<128xf32>
    %broadcast_in_dim3A = vector.shape_cast %reduce_sum3A_34 : vector<128xf32> to vector<1x128xf32>
    %add3A_35 = arith.addf %get3A_33, %broadcast_in_dim3A : vector<1x128xf32>
    %swap3A = arith.constant 0 : index
    %swap3A_36 = arith.constant 0 : index
    %swap3A_37 = vector.load %arg16[%swap3A, %swap3A_36] : memref<1x128xf32, #tpu.memory_space<vmem>>, vector<1x128xf32>
    tpu.vector_store %arg16[%swap3A, %swap3A_36], %add3A_35 {strides = array<i32>} : memref<1x128xf32, #tpu.memory_space<vmem>>, vector<1x128xf32>,
    %get3A_38 = arith.constant 0 : index
    %get3A_39 = arith.constant 0 : index
    %get3A_40 = vector.load %arg17[%get3A_38, %get3A_39] : memref<1x128xf32, #tpu.memory_space<vmem>>, vector<1x128xf32>
    %reduce_sum3A_41 = arith.constant dense<0.000000e+00> : vector<128xf32>
    %reduce_sum3A_42 = vector.multi_reduction <add>, %mul3A_30, %reduce_sum3A_41 [0] : vector<2000x128xf32> to vector<128xf32>
    %broadcast_in_dim3A_43 = vector.shape_cast %reduce_sum3A_42 : vector<128xf32> to vector<1x128xf32>
    %add3A_44 = arith.addf %get3A_40, %broadcast_in_dim3A_43 : vector<1x128xf32>
    %swap3A_45 = arith.constant 0 : index
    %swap3A_46 = arith.constant 0 : index
    %swap3A_47 = vector.load %arg17[%swap3A_45, %swap3A_46] : memref<1x128xf32, #tpu.memory_space<vmem>>, vector<1x128xf32>
    tpu.vector_store %arg17[%swap3A_45, %swap3A_46], %add3A_44 {strides = array<i32>} : memref<1x128xf32, #tpu.memory_space<vmem>>, vector<1x128xf32>,
    %get3A_48 = arith.constant 0 : index
    %get3A_49 = arith.constant 0 : index
    %get3A_50 = vector.load %arg9[%get3A_48, %get3A_49] : memref<2000x16xf32, #tpu.memory_space<vmem>>, vector<2000x16xf32>
    %get3A_51 = arith.constant 0 : index
    %get3A_52 = arith.constant 0 : index
    %get3A_53 = vector.load %arg19[%get3A_51, %get3A_52] : memref<1x16xf32, #tpu.memory_space<vmem>>, vector<1x16xf32>
    %reduce_sum3A_54 = arith.constant dense<0.000000e+00> : vector<16xf32>
    %reduce_sum3A_55 = vector.multi_reduction <add>, %get3A_50, %reduce_sum3A_54 [0] : vector<2000x16xf32> to vector<16xf32>
    %broadcast_in_dim3A_56 = vector.shape_cast %reduce_sum3A_55 : vector<16xf32> to vector<1x16xf32>
    %add3A_57 = arith.addf %get3A_53, %broadcast_in_dim3A_56 : vector<1x16xf32>
    %swap3A_58 = arith.constant 0 : index
    %swap3A_59 = arith.constant 0 : index
    %swap3A_60 = vector.load %arg19[%swap3A_58, %swap3A_59] : memref<1x16xf32, #tpu.memory_space<vmem>>, vector<1x16xf32>
    tpu.vector_store %arg19[%swap3A_58, %swap3A_59], %add3A_57 {strides = array<i32>} : memref<1x16xf32, #tpu.memory_space<vmem>>, vector<1x16xf32>,
    %get3A_61 = arith.constant 0 : index
    %get3A_62 = arith.constant 0 : index
    %get3A_63 = vector.load %arg10[%get3A_61, %get3A_62] : memref<128x16xf32, #tpu.memory_space<vmem>>, vector<128x16xf32>
    %dot_general3A = arith.constant dense<0.000000e+00> : vector<2000x16xf32>
    %dot_general3A_64 = tpu.matmul %mul3A_30, %get3A_63, %dot_general3A {dimension_numbers = #tpu.dot_dimension_numbers<[1], [0], [0], [1], [0, 0, 1, 1], [], []>, transpose_lhs_hint = false} : vector<2000x128xf32>, vector<128x16xf32>, vector<2000x16xf32> -> vector<2000x16xf32>
    %get3A_65 = arith.constant 0 : index
    %get3A_66 = arith.constant 0 : index
    %get3A_67 = vector.load %arg11[%get3A_65, %get3A_66] : memref<1x16xf32, #tpu.memory_space<vmem>>, vector<1x16xf32>
    %add3A_68 = vector.broadcast %get3A_67 : vector<1x16xf32> to vector<2000x16xf32>
    %add3A_69 = arith.addf %dot_general3A_64, %add3A_68 : vector<2000x16xf32>
    %reduce_max3A = arith.constant dense<0xFF800000> : vector<2000xf32>
    %reduce_max3A_70 = vector.multi_reduction <maximumf>, %add3A_69, %reduce_max3A [1] : vector<2000x16xf32> to vector<2000xf32>
    %broadcast_in_dim3A_71 = vector.shape_cast %reduce_max3A_70 : vector<2000xf32> to vector<2000x1xf32>
    %sub3A = vector.broadcast %broadcast_in_dim3A_71 : vector<2000x1xf32> to vector<2000x16xf32>
    %sub3A_72 = arith.subf %add3A_69, %sub3A : vector<2000x16xf32>
    %exp3A = math.exp %sub3A_72 : vector<2000x16xf32>
    %reduce_sum3A_73 = arith.constant dense<0.000000e+00> : vector<2000xf32>
    %reduce_sum3A_74 = vector.multi_reduction <add>, %exp3A, %reduce_sum3A_73 [1] : vector<2000x16xf32> to vector<2000xf32>
    %broadcast_in_dim3A_75 = vector.shape_cast %reduce_sum3A_74 : vector<2000xf32> to vector<2000x1xf32>
    %div3A = vector.broadcast %broadcast_in_dim3A_75 : vector<2000x1xf32> to vector<2000x16xf32>
    %div3A_76 = arith.divf %exp3A, %div3A : vector<2000x16xf32>
    %mul3A_77 = arith.mulf %div3A_76, %get3A_50 : vector<2000x16xf32>
    %reduce_sum3A_78 = arith.constant dense<0.000000e+00> : vector<2000xf32>
    %reduce_sum3A_79 = vector.multi_reduction <add>, %mul3A_77, %reduce_sum3A_78 [1] : vector<2000x16xf32> to vector<2000xf32>
    %broadcast_in_dim3A_80 = vector.shape_cast %reduce_sum3A_79 : vector<2000xf32> to vector<2000x1xf32>
    %get3A_81 = arith.constant 0 : index
    %get3A_82 = arith.constant 0 : index
    %get3A_83 = vector.load %arg18[%get3A_81, %get3A_82] : memref<1x1xf32, #tpu.memory_space<vmem>>, vector<1x1xf32>
    %log3A = math.log %broadcast_in_dim3A_80 : vector<2000x1xf32>
    %reduce_sum3A_84 = vector.shape_cast %log3A : vector<2000x1xf32> to vector<1x2000x1xf32>
    %reduce_sum3A_85 = arith.constant dense<0.000000e+00> : vector<1xf32>
    %reduce_sum3A_86 = vector.multi_reduction <add>, %reduce_sum3A_84, %reduce_sum3A_85 [1, 2] : vector<1x2000x1xf32> to vector<1xf32>
    %reduce_sum3A_87 = vector.shape_cast %reduce_sum3A_86 : vector<1xf32> to vector<1x1x1xf32>
    %reduce_sum3A_88 = vector.extract %reduce_sum3A_87[0, 0, 0] : f32 from vector<1x1x1xf32>
    %broadcast_in_dim3A_89 = vector.broadcast %reduce_sum3A_88 : f32 to vector<1x1xf32>
    %add3A_90 = arith.addf %get3A_83, %broadcast_in_dim3A_89 : vector<1x1xf32>
    %swap3A_91 = arith.constant 0 : index
    %swap3A_92 = arith.constant 0 : index
    %swap3A_93 = vector.load %arg18[%swap3A_91, %swap3A_92] : memref<1x1xf32, #tpu.memory_space<vmem>>, vector<1x1xf32>
    tpu.vector_store %arg18[%swap3A_91, %swap3A_92], %add3A_90 {strides = array<i32>} : memref<1x1xf32, #tpu.memory_space<vmem>>, vector<1x1xf32>,
    %eq3A_94 = arith.constant 4 : i32
    %eq3A_95 = arith.cmpi eq, %arg0, %eq3A_94 : i32
    %convert_element_type3A_96 = arith.extui %eq3A_95 : i1 to i32
    %cond3A_97 = arith.constant 0 : i32
    %cond3A_98 = arith.cmpi ne, %convert_element_type3A_96, %cond3A_97 : i32
    scf.if %cond3A_98 {
      %get3A_99 = arith.constant 0 : index
      %get3A_100 = arith.constant 0 : index
      %get3A_101 = vector.load %arg16[%get3A_99, %get3A_100] : memref<1x128xf32, #tpu.memory_space<vmem>>, vector<1x128xf32>
      %swap3A_102 = arith.constant 0 : index
      %swap3A_103 = arith.constant 0 : index
      %swap3A_104 = vector.load %arg12[%swap3A_102, %swap3A_103] : memref<1x128xf32, #tpu.memory_space<vmem>>, vector<1x128xf32>
      tpu.vector_store %arg12[%swap3A_102, %swap3A_103], %get3A_101 {strides = array<i32>} : memref<1x128xf32, #tpu.memory_space<vmem>>, vector<1x128xf32>,
      %get3A_105 = arith.constant 0 : index
      %get3A_106 = arith.constant 0 : index
      %get3A_107 = vector.load %arg17[%get3A_105, %get3A_106] : memref<1x128xf32, #tpu.memory_space<vmem>>, vector<1x128xf32>
      %swap3A_108 = arith.constant 0 : index
      %swap3A_109 = arith.constant 0 : index
      %swap3A_110 = vector.load %arg13[%swap3A_108, %swap3A_109] : memref<1x128xf32, #tpu.memory_space<vmem>>, vector<1x128xf32>
      tpu.vector_store %arg13[%swap3A_108, %swap3A_109], %get3A_107 {strides = array<i32>} : memref<1x128xf32, #tpu.memory_space<vmem>>, vector<1x128xf32>,
      %get3A_111 = arith.constant 0 : index
      %get3A_112 = arith.constant 0 : index
      %get3A_113 = vector.load %arg18[%get3A_111, %get3A_112] : memref<1x1xf32, #tpu.memory_space<vmem>>, vector<1x1xf32>
      %swap3A_114 = arith.constant 0 : index
      %swap3A_115 = arith.constant 0 : index
      %swap3A_116 = vector.load %arg14[%swap3A_114, %swap3A_115] : memref<1x1xf32, #tpu.memory_space<vmem>>, vector<1x1xf32>
      tpu.vector_store %arg14[%swap3A_114, %swap3A_115], %get3A_113 {strides = array<i32>} : memref<1x1xf32, #tpu.memory_space<vmem>>, vector<1x1xf32>,
      %get3A_117 = arith.constant 0 : index
      %get3A_118 = arith.constant 0 : index
      %get3A_119 = vector.load %arg19[%get3A_117, %get3A_118] : memref<1x16xf32, #tpu.memory_space<vmem>>, vector<1x16xf32>
      %swap3A_120 = arith.constant 0 : index
      %swap3A_121 = arith.constant 0 : index
      %swap3A_122 = vector.load %arg15[%swap3A_120, %swap3A_121] : memref<1x16xf32, #tpu.memory_space<vmem>>, vector<1x16xf32>
      tpu.vector_store %arg15[%swap3A_120, %swap3A_121], %get3A_119 {strides = array<i32>} : memref<1x16xf32, #tpu.memory_space<vmem>>, vector<1x16xf32>,
    } else {
    }
    return
  }
  func.func @transform_0(%arg0: i32) -> (i32, i32) {
    %c0_i32 = arith.constant 0 : i32
    %c0_i32_0 = arith.constant 0 : i32
    return %arg0, %c0_i32 : i32, i32
  }
  func.func @transform_1(%arg0: i32) -> (i32, i32) {
    %c0_i32 = arith.constant 0 : i32
    %c0_i32_0 = arith.constant 0 : i32
    return %arg0, %c0_i32 : i32, i32
  }
  func.func @transform_2(%arg0: i32) -> (i32, i32) {
    %c0_i32 = arith.constant 0 : i32
    %c0_i32_0 = arith.constant 0 : i32
    return %arg0, %c0_i32 : i32, i32
  }
  func.func @transform_3(%arg0: i32) -> (i32, i32) {
    %c0_i32 = arith.constant 0 : i32
    %c0_i32_0 = arith.constant 0 : i32
    return %arg0, %c0_i32 : i32, i32
  }
  func.func @transform_4(%arg0: i32) -> (i32, i32) {
    %c0_i32 = arith.constant 0 : i32
    %c0_i32_0 = arith.constant 0 : i32
    return %arg0, %c0_i32 : i32, i32
  }
  func.func @transform_5(%arg0: i32) -> (i32, i32) {
    %c0_i32 = arith.constant 0 : i32
    %c0_i32_0 = arith.constant 0 : i32
    return %arg0, %c0_i32 : i32, i32
  }
  func.func @transform_6(%arg0: i32) -> (i32, i32) {
    %c0_i32 = arith.constant 0 : i32
    %c0_i32_0 = arith.constant 0 : i32
    return %arg0, %c0_i32 : i32, i32
  }
  func.func @transform_7(%arg0: i32) -> (i32, i32) {
    %c0_i32 = arith.constant 0 : i32
    %c0_i32_0 = arith.constant 0 : i32
    return %arg0, %c0_i32 : i32, i32
  }
  func.func @transform_8(%arg0: i32) -> (i32, i32) {
    %c0_i32 = arith.constant 0 : i32
    %c0_i32_0 = arith.constant 0 : i32
    return %arg0, %c0_i32 : i32, i32
  }
  func.func @transform_9(%arg0: i32) -> (i32, i32) {
    %c0_i32 = arith.constant 0 : i32
    %c0_i32_0 = arith.constant 0 : i32
    %c0_i32_1 = arith.constant 0 : i32
    return %c0_i32, %c0_i32_0 : i32, i32
  }
  func.func @transform_10(%arg0: i32) -> (i32, i32) {
    %c0_i32 = arith.constant 0 : i32
    %c0_i32_0 = arith.constant 0 : i32
    %c0_i32_1 = arith.constant 0 : i32
    return %c0_i32, %c0_i32_0 : i32, i32
  }
  func.func @transform_11(%arg0: i32) -> (i32, i32) {
    %c0_i32 = arith.constant 0 : i32
    %c0_i32_0 = arith.constant 0 : i32
    %c0_i32_1 = arith.constant 0 : i32
    return %c0_i32, %c0_i32_0 : i32, i32
  }
  func.func @transform_12(%arg0: i32) -> (i32, i32) {
    %c0_i32 = arith.constant 0 : i32
    %c0_i32_0 = arith.constant 0 : i32
    %c0_i32_1 = arith.constant 0 : i32
    return %c0_i32, %c0_i32_0 : i32, i32
  }
  func.func @transform_13(%arg0: i32) -> (i32, i32) {
    %c0_i32 = arith.constant 0 : i32
    %c0_i32_0 = arith.constant 0 : i32
    %c0_i32_1 = arith.constant 0 : i32
    return %c0_i32, %c0_i32_0 : i32, i32
  }
  func.func @transform_14(%arg0: i32) -> (i32, i32) {
    %c0_i32 = arith.constant 0 : i32
    %c0_i32_0 = arith.constant 0 : i32
    %c0_i32_1 = arith.constant 0 : i32
    return %c0_i32, %c0_i32_0 : i32, i32
  }
}

module attributes {stable_mosaic.version = 14 : i64} {
  func.func @body(%arg0: i32, %arg1: memref<2xi32, #tpu.memory_space<smem>>, %arg2: memref<10240x16xf32, #tpu.memory_space<vmem>>, %arg3: memref<16x128xf32, #tpu.memory_space<vmem>>, %arg4: memref<1x128xf32, #tpu.memory_space<vmem>>, %arg5: memref<128x128xf32, #tpu.memory_space<vmem>>, %arg6: memref<1x128xf32, #tpu.memory_space<vmem>>, %arg7: memref<128x128xf32, #tpu.memory_space<vmem>>, %arg8: memref<1x128xf32, #tpu.memory_space<vmem>>, %arg9: memref<128x128xf32, #tpu.memory_space<vmem>>, %arg10: memref<1x128xf32, #tpu.memory_space<vmem>>, %arg11: memref<1x128xf32, #tpu.memory_space<vmem>>, %arg12: memref<1x128xf32, #tpu.memory_space<vmem>>, %arg13: memref<1x16xf32, #tpu.memory_space<vmem>>, %arg14: memref<10240x128xf32, #tpu.memory_space<vmem>>, %arg15: memref<1x128xf32, #tpu.memory_space<vmem>>, %arg16: memref<1x144xf32, #tpu.memory_space<vmem>>, %arg17: memref<1x144xf32, #tpu.memory_space<vmem>>) attributes {dimension_semantics = [#tpu.dimension_semantics<arbitrary>], iteration_bounds = array<i64: 1>, scalar_prefetch = 0 : i64, scratch_operands = 0 : i64, tpu.core_type = #tpu.core_type<tc>, window_params = [{transform_indices = @transform_0, window_bounds = array<i64: 2>}, {pipeline_mode = #tpu.pipeline_mode<synchronous>, transform_indices = @transform_1, window_bounds = array<i64: 10240, 16>}, {pipeline_mode = #tpu.pipeline_mode<synchronous>, transform_indices = @transform_2, window_bounds = array<i64: 16, 128>}, {pipeline_mode = #tpu.pipeline_mode<synchronous>, transform_indices = @transform_3, window_bounds = array<i64: 1, 128>}, {pipeline_mode = #tpu.pipeline_mode<synchronous>, transform_indices = @transform_4, window_bounds = array<i64: 128, 128>}, {pipeline_mode = #tpu.pipeline_mode<synchronous>, transform_indices = @transform_5, window_bounds = array<i64: 1, 128>}, {pipeline_mode = #tpu.pipeline_mode<synchronous>, transform_indices = @transform_6, window_bounds = array<i64: 128, 128>}, {pipeline_mode = #tpu.pipeline_mode<synchronous>, transform_indices = @transform_7, window_bounds = array<i64: 1, 128>}, {pipeline_mode = #tpu.pipeline_mode<synchronous>, transform_indices = @transform_8, window_bounds = array<i64: 128, 128>}, {pipeline_mode = #tpu.pipeline_mode<synchronous>, transform_indices = @transform_9, window_bounds = array<i64: 1, 128>}, {pipeline_mode = #tpu.pipeline_mode<synchronous>, transform_indices = @transform_10, window_bounds = array<i64: 1, 128>}, {pipeline_mode = #tpu.pipeline_mode<synchronous>, transform_indices = @transform_11, window_bounds = array<i64: 1, 128>}, {pipeline_mode = #tpu.pipeline_mode<synchronous>, transform_indices = @transform_12, window_bounds = array<i64: 1, 16>}, {pipeline_mode = #tpu.pipeline_mode<synchronous>, transform_indices = @transform_13, window_bounds = array<i64: 10240, 128>}, {pipeline_mode = #tpu.pipeline_mode<synchronous>, transform_indices = @transform_14, window_bounds = array<i64: 1, 128>}, {pipeline_mode = #tpu.pipeline_mode<synchronous>, transform_indices = @transform_15, window_bounds = array<i64: 1, 144>}, {pipeline_mode = #tpu.pipeline_mode<synchronous>, transform_indices = @transform_16, window_bounds = array<i64: 1, 144>}]} {
    %get3A = arith.constant 0 : index
    %get3A_0 = memref.load %arg1[%get3A] : memref<2xi32, #tpu.memory_space<smem>>
    %get3A_1 = arith.constant 1 : index
    %get3A_2 = memref.load %arg1[%get3A_1] : memref<2xi32, #tpu.memory_space<smem>>
    %iota3A = tpu.iota {dimensions = array<i32: 0>} : vector<10240x1xi32>
    %eq3A = vector.broadcast %get3A_2 : i32 to vector<10240x1xi32>
    %eq3A_3 = arith.cmpi eq, %iota3A, %eq3A : vector<10240x1xi32>
    %convert_element_type3A = arith.extui %eq3A_3 : vector<10240x1xi1> to vector<10240x1xi32>
    %convert_element_type3A_4 = arith.sitofp %convert_element_type3A : vector<10240x1xi32> to vector<10240x1xf32>
    %eq3A_5 = vector.broadcast %get3A_0 : i32 to vector<10240x1xi32>
    %eq3A_6 = arith.cmpi eq, %iota3A, %eq3A_5 : vector<10240x1xi32>
    %convert_element_type3A_7 = arith.extui %eq3A_6 : vector<10240x1xi1> to vector<10240x1xi32>
    %convert_element_type3A_8 = arith.sitofp %convert_element_type3A_7 : vector<10240x1xi32> to vector<10240x1xf32>
    %lt3A = arith.constant 10001 : i32
    %lt3A_9 = vector.broadcast %lt3A : i32 to vector<10240x1xi32>
    %lt3A_10 = arith.cmpi slt, %iota3A, %lt3A_9 : vector<10240x1xi32>
    %convert_element_type3A_11 = arith.extui %lt3A_10 : vector<10240x1xi1> to vector<10240x1xi32>
    %convert_element_type3A_12 = arith.sitofp %convert_element_type3A_11 : vector<10240x1xi32> to vector<10240x1xf32>
    %mul3A = arith.constant 0.292893231 : f32
    %mul3A_13 = vector.broadcast %mul3A : f32 to vector<10240x1xf32>
    %mul3A_14 = arith.mulf %convert_element_type3A_4, %mul3A_13 : vector<10240x1xf32>
    %sub3A = arith.constant 1.000000e+00 : f32
    %sub3A_15 = vector.broadcast %sub3A : f32 to vector<10240x1xf32>
    %sub3A_16 = arith.subf %sub3A_15, %mul3A_14 : vector<10240x1xf32>
    %get3A_17 = arith.constant 0 : index
    %get3A_18 = arith.constant 0 : index
    %get3A_19 = vector.load %arg2[%get3A_17, %get3A_18] : memref<10240x16xf32, #tpu.memory_space<vmem>>, vector<10240x16xf32>
    %mul3A_20 = vector.broadcast %sub3A_16 : vector<10240x1xf32> to vector<10240x16xf32>
    %mul3A_21 = arith.mulf %get3A_19, %mul3A_20 : vector<10240x16xf32>
    %mul3A_22 = vector.broadcast %convert_element_type3A_8 : vector<10240x1xf32> to vector<10240x16xf32>
    %mul3A_23 = arith.mulf %mul3A_21, %mul3A_22 : vector<10240x16xf32>
    %reduce_sum3A = arith.constant dense<0.000000e+00> : vector<16xf32>
    %reduce_sum3A_24 = vector.multi_reduction <add>, %mul3A_23, %reduce_sum3A [0] : vector<10240x16xf32> to vector<16xf32>
    %broadcast_in_dim3A = vector.shape_cast %reduce_sum3A_24 : vector<16xf32> to vector<1x16xf32>
    %mul3A_25 = vector.broadcast %convert_element_type3A_4 : vector<10240x1xf32> to vector<10240x16xf32>
    %mul3A_26 = vector.broadcast %broadcast_in_dim3A : vector<1x16xf32> to vector<10240x16xf32>
    %mul3A_27 = arith.mulf %mul3A_25, %mul3A_26 : vector<10240x16xf32>
    %add3A = arith.addf %mul3A_21, %mul3A_27 : vector<10240x16xf32>
    %mul3A_28 = vector.broadcast %sub3A_16 : vector<10240x1xf32> to vector<10240x16xf32>
    %mul3A_29 = arith.mulf %mul3A_28, %add3A : vector<10240x16xf32>
    %get3A_30 = arith.constant 0 : index
    %get3A_31 = arith.constant 0 : index
    %get3A_32 = vector.load %arg3[%get3A_30, %get3A_31] : memref<16x128xf32, #tpu.memory_space<vmem>>, vector<16x128xf32>
    %dot_general3A = arith.constant dense<0.000000e+00> : vector<10240x128xf32>
    %dot_general3A_33 = tpu.matmul %mul3A_29, %get3A_32, %dot_general3A {dimension_numbers = #tpu.dot_dimension_numbers<[1], [0], [0], [1], [0, 0, 1, 1], [], []>, transpose_lhs_hint = false} : vector<10240x16xf32>, vector<16x128xf32>, vector<10240x128xf32> -> vector<10240x128xf32>
    %get3A_34 = arith.constant 0 : index
    %get3A_35 = arith.constant 0 : index
    %get3A_36 = vector.load %arg4[%get3A_34, %get3A_35] : memref<1x128xf32, #tpu.memory_space<vmem>>, vector<1x128xf32>
    %add3A_37 = vector.broadcast %get3A_36 : vector<1x128xf32> to vector<10240x128xf32>
    %add3A_38 = arith.addf %dot_general3A_33, %add3A_37 : vector<10240x128xf32>
    %max3A = arith.constant 0.000000e+00 : f32
    %max3A_39 = vector.broadcast %max3A : f32 to vector<10240x128xf32>
    %max3A_40 = arith.maximumf %add3A_38, %max3A_39 : vector<10240x128xf32>
    %mul3A_41 = vector.broadcast %sub3A_16 : vector<10240x1xf32> to vector<10240x128xf32>
    %mul3A_42 = arith.mulf %max3A_40, %mul3A_41 : vector<10240x128xf32>
    %mul3A_43 = vector.broadcast %convert_element_type3A_8 : vector<10240x1xf32> to vector<10240x128xf32>
    %mul3A_44 = arith.mulf %mul3A_42, %mul3A_43 : vector<10240x128xf32>
    %reduce_sum3A_45 = arith.constant dense<0.000000e+00> : vector<128xf32>
    %reduce_sum3A_46 = vector.multi_reduction <add>, %mul3A_44, %reduce_sum3A_45 [0] : vector<10240x128xf32> to vector<128xf32>
    %broadcast_in_dim3A_47 = vector.shape_cast %reduce_sum3A_46 : vector<128xf32> to vector<1x128xf32>
    %mul3A_48 = vector.broadcast %convert_element_type3A_4 : vector<10240x1xf32> to vector<10240x128xf32>
    %mul3A_49 = vector.broadcast %broadcast_in_dim3A_47 : vector<1x128xf32> to vector<10240x128xf32>
    %mul3A_50 = arith.mulf %mul3A_48, %mul3A_49 : vector<10240x128xf32>
    %add3A_51 = arith.addf %mul3A_42, %mul3A_50 : vector<10240x128xf32>
    %mul3A_52 = vector.broadcast %sub3A_16 : vector<10240x1xf32> to vector<10240x128xf32>
    %mul3A_53 = arith.mulf %mul3A_52, %add3A_51 : vector<10240x128xf32>
    %get3A_54 = arith.constant 0 : index
    %get3A_55 = arith.constant 0 : index
    %get3A_56 = vector.load %arg5[%get3A_54, %get3A_55] : memref<128x128xf32, #tpu.memory_space<vmem>>, vector<128x128xf32>
    %dot_general3A_57 = arith.constant dense<0.000000e+00> : vector<10240x128xf32>
    %dot_general3A_58 = tpu.matmul %mul3A_53, %get3A_56, %dot_general3A_57 {dimension_numbers = #tpu.dot_dimension_numbers<[1], [0], [0], [1], [0, 0, 1, 1], [], []>, transpose_lhs_hint = false} : vector<10240x128xf32>, vector<128x128xf32>, vector<10240x128xf32> -> vector<10240x128xf32>
    %get3A_59 = arith.constant 0 : index
    %get3A_60 = arith.constant 0 : index
    %get3A_61 = vector.load %arg6[%get3A_59, %get3A_60] : memref<1x128xf32, #tpu.memory_space<vmem>>, vector<1x128xf32>
    %add3A_62 = vector.broadcast %get3A_61 : vector<1x128xf32> to vector<10240x128xf32>
    %add3A_63 = arith.addf %dot_general3A_58, %add3A_62 : vector<10240x128xf32>
    %swap3A = arith.constant 0 : index
    %swap3A_64 = arith.constant 0 : index
    %swap3A_65 = vector.load %arg14[%swap3A, %swap3A_64] : memref<10240x128xf32, #tpu.memory_space<vmem>>, vector<10240x128xf32>
    tpu.vector_store %arg14[%swap3A, %swap3A_64], %add3A_63 {strides = array<i32>} : memref<10240x128xf32, #tpu.memory_space<vmem>>, vector<10240x128xf32>,
    %mul3A_66 = vector.broadcast %convert_element_type3A_12 : vector<10240x1xf32> to vector<10240x128xf32>
    %mul3A_67 = arith.mulf %add3A_63, %mul3A_66 : vector<10240x128xf32>
    %reduce_sum3A_68 = arith.constant dense<0.000000e+00> : vector<128xf32>
    %reduce_sum3A_69 = vector.multi_reduction <add>, %mul3A_67, %reduce_sum3A_68 [0] : vector<10240x128xf32> to vector<128xf32>
    %broadcast_in_dim3A_70 = vector.shape_cast %reduce_sum3A_69 : vector<128xf32> to vector<1x128xf32>
    %div3A = arith.constant 1.000100e+04 : f32
    %div3A_71 = vector.broadcast %div3A : f32 to vector<1x128xf32>
    %div3A_72 = arith.divf %broadcast_in_dim3A_70, %div3A_71 : vector<1x128xf32>
    %iota3A_73 = tpu.iota {dimensions = array<i32: 1>} : vector<1x16xi32>
    %get3A_74 = arith.constant 0 : index
    %get3A_75 = arith.constant 0 : index
    %get3A_76 = vector.load %arg13[%get3A_74, %get3A_75] : memref<1x16xf32, #tpu.memory_space<vmem>>, vector<1x16xf32>
    %eq3A_77 = arith.constant 10 : i32
    %eq3A_78 = vector.broadcast %eq3A_77 : i32 to vector<1x16xi32>
    %eq3A_79 = arith.cmpi eq, %iota3A_73, %eq3A_78 : vector<1x16xi32>
    %convert_element_type3A_80 = arith.extui %eq3A_79 : vector<1x16xi1> to vector<1x16xi32>
    %convert_element_type3A_81 = arith.sitofp %convert_element_type3A_80 : vector<1x16xi32> to vector<1x16xf32>
    %add3A_82 = arith.addf %get3A_76, %convert_element_type3A_81 : vector<1x16xf32>
    %div3A_83 = arith.constant 1.000100e+04 : f32
    %div3A_84 = vector.broadcast %div3A_83 : f32 to vector<1x16xf32>
    %div3A_85 = arith.divf %add3A_82, %div3A_84 : vector<1x16xf32>
    %concatenate3A = tpu.concatenate %div3A_72, %div3A_85 in 1 : vector<1x128xf32>, vector<1x16xf32> -> vector<1x144xf32>
    %swap3A_86 = arith.constant 0 : index
    %swap3A_87 = arith.constant 0 : index
    %swap3A_88 = vector.load %arg17[%swap3A_86, %swap3A_87] : memref<1x144xf32, #tpu.memory_space<vmem>>, vector<1x144xf32>
    tpu.vector_store %arg17[%swap3A_86, %swap3A_87], %concatenate3A {strides = array<i32>} : memref<1x144xf32, #tpu.memory_space<vmem>>, vector<1x144xf32>,
    %get3A_89 = arith.constant 0 : index
    %get3A_90 = arith.constant 0 : index
    %get3A_91 = vector.load %arg12[%get3A_89, %get3A_90] : memref<1x128xf32, #tpu.memory_space<vmem>>, vector<1x128xf32>
    %div3A_92 = arith.constant 1.000000e+04 : f32
    %div3A_93 = vector.broadcast %div3A_92 : f32 to vector<1x128xf32>
    %div3A_94 = arith.divf %get3A_91, %div3A_93 : vector<1x128xf32>
    %get3A_95 = arith.constant 0 : index
    %get3A_96 = arith.constant 0 : index
    %get3A_97 = vector.load %arg9[%get3A_95, %get3A_96] : memref<128x128xf32, #tpu.memory_space<vmem>>, vector<128x128xf32>
    %dot_general3A_98 = arith.constant dense<0.000000e+00> : vector<1x128xf32>
    %dot_general3A_99 = tpu.matmul %div3A_94, %get3A_97, %dot_general3A_98 {dimension_numbers = #tpu.dot_dimension_numbers<[1], [0], [0], [1], [0, 0, 1, 1], [], []>, transpose_lhs_hint = false} : vector<1x128xf32>, vector<128x128xf32>, vector<1x128xf32> -> vector<1x128xf32>
    %get3A_100 = arith.constant 0 : index
    %get3A_101 = arith.constant 0 : index
    %get3A_102 = vector.load %arg10[%get3A_100, %get3A_101] : memref<1x128xf32, #tpu.memory_space<vmem>>, vector<1x128xf32>
    %add3A_103 = arith.addf %dot_general3A_99, %get3A_102 : vector<1x128xf32>
    %get3A_104 = arith.constant 0 : index
    %get3A_105 = arith.constant 0 : index
    %get3A_106 = vector.load %arg13[%get3A_104, %get3A_105] : memref<1x16xf32, #tpu.memory_space<vmem>>, vector<1x16xf32>
    %div3A_107 = arith.constant 1.000000e+04 : f32
    %div3A_108 = vector.broadcast %div3A_107 : f32 to vector<1x16xf32>
    %div3A_109 = arith.divf %get3A_106, %div3A_108 : vector<1x16xf32>
    %concatenate3A_110 = tpu.concatenate %add3A_103, %div3A_109 in 1 : vector<1x128xf32>, vector<1x16xf32> -> vector<1x144xf32>
    %swap3A_111 = arith.constant 0 : index
    %swap3A_112 = arith.constant 0 : index
    %swap3A_113 = vector.load %arg16[%swap3A_111, %swap3A_112] : memref<1x144xf32, #tpu.memory_space<vmem>>, vector<1x144xf32>
    tpu.vector_store %arg16[%swap3A_111, %swap3A_112], %concatenate3A_110 {strides = array<i32>} : memref<1x144xf32, #tpu.memory_space<vmem>>, vector<1x144xf32>,
    %get3A_114 = arith.constant 0 : index
    %get3A_115 = arith.constant 0 : index
    %get3A_116 = vector.load %arg11[%get3A_114, %get3A_115] : memref<1x128xf32, #tpu.memory_space<vmem>>, vector<1x128xf32>
    %div3A_117 = arith.constant 1.000000e+04 : f32
    %div3A_118 = vector.broadcast %div3A_117 : f32 to vector<1x128xf32>
    %div3A_119 = arith.divf %get3A_116, %div3A_118 : vector<1x128xf32>
    %get3A_120 = arith.constant 0 : index
    %get3A_121 = arith.constant 0 : index
    %get3A_122 = vector.load %arg7[%get3A_120, %get3A_121] : memref<128x128xf32, #tpu.memory_space<vmem>>, vector<128x128xf32>
    %dot_general3A_123 = arith.constant dense<0.000000e+00> : vector<1x128xf32>
    %dot_general3A_124 = tpu.matmul %div3A_119, %get3A_122, %dot_general3A_123 {dimension_numbers = #tpu.dot_dimension_numbers<[1], [0], [0], [1], [0, 0, 1, 1], [], []>, transpose_lhs_hint = false} : vector<1x128xf32>, vector<128x128xf32>, vector<1x128xf32> -> vector<1x128xf32>
    %get3A_125 = arith.constant 0 : index
    %get3A_126 = arith.constant 0 : index
    %get3A_127 = vector.load %arg8[%get3A_125, %get3A_126] : memref<1x128xf32, #tpu.memory_space<vmem>>, vector<1x128xf32>
    %add3A_128 = arith.addf %dot_general3A_124, %get3A_127 : vector<1x128xf32>
    %swap3A_129 = arith.constant 0 : index
    %swap3A_130 = arith.constant 0 : index
    %swap3A_131 = vector.load %arg15[%swap3A_129, %swap3A_130] : memref<1x128xf32, #tpu.memory_space<vmem>>, vector<1x128xf32>
    tpu.vector_store %arg15[%swap3A_129, %swap3A_130], %add3A_128 {strides = array<i32>} : memref<1x128xf32, #tpu.memory_space<vmem>>, vector<1x128xf32>,
    return
  }
  func.func @transform_0(%arg0: i32) -> i32 {
    %c0_i32 = arith.constant 0 : i32
    %c0_i32_0 = arith.constant 0 : i32
    return %c0_i32 : i32
  }
  func.func @transform_1(%arg0: i32) -> (i32, i32) {
    %c0_i32 = arith.constant 0 : i32
    %c0_i32_0 = arith.constant 0 : i32
    %c0_i32_1 = arith.constant 0 : i32
    return %c0_i32, %c0_i32_0 : i32, i32
  }
  func.func @transform_2(%arg0: i32) -> (i32, i32) {
    %c0_i32 = arith.constant 0 : i32
    %c0_i32_0 = arith.constant 0 : i32
    %c0_i32_1 = arith.constant 0 : i32
    return %c0_i32, %c0_i32_0 : i32, i32
  }
  func.func @transform_3(%arg0: i32) -> (i32, i32) {
    %c0_i32 = arith.constant 0 : i32
    %c0_i32_0 = arith.constant 0 : i32
    %c0_i32_1 = arith.constant 0 : i32
    return %c0_i32, %c0_i32_0 : i32, i32
  }
  func.func @transform_4(%arg0: i32) -> (i32, i32) {
    %c0_i32 = arith.constant 0 : i32
    %c0_i32_0 = arith.constant 0 : i32
    %c0_i32_1 = arith.constant 0 : i32
    return %c0_i32, %c0_i32_0 : i32, i32
  }
  func.func @transform_5(%arg0: i32) -> (i32, i32) {
    %c0_i32 = arith.constant 0 : i32
    %c0_i32_0 = arith.constant 0 : i32
    %c0_i32_1 = arith.constant 0 : i32
    return %c0_i32, %c0_i32_0 : i32, i32
  }
  func.func @transform_6(%arg0: i32) -> (i32, i32) {
    %c0_i32 = arith.constant 0 : i32
    %c0_i32_0 = arith.constant 0 : i32
    %c0_i32_1 = arith.constant 0 : i32
    return %c0_i32, %c0_i32_0 : i32, i32
  }
  func.func @transform_7(%arg0: i32) -> (i32, i32) {
    %c0_i32 = arith.constant 0 : i32
    %c0_i32_0 = arith.constant 0 : i32
    %c0_i32_1 = arith.constant 0 : i32
    return %c0_i32, %c0_i32_0 : i32, i32
  }
  func.func @transform_8(%arg0: i32) -> (i32, i32) {
    %c0_i32 = arith.constant 0 : i32
    %c0_i32_0 = arith.constant 0 : i32
    %c0_i32_1 = arith.constant 0 : i32
    return %c0_i32, %c0_i32_0 : i32, i32
  }
  func.func @transform_9(%arg0: i32) -> (i32, i32) {
    %c0_i32 = arith.constant 0 : i32
    %c0_i32_0 = arith.constant 0 : i32
    %c0_i32_1 = arith.constant 0 : i32
    return %c0_i32, %c0_i32_0 : i32, i32
  }
  func.func @transform_10(%arg0: i32) -> (i32, i32) {
    %c0_i32 = arith.constant 0 : i32
    %c0_i32_0 = arith.constant 0 : i32
    %c0_i32_1 = arith.constant 0 : i32
    return %c0_i32, %c0_i32_0 : i32, i32
  }
  func.func @transform_11(%arg0: i32) -> (i32, i32) {
    %c0_i32 = arith.constant 0 : i32
    %c0_i32_0 = arith.constant 0 : i32
    %c0_i32_1 = arith.constant 0 : i32
    return %c0_i32, %c0_i32_0 : i32, i32
  }
  func.func @transform_12(%arg0: i32) -> (i32, i32) {
    %c0_i32 = arith.constant 0 : i32
    %c0_i32_0 = arith.constant 0 : i32
    %c0_i32_1 = arith.constant 0 : i32
    return %c0_i32, %c0_i32_0 : i32, i32
  }
  func.func @transform_13(%arg0: i32) -> (i32, i32) {
    %c0_i32 = arith.constant 0 : i32
    %c0_i32_0 = arith.constant 0 : i32
    %c0_i32_1 = arith.constant 0 : i32
    return %c0_i32, %c0_i32_0 : i32, i32
  }
  func.func @transform_14(%arg0: i32) -> (i32, i32) {
    %c0_i32 = arith.constant 0 : i32
    %c0_i32_0 = arith.constant 0 : i32
    %c0_i32_1 = arith.constant 0 : i32
    return %c0_i32, %c0_i32_0 : i32, i32
  }
  func.func @transform_15(%arg0: i32) -> (i32, i32) {
    %c0_i32 = arith.constant 0 : i32
    %c0_i32_0 = arith.constant 0 : i32
    %c0_i32_1 = arith.constant 0 : i32
    return %c0_i32, %c0_i32_0 : i32, i32
  }
  func.func @transform_16(%arg0: i32) -> (i32, i32) {
    %c0_i32 = arith.constant 0 : i32
    %c0_i32_0 = arith.constant 0 : i32
    %c0_i32_1 = arith.constant 0 : i32
    return %c0_i32, %c0_i32_0 : i32, i32
  }
}

</mosaic_0001>

<sc_bundles>
// kernel: kernel.12.cloned.1.call-start
scs
__scs_entry_jumppad:
0x0: {  	(pc) =	sbr.rel $0x88, $3  }
0x1: {  	(tag) =	ssettag $0x0;
	lr =	simm.s32 $0x1  }
0x2: {  	[smem:$0x3F8E] =	sst lr;
	_ =	strace $0xD0000000  }
0x3: {  	_ = 	snop  }
0x4: {  	_ = 	snop  }
0x5: {  	_ = 	snop  }
0x6: {  	_ = 	snop  }
0x7: {  	_ = 	snop  }
__scs_overlays_trampoline_lowered:
0x8: {  	[smem:$0x3F9D] =	sst s0  }
0x9: {  	[smem:$0x3F9E] =	sst s1  }
0xa: {  	[smem:$0x3F9F] =	sst s2  }
0xb: {  	[smem:$0x3FA0] =	sst s3  }
0xc: {  	[smem:$0x3FA1] =	sst s4  }
0xd: {  	[smem:$0x3FA2] =	sst s5  }
0xe: {  	[smem:$0x3FA3] =	sst s6  }
0xf: {  	[smem:$0x3FA4] =	sst s7  }
0x10: {  	[smem:$0x3FA5] =	sst s8  }
0x11: {  	[smem:$0x3FA6] =	sst s9;
	s0 =	simm.s32 @!p0 $0x0  }
0x12: {  	s1 =	sld [smem:$0x3F8C];
	s0 =	simm.s32 @p0 $0x1  }
0x13: {  	[smem:$0x3FA7] =	sst s0;
	s0 =	simm.s32 @!p1 $0x0  }
0x14: {  	s2 =	sld [smem:$0x3F8B];
	s0 =	simm.s32 @p1 $0x1  }
0x15: {  	[smem:$0x3FA8] =	sst s0;
	s0 =	simm.s32 @!p2 $0x0  }
0x16: {  	s3 =	sld [smem:$0x3FDB];
	s0 =	simm.s32 @p2 $0x1  }
0x17: {  	s4 =	simm.s32 $0x1BF5;
	[smem:$0x3FAA] =	sst s0  }
0x18: {  	s0 =	sld [smem:$0x3F8D];
	_ =	swait.ge [sflag:s4], $0x0  }
0x19: {  	s7 =	sld [smem:$0x3F8E]  }
0x1a: {  	s8 =	sadd.s32 $0xFFFFE003, lr  }
0x1b: {  	s9 =	sadd.s32 $0xFFFFFEF7, lr;
	s5 =	simm.s32 $0xFFFFFFFF;
	p2 =	slt.u32 s8, $0xFFFFF086  }
0x1c: {  	p1 =	slt.u32 s9, $0xF7A;
	s5 =	simm.s32 @!p2 $0x0  }
0x1d: {  	s5 =	simm.s32 @p1 $0x1;
	p0 =	seq.s32 s7, s2  }
0x1e: {  	s7 =	smul.u32 @!p0 $0xF7A, s2;
	p2 =	seq.s32 @!p0 s5, $0x0  }
0x1f: {  	s9 =	smul.u32 $0xF7A, s1;
	s8 =	simm.s32 @!p0 $0x1BF5;
	p2 =	por !p2, p0  }
0x20: {  	[sflag:s8] =	ssyncset.s32 @!p0 $0xFFFFF086;
	s6 =	sadd.s32 @!p0 s3, s7;
	s7 =	simm.s32 @!p0 $0x108  }
0x21: {  	s3 =	sadd.s32 s3, s9;
	s6 =	sadd.s32 @!p0 $0x88, s6;
	s7 =	simm.s32 @p2 $0x1082  }
0x22: {  	[simem:s7], [sflag:s8] =	dma.local @!p0 [hbm:s6], $0xF7A  }
0x23: {  	s9 =	sor.u32 $0xD0000000, s2;
	s6 =	simm.s32 $0x108;
	_ =	swait.ge @!p0 [sflag:s8], $0x0  }
0x24: {  	s3 =	sadd.s32 $0x88, s3;
	s6 =	simm.s32 @!p1 $0x1082;
	[sflag:s4] =	ssyncset.s32 $0xFFFFF086  }
0x25: {  	[simem:s6], [sflag:s4] =	dma.local [hbm:s3], $0xF7A  }
0x26: {  	[smem:$0x3F8E] =	sst s1;
	(tag) =	ssettag s2;
	_ =	strace s9  }
0x27: {  	s1 =	sld [smem:$0x3F9E]  }
0x28: {  	s2 =	sld [smem:$0x3F9F]  }
0x29: {  	s4 =	sld [smem:$0x3FA1]  }
0x2a: {  	p0 =	seq.s32 s5, $0x0;
	s5 =	sld [smem:$0x3FA2]  }
0x2b: {  	s6 =	sld [smem:$0x3FA3]  }
0x2c: {  	s7 =	sld [smem:$0x3FA4]  }
0x2d: {  	s3 =	simm.s32 $0x108;
	s8 =	sld [smem:$0x3FA5]  }
0x2e: {  	s3 =	simm.s32 @!p0 $0x1082;
	s9 =	sld [smem:$0x3FA6]  }
0x2f: {  	lr =	sadd.s32 s0, s3;
	s0 =	sld [smem:$0x3F9D]  }
0x30: {  	s3 =	sld [smem:$0x3FA0]  }
0x31: {  	[smem:$0x3FA9] =	sst s10  }
0x32: {  	s10 =	sld [smem:$0x3FA7];
	_ =	sdelay $0x3  }
0x33: {  	p0 =	seq.s32 s10, $0x1;
	s10 =	sld [smem:$0x3FA9];
	_ =	sdelay $0x3  }
0x34: {  	[smem:$0x3FA9] =	sst s10  }
0x35: {  	s10 =	sld [smem:$0x3FA8];
	_ =	sdelay $0x3  }
0x36: {  	p1 =	seq.s32 s10, $0x1;
	s10 =	sld [smem:$0x3FA9];
	_ =	sdelay $0x3  }
0x37: {  	[smem:$0x3FA9] =	sst s10  }
0x38: {  	s10 =	sld [smem:$0x3FAA]  }
0x39: {  	_ = 	snop;
	(pc) =	sbr.ind lr, $3  }
0x3a: {  	_ = 	snop  }
0x3b: {  	_ = 	snop  }
0x3c: {  	p2 =	seq.s32 s10, $0x1;
	s10 =	sld [smem:$0x3FA9]  }
0x3d: {  	_ =	shalt  }
0x3e: {  	_ =	shalt  }
0x3f: {  	_ =	shalt  }
0x40: {  	_ =	shalt  }
0x41: {  	_ =	shalt  }
0x42: {  	_ =	shalt  }
0x43: {  	_ =	shalt  }
0x44: {  	_ =	shalt  }
0x45: {  	_ =	shalt  }
0x46: {  	_ =	shalt  }
0x47: {  	_ =	shalt  }
0x48: {  	_ =	shalt  }
0x49: {  	_ =	shalt  }
0x4a: {  	_ =	shalt  }
0x4b: {  	_ =	shalt  }
0x4c: {  	_ =	shalt  }
0x4d: {  	_ =	shalt  }
0x4e: {  	_ =	shalt  }
0x4f: {  	_ =	shalt  }
0x50: {  	_ =	shalt  }
0x51: {  	_ =	shalt  }
0x52: {  	_ =	shalt  }
0x53: {  	_ =	shalt  }
0x54: {  	_ =	shalt  }
0x55: {  	_ =	shalt  }
0x56: {  	_ =	shalt  }
0x57: {  	_ =	shalt  }
0x58: {  	_ =	shalt  }
0x59: {  	_ =	shalt  }
0x5a: {  	_ =	shalt  }
0x5b: {  	_ =	shalt  }
0x5c: {  	_ =	shalt  }
0x5d: {  	_ =	shalt  }
0x5e: {  	_ =	shalt  }
0x5f: {  	_ =	shalt  }
0x60: {  	_ =	shalt  }
0x61: {  	_ =	shalt  }
0x62: {  	_ =	shalt  }
0x63: {  	_ =	shalt  }
0x64: {  	_ =	shalt  }
0x65: {  	_ =	shalt  }
0x66: {  	_ =	shalt  }
0x67: {  	_ =	shalt  }
0x68: {  	_ =	shalt  }
0x69: {  	_ =	shalt  }
0x6a: {  	_ =	shalt  }
0x6b: {  	_ =	shalt  }
0x6c: {  	_ =	shalt  }
0x6d: {  	_ =	shalt  }
0x6e: {  	_ =	shalt  }
0x6f: {  	_ =	shalt  }
0x70: {  	_ =	shalt  }
0x71: {  	_ =	shalt  }
0x72: {  	_ =	shalt  }
0x73: {  	_ =	shalt  }
0x74: {  	_ =	shalt  }
0x75: {  	_ =	shalt  }
0x76: {  	_ =	shalt  }
0x77: {  	_ =	shalt  }
0x78: {  	_ =	shalt  }
0x79: {  	_ =	shalt  }
0x7a: {  	_ =	shalt  }
0x7b: {  	_ =	shalt  }
0x7c: {  	_ =	shalt  }
0x7d: {  	_ =	shalt  }
0x7e: {  	_ =	shalt  }
0x7f: {  	_ =	shalt  }
0x80: {  	_ =	shalt  }
0x81: {  	_ =	shalt  }
0x82: {  	_ =	shalt  }
0x83: {  	_ =	shalt  }
0x84: {  	_ =	shalt  }
0x85: {  	_ =	shalt  }
0x86: {  	_ =	shalt  }
0x87: {  	_ =	shalt  }
.Lfunc_end0:
.L_simem_size_0:
called_computation_lowered:
.L_overlay_start_0:
0x88: {  	s2 =	sld [smem:$0x3FD9]  }
0x89: {  	s3 =	sld [smem:$0x3FFE];
	_ =	sdelay $0x1  }
0x8a: {  	s1 =	srdreg.scid  }
0x8b: {  	s0 =	sand.u32 $0x1, s1  }
0x8c: {  	s14 =	sshll.u32 s0, $0xA;
	s2 =	sadd.s32 s3, s2  }
0x8d: {  	s2 =	sadd.s32 s2, s14  }
0x8e: {  	[smem:$0x3FB5] =	sst s2  }
0x8f: {  	_ = 	snop  }
0x90: {  	s2 =	sld [smem:$0x3FD0];
	_ =	sdelay $0x2  }
0x91: {  	s15 =	simm.s32 $0xB;
	s4 =	simm.s32 $0x10  }
0x92: {  	[smem:s4], [sflag:s15] =	dma.local [hbm:s2], $0x1  }
0x93: {  	_ =	swait.eq [sflag:s15], $0x1  }
0x94: {  	[sflag:s15] =	ssyncset.done $0x0  }
0x95: {  	[sflag:s15] =	ssyncadd.s32 $0xFFFFFFFF  }
0x96: {  	s16 =	sld [smem:$0x12];
	(tm) =	ssettm $0x1  }
0x97: {  	s17 =	sld [smem:$0x3FFB];
	_ =	sdelay $0x3  }
0x98: {  	_ =	strace s17  }
0x99: {  	s3 =	sld [smem:$0x3FFC];
	_ =	sdelay $0x3  }
0x9a: {  	_ =	strace s3  }
0x9b: {  	s3 =	sld [smem:$0x3FFD];
	_ =	sdelay $0x3  }
0x9c: {  	_ =	strace s3  }
0x9d: {  	_ =	strace $0x8FFFFFFF  }
0x9e: {  	s18 =	sld [smem:$0x3FDB];
	_ =	sdelay $0x1  }
0x9f: {  	s19 =	simm.s32 $_scs_section_size  }
0xa0: {  	s5 =	simm.s32 $_size__tile_overlayer_lowered;
	s6 =	simm.s32 $_tile_overlayer_lowered  }
0xa1: {  	s22 =	simm.s32 $0x1BFF;
	s21 =	sshll.u32 s6, $0x1;
	s3 =	sadd.s32 s19, s18  }
0xa2: {  	s7 =	simm.s32 $0x0;
	s20 =	sshll.u32 s5, $0x1;
	s5 =	sadd.s32 s21, s3  }
0xa3: {  	[timem:s7], [sflag:s22] =	dma.local [hbm:s5], s20  }
0xa4: {  	_ =	swait.ge [sflag:s22], s20  }
0xa5: {  	s4 =	ssub.s32 $0x0, s20;
	[sflag:s22] =	ssyncset.done $0x0  }
0xa6: {  	[sflag:s22] =	ssyncadd.s32 s4;
	_ =	sdelay $0x1  }
0xa7: {  	s23 =	simm.s32 $0x1B8B  }
0xa8: {  	_ =	swait.ge [sflag:s23], $0x1  }
0xa9: {  	[sflag:s23] =	ssyncset.done $0x0  }
0xaa: {  	s25 =	simm.s32 $0x1B8E;
	s24 =	sld [smem:$0x3FFE];
	[sflag:s23] =	ssyncadd.s32 $0xFFFFFFFF  }
0xab: {  	s26 =	simm.s32 $execute0_lowered;
	[smem:$0x3FD2] =	sst s25  }
0xac: {  	s5 =	sshll.u32 s26, $0x1;
	_ =	strace $0x80000046;
	[dreg:$0x1] =	wrdreg $0xFFFFFFFF  }
0xad: {  	s28 =	simm.s32 $_size_execute0_lowered;
	s3 =	sadd.s32 s3, s5;
	[dreg:$0x0] =	wrdreg $0x0  }
0xae: {  	s5 =	sshll.u32 s28, $0x1;
	[dreg:$0x2] =	wrdreg s3  }
0xaf: {  	[dreg:$0x3] =	wrdreg s5  }
0xb0: {  	[dreg:$0x4] =	wrdreg $0xC0  }
0xb1: {  	_ =	task [dreg:s7], $0x5FFFF  }
0xb2: {  	[dreg:$0x1] =	wrdreg $0xFFFFFFFF  }
0xb3: {  	[dreg:$0x0] =	wrdreg $0x60  }
0xb4: {  	[dreg:$0x2] =	wrdreg s24  }
0xb5: {  	[dreg:$0x3] =	wrdreg s16  }
0xb6: {  	[dreg:$0x4] =	wrdreg $0xC0000  }
0xb7: {  	[dreg:$0x5] =	wrdreg $0x9  }
0xb8: {  	_ =	task.clear_ibuf [dreg:s7], $0x6FFFF;
	_ =	strace $0x90000046  }
0xb9: {  	s29 =	simm.s32 $0x9;
	_ =	strace $0x80000048  }
0xba: {  	_ =	swait.ge [sflag:s29], $0x1  }
0xbb: {  	[sflag:s29] =	ssyncadd.s32 $0xFFFFFFFF  }
0xbc: {  	_ =	strace $0x90000048  }
0xbd: {  	_ =	sfence  }
0xbe: {  	s30 =	sld [smem:$0x0];
	_ =	sdelay $0x2  }
0xbf: {  	s31 =	sshll.u32 s1, $0xD;
	s1 =	sshrl.u32 s1, $0x2  }
0xc0: {  	s3 =	sand.u32 $0x4000, s31;
	s1 =	sadd.s32 s1, s30  }
0xc1: {  	s0 =	sor.u32 s3, s0;
	s1 =	sshll.u32 s1, $0x11  }
0xc2: {  	s0 =	sor.u32 s1, s0  }
0xc3: {  	s0 =	sadd.s32 $0x8F2B, s0  }
0xc4: {  	[sflag:s0] =	ssyncadd.remote.s32 $0x1  }
0xc5: {  	_ =	sfence.sel $0xFFFF  }
0xc6: {  	[dreg:$0x0] =	wrdreg $0xFFFFFFFF;
	(pc) =	sbr.abs _section_cstart, $3  }
0xc7: {  	[dreg:$0x1] =	wrdreg $0xFFFFFFFF  }
0xc8: {  	_ =	task.clear_ibuf [dreg:s7], $0x2FFFF;
	_ =	strace $0x9FFFFFFF  }
0xc9: {  	(tm) =	ssettm $0x7FFFFFFF  }
tec
execute0_lowered:
.L_overlay_start_1:
0x0: {  	(tag) =	ssettag $0x1  }
0x1: {  	s6 =	rddreg [dreg:$0x0]  }
0x2: {  	s2 =	rddreg [dreg:$0x1]  }
0x3: {  	s0 =	srdreg.scid;
	s3 =	rddreg [dreg:$0x2]  }
0x4: {  	s1 =	rddreg [dreg:$0x3];
	s7 =	sand.u32 $0x1, s0  }
0x5: {  	s0 =	stileid.u32;
	s5 =	smul.u32 $0xA1000, s7  }
0x6: {  	s4 =	simm.s32 $0x0;
	s13 =	simm.s32 $0x40;
	s8 =	smul.u32 $0xA000, s0  }
0x7: {  	s14 =	simm.s32 $0x1;
	[smem:$0x7FF] =	sst s4;
	s9 =	smul.u32 $0x140000, s7  }
0x8: {  	s15 =	simm.s32 $0x0;
	s10 =	smul.u32 $0x14000, s0;
	_ =	strace $0x80000047  }
0x9: {  	s30 =	smul.u32 $0x50000, s0;
	s31 =	ssub.s32 $0x2, s7;
	s11 =	sshll.u32 s0, $0x6  }
0xa: {  	s7 =	sshrl.u32 s31, $0x1;
	s5 =	sadd.s32 s8, s5;
	s28 =	sadd.s32 s10, s9  }
0xb: {  	s10 =	sshrl.u32 s30, $0x2;
	s12 =	ssub.s32 s31, s7;
	s5 =	sshrl.u32 s5, $0x3  }
0xc: {  	s8 =	sshrl.u32 s28, $0x3;
	s10 =	sadd.s32 s10, s3;
	s9 =	smax.u32 s12, $0x1  }
0xd: {  	s12 =	simm.s32 $0xA000;
	s29 =	sadd.s32 s5, s6;
	s5 =	sadd.s32 $0x2E600, s6  }
0xe: {  	s8 =	sadd.s32 s8, s6;
	s6 =	sor.u32 $0x1C02, s11;
	s10 =	sshrl.u32 s10, $0x3  }
0xf: {  	s11 =	simm.s32 $0x2;
	s7 =	sadd.s32 $0x6200, s29;
	s8 =	sadd.s32 $0x30E00, s8  }
.LBB2_1:
0x10: {  	[spmem:s10], [sflag:s6] =	dma.local [hbm:s5], $0x2800  }
0x11: {  	_ =	swait.ge [sflag:s11], $0x2800  }
0x12: {  	[sflag:s11] =	ssyncset.done $0x0  }
0x13: {  	[sflag:s11] =	ssyncadd.s32 $0xFFFFD800  }
0x14: {  	[tilespmem:s12], [sflag:$0x2] =	stream.linear.gather [hbm4b:s2+s4], $0x2000, $0x38;
	v63 =	vld [tilespmem:$0x0]  }
0x15: {  	_ =	swait.ge [sflag:s11], $0x2000  }
0x16: {  	[sflag:s11] =	ssyncset.done $0x0  }
0x17: {  	[sflag:s11] =	ssyncadd.s32 $0xFFFFE000  }
0x18: {  	[tilespmem:s4], [sflag:$0x2] =	stream.linear.gather [hbm4b:s7+s4], $0xA000, $0x38;
	v63 =	vld [tilespmem:$0x0]  }
0x19: {  	_ =	swait.ge [sflag:s11], $0xA000  }
0x1a: {  	[sflag:s11] =	ssyncset.done $0x0  }
0x1b: {  	[sflag:s11] =	ssyncadd.s32 $0xFFFF6000  }
0x1c: {  	s16 =	simm.s32 $0x0;
	[bflag:$0x0] =	sbarrier.arrive $0xFFFF  }
0x1d: {  	[spmem:s3] =	stream.indirect.scatter.add.f32 [tilespmem:s12], [sflag:$0x1], $0x80, s16, s13, $0xb8;
	v63 =	vld [tilespmem:$0x0]  }
0x1e: {  	s29 =	simm.s32 $0x80  }
0x1f: {  	[spmem:s3] =	stream.indirect.scatter.add.f32 [tilespmem:s12], [sflag:$0x1], $0x80, s29, s13, $0xb8;
	v63 =	vld [tilespmem:$0x0]  }
0x20: {  	s30 =	simm.s32 $0x100  }
0x21: {  	[spmem:s3] =	stream.indirect.scatter.add.f32 [tilespmem:s12], [sflag:$0x1], $0x80, s30, s13, $0xb8;
	v63 =	vld [tilespmem:$0x0]  }
0x22: {  	s31 =	simm.s32 $0x180  }
0x23: {  	[spmem:s3] =	stream.indirect.scatter.add.f32 [tilespmem:s12], [sflag:$0x1], $0x80, s31, s13, $0xb8;
	v63 =	vld [tilespmem:$0x0]  }
0x24: {  	_ =	swait.ge [sflag:s14], $0x2000  }
0x25: {  	[sflag:s14] =	ssyncset.done $0x0  }
0x26: {  	[sflag:s14] =	ssyncadd.s32 $0xFFFFE000  }
0x27: {  	_ =	swait.ge [sflag:s14], $0x2000  }
0x28: {  	[sflag:s14] =	ssyncset.done $0x0  }
0x29: {  	[sflag:s14] =	ssyncadd.s32 $0xFFFFE000  }
0x2a: {  	_ =	swait.ge [sflag:s14], $0x2000  }
0x2b: {  	[sflag:s14] =	ssyncset.done $0x0  }
0x2c: {  	[sflag:s14] =	ssyncadd.s32 $0xFFFFE000  }
0x2d: {  	_ =	swait.ge [sflag:s14], $0x2000  }
0x2e: {  	s17 =	simm.s32 $0x1000;
	s16 =	simm.s32 $0x800;
	[sflag:s14] =	ssyncset.done $0x0  }
.LBB2_2:
0x2f: {  	s18 =	sshra.s32 s16, $0x2  }
0x30: {  	[sflag:s14] =	ssyncadd.s32 $0xFFFFE000;
	s16 =	smov.u32 s17;
	s19 =	sadd.s32 $0x800, s17  }
0x31: {  	[spmem:s3] =	stream.indirect.scatter.add.f32 [tilespmem:s12], [sflag:$0x1], $0x80, s18, s13, $0xb8;
	v63 =	vld [tilespmem:$0x0]  }
0x32: {  	p0 =	sne.s32 s17, $0x27800;
	s17 =	sadd.s32 $0x80, s18  }
0x33: {  	[spmem:s3] =	stream.indirect.scatter.add.f32 [tilespmem:s12], [sflag:$0x1], $0x80, s17, s13, $0xb8;
	v63 =	vld [tilespmem:$0x0]  }
0x34: {  	s17 =	sadd.s32 $0x100, s18  }
0x35: {  	[spmem:s3] =	stream.indirect.scatter.add.f32 [tilespmem:s12], [sflag:$0x1], $0x80, s17, s13, $0xb8;
	v63 =	vld [tilespmem:$0x0]  }
0x36: {  	s17 =	sadd.s32 $0x180, s18  }
0x37: {  	[spmem:s3] =	stream.indirect.scatter.add.f32 [tilespmem:s12], [sflag:$0x1], $0x80, s17, s13, $0xb8;
	v63 =	vld [tilespmem:$0x0]  }
0x38: {  	_ =	swait.ge [sflag:s14], $0x2000  }
0x39: {  	[sflag:s14] =	ssyncset.done $0x0  }
0x3a: {  	[sflag:s14] =	ssyncadd.s32 $0xFFFFE000  }
0x3b: {  	_ =	swait.ge [sflag:s14], $0x2000  }
0x3c: {  	[sflag:s14] =	ssyncset.done $0x0  }
0x3d: {  	[sflag:s14] =	ssyncadd.s32 $0xFFFFE000  }
.Ltmp0:
0x3e: {  	_ =	swait.ge [sflag:s14], $0x2000;
	(pc) =	sbr.rel @p0 .LBB2_2-.Ltmp0, $4  }
0x3f: {  	[sflag:s14] =	ssyncset.done $0x0  }
0x40: {  	[sflag:s14] =	ssyncadd.s32 $0xFFFFE000  }
0x41: {  	_ =	swait.ge [sflag:s14], $0x2000  }
0x42: {  	s17 =	smov.u32 s19;
	[sflag:s14] =	ssyncset.done $0x0  }
0x43: {  	s16 =	sshra.s32 s16, $0x2;
	[sflag:s14] =	ssyncadd.s32 $0xFFFFE000  }
0x44: {  	[spmem:s3] =	stream.indirect.scatter.add.f32 [tilespmem:s12], [sflag:$0x1], $0x80, s16, s13, $0xb8;
	v63 =	vld [tilespmem:$0x0]  }
0x45: {  	s17 =	sadd.s32 $0x80, s16  }
0x46: {  	[spmem:s3] =	stream.indirect.scatter.add.f32 [tilespmem:s12], [sflag:$0x1], $0x80, s17, s13, $0xb8;
	v63 =	vld [tilespmem:$0x0]  }
0x47: {  	s31 =	sadd.s32 $0x100, s16  }
0x48: {  	[spmem:s3] =	stream.indirect.scatter.add.f32 [tilespmem:s12], [sflag:$0x1], $0x80, s31, s13, $0xb8;
	v63 =	vld [tilespmem:$0x0]  }
0x49: {  	s16 =	sadd.s32 $0x180, s16  }
0x4a: {  	[spmem:s3] =	stream.indirect.scatter.add.f32 [tilespmem:s12], [sflag:$0x1], $0x80, s16, s13, $0xb8;
	v63 =	vld [tilespmem:$0x0]  }
0x4b: {  	_ =	swait.ge [sflag:s14], $0x2000  }
0x4c: {  	[sflag:s14] =	ssyncset.done $0x0  }
0x4d: {  	[sflag:s14] =	ssyncadd.s32 $0xFFFFE000  }
0x4e: {  	_ =	swait.ge [sflag:s14], $0x2000  }
0x4f: {  	[sflag:s14] =	ssyncset.done $0x0  }
0x50: {  	[sflag:s14] =	ssyncadd.s32 $0xFFFFE000  }
0x51: {  	_ =	swait.ge [sflag:s14], $0x2000  }
0x52: {  	[sflag:s14] =	ssyncset.done $0x0  }
0x53: {  	[sflag:s14] =	ssyncadd.s32 $0xFFFFE000  }
0x54: {  	_ =	swait.ge [sflag:s14], $0x2000  }
0x55: {  	s15 =	sadd.s32 $0x1, s15;
	[sflag:s14] =	ssyncset.done $0x0  }
0x56: {  	p0 =	sne.s32 s15, s9;
	[sflag:s14] =	ssyncadd.s32 $0xFFFFE000  }
.Ltmp1:
0x57: {  	[bflag:$0x0] =	sbarrier.arrive $0xFFFF;
	(pc) =	sbr.rel @p0 .LBB2_1-.Ltmp1, $4  }
0x58: {  	[hbm:s8], [sflag:s6] =	dma.local [spmem:s10], $0x2800  }
0x59: {  	_ =	swait.ge [sflag:s11], $0x2800  }
0x5a: {  	[sflag:s11] =	ssyncset.done $0x0  }
0x5b: {  	[sflag:s11] =	ssyncadd.s32 $0xFFFFD800  }
0x5c: {  	_ =	sfence.sel $0x180000  }
0x5d: {  	[bflag:$0x0] =	sbarrier.arrive $0xFFFF  }
0x5e: {  	p0 =	sne.s32 s0, $0x0;
	_ =	strace $0x90000047  }
0x5f: {  	s0 =	sadd.s32 @!p0 $0x100000, s1;
	[bflag:$0x2] =	sbarrier.arrive $0xFFFF  }
0x60: {  	[sflag:s0] =	ssyncadd.tile.s32 @!p0 $0x1;
	_ =	shalt  }
.Lfunc_end2:
_tile_overlayer_lowered:
.L_overlay_start_2:
0x61: {  	(tag) =	ssettag $0x2  }
0x62: {  	s0 =	rddreg [dreg:$0x0];
	s2 =	stileid.u32  }
0x63: {  	s1 =	rddreg [dreg:$0x1];
	p0 =	sne.s32 s2, $0x0  }
0x64: {  	s3 =	rddreg [dreg:$0x2];
	[bflag:$0x3] =	sbarrier.arrive $0xFFFF;
	s2 =	simm.s32 @!p0 $0x1C02  }
0x65: {  	[timem:s3], [sflag:s2] =	dma.local @!p0 [hbm:s0], s1  }
0x66: {  	s0 =	simm.s32 @!p0 $0x2  }
0x67: {  	_ =	swait.ge @!p0 [sflag:s0], s1  }
0x68: {  	s1 =	ssub.s32 @!p0 $0x0, s1;
	[sflag:s0] =	ssyncset.done @!p0 $0x0  }
0x69: {  	[sflag:s0] =	ssyncadd.s32 @!p0 s1  }
0x6a: {  	[bflag:$0x3] =	sbarrier.arrive $0xFFFF  }
0x6b: {  	_ =	shalt  }

// kernel: kernel.15.cloned.1.call-start
scs
__scs_entry_jumppad:
0x0: {  	(pc) =	sbr.rel $0x88, $3  }
0x1: {  	(tag) =	ssettag $0x0;
	lr =	simm.s32 $0x1  }
0x2: {  	[smem:$0x3F8E] =	sst lr;
	_ =	strace $0xD0000000  }
0x3: {  	_ = 	snop  }
0x4: {  	_ = 	snop  }
0x5: {  	_ = 	snop  }
0x6: {  	_ = 	snop  }
0x7: {  	_ = 	snop  }
__scs_overlays_trampoline_lowered:
0x8: {  	[smem:$0x3F9D] =	sst s0  }
0x9: {  	[smem:$0x3F9E] =	sst s1  }
0xa: {  	[smem:$0x3F9F] =	sst s2  }
0xb: {  	[smem:$0x3FA0] =	sst s3  }
0xc: {  	[smem:$0x3FA1] =	sst s4  }
0xd: {  	[smem:$0x3FA2] =	sst s5  }
0xe: {  	[smem:$0x3FA3] =	sst s6  }
0xf: {  	[smem:$0x3FA4] =	sst s7  }
0x10: {  	[smem:$0x3FA5] =	sst s8  }
0x11: {  	[smem:$0x3FA6] =	sst s9;
	s0 =	simm.s32 @!p0 $0x0  }
0x12: {  	s1 =	sld [smem:$0x3F8C];
	s0 =	simm.s32 @p0 $0x1  }
0x13: {  	[smem:$0x3FA7] =	sst s0;
	s0 =	simm.s32 @!p1 $0x0  }
0x14: {  	s2 =	sld [smem:$0x3F8B];
	s0 =	simm.s32 @p1 $0x1  }
0x15: {  	[smem:$0x3FA8] =	sst s0;
	s0 =	simm.s32 @!p2 $0x0  }
0x16: {  	s3 =	sld [smem:$0x3FDB];
	s0 =	simm.s32 @p2 $0x1  }
0x17: {  	s4 =	simm.s32 $0x1BF5;
	[smem:$0x3FAA] =	sst s0  }
0x18: {  	s0 =	sld [smem:$0x3F8D];
	_ =	swait.ge [sflag:s4], $0x0  }
0x19: {  	s7 =	sld [smem:$0x3F8E]  }
0x1a: {  	s8 =	sadd.s32 $0xFFFFE003, lr  }
0x1b: {  	s9 =	sadd.s32 $0xFFFFFEF7, lr;
	s5 =	simm.s32 $0xFFFFFFFF;
	p2 =	slt.u32 s8, $0xFFFFF086  }
0x1c: {  	p1 =	slt.u32 s9, $0xF7A;
	s5 =	simm.s32 @!p2 $0x0  }
0x1d: {  	s5 =	simm.s32 @p1 $0x1;
	p0 =	seq.s32 s7, s2  }
0x1e: {  	s7 =	smul.u32 @!p0 $0xF7A, s2;
	p2 =	seq.s32 @!p0 s5, $0x0  }
0x1f: {  	s9 =	smul.u32 $0xF7A, s1;
	s8 =	simm.s32 @!p0 $0x1BF5;
	p2 =	por !p2, p0  }
0x20: {  	[sflag:s8] =	ssyncset.s32 @!p0 $0xFFFFF086;
	s6 =	sadd.s32 @!p0 s3, s7;
	s7 =	simm.s32 @!p0 $0x108  }
0x21: {  	s3 =	sadd.s32 s3, s9;
	s6 =	sadd.s32 @!p0 $0x88, s6;
	s7 =	simm.s32 @p2 $0x1082  }
0x22: {  	[simem:s7], [sflag:s8] =	dma.local @!p0 [hbm:s6], $0xF7A  }
0x23: {  	s9 =	sor.u32 $0xD0000000, s2;
	s6 =	simm.s32 $0x108;
	_ =	swait.ge @!p0 [sflag:s8], $0x0  }
0x24: {  	s3 =	sadd.s32 $0x88, s3;
	s6 =	simm.s32 @!p1 $0x1082;
	[sflag:s4] =	ssyncset.s32 $0xFFFFF086  }
0x25: {  	[simem:s6], [sflag:s4] =	dma.local [hbm:s3], $0xF7A  }
0x26: {  	[smem:$0x3F8E] =	sst s1;
	(tag) =	ssettag s2;
	_ =	strace s9  }
0x27: {  	s1 =	sld [smem:$0x3F9E]  }
0x28: {  	s2 =	sld [smem:$0x3F9F]  }
0x29: {  	s4 =	sld [smem:$0x3FA1]  }
0x2a: {  	p0 =	seq.s32 s5, $0x0;
	s5 =	sld [smem:$0x3FA2]  }
0x2b: {  	s6 =	sld [smem:$0x3FA3]  }
0x2c: {  	s7 =	sld [smem:$0x3FA4]  }
0x2d: {  	s3 =	simm.s32 $0x108;
	s8 =	sld [smem:$0x3FA5]  }
0x2e: {  	s3 =	simm.s32 @!p0 $0x1082;
	s9 =	sld [smem:$0x3FA6]  }
0x2f: {  	lr =	sadd.s32 s0, s3;
	s0 =	sld [smem:$0x3F9D]  }
0x30: {  	s3 =	sld [smem:$0x3FA0]  }
0x31: {  	[smem:$0x3FA9] =	sst s10  }
0x32: {  	s10 =	sld [smem:$0x3FA7];
	_ =	sdelay $0x3  }
0x33: {  	p0 =	seq.s32 s10, $0x1;
	s10 =	sld [smem:$0x3FA9];
	_ =	sdelay $0x3  }
0x34: {  	[smem:$0x3FA9] =	sst s10  }
0x35: {  	s10 =	sld [smem:$0x3FA8];
	_ =	sdelay $0x3  }
0x36: {  	p1 =	seq.s32 s10, $0x1;
	s10 =	sld [smem:$0x3FA9];
	_ =	sdelay $0x3  }
0x37: {  	[smem:$0x3FA9] =	sst s10  }
0x38: {  	s10 =	sld [smem:$0x3FAA]  }
0x39: {  	_ = 	snop;
	(pc) =	sbr.ind lr, $3  }
0x3a: {  	_ = 	snop  }
0x3b: {  	_ = 	snop  }
0x3c: {  	p2 =	seq.s32 s10, $0x1;
	s10 =	sld [smem:$0x3FA9]  }
0x3d: {  	_ =	shalt  }
0x3e: {  	_ =	shalt  }
0x3f: {  	_ =	shalt  }
0x40: {  	_ =	shalt  }
0x41: {  	_ =	shalt  }
0x42: {  	_ =	shalt  }
0x43: {  	_ =	shalt  }
0x44: {  	_ =	shalt  }
0x45: {  	_ =	shalt  }
0x46: {  	_ =	shalt  }
0x47: {  	_ =	shalt  }
0x48: {  	_ =	shalt  }
0x49: {  	_ =	shalt  }
0x4a: {  	_ =	shalt  }
0x4b: {  	_ =	shalt  }
0x4c: {  	_ =	shalt  }
0x4d: {  	_ =	shalt  }
0x4e: {  	_ =	shalt  }
0x4f: {  	_ =	shalt  }
0x50: {  	_ =	shalt  }
0x51: {  	_ =	shalt  }
0x52: {  	_ =	shalt  }
0x53: {  	_ =	shalt  }
0x54: {  	_ =	shalt  }
0x55: {  	_ =	shalt  }
0x56: {  	_ =	shalt  }
0x57: {  	_ =	shalt  }
0x58: {  	_ =	shalt  }
0x59: {  	_ =	shalt  }
0x5a: {  	_ =	shalt  }
0x5b: {  	_ =	shalt  }
0x5c: {  	_ =	shalt  }
0x5d: {  	_ =	shalt  }
0x5e: {  	_ =	shalt  }
0x5f: {  	_ =	shalt  }
0x60: {  	_ =	shalt  }
0x61: {  	_ =	shalt  }
0x62: {  	_ =	shalt  }
0x63: {  	_ =	shalt  }
0x64: {  	_ =	shalt  }
0x65: {  	_ =	shalt  }
0x66: {  	_ =	shalt  }
0x67: {  	_ =	shalt  }
0x68: {  	_ =	shalt  }
0x69: {  	_ =	shalt  }
0x6a: {  	_ =	shalt  }
0x6b: {  	_ =	shalt  }
0x6c: {  	_ =	shalt  }
0x6d: {  	_ =	shalt  }
0x6e: {  	_ =	shalt  }
0x6f: {  	_ =	shalt  }
0x70: {  	_ =	shalt  }
0x71: {  	_ =	shalt  }
0x72: {  	_ =	shalt  }
0x73: {  	_ =	shalt  }
0x74: {  	_ =	shalt  }
0x75: {  	_ =	shalt  }
0x76: {  	_ =	shalt  }
0x77: {  	_ =	shalt  }
0x78: {  	_ =	shalt  }
0x79: {  	_ =	shalt  }
0x7a: {  	_ =	shalt  }
0x7b: {  	_ =	shalt  }
0x7c: {  	_ =	shalt  }
0x7d: {  	_ =	shalt  }
0x7e: {  	_ =	shalt  }
0x7f: {  	_ =	shalt  }
0x80: {  	_ =	shalt  }
0x81: {  	_ =	shalt  }
0x82: {  	_ =	shalt  }
0x83: {  	_ =	shalt  }
0x84: {  	_ =	shalt  }
0x85: {  	_ =	shalt  }
0x86: {  	_ =	shalt  }
0x87: {  	_ =	shalt  }
.Lfunc_end0:
.L_simem_size_0:
called_computation.1_lowered:
.L_overlay_start_0:
0x88: {  	s2 =	sld [smem:$0x3FD9]  }
0x89: {  	s3 =	sld [smem:$0x3FFE];
	_ =	sdelay $0x1  }
0x8a: {  	s1 =	srdreg.scid  }
0x8b: {  	s0 =	sand.u32 $0x1, s1  }
0x8c: {  	s16 =	sshll.u32 s0, $0xA;
	s2 =	sadd.s32 s3, s2  }
0x8d: {  	s2 =	sadd.s32 s2, s16  }
0x8e: {  	[smem:$0x3FB5] =	sst s2  }
0x8f: {  	_ = 	snop  }
0x90: {  	(tm) =	ssettm $0x1  }
0x91: {  	s17 =	sld [smem:$0x3FFB];
	_ =	sdelay $0x3  }
0x92: {  	_ =	strace s17  }
0x93: {  	s2 =	sld [smem:$0x3FFC];
	_ =	sdelay $0x3  }
0x94: {  	_ =	strace s2  }
0x95: {  	s2 =	sld [smem:$0x3FFD];
	_ =	sdelay $0x3  }
0x96: {  	_ =	strace s2  }
0x97: {  	_ =	strace $0x8FFFFFFF  }
0x98: {  	s18 =	sld [smem:$0x3FDB];
	_ =	sdelay $0x1  }
0x99: {  	s19 =	simm.s32 $_scs_section_size  }
0x9a: {  	s4 =	simm.s32 $_size__tile_overlayer_lowered;
	s5 =	simm.s32 $_tile_overlayer_lowered  }
0x9b: {  	s22 =	simm.s32 $0x1BFF;
	s21 =	sshll.u32 s5, $0x1;
	s2 =	sadd.s32 s19, s18  }
0x9c: {  	s6 =	simm.s32 $0x0;
	s20 =	sshll.u32 s4, $0x1;
	s4 =	sadd.s32 s21, s2  }
0x9d: {  	[timem:s6], [sflag:s22] =	dma.local [hbm:s4], s20  }
0x9e: {  	_ =	swait.ge [sflag:s22], s20  }
0x9f: {  	s3 =	ssub.s32 $0x0, s20;
	[sflag:s22] =	ssyncset.done $0x0  }
0xa0: {  	[sflag:s22] =	ssyncadd.s32 s3;
	_ =	sdelay $0x1  }
0xa1: {  	s23 =	simm.s32 $0x1B8B  }
0xa2: {  	_ =	swait.ge [sflag:s23], $0x1  }
0xa3: {  	[sflag:s23] =	ssyncset.done $0x0  }
0xa4: {  	s25 =	simm.s32 $0x1B8E;
	s24 =	sld [smem:$0x3FFE];
	[sflag:s23] =	ssyncadd.s32 $0xFFFFFFFF  }
0xa5: {  	s26 =	simm.s32 $execute0_lowered;
	[smem:$0x3FD2] =	sst s25  }
0xa6: {  	s4 =	sshll.u32 s26, $0x1;
	_ =	strace $0x80000049;
	[dreg:$0x1] =	wrdreg $0xFFFFFFFF  }
0xa7: {  	s28 =	simm.s32 $_size_execute0_lowered;
	s2 =	sadd.s32 s2, s4;
	[dreg:$0x0] =	wrdreg $0x0  }
0xa8: {  	s4 =	sshll.u32 s28, $0x1;
	[dreg:$0x2] =	wrdreg s2  }
0xa9: {  	[dreg:$0x3] =	wrdreg s4  }
0xaa: {  	[dreg:$0x4] =	wrdreg $0xC0  }
0xab: {  	_ =	task [dreg:s6], $0x5FFFF  }
0xac: {  	[dreg:$0x1] =	wrdreg $0xFFFFFFFF  }
0xad: {  	[dreg:$0x0] =	wrdreg $0x60  }
0xae: {  	[dreg:$0x2] =	wrdreg s24  }
0xaf: {  	[dreg:$0x3] =	wrdreg $0xA0000  }
0xb0: {  	[dreg:$0x4] =	wrdreg $0xA  }
0xb1: {  	_ =	task.clear_ibuf [dreg:s6], $0x5FFFF;
	_ =	strace $0x90000049  }
0xb2: {  	s29 =	simm.s32 $0xA;
	_ =	strace $0x8000004B  }
0xb3: {  	_ =	swait.ge [sflag:s29], $0x1  }
0xb4: {  	[sflag:s29] =	ssyncadd.s32 $0xFFFFFFFF  }
0xb5: {  	_ =	strace $0x9000004B  }
0xb6: {  	_ =	sfence  }
0xb7: {  	s30 =	sld [smem:$0x0];
	_ =	sdelay $0x2  }
0xb8: {  	s31 =	sshll.u32 s1, $0xD;
	s1 =	sshrl.u32 s1, $0x2  }
0xb9: {  	s3 =	sand.u32 $0x4000, s31;
	s1 =	sadd.s32 s1, s30  }
0xba: {  	s0 =	sor.u32 s3, s0;
	s1 =	sshll.u32 s1, $0x11  }
0xbb: {  	s0 =	sor.u32 s1, s0  }
0xbc: {  	s0 =	sadd.s32 $0x8F2B, s0  }
0xbd: {  	[sflag:s0] =	ssyncadd.remote.s32 $0x1  }
0xbe: {  	_ =	sfence.sel $0xFFFF  }
0xbf: {  	[dreg:$0x0] =	wrdreg $0xFFFFFFFF;
	(pc) =	sbr.abs _section_cstart, $3  }
0xc0: {  	[dreg:$0x1] =	wrdreg $0xFFFFFFFF  }
0xc1: {  	_ =	task.clear_ibuf [dreg:s6], $0x2FFFF;
	_ =	strace $0x9FFFFFFF  }
0xc2: {  	(tm) =	ssettm $0x7FFFFFFF  }
0xc3: {  	_ =	shalt  }
tec
execute0_lowered:
.L_overlay_start_1:
0x0: {  	(tag) =	ssettag $0x1  }
0x1: {  	s6 =	rddreg [dreg:$0x0]  }
0x2: {  	s1 =	rddreg [dreg:$0x1]  }
0x3: {  	s0 =	rddreg [dreg:$0x2];
	s3 =	simm.s32 $0x0;
	s4 =	srdreg.scid  }
0x4: {  	s2 =	stileid.u32;
	s14 =	simm.s32 $0x40;
	s15 =	simm.s32 $0x2000  }
0x5: {  	s16 =	simm.s32 $0x4000;
	s17 =	simm.s32 $0x6000;
	s18 =	simm.s32 $0x8000  }
0x6: {  	s19 =	simm.s32 $0x1;
	s5 =	sand.u32 $0x1, s4;
	s4 =	smul.u32 $0x130, s2  }
0x7: {  	s20 =	simm.s32 $0x2;
	s21 =	simm.s32 $0x0;
	s9 =	smul.u32 $0x14000, s2  }
0x8: {  	[smem:$0x7FF] =	sst s3;
	s7 =	sshll.u32 s2, $0x4;
	s28 =	smul.u32 $0x50000, s2  }
0x9: {  	s31 =	sshll.u32 s2, $0x6;
	p0 =	seq.s32 s5, $0x0;
	s7 =	sor.u32 $0x1300, s7  }
0xa: {  	s8 =	smul.u32 $0x140000, s5;
	_ =	strace $0x8000004A;
	s26 =	ssub.s32 $0x2, s5  }
0xb: {  	s5 =	sadd.s32 $0x2E600, s6;
	s7 =	smov.u32 @p0 s4;
	s4 =	sadd.s32 $0x6200, s6  }
0xc: {  	s29 =	sshrl.u32 s26, $0x1;
	s30 =	sshrl.u32 s28, $0x2;
	s7 =	sshll.u32 s7, $0x4  }
0xd: {  	s25 =	sadd.s32 s9, s8;
	s12 =	ssub.s32 s26, s29;
	s13 =	sadd.s32 s30, s1  }
0xe: {  	s11 =	sadd.s32 s7, s6;
	s7 =	sshrl.u32 s25, $0x3;
	s9 =	smax.u32 s12, $0x1  }
0xf: {  	s12 =	sshrl.u32 s13, $0x3;
	s10 =	sadd.s32 s7, s6;
	s6 =	simm.s32 $0x4C  }
0x10: {  	s13 =	simm.s32 $0x3;
	s7 =	sor.u32 $0x1C03, s31;
	s6 =	simm.s32 @!p0 $0x4  }
0x11: {  	s8 =	sadd.s32 $0xF9200, s10;
	s10 =	sadd.s32 $0x80E00, s11;
	s11 =	sadd.s32 $0xE5000, s11  }
.LBB2_1:
0x12: {  	[spmem:s12], [sflag:s7] =	dma.local [hbm:s5], $0x2800  }
0x13: {  	p1 =	sne.s32 s6, $0x1  }
.Ltmp0:
0x14: {  	_ =	swait.ge [sflag:s13], $0x2800;
	(pc) =	sbr.rel @!p1 .LBB2_2-.Ltmp0, $4  }
0x15: {  	[sflag:s13] =	ssyncset.done $0x0  }
0x16: {  	[sflag:s13] =	ssyncadd.s32 $0xFFFFD800  }
0x17: {  	s26 =	sand.u32 $0x7, s3;
	[bflag:$0x0] =	sbarrier.arrive $0xFFFF  }
0x18: {  	s22 =	simm.s32 $0x1;
	p0 =	por $0x0, $0x0;
	p2 =	sne.s32 s26, $0x0  }
0x19: {  	s23 =	simm.s32 @!p2 $0x0;
	s24 =	simm.s32 @!p2 $0x3  }
0x1a: {  	[tilespmem:s23], [sflag:$0x3] =	stream.linear.gather @!p2 [hbm4b:s11+s23], $0x1000, $0x38;
	[tilespmem:$0x1E000] =	vst v63  }
0x1b: {  	_ =	swait.ge @!p2 [sflag:s24], $0x1000  }
0x1c: {  	[sflag:s24] =	ssyncset.done @!p2 $0x0  }
0x1d: {  	s25 =	simm.s32 @!p2 $0x1000;
	[sflag:s24] =	ssyncadd.s32 @!p2 $0xFFFFF000  }
0x1e: {  	[tilespmem:s25], [sflag:$0x3] =	stream.linear.gather @!p2 [hbm4b:s10+s23], $0x1000, $0x38;
	[tilespmem:$0x1E000] =	vst v63  }
0x1f: {  	_ =	swait.ge @!p2 [sflag:s24], $0x1000  }
0x20: {  	[sflag:s24] =	ssyncset.done @!p2 $0x0  }
0x21: {  	s23 =	sshll.u32 s26, $0x9;
	[sflag:s24] =	ssyncadd.s32 @!p2 $0xFFFFF000  }
0x22: {  	[tilespmem:s15], [sflag:$0x1] =	stream.indirect.gather [hbm4b:s4+s14], $0x80, s23, s14, $0xb8;
	[tilespmem:$0x1E000] =	vst v63  }
0x23: {  	s25 =	sor.u32 $0x80, s23  }
0x24: {  	[tilespmem:s16], [sflag:$0x1] =	stream.indirect.gather [hbm4b:s4+s14], $0x80, s25, s14, $0xb8;
	[tilespmem:$0x1E000] =	vst v63  }
0x25: {  	s26 =	sor.u32 $0x100, s23  }
0x26: {  	[tilespmem:s17], [sflag:$0x1] =	stream.indirect.gather [hbm4b:s4+s14], $0x80, s26, s14, $0xb8;
	[tilespmem:$0x1E000] =	vst v63  }
0x27: {  	s28 =	sor.u32 $0x180, s23  }
0x28: {  	[tilespmem:s18], [sflag:$0x1] =	stream.indirect.gather [hbm4b:s4+s14], $0x80, s28, s14, $0xb8;
	[tilespmem:$0x1E000] =	vst v63  }
0x29: {  	_ =	swait.ge [sflag:s19], $0x2000  }
0x2a: {  	[sflag:s19] =	ssyncset.done $0x0  }
0x2b: {  	[sflag:s19] =	ssyncadd.s32 $0xFFFFE000  }
0x2c: {  	_ =	swait.ge [sflag:s19], $0x2000  }
0x2d: {  	[sflag:s19] =	ssyncset.done $0x0  }
0x2e: {  	[sflag:s19] =	ssyncadd.s32 $0xFFFFE000  }
0x2f: {  	_ =	swait.ge [sflag:s19], $0x2000  }
0x30: {  	[sflag:s19] =	ssyncset.done $0x0  }
0x31: {  	[sflag:s19] =	ssyncadd.s32 $0xFFFFE000  }
0x32: {  	_ =	swait.ge [sflag:s19], $0x2000  }
0x33: {  	[sflag:s19] =	ssyncset.done $0x0  }
0x34: {  	s29 =	sor.u32 $0x1000, s23;
	[sflag:s19] =	ssyncadd.s32 $0xFFFFE000  }
0x35: {  	[spmem:s1] =	stream.indirect.scatter.add.f32 [tilespmem:s15], [sflag:$0x2], $0x80, s29, s14, $0xb8;
	[tilespmem:$0x1E000] =	vst v63  }
0x36: {  	s30 =	sor.u32 $0x1080, s23  }
0x37: {  	[spmem:s1] =	stream.indirect.scatter.add.f32 [tilespmem:s16], [sflag:$0x2], $0x80, s30, s14, $0xb8;
	[tilespmem:$0x1E000] =	vst v63  }
0x38: {  	s31 =	sor.u32 $0x1100, s23  }
0x39: {  	[spmem:s1] =	stream.indirect.scatter.add.f32 [tilespmem:s17], [sflag:$0x2], $0x80, s31, s14, $0xb8;
	[tilespmem:$0x1E000] =	vst v63  }
0x3a: {  	s23 =	sor.u32 $0x1180, s23  }
0x3b: {  	[spmem:s1] =	stream.indirect.scatter.add.f32 [tilespmem:s18], [sflag:$0x2], $0x80, s23, s14, $0xb8;
	[tilespmem:$0x1E000] =	vst v63  }
0x3c: {  	_ =	swait.ge [sflag:s20], $0x2000  }
0x3d: {  	[sflag:s20] =	ssyncset.done $0x0  }
0x3e: {  	[sflag:s20] =	ssyncadd.s32 $0xFFFFE000  }
0x3f: {  	_ =	swait.ge [sflag:s20], $0x2000  }
0x40: {  	[sflag:s20] =	ssyncset.done $0x0  }
0x41: {  	p1 =	sne.s32 s6, $0x2;
	[sflag:s20] =	ssyncadd.s32 $0xFFFFE000  }
.Ltmp1:
0x42: {  	_ =	swait.ge [sflag:s20], $0x2000;
	(pc) =	sbr.rel @!p1 .LBB2_5-.Ltmp1, $4  }
0x43: {  	[sflag:s20] =	ssyncset.done $0x0  }
0x44: {  	p0 =	por $0x1, $0x1;
	s24 =	simm.s32 $0x2;
	[sflag:s20] =	ssyncadd.s32 $0xFFFFE000  }
0x45: {  	s26 =	sand.u32 $0x7, s22;
	s22 =	sadd.s32 $0x40, s10;
	_ =	swait.ge [sflag:s20], $0x2000  }
0x46: {  	p2 =	sne.s32 s26, $0x0;
	s23 =	sadd.s32 $0x40, s11;
	[sflag:s20] =	ssyncset.done $0x0  }
.LBB2_4:
0x47: {  	s28 =	simm.s32 @!p2 $0x0;
	s29 =	simm.s32 @!p2 $0x3;
	[sflag:s20] =	ssyncadd.s32 $0xFFFFE000  }
0x48: {  	[tilespmem:s28], [sflag:$0x3] =	stream.linear.gather @!p2 [hbm4b:s23+s28], $0x1000, $0x38;
	[tilespmem:$0x1E000] =	vst v63  }
0x49: {  	s25 =	smov.u32 s24;
	s24 =	sadd.s32 $0x1, s24;
	_ =	swait.ge @!p2 [sflag:s29], $0x1000  }
0x4a: {  	p1 =	sne.s32 s6, s24;
	[sflag:s29] =	ssyncset.done @!p2 $0x0  }
0x4b: {  	s30 =	simm.s32 @!p2 $0x1000;
	[sflag:s29] =	ssyncadd.s32 @!p2 $0xFFFFF000  }
0x4c: {  	[tilespmem:s30], [sflag:$0x3] =	stream.linear.gather @!p2 [hbm4b:s22+s28], $0x1000, $0x38;
	[tilespmem:$0x1E000] =	vst v63  }
0x4d: {  	_ =	swait.ge @!p2 [sflag:s29], $0x1000  }
0x4e: {  	[sflag:s29] =	ssyncset.done @!p2 $0x0  }
0x4f: {  	s26 =	sshll.u32 s26, $0x9;
	[sflag:s29] =	ssyncadd.s32 @!p2 $0xFFFFF000  }
0x50: {  	[tilespmem:s15], [sflag:$0x1] =	stream.indirect.gather [hbm4b:s4+s14], $0x80, s26, s14, $0xb8;
	[tilespmem:$0x1E000] =	vst v63  }
0x51: {  	s28 =	sor.u32 $0x80, s26  }
0x52: {  	[tilespmem:s16], [sflag:$0x1] =	stream.indirect.gather [hbm4b:s4+s14], $0x80, s28, s14, $0xb8;
	[tilespmem:$0x1E000] =	vst v63  }
0x53: {  	s28 =	sor.u32 $0x100, s26  }
0x54: {  	[tilespmem:s17], [sflag:$0x1] =	stream.indirect.gather [hbm4b:s4+s14], $0x80, s28, s14, $0xb8;
	[tilespmem:$0x1E000] =	vst v63  }
0x55: {  	s28 =	sor.u32 $0x180, s26  }
0x56: {  	[tilespmem:s18], [sflag:$0x1] =	stream.indirect.gather [hbm4b:s4+s14], $0x80, s28, s14, $0xb8;
	[tilespmem:$0x1E000] =	vst v63  }
0x57: {  	_ =	swait.ge [sflag:s19], $0x2000  }
0x58: {  	[sflag:s19] =	ssyncset.done $0x0  }
0x59: {  	[sflag:s19] =	ssyncadd.s32 $0xFFFFE000  }
0x5a: {  	_ =	swait.ge [sflag:s19], $0x2000  }
0x5b: {  	[sflag:s19] =	ssyncset.done $0x0  }
0x5c: {  	[sflag:s19] =	ssyncadd.s32 $0xFFFFE000  }
0x5d: {  	_ =	swait.ge [sflag:s19], $0x2000  }
0x5e: {  	[sflag:s19] =	ssyncset.done $0x0  }
0x5f: {  	[sflag:s19] =	ssyncadd.s32 $0xFFFFE000  }
0x60: {  	_ =	swait.ge [sflag:s19], $0x2000  }
0x61: {  	[sflag:s19] =	ssyncset.done $0x0  }
0x62: {  	s28 =	sor.u32 $0x1000, s26;
	[sflag:s19] =	ssyncadd.s32 $0xFFFFE000  }
0x63: {  	[spmem:s1] =	stream.indirect.scatter.add.f32 [tilespmem:s15], [sflag:$0x2], $0x80, s28, s14, $0xb8;
	[tilespmem:$0x1E000] =	vst v63  }
0x64: {  	s28 =	sor.u32 $0x1080, s26  }
0x65: {  	[spmem:s1] =	stream.indirect.scatter.add.f32 [tilespmem:s16], [sflag:$0x2], $0x80, s28, s14, $0xb8;
	[tilespmem:$0x1E000] =	vst v63  }
0x66: {  	s28 =	sor.u32 $0x1100, s26  }
0x67: {  	[spmem:s1] =	stream.indirect.scatter.add.f32 [tilespmem:s17], [sflag:$0x2], $0x80, s28, s14, $0xb8;
	[tilespmem:$0x1E000] =	vst v63  }
0x68: {  	s26 =	sor.u32 $0x1180, s26  }
0x69: {  	[spmem:s1] =	stream.indirect.scatter.add.f32 [tilespmem:s18], [sflag:$0x2], $0x80, s26, s14, $0xb8;
	[tilespmem:$0x1E000] =	vst v63  }
0x6a: {  	_ =	swait.ge [sflag:s20], $0x2000  }
0x6b: {  	[sflag:s20] =	ssyncset.done $0x0  }
0x6c: {  	[sflag:s20] =	ssyncadd.s32 $0xFFFFE000  }
0x6d: {  	_ =	swait.ge [sflag:s20], $0x2000  }
0x6e: {  	[sflag:s20] =	ssyncset.done $0x0  }
0x6f: {  	[sflag:s20] =	ssyncadd.s32 $0xFFFFE000  }
.Ltmp2:
0x70: {  	_ =	swait.ge [sflag:s20], $0x2000;
	(pc) =	sbr.rel @p1 .LBB2_4-.Ltmp2, $4  }
0x71: {  	[sflag:s20] =	ssyncset.done $0x0  }
0x72: {  	[sflag:s20] =	ssyncadd.s32 $0xFFFFE000  }
0x73: {  	s23 =	sadd.s32 $0x40, s23;
	s26 =	sand.u32 $0x7, s25;
	_ =	swait.ge [sflag:s20], $0x2000  }
0x74: {  	s22 =	sadd.s32 $0x40, s22;
	p2 =	sne.s32 s26, $0x0;
	[sflag:s20] =	ssyncset.done $0x0  }
.LBB2_5:
0x75: {  	s24 =	simm.s32 @!p2 $0x0;
	s25 =	simm.s32 @!p2 $0x3;
	[sflag:s20] =	ssyncadd.s32 @p0 $0xFFFFE000  }
0x76: {  	[tilespmem:s24], [sflag:$0x3] =	stream.linear.gather @!p2 [hbm4b:s23+s24], $0x1000, $0x38;
	[tilespmem:$0x1E000] =	vst v63  }
0x77: {  	_ =	swait.ge @!p2 [sflag:s25], $0x1000  }
0x78: {  	[sflag:s25] =	ssyncset.done @!p2 $0x0  }
0x79: {  	s23 =	simm.s32 @!p2 $0x1000;
	[sflag:s25] =	ssyncadd.s32 @!p2 $0xFFFFF000  }
0x7a: {  	[tilespmem:s23], [sflag:$0x3] =	stream.linear.gather @!p2 [hbm4b:s22+s24], $0x1000, $0x38;
	[tilespmem:$0x1E000] =	vst v63  }
0x7b: {  	_ =	swait.ge @!p2 [sflag:s25], $0x1000  }
0x7c: {  	[sflag:s25] =	ssyncset.done @!p2 $0x0  }
0x7d: {  	s24 =	sshll.u32 s26, $0x9;
	[sflag:s25] =	ssyncadd.s32 @!p2 $0xFFFFF000  }
0x7e: {  	[tilespmem:s15], [sflag:$0x1] =	stream.indirect.gather [hbm4b:s4+s14], $0x80, s24, s14, $0xb8;
	[tilespmem:$0x1E000] =	vst v63  }
0x7f: {  	s25 =	sor.u32 $0x80, s24  }
0x80: {  	[tilespmem:s16], [sflag:$0x1] =	stream.indirect.gather [hbm4b:s4+s14], $0x80, s25, s14, $0xb8;
	[tilespmem:$0x1E000] =	vst v63  }
0x81: {  	s26 =	sor.u32 $0x100, s24  }
0x82: {  	[tilespmem:s17], [sflag:$0x1] =	stream.indirect.gather [hbm4b:s4+s14], $0x80, s26, s14, $0xb8;
	[tilespmem:$0x1E000] =	vst v63  }
0x83: {  	s28 =	sor.u32 $0x180, s24  }
0x84: {  	[tilespmem:s18], [sflag:$0x1] =	stream.indirect.gather [hbm4b:s4+s14], $0x80, s28, s14, $0xb8;
	[tilespmem:$0x1E000] =	vst v63  }
0x85: {  	_ =	swait.ge [sflag:s19], $0x2000  }
0x86: {  	[sflag:s19] =	ssyncset.done $0x0  }
0x87: {  	[sflag:s19] =	ssyncadd.s32 $0xFFFFE000  }
0x88: {  	_ =	swait.ge [sflag:s19], $0x2000  }
0x89: {  	[sflag:s19] =	ssyncset.done $0x0  }
0x8a: {  	[sflag:s19] =	ssyncadd.s32 $0xFFFFE000  }
0x8b: {  	_ =	swait.ge [sflag:s19], $0x2000  }
0x8c: {  	[sflag:s19] =	ssyncset.done $0x0  }
0x8d: {  	[sflag:s19] =	ssyncadd.s32 $0xFFFFE000  }
0x8e: {  	_ =	swait.ge [sflag:s19], $0x2000  }
0x8f: {  	[sflag:s19] =	ssyncset.done $0x0  }
0x90: {  	s29 =	sor.u32 $0x1000, s24;
	[sflag:s19] =	ssyncadd.s32 $0xFFFFE000  }
0x91: {  	[spmem:s1] =	stream.indirect.scatter.add.f32 [tilespmem:s15], [sflag:$0x2], $0x80, s29, s14, $0xb8;
	[tilespmem:$0x1E000] =	vst v63  }
0x92: {  	s30 =	sor.u32 $0x1080, s24  }
0x93: {  	[spmem:s1] =	stream.indirect.scatter.add.f32 [tilespmem:s16], [sflag:$0x2], $0x80, s30, s14, $0xb8;
	[tilespmem:$0x1E000] =	vst v63  }
0x94: {  	s31 =	sor.u32 $0x1100, s24  }
0x95: {  	[spmem:s1] =	stream.indirect.scatter.add.f32 [tilespmem:s17], [sflag:$0x2], $0x80, s31, s14, $0xb8;
	[tilespmem:$0x1E000] =	vst v63  }
0x96: {  	s22 =	sor.u32 $0x1180, s24  }
0x97: {  	[spmem:s1] =	stream.indirect.scatter.add.f32 [tilespmem:s18], [sflag:$0x2], $0x80, s22, s14, $0xb8;
	[tilespmem:$0x1E000] =	vst v63  }
0x98: {  	_ =	swait.ge [sflag:s20], $0x2000  }
0x99: {  	[sflag:s20] =	ssyncset.done $0x0  }
0x9a: {  	[sflag:s20] =	ssyncadd.s32 $0xFFFFE000  }
0x9b: {  	_ =	swait.ge [sflag:s20], $0x2000  }
0x9c: {  	[sflag:s20] =	ssyncset.done $0x0  }
0x9d: {  	[sflag:s20] =	ssyncadd.s32 $0xFFFFE000  }
0x9e: {  	_ =	swait.ge [sflag:s20], $0x2000  }
0x9f: {  	[sflag:s20] =	ssyncset.done $0x0  }
0xa0: {  	[sflag:s20] =	ssyncadd.s32 $0xFFFFE000  }
0xa1: {  	_ =	swait.ge [sflag:s20], $0x2000  }
0xa2: {  	[sflag:s20] =	ssyncset.done $0x0  }
0xa3: {  	s21 =	sadd.s32 $0x1, s21;
	[sflag:s20] =	ssyncadd.s32 $0xFFFFE000  }
0xa4: {  	p0 =	sne.s32 s21, s9;
	[bflag:$0x0] =	sbarrier.arrive $0xFFFF  }
0xa5: {  	[hbm:s8], [sflag:s7] =	dma.local [spmem:s12], $0x2800  }
.Ltmp3:
0xa6: {  	_ = 	snop;
	(pc) =	sbr.rel @p0 .LBB2_1-.Ltmp3, $4  }
.Ltmp4:
0xa7: {  	_ = 	snop;
	(pc) =	sbr.rel @!p0 .LBB2_6-.Ltmp4, $4  }
0xa8: {  	_ =	swait.ge [sflag:s13], $0x2800  }
0xa9: {  	[sflag:s13] =	ssyncset.done $0x0  }
0xaa: {  	[sflag:s13] =	ssyncadd.s32 $0xFFFFD800  }
0xab: {  	_ = 	snop  }
.LBB2_2:
.Ltmp5:
0xac: {  	(pc) =	sbr.rel .LBB2_5-.Ltmp5, $2  }
0xad: {  	_ =	sdelay $0x2  }
0xae: {  	s23 =	smov.u32 s11;
	s22 =	smov.u32 s10  }
.LBB2_6:
0xaf: {  	_ =	sfence.sel $0x180000  }
0xb0: {  	[bflag:$0x0] =	sbarrier.arrive $0xFFFF  }
0xb1: {  	p0 =	sne.s32 s2, $0x0;
	_ =	strace $0x9000004A  }
0xb2: {  	s0 =	sadd.s32 @!p0 $0x100000, s0;
	[bflag:$0x2] =	sbarrier.arrive $0xFFFF  }
0xb3: {  	[sflag:s0] =	ssyncadd.tile.s32 @!p0 $0x1;
	_ =	shalt  }
.Lfunc_end2:
_tile_overlayer_lowered:
.L_overlay_start_2:
0xb4: {  	(tag) =	ssettag $0x2  }
0xb5: {  	s0 =	rddreg [dreg:$0x0];
	s2 =	stileid.u32  }
0xb6: {  	s1 =	rddreg [dreg:$0x1];
	p0 =	sne.s32 s2, $0x0  }
0xb7: {  	s3 =	rddreg [dreg:$0x2];
	[bflag:$0x3] =	sbarrier.arrive $0xFFFF;
	s2 =	simm.s32 @!p0 $0x1C03  }
0xb8: {  	[timem:s3], [sflag:s2] =	dma.local @!p0 [hbm:s0], s1  }
0xb9: {  	s0 =	simm.s32 @!p0 $0x3  }
0xba: {  	_ =	swait.ge @!p0 [sflag:s0], s1  }
0xbb: {  	s1 =	ssub.s32 @!p0 $0x0, s1;
	[sflag:s0] =	ssyncset.done @!p0 $0x0  }
0xbc: {  	[sflag:s0] =	ssyncadd.s32 @!p0 s1  }
0xbd: {  	[bflag:$0x3] =	sbarrier.arrive $0xFFFF  }
0xbe: {  	_ =	shalt  }

// kernel: kernel.18.cloned.1.call-start
scs
__scs_entry_jumppad:
0x0: {  	(pc) =	sbr.rel $0x88, $3  }
0x1: {  	(tag) =	ssettag $0x0;
	lr =	simm.s32 $0x1  }
0x2: {  	[smem:$0x3F8E] =	sst lr;
	_ =	strace $0xD0000000  }
0x3: {  	_ = 	snop  }
0x4: {  	_ = 	snop  }
0x5: {  	_ = 	snop  }
0x6: {  	_ = 	snop  }
0x7: {  	_ = 	snop  }
__scs_overlays_trampoline_lowered:
0x8: {  	[smem:$0x3F9D] =	sst s0  }
0x9: {  	[smem:$0x3F9E] =	sst s1  }
0xa: {  	[smem:$0x3F9F] =	sst s2  }
0xb: {  	[smem:$0x3FA0] =	sst s3  }
0xc: {  	[smem:$0x3FA1] =	sst s4  }
0xd: {  	[smem:$0x3FA2] =	sst s5  }
0xe: {  	[smem:$0x3FA3] =	sst s6  }
0xf: {  	[smem:$0x3FA4] =	sst s7  }
0x10: {  	[smem:$0x3FA5] =	sst s8  }
0x11: {  	[smem:$0x3FA6] =	sst s9;
	s0 =	simm.s32 @!p0 $0x0  }
0x12: {  	s1 =	sld [smem:$0x3F8C];
	s0 =	simm.s32 @p0 $0x1  }
0x13: {  	[smem:$0x3FA7] =	sst s0;
	s0 =	simm.s32 @!p1 $0x0  }
0x14: {  	s2 =	sld [smem:$0x3F8B];
	s0 =	simm.s32 @p1 $0x1  }
0x15: {  	[smem:$0x3FA8] =	sst s0;
	s0 =	simm.s32 @!p2 $0x0  }
0x16: {  	s3 =	sld [smem:$0x3FDB];
	s0 =	simm.s32 @p2 $0x1  }
0x17: {  	s4 =	simm.s32 $0x1BF5;
	[smem:$0x3FAA] =	sst s0  }
0x18: {  	s0 =	sld [smem:$0x3F8D];
	_ =	swait.ge [sflag:s4], $0x0  }
0x19: {  	s7 =	sld [smem:$0x3F8E]  }
0x1a: {  	s8 =	sadd.s32 $0xFFFFE003, lr  }
0x1b: {  	s9 =	sadd.s32 $0xFFFFFEF7, lr;
	s5 =	simm.s32 $0xFFFFFFFF;
	p2 =	slt.u32 s8, $0xFFFFF086  }
0x1c: {  	p1 =	slt.u32 s9, $0xF7A;
	s5 =	simm.s32 @!p2 $0x0  }
0x1d: {  	s5 =	simm.s32 @p1 $0x1;
	p0 =	seq.s32 s7, s2  }
0x1e: {  	s7 =	smul.u32 @!p0 $0xF7A, s2;
	p2 =	seq.s32 @!p0 s5, $0x0  }
0x1f: {  	s9 =	smul.u32 $0xF7A, s1;
	s8 =	simm.s32 @!p0 $0x1BF5;
	p2 =	por !p2, p0  }
0x20: {  	[sflag:s8] =	ssyncset.s32 @!p0 $0xFFFFF086;
	s6 =	sadd.s32 @!p0 s3, s7;
	s7 =	simm.s32 @!p0 $0x108  }
0x21: {  	s3 =	sadd.s32 s3, s9;
	s6 =	sadd.s32 @!p0 $0x88, s6;
	s7 =	simm.s32 @p2 $0x1082  }
0x22: {  	[simem:s7], [sflag:s8] =	dma.local @!p0 [hbm:s6], $0xF7A  }
0x23: {  	s9 =	sor.u32 $0xD0000000, s2;
	s6 =	simm.s32 $0x108;
	_ =	swait.ge @!p0 [sflag:s8], $0x0  }
0x24: {  	s3 =	sadd.s32 $0x88, s3;
	s6 =	simm.s32 @!p1 $0x1082;
	[sflag:s4] =	ssyncset.s32 $0xFFFFF086  }
0x25: {  	[simem:s6], [sflag:s4] =	dma.local [hbm:s3], $0xF7A  }
0x26: {  	[smem:$0x3F8E] =	sst s1;
	(tag) =	ssettag s2;
	_ =	strace s9  }
0x27: {  	s1 =	sld [smem:$0x3F9E]  }
0x28: {  	s2 =	sld [smem:$0x3F9F]  }
0x29: {  	s4 =	sld [smem:$0x3FA1]  }
0x2a: {  	p0 =	seq.s32 s5, $0x0;
	s5 =	sld [smem:$0x3FA2]  }
0x2b: {  	s6 =	sld [smem:$0x3FA3]  }
0x2c: {  	s7 =	sld [smem:$0x3FA4]  }
0x2d: {  	s3 =	simm.s32 $0x108;
	s8 =	sld [smem:$0x3FA5]  }
0x2e: {  	s3 =	simm.s32 @!p0 $0x1082;
	s9 =	sld [smem:$0x3FA6]  }
0x2f: {  	lr =	sadd.s32 s0, s3;
	s0 =	sld [smem:$0x3F9D]  }
0x30: {  	s3 =	sld [smem:$0x3FA0]  }
0x31: {  	[smem:$0x3FA9] =	sst s10  }
0x32: {  	s10 =	sld [smem:$0x3FA7];
	_ =	sdelay $0x3  }
0x33: {  	p0 =	seq.s32 s10, $0x1;
	s10 =	sld [smem:$0x3FA9];
	_ =	sdelay $0x3  }
0x34: {  	[smem:$0x3FA9] =	sst s10  }
0x35: {  	s10 =	sld [smem:$0x3FA8];
	_ =	sdelay $0x3  }
0x36: {  	p1 =	seq.s32 s10, $0x1;
	s10 =	sld [smem:$0x3FA9];
	_ =	sdelay $0x3  }
0x37: {  	[smem:$0x3FA9] =	sst s10  }
0x38: {  	s10 =	sld [smem:$0x3FAA]  }
0x39: {  	_ = 	snop;
	(pc) =	sbr.ind lr, $3  }
0x3a: {  	_ = 	snop  }
0x3b: {  	_ = 	snop  }
0x3c: {  	p2 =	seq.s32 s10, $0x1;
	s10 =	sld [smem:$0x3FA9]  }
0x3d: {  	_ =	shalt  }
0x3e: {  	_ =	shalt  }
0x3f: {  	_ =	shalt  }
0x40: {  	_ =	shalt  }
0x41: {  	_ =	shalt  }
0x42: {  	_ =	shalt  }
0x43: {  	_ =	shalt  }
0x44: {  	_ =	shalt  }
0x45: {  	_ =	shalt  }
0x46: {  	_ =	shalt  }
0x47: {  	_ =	shalt  }
0x48: {  	_ =	shalt  }
0x49: {  	_ =	shalt  }
0x4a: {  	_ =	shalt  }
0x4b: {  	_ =	shalt  }
0x4c: {  	_ =	shalt  }
0x4d: {  	_ =	shalt  }
0x4e: {  	_ =	shalt  }
0x4f: {  	_ =	shalt  }
0x50: {  	_ =	shalt  }
0x51: {  	_ =	shalt  }
0x52: {  	_ =	shalt  }
0x53: {  	_ =	shalt  }
0x54: {  	_ =	shalt  }
0x55: {  	_ =	shalt  }
0x56: {  	_ =	shalt  }
0x57: {  	_ =	shalt  }
0x58: {  	_ =	shalt  }
0x59: {  	_ =	shalt  }
0x5a: {  	_ =	shalt  }
0x5b: {  	_ =	shalt  }
0x5c: {  	_ =	shalt  }
0x5d: {  	_ =	shalt  }
0x5e: {  	_ =	shalt  }
0x5f: {  	_ =	shalt  }
0x60: {  	_ =	shalt  }
0x61: {  	_ =	shalt  }
0x62: {  	_ =	shalt  }
0x63: {  	_ =	shalt  }
0x64: {  	_ =	shalt  }
0x65: {  	_ =	shalt  }
0x66: {  	_ =	shalt  }
0x67: {  	_ =	shalt  }
0x68: {  	_ =	shalt  }
0x69: {  	_ =	shalt  }
0x6a: {  	_ =	shalt  }
0x6b: {  	_ =	shalt  }
0x6c: {  	_ =	shalt  }
0x6d: {  	_ =	shalt  }
0x6e: {  	_ =	shalt  }
0x6f: {  	_ =	shalt  }
0x70: {  	_ =	shalt  }
0x71: {  	_ =	shalt  }
0x72: {  	_ =	shalt  }
0x73: {  	_ =	shalt  }
0x74: {  	_ =	shalt  }
0x75: {  	_ =	shalt  }
0x76: {  	_ =	shalt  }
0x77: {  	_ =	shalt  }
0x78: {  	_ =	shalt  }
0x79: {  	_ =	shalt  }
0x7a: {  	_ =	shalt  }
0x7b: {  	_ =	shalt  }
0x7c: {  	_ =	shalt  }
0x7d: {  	_ =	shalt  }
0x7e: {  	_ =	shalt  }
0x7f: {  	_ =	shalt  }
0x80: {  	_ =	shalt  }
0x81: {  	_ =	shalt  }
0x82: {  	_ =	shalt  }
0x83: {  	_ =	shalt  }
0x84: {  	_ =	shalt  }
0x85: {  	_ =	shalt  }
0x86: {  	_ =	shalt  }
0x87: {  	_ =	shalt  }
.Lfunc_end0:
.L_simem_size_0:
called_computation.2_lowered:
.L_overlay_start_0:
0x88: {  	s2 =	sld [smem:$0x3FD9]  }
0x89: {  	s3 =	sld [smem:$0x3FFE];
	_ =	sdelay $0x1  }
0x8a: {  	s1 =	srdreg.scid  }
0x8b: {  	s0 =	sand.u32 $0x1, s1  }
0x8c: {  	s15 =	sshll.u32 s0, $0xA;
	s2 =	sadd.s32 s3, s2  }
0x8d: {  	s2 =	sadd.s32 s2, s15  }
0x8e: {  	[smem:$0x3FB5] =	sst s2  }
0x8f: {  	_ = 	snop  }
0x90: {  	s2 =	sld [smem:$0x3FD0];
	_ =	sdelay $0x2  }
0x91: {  	s16 =	simm.s32 $0xB;
	s4 =	simm.s32 $0x10  }
0x92: {  	[smem:s4], [sflag:s16] =	dma.local [hbm:s2], $0x1  }
0x93: {  	_ =	swait.eq [sflag:s16], $0x1  }
0x94: {  	[sflag:s16] =	ssyncset.done $0x0  }
0x95: {  	[sflag:s16] =	ssyncadd.s32 $0xFFFFFFFF  }
0x96: {  	s17 =	sld [smem:$0x12];
	(tm) =	ssettm $0x1  }
0x97: {  	s18 =	sld [smem:$0x3FFB];
	_ =	sdelay $0x3  }
0x98: {  	_ =	strace s18  }
0x99: {  	s2 =	sld [smem:$0x3FFC];
	_ =	sdelay $0x3  }
0x9a: {  	_ =	strace s2  }
0x9b: {  	s2 =	sld [smem:$0x3FFD];
	_ =	sdelay $0x3  }
0x9c: {  	_ =	strace s2  }
0x9d: {  	_ =	strace $0x8FFFFFFF  }
0x9e: {  	s19 =	sld [smem:$0x3FDB];
	_ =	sdelay $0x1  }
0x9f: {  	s20 =	simm.s32 $_scs_section_size  }
0xa0: {  	s5 =	simm.s32 $_size__tile_overlayer_lowered;
	s6 =	simm.s32 $_tile_overlayer_lowered  }
0xa1: {  	s7 =	simm.s32 $0x1BFF;
	s21 =	sshll.u32 s6, $0x1;
	s4 =	sadd.s32 s20, s19  }
0xa2: {  	s22 =	simm.s32 $0x0;
	s5 =	sshll.u32 s5, $0x1;
	s6 =	sadd.s32 s21, s4  }
0xa3: {  	[timem:s22], [sflag:s7] =	dma.local [hbm:s6], s5  }
0xa4: {  	_ =	swait.ge [sflag:s7], s5  }
0xa5: {  	s5 =	ssub.s32 $0x0, s5;
	[sflag:s7] =	ssyncset.done $0x0  }
0xa6: {  	[sflag:s7] =	ssyncadd.s32 s5;
	_ =	sdelay $0x1  }
0xa7: {  	s23 =	simm.s32 $0x1B8B  }
0xa8: {  	_ =	swait.ge [sflag:s23], $0x1  }
0xa9: {  	[sflag:s23] =	ssyncset.done $0x0  }
0xaa: {  	[sflag:s23] =	ssyncadd.s32 $0xFFFFFFFF  }
0xab: {  	s5 =	sld [smem:$0x0]  }
0xac: {  	s6 =	sand.u32 $0xFFFFFFFE, s1  }
0xad: {  	p0 =	sne.s32 s1, s6  }
0xae: {  	s6 =	sshll.u32 @p0 s6, $0xE  }
0xaf: {  	s6 =	sadd.s32 @p0 $0x11B8D, s6;
	s7 =	sshll.u32 @p0 s5, $0x11  }
0xb0: {  	s6 =	sor.u32 @p0 s7, s6  }
0xb1: {  	[sflag:s6] =	ssyncadd.remote.s32 @p0 $0x1;
	_ =	sdelay $0x1  }
0xb2: {  	s6 =	simm.s32 @p0 $0x1B8D  }
0xb3: {  	_ =	swait.eq @p0 [sflag:s6], $0x1  }
0xb4: {  	[sflag:s6] =	ssyncadd.s32 @p0 $0xFFFFFFFF  }
0xb5: {  	s7 =	sshll.u32 @!p0 s1, $0xE  }
0xb6: {  	s7 =	sor.u32 @!p0 $0x4000, s7;
	s6 =	simm.s32 @!p0 $0x1B8D  }
0xb7: {  	s5 =	sshll.u32 @!p0 s5, $0x11;
	s7 =	sadd.s32 @!p0 $0x11B8D, s7;
	_ =	swait.eq @!p0 [sflag:s6], $0x1  }
0xb8: {  	s5 =	sor.u32 @!p0 s5, s7;
	[sflag:s6] =	ssyncadd.s32 @!p0 $0xFFFFFFFF  }
0xb9: {  	s25 =	simm.s32 $0x1B8E;
	s24 =	sld [smem:$0x3FFE];
	[sflag:s5] =	ssyncadd.remote.s32 @!p0 $0x1  }
0xba: {  	s26 =	simm.s32 $execute0_lowered;
	[smem:$0x3FD2] =	sst s25  }
0xbb: {  	s6 =	sshll.u32 s26, $0x1;
	_ =	strace $0x8000004C;
	[dreg:$0x1] =	wrdreg $0xFFFFFFFF  }
0xbc: {  	s28 =	simm.s32 $_size_execute0_lowered;
	s4 =	sadd.s32 s4, s6;
	[dreg:$0x0] =	wrdreg $0x0  }
0xbd: {  	s6 =	sshll.u32 s28, $0x1;
	[dreg:$0x2] =	wrdreg s4  }
0xbe: {  	[dreg:$0x3] =	wrdreg s6  }
0xbf: {  	[dreg:$0x4] =	wrdreg $0xC0  }
0xc0: {  	_ =	task [dreg:s22], $0x5FFFF  }
0xc1: {  	[dreg:$0x1] =	wrdreg $0xFFFFFFFF  }
0xc2: {  	[dreg:$0x0] =	wrdreg $0x60  }
0xc3: {  	[dreg:$0x2] =	wrdreg s24  }
0xc4: {  	[dreg:$0x3] =	wrdreg s17  }
0xc5: {  	[dreg:$0x4] =	wrdreg $0xA0000  }
0xc6: {  	[dreg:$0x5] =	wrdreg $0x9  }
0xc7: {  	_ =	task.clear_ibuf [dreg:s22], $0x6FFFF;
	_ =	strace $0x9000004C  }
0xc8: {  	s29 =	simm.s32 $0x9;
	_ =	strace $0x8000004E  }
0xc9: {  	_ =	swait.ge [sflag:s29], $0x1  }
0xca: {  	[sflag:s29] =	ssyncadd.s32 $0xFFFFFFFF  }
0xcb: {  	_ =	strace $0x9000004E  }
0xcc: {  	_ =	sfence  }
0xcd: {  	s30 =	sld [smem:$0x0];
	_ =	sdelay $0x2  }
0xce: {  	s31 =	sshll.u32 s1, $0xD;
	s1 =	sshrl.u32 s1, $0x2  }
0xcf: {  	s4 =	sand.u32 $0x4000, s31;
	s1 =	sadd.s32 s1, s30  }
0xd0: {  	s0 =	sor.u32 s4, s0;
	s1 =	sshll.u32 s1, $0x11  }
0xd1: {  	s0 =	sor.u32 s1, s0  }
0xd2: {  	s0 =	sadd.s32 $0x8F2B, s0  }
0xd3: {  	[sflag:s0] =	ssyncadd.remote.s32 $0x1  }
0xd4: {  	_ =	sfence.sel $0xFFFF  }
0xd5: {  	[dreg:$0x0] =	wrdreg $0xFFFFFFFF;
	(pc) =	sbr.abs _section_cstart, $3  }
0xd6: {  	[dreg:$0x1] =	wrdreg $0xFFFFFFFF  }
0xd7: {  	_ =	task.clear_ibuf [dreg:s22], $0x2FFFF;
	_ =	strace $0x9FFFFFFF  }
0xd8: {  	(tm) =	ssettm $0x7FFFFFFF  }
0xd9: {  	_ =	shalt  }
tec
execute0_lowered:
.L_overlay_start_1:
0x0: {  	(tag) =	ssettag $0x1  }
0x1: {  	s6 =	rddreg [dreg:$0x0]  }
0x2: {  	s11 =	rddreg [dreg:$0x1]  }
0x3: {  	s1 =	rddreg [dreg:$0x2]  }
0x4: {  	s0 =	rddreg [dreg:$0x3];
	s3 =	simm.s32 $0x0;
	s4 =	srdreg.scid  }
0x5: {  	s2 =	stileid.u32;
	s16 =	simm.s32 $0x4000;
	s17 =	simm.s32 $0x6000  }
0x6: {  	s18 =	simm.s32 $0x8000;
	s19 =	simm.s32 $0x1;
	s20 =	simm.s32 $0x2  }
0x7: {  	s21 =	simm.s32 $0x0;
	s5 =	sand.u32 $0x1, s4;
	s4 =	smul.u32 $0x130, s2  }
0x8: {  	[smem:$0x7FF] =	sst s3;
	s7 =	sshll.u32 s2, $0x4;
	s9 =	smul.u32 $0x14000, s2  }
0x9: {  	s28 =	smul.u32 $0x50000, s2;
	s31 =	sshll.u32 s2, $0x6;
	p0 =	seq.s32 s5, $0x0  }
0xa: {  	s7 =	sor.u32 $0x1300, s7;
	s8 =	smul.u32 $0x140000, s5;
	_ =	strace $0x8000004D  }
0xb: {  	s26 =	ssub.s32 $0x2, s5;
	s5 =	sadd.s32 $0x2E600, s6;
	s7 =	smov.u32 @p0 s4  }
0xc: {  	s4 =	sadd.s32 $0x30E00, s6;
	s29 =	sshrl.u32 s26, $0x1;
	s30 =	sshrl.u32 s28, $0x2  }
0xd: {  	s12 =	sshll.u32 s7, $0x4;
	s25 =	sadd.s32 s9, s8;
	s14 =	ssub.s32 s26, s29  }
0xe: {  	s15 =	sadd.s32 s30, s1;
	s10 =	sadd.s32 s12, s6;
	s7 =	sshrl.u32 s25, $0x3  }
0xf: {  	s9 =	smax.u32 s14, $0x1;
	s11 =	sadd.s32 s12, s11;
	s12 =	sshrl.u32 s15, $0x3  }
0x10: {  	s14 =	simm.s32 $0x40;
	s15 =	simm.s32 $0x2000;
	s13 =	sadd.s32 s7, s6  }
0x11: {  	s6 =	simm.s32 $0x4C;
	s7 =	sor.u32 $0x1C03, s31;
	s10 =	sadd.s32 $0xBD000, s10  }
0x12: {  	s6 =	simm.s32 @!p0 $0x4;
	s8 =	sadd.s32 $0x149200, s13;
	s13 =	simm.s32 $0x3  }
.LBB2_1:
0x13: {  	[spmem:s12], [sflag:s7] =	dma.local [hbm:s5], $0x2800  }
0x14: {  	p1 =	sne.s32 s6, $0x1  }
.Ltmp0:
0x15: {  	_ =	swait.ge [sflag:s13], $0x2800;
	(pc) =	sbr.rel @!p1 .LBB2_2-.Ltmp0, $4  }
0x16: {  	[sflag:s13] =	ssyncset.done $0x0  }
0x17: {  	[sflag:s13] =	ssyncadd.s32 $0xFFFFD800  }
0x18: {  	s26 =	sand.u32 $0x7, s3;
	[bflag:$0x0] =	sbarrier.arrive $0xFFFF  }
0x19: {  	s22 =	simm.s32 $0x1;
	p0 =	por $0x0, $0x0;
	p2 =	sne.s32 s26, $0x0  }
0x1a: {  	s23 =	simm.s32 @!p2 $0x0;
	s24 =	simm.s32 @!p2 $0x3  }
0x1b: {  	[tilespmem:s23], [sflag:$0x3] =	stream.linear.gather @!p2 [hbm4b:s11+s23], $0x1000, $0x38;
	[tilespmem:$0x1E000] =	vst v63  }
0x1c: {  	_ =	swait.ge @!p2 [sflag:s24], $0x1000  }
0x1d: {  	[sflag:s24] =	ssyncset.done @!p2 $0x0  }
0x1e: {  	s25 =	simm.s32 @!p2 $0x1000;
	[sflag:s24] =	ssyncadd.s32 @!p2 $0xFFFFF000  }
0x1f: {  	[tilespmem:s25], [sflag:$0x3] =	stream.linear.gather @!p2 [hbm4b:s10+s23], $0x1000, $0x38;
	[tilespmem:$0x1E000] =	vst v63  }
0x20: {  	_ =	swait.ge @!p2 [sflag:s24], $0x1000  }
0x21: {  	[sflag:s24] =	ssyncset.done @!p2 $0x0  }
0x22: {  	s23 =	sshll.u32 s26, $0x9;
	[sflag:s24] =	ssyncadd.s32 @!p2 $0xFFFFF000  }
0x23: {  	[tilespmem:s15], [sflag:$0x1] =	stream.indirect.gather [hbm4b:s4+s14], $0x80, s23, s14, $0xb8;
	[tilespmem:$0x1E000] =	vst v63  }
0x24: {  	s25 =	sor.u32 $0x80, s23  }
0x25: {  	[tilespmem:s16], [sflag:$0x1] =	stream.indirect.gather [hbm4b:s4+s14], $0x80, s25, s14, $0xb8;
	[tilespmem:$0x1E000] =	vst v63  }
0x26: {  	s26 =	sor.u32 $0x100, s23  }
0x27: {  	[tilespmem:s17], [sflag:$0x1] =	stream.indirect.gather [hbm4b:s4+s14], $0x80, s26, s14, $0xb8;
	[tilespmem:$0x1E000] =	vst v63  }
0x28: {  	s28 =	sor.u32 $0x180, s23  }
0x29: {  	[tilespmem:s18], [sflag:$0x1] =	stream.indirect.gather [hbm4b:s4+s14], $0x80, s28, s14, $0xb8;
	[tilespmem:$0x1E000] =	vst v63  }
0x2a: {  	_ =	swait.ge [sflag:s19], $0x2000  }
0x2b: {  	[sflag:s19] =	ssyncset.done $0x0  }
0x2c: {  	[sflag:s19] =	ssyncadd.s32 $0xFFFFE000  }
0x2d: {  	_ =	swait.ge [sflag:s19], $0x2000  }
0x2e: {  	[sflag:s19] =	ssyncset.done $0x0  }
0x2f: {  	[sflag:s19] =	ssyncadd.s32 $0xFFFFE000  }
0x30: {  	_ =	swait.ge [sflag:s19], $0x2000  }
0x31: {  	[sflag:s19] =	ssyncset.done $0x0  }
0x32: {  	[sflag:s19] =	ssyncadd.s32 $0xFFFFE000  }
0x33: {  	_ =	swait.ge [sflag:s19], $0x2000  }
0x34: {  	[sflag:s19] =	ssyncset.done $0x0  }
0x35: {  	s29 =	sor.u32 $0x1000, s23;
	[sflag:s19] =	ssyncadd.s32 $0xFFFFE000  }
0x36: {  	[spmem:s1] =	stream.indirect.scatter.add.f32 [tilespmem:s15], [sflag:$0x2], $0x80, s29, s14, $0xb8;
	[tilespmem:$0x1E000] =	vst v63  }
0x37: {  	s30 =	sor.u32 $0x1080, s23  }
0x38: {  	[spmem:s1] =	stream.indirect.scatter.add.f32 [tilespmem:s16], [sflag:$0x2], $0x80, s30, s14, $0xb8;
	[tilespmem:$0x1E000] =	vst v63  }
0x39: {  	s31 =	sor.u32 $0x1100, s23  }
0x3a: {  	[spmem:s1] =	stream.indirect.scatter.add.f32 [tilespmem:s17], [sflag:$0x2], $0x80, s31, s14, $0xb8;
	[tilespmem:$0x1E000] =	vst v63  }
0x3b: {  	s23 =	sor.u32 $0x1180, s23  }
0x3c: {  	[spmem:s1] =	stream.indirect.scatter.add.f32 [tilespmem:s18], [sflag:$0x2], $0x80, s23, s14, $0xb8;
	[tilespmem:$0x1E000] =	vst v63  }
0x3d: {  	_ =	swait.ge [sflag:s20], $0x2000  }
0x3e: {  	[sflag:s20] =	ssyncset.done $0x0  }
0x3f: {  	[sflag:s20] =	ssyncadd.s32 $0xFFFFE000  }
0x40: {  	_ =	swait.ge [sflag:s20], $0x2000  }
0x41: {  	[sflag:s20] =	ssyncset.done $0x0  }
0x42: {  	p1 =	sne.s32 s6, $0x2;
	[sflag:s20] =	ssyncadd.s32 $0xFFFFE000  }
.Ltmp1:
0x43: {  	_ =	swait.ge [sflag:s20], $0x2000;
	(pc) =	sbr.rel @!p1 .LBB2_5-.Ltmp1, $4  }
0x44: {  	[sflag:s20] =	ssyncset.done $0x0  }
0x45: {  	p0 =	por $0x1, $0x1;
	s24 =	simm.s32 $0x2;
	[sflag:s20] =	ssyncadd.s32 $0xFFFFE000  }
0x46: {  	s26 =	sand.u32 $0x7, s22;
	s22 =	sadd.s32 $0x40, s10;
	_ =	swait.ge [sflag:s20], $0x2000  }
0x47: {  	p2 =	sne.s32 s26, $0x0;
	s23 =	sadd.s32 $0x40, s11;
	[sflag:s20] =	ssyncset.done $0x0  }
.LBB2_4:
0x48: {  	s28 =	simm.s32 @!p2 $0x0;
	s29 =	simm.s32 @!p2 $0x3;
	[sflag:s20] =	ssyncadd.s32 $0xFFFFE000  }
0x49: {  	[tilespmem:s28], [sflag:$0x3] =	stream.linear.gather @!p2 [hbm4b:s23+s28], $0x1000, $0x38;
	[tilespmem:$0x1E000] =	vst v63  }
0x4a: {  	s25 =	smov.u32 s24;
	s24 =	sadd.s32 $0x1, s24;
	_ =	swait.ge @!p2 [sflag:s29], $0x1000  }
0x4b: {  	p1 =	sne.s32 s6, s24;
	[sflag:s29] =	ssyncset.done @!p2 $0x0  }
0x4c: {  	s30 =	simm.s32 @!p2 $0x1000;
	[sflag:s29] =	ssyncadd.s32 @!p2 $0xFFFFF000  }
0x4d: {  	[tilespmem:s30], [sflag:$0x3] =	stream.linear.gather @!p2 [hbm4b:s22+s28], $0x1000, $0x38;
	[tilespmem:$0x1E000] =	vst v63  }
0x4e: {  	_ =	swait.ge @!p2 [sflag:s29], $0x1000  }
0x4f: {  	[sflag:s29] =	ssyncset.done @!p2 $0x0  }
0x50: {  	s26 =	sshll.u32 s26, $0x9;
	[sflag:s29] =	ssyncadd.s32 @!p2 $0xFFFFF000  }
0x51: {  	[tilespmem:s15], [sflag:$0x1] =	stream.indirect.gather [hbm4b:s4+s14], $0x80, s26, s14, $0xb8;
	[tilespmem:$0x1E000] =	vst v63  }
0x52: {  	s28 =	sor.u32 $0x80, s26  }
0x53: {  	[tilespmem:s16], [sflag:$0x1] =	stream.indirect.gather [hbm4b:s4+s14], $0x80, s28, s14, $0xb8;
	[tilespmem:$0x1E000] =	vst v63  }
0x54: {  	s28 =	sor.u32 $0x100, s26  }
0x55: {  	[tilespmem:s17], [sflag:$0x1] =	stream.indirect.gather [hbm4b:s4+s14], $0x80, s28, s14, $0xb8;
	[tilespmem:$0x1E000] =	vst v63  }
0x56: {  	s28 =	sor.u32 $0x180, s26  }
0x57: {  	[tilespmem:s18], [sflag:$0x1] =	stream.indirect.gather [hbm4b:s4+s14], $0x80, s28, s14, $0xb8;
	[tilespmem:$0x1E000] =	vst v63  }
0x58: {  	_ =	swait.ge [sflag:s19], $0x2000  }
0x59: {  	[sflag:s19] =	ssyncset.done $0x0  }
0x5a: {  	[sflag:s19] =	ssyncadd.s32 $0xFFFFE000  }
0x5b: {  	_ =	swait.ge [sflag:s19], $0x2000  }
0x5c: {  	[sflag:s19] =	ssyncset.done $0x0  }
0x5d: {  	[sflag:s19] =	ssyncadd.s32 $0xFFFFE000  }
0x5e: {  	_ =	swait.ge [sflag:s19], $0x2000  }
0x5f: {  	[sflag:s19] =	ssyncset.done $0x0  }
0x60: {  	[sflag:s19] =	ssyncadd.s32 $0xFFFFE000  }
0x61: {  	_ =	swait.ge [sflag:s19], $0x2000  }
0x62: {  	[sflag:s19] =	ssyncset.done $0x0  }
0x63: {  	s28 =	sor.u32 $0x1000, s26;
	[sflag:s19] =	ssyncadd.s32 $0xFFFFE000  }
0x64: {  	[spmem:s1] =	stream.indirect.scatter.add.f32 [tilespmem:s15], [sflag:$0x2], $0x80, s28, s14, $0xb8;
	[tilespmem:$0x1E000] =	vst v63  }
0x65: {  	s28 =	sor.u32 $0x1080, s26  }
0x66: {  	[spmem:s1] =	stream.indirect.scatter.add.f32 [tilespmem:s16], [sflag:$0x2], $0x80, s28, s14, $0xb8;
	[tilespmem:$0x1E000] =	vst v63  }
0x67: {  	s28 =	sor.u32 $0x1100, s26  }
0x68: {  	[spmem:s1] =	stream.indirect.scatter.add.f32 [tilespmem:s17], [sflag:$0x2], $0x80, s28, s14, $0xb8;
	[tilespmem:$0x1E000] =	vst v63  }
0x69: {  	s26 =	sor.u32 $0x1180, s26  }
0x6a: {  	[spmem:s1] =	stream.indirect.scatter.add.f32 [tilespmem:s18], [sflag:$0x2], $0x80, s26, s14, $0xb8;
	[tilespmem:$0x1E000] =	vst v63  }
0x6b: {  	_ =	swait.ge [sflag:s20], $0x2000  }
0x6c: {  	[sflag:s20] =	ssyncset.done $0x0  }
0x6d: {  	[sflag:s20] =	ssyncadd.s32 $0xFFFFE000  }
0x6e: {  	_ =	swait.ge [sflag:s20], $0x2000  }
0x6f: {  	[sflag:s20] =	ssyncset.done $0x0  }
0x70: {  	[sflag:s20] =	ssyncadd.s32 $0xFFFFE000  }
.Ltmp2:
0x71: {  	_ =	swait.ge [sflag:s20], $0x2000;
	(pc) =	sbr.rel @p1 .LBB2_4-.Ltmp2, $4  }
0x72: {  	[sflag:s20] =	ssyncset.done $0x0  }
0x73: {  	[sflag:s20] =	ssyncadd.s32 $0xFFFFE000  }
0x74: {  	s23 =	sadd.s32 $0x40, s23;
	s26 =	sand.u32 $0x7, s25;
	_ =	swait.ge [sflag:s20], $0x2000  }
0x75: {  	s22 =	sadd.s32 $0x40, s22;
	p2 =	sne.s32 s26, $0x0;
	[sflag:s20] =	ssyncset.done $0x0  }
.LBB2_5:
0x76: {  	s24 =	simm.s32 @!p2 $0x0;
	s25 =	simm.s32 @!p2 $0x3;
	[sflag:s20] =	ssyncadd.s32 @p0 $0xFFFFE000  }
0x77: {  	[tilespmem:s24], [sflag:$0x3] =	stream.linear.gather @!p2 [hbm4b:s23+s24], $0x1000, $0x38;
	[tilespmem:$0x1E000] =	vst v63  }
0x78: {  	_ =	swait.ge @!p2 [sflag:s25], $0x1000  }
0x79: {  	[sflag:s25] =	ssyncset.done @!p2 $0x0  }
0x7a: {  	s23 =	simm.s32 @!p2 $0x1000;
	[sflag:s25] =	ssyncadd.s32 @!p2 $0xFFFFF000  }
0x7b: {  	[tilespmem:s23], [sflag:$0x3] =	stream.linear.gather @!p2 [hbm4b:s22+s24], $0x1000, $0x38;
	[tilespmem:$0x1E000] =	vst v63  }
0x7c: {  	_ =	swait.ge @!p2 [sflag:s25], $0x1000  }
0x7d: {  	[sflag:s25] =	ssyncset.done @!p2 $0x0  }
0x7e: {  	s24 =	sshll.u32 s26, $0x9;
	[sflag:s25] =	ssyncadd.s32 @!p2 $0xFFFFF000  }
0x7f: {  	[tilespmem:s15], [sflag:$0x1] =	stream.indirect.gather [hbm4b:s4+s14], $0x80, s24, s14, $0xb8;
	[tilespmem:$0x1E000] =	vst v63  }
0x80: {  	s25 =	sor.u32 $0x80, s24  }
0x81: {  	[tilespmem:s16], [sflag:$0x1] =	stream.indirect.gather [hbm4b:s4+s14], $0x80, s25, s14, $0xb8;
	[tilespmem:$0x1E000] =	vst v63  }
0x82: {  	s26 =	sor.u32 $0x100, s24  }
0x83: {  	[tilespmem:s17], [sflag:$0x1] =	stream.indirect.gather [hbm4b:s4+s14], $0x80, s26, s14, $0xb8;
	[tilespmem:$0x1E000] =	vst v63  }
0x84: {  	s28 =	sor.u32 $0x180, s24  }
0x85: {  	[tilespmem:s18], [sflag:$0x1] =	stream.indirect.gather [hbm4b:s4+s14], $0x80, s28, s14, $0xb8;
	[tilespmem:$0x1E000] =	vst v63  }
0x86: {  	_ =	swait.ge [sflag:s19], $0x2000  }
0x87: {  	[sflag:s19] =	ssyncset.done $0x0  }
0x88: {  	[sflag:s19] =	ssyncadd.s32 $0xFFFFE000  }
0x89: {  	_ =	swait.ge [sflag:s19], $0x2000  }
0x8a: {  	[sflag:s19] =	ssyncset.done $0x0  }
0x8b: {  	[sflag:s19] =	ssyncadd.s32 $0xFFFFE000  }
0x8c: {  	_ =	swait.ge [sflag:s19], $0x2000  }
0x8d: {  	[sflag:s19] =	ssyncset.done $0x0  }
0x8e: {  	[sflag:s19] =	ssyncadd.s32 $0xFFFFE000  }
0x8f: {  	_ =	swait.ge [sflag:s19], $0x2000  }
0x90: {  	[sflag:s19] =	ssyncset.done $0x0  }
0x91: {  	s29 =	sor.u32 $0x1000, s24;
	[sflag:s19] =	ssyncadd.s32 $0xFFFFE000  }
0x92: {  	[spmem:s1] =	stream.indirect.scatter.add.f32 [tilespmem:s15], [sflag:$0x2], $0x80, s29, s14, $0xb8;
	[tilespmem:$0x1E000] =	vst v63  }
0x93: {  	s30 =	sor.u32 $0x1080, s24  }
0x94: {  	[spmem:s1] =	stream.indirect.scatter.add.f32 [tilespmem:s16], [sflag:$0x2], $0x80, s30, s14, $0xb8;
	[tilespmem:$0x1E000] =	vst v63  }
0x95: {  	s31 =	sor.u32 $0x1100, s24  }
0x96: {  	[spmem:s1] =	stream.indirect.scatter.add.f32 [tilespmem:s17], [sflag:$0x2], $0x80, s31, s14, $0xb8;
	[tilespmem:$0x1E000] =	vst v63  }
0x97: {  	s22 =	sor.u32 $0x1180, s24  }
0x98: {  	[spmem:s1] =	stream.indirect.scatter.add.f32 [tilespmem:s18], [sflag:$0x2], $0x80, s22, s14, $0xb8;
	[tilespmem:$0x1E000] =	vst v63  }
0x99: {  	_ =	swait.ge [sflag:s20], $0x2000  }
0x9a: {  	[sflag:s20] =	ssyncset.done $0x0  }
0x9b: {  	[sflag:s20] =	ssyncadd.s32 $0xFFFFE000  }
0x9c: {  	_ =	swait.ge [sflag:s20], $0x2000  }
0x9d: {  	[sflag:s20] =	ssyncset.done $0x0  }
0x9e: {  	[sflag:s20] =	ssyncadd.s32 $0xFFFFE000  }
0x9f: {  	_ =	swait.ge [sflag:s20], $0x2000  }
0xa0: {  	[sflag:s20] =	ssyncset.done $0x0  }
0xa1: {  	[sflag:s20] =	ssyncadd.s32 $0xFFFFE000  }
0xa2: {  	_ =	swait.ge [sflag:s20], $0x2000  }
0xa3: {  	[sflag:s20] =	ssyncset.done $0x0  }
0xa4: {  	s21 =	sadd.s32 $0x1, s21;
	[sflag:s20] =	ssyncadd.s32 $0xFFFFE000  }
0xa5: {  	p0 =	sne.s32 s21, s9;
	[bflag:$0x0] =	sbarrier.arrive $0xFFFF  }
0xa6: {  	[hbm:s8], [sflag:s7] =	dma.local [spmem:s12], $0x2800  }
.Ltmp3:
0xa7: {  	_ = 	snop;
	(pc) =	sbr.rel @p0 .LBB2_1-.Ltmp3, $4  }
.Ltmp4:
0xa8: {  	_ = 	snop;
	(pc) =	sbr.rel @!p0 .LBB2_6-.Ltmp4, $4  }
0xa9: {  	_ =	swait.ge [sflag:s13], $0x2800  }
0xaa: {  	[sflag:s13] =	ssyncset.done $0x0  }
0xab: {  	[sflag:s13] =	ssyncadd.s32 $0xFFFFD800  }
0xac: {  	_ = 	snop  }
.LBB2_2:
.Ltmp5:
0xad: {  	(pc) =	sbr.rel .LBB2_5-.Ltmp5, $2  }
0xae: {  	_ =	sdelay $0x2  }
0xaf: {  	s23 =	smov.u32 s11;
	s22 =	smov.u32 s10  }
.LBB2_6:
0xb0: {  	_ =	sfence.sel $0x180000  }
0xb1: {  	[bflag:$0x0] =	sbarrier.arrive $0xFFFF  }
0xb2: {  	p0 =	sne.s32 s2, $0x0;
	_ =	strace $0x9000004D  }
0xb3: {  	s0 =	sadd.s32 @!p0 $0x100000, s0;
	[bflag:$0x2] =	sbarrier.arrive $0xFFFF  }
0xb4: {  	[sflag:s0] =	ssyncadd.tile.s32 @!p0 $0x1;
	_ =	shalt  }
.Lfunc_end2:
_tile_overlayer_lowered:
.L_overlay_start_2:
0xb5: {  	(tag) =	ssettag $0x2  }
0xb6: {  	s0 =	rddreg [dreg:$0x0];
	s2 =	stileid.u32  }
0xb7: {  	s1 =	rddreg [dreg:$0x1];
	p0 =	sne.s32 s2, $0x0  }
0xb8: {  	s3 =	rddreg [dreg:$0x2];
	[bflag:$0x3] =	sbarrier.arrive $0xFFFF;
	s2 =	simm.s32 @!p0 $0x1C03  }
0xb9: {  	[timem:s3], [sflag:s2] =	dma.local @!p0 [hbm:s0], s1  }
0xba: {  	s0 =	simm.s32 @!p0 $0x3  }
0xbb: {  	_ =	swait.ge @!p0 [sflag:s0], s1  }
0xbc: {  	s1 =	ssub.s32 @!p0 $0x0, s1;
	[sflag:s0] =	ssyncset.done @!p0 $0x0  }
0xbd: {  	[sflag:s0] =	ssyncadd.s32 @!p0 s1  }
0xbe: {  	[bflag:$0x3] =	sbarrier.arrive $0xFFFF  }
0xbf: {  	_ =	shalt  }

// kernel: kernel.21.cloned.1.call-start
scs
__scs_entry_jumppad:
0x0: {  	(pc) =	sbr.rel $0x88, $3  }
0x1: {  	(tag) =	ssettag $0x0;
	lr =	simm.s32 $0x1  }
0x2: {  	[smem:$0x3F8E] =	sst lr;
	_ =	strace $0xD0000000  }
0x3: {  	_ = 	snop  }
0x4: {  	_ = 	snop  }
0x5: {  	_ = 	snop  }
0x6: {  	_ = 	snop  }
0x7: {  	_ = 	snop  }
__scs_overlays_trampoline_lowered:
0x8: {  	[smem:$0x3F9D] =	sst s0  }
0x9: {  	[smem:$0x3F9E] =	sst s1  }
0xa: {  	[smem:$0x3F9F] =	sst s2  }
0xb: {  	[smem:$0x3FA0] =	sst s3  }
0xc: {  	[smem:$0x3FA1] =	sst s4  }
0xd: {  	[smem:$0x3FA2] =	sst s5  }
0xe: {  	[smem:$0x3FA3] =	sst s6  }
0xf: {  	[smem:$0x3FA4] =	sst s7  }
0x10: {  	[smem:$0x3FA5] =	sst s8  }
0x11: {  	[smem:$0x3FA6] =	sst s9;
	s0 =	simm.s32 @!p0 $0x0  }
0x12: {  	s1 =	sld [smem:$0x3F8C];
	s0 =	simm.s32 @p0 $0x1  }
0x13: {  	[smem:$0x3FA7] =	sst s0;
	s0 =	simm.s32 @!p1 $0x0  }
0x14: {  	s2 =	sld [smem:$0x3F8B];
	s0 =	simm.s32 @p1 $0x1  }
0x15: {  	[smem:$0x3FA8] =	sst s0;
	s0 =	simm.s32 @!p2 $0x0  }
0x16: {  	s3 =	sld [smem:$0x3FDB];
	s0 =	simm.s32 @p2 $0x1  }
0x17: {  	s4 =	simm.s32 $0x1BF5;
	[smem:$0x3FAA] =	sst s0  }
0x18: {  	s0 =	sld [smem:$0x3F8D];
	_ =	swait.ge [sflag:s4], $0x0  }
0x19: {  	s7 =	sld [smem:$0x3F8E]  }
0x1a: {  	s8 =	sadd.s32 $0xFFFFE003, lr  }
0x1b: {  	s9 =	sadd.s32 $0xFFFFFEF7, lr;
	s5 =	simm.s32 $0xFFFFFFFF;
	p2 =	slt.u32 s8, $0xFFFFF086  }
0x1c: {  	p1 =	slt.u32 s9, $0xF7A;
	s5 =	simm.s32 @!p2 $0x0  }
0x1d: {  	s5 =	simm.s32 @p1 $0x1;
	p0 =	seq.s32 s7, s2  }
0x1e: {  	s7 =	smul.u32 @!p0 $0xF7A, s2;
	p2 =	seq.s32 @!p0 s5, $0x0  }
0x1f: {  	s9 =	smul.u32 $0xF7A, s1;
	s8 =	simm.s32 @!p0 $0x1BF5;
	p2 =	por !p2, p0  }
0x20: {  	[sflag:s8] =	ssyncset.s32 @!p0 $0xFFFFF086;
	s6 =	sadd.s32 @!p0 s3, s7;
	s7 =	simm.s32 @!p0 $0x108  }
0x21: {  	s3 =	sadd.s32 s3, s9;
	s6 =	sadd.s32 @!p0 $0x88, s6;
	s7 =	simm.s32 @p2 $0x1082  }
0x22: {  	[simem:s7], [sflag:s8] =	dma.local @!p0 [hbm:s6], $0xF7A  }
0x23: {  	s9 =	sor.u32 $0xD0000000, s2;
	s6 =	simm.s32 $0x108;
	_ =	swait.ge @!p0 [sflag:s8], $0x0  }
0x24: {  	s3 =	sadd.s32 $0x88, s3;
	s6 =	simm.s32 @!p1 $0x1082;
	[sflag:s4] =	ssyncset.s32 $0xFFFFF086  }
0x25: {  	[simem:s6], [sflag:s4] =	dma.local [hbm:s3], $0xF7A  }
0x26: {  	[smem:$0x3F8E] =	sst s1;
	(tag) =	ssettag s2;
	_ =	strace s9  }
0x27: {  	s1 =	sld [smem:$0x3F9E]  }
0x28: {  	s2 =	sld [smem:$0x3F9F]  }
0x29: {  	s4 =	sld [smem:$0x3FA1]  }
0x2a: {  	p0 =	seq.s32 s5, $0x0;
	s5 =	sld [smem:$0x3FA2]  }
0x2b: {  	s6 =	sld [smem:$0x3FA3]  }
0x2c: {  	s7 =	sld [smem:$0x3FA4]  }
0x2d: {  	s3 =	simm.s32 $0x108;
	s8 =	sld [smem:$0x3FA5]  }
0x2e: {  	s3 =	simm.s32 @!p0 $0x1082;
	s9 =	sld [smem:$0x3FA6]  }
0x2f: {  	lr =	sadd.s32 s0, s3;
	s0 =	sld [smem:$0x3F9D]  }
0x30: {  	s3 =	sld [smem:$0x3FA0]  }
0x31: {  	[smem:$0x3FA9] =	sst s10  }
0x32: {  	s10 =	sld [smem:$0x3FA7];
	_ =	sdelay $0x3  }
0x33: {  	p0 =	seq.s32 s10, $0x1;
	s10 =	sld [smem:$0x3FA9];
	_ =	sdelay $0x3  }
0x34: {  	[smem:$0x3FA9] =	sst s10  }
0x35: {  	s10 =	sld [smem:$0x3FA8];
	_ =	sdelay $0x3  }
0x36: {  	p1 =	seq.s32 s10, $0x1;
	s10 =	sld [smem:$0x3FA9];
	_ =	sdelay $0x3  }
0x37: {  	[smem:$0x3FA9] =	sst s10  }
0x38: {  	s10 =	sld [smem:$0x3FAA]  }
0x39: {  	_ = 	snop;
	(pc) =	sbr.ind lr, $3  }
0x3a: {  	_ = 	snop  }
0x3b: {  	_ = 	snop  }
0x3c: {  	p2 =	seq.s32 s10, $0x1;
	s10 =	sld [smem:$0x3FA9]  }
0x3d: {  	_ =	shalt  }
0x3e: {  	_ =	shalt  }
0x3f: {  	_ =	shalt  }
0x40: {  	_ =	shalt  }
0x41: {  	_ =	shalt  }
0x42: {  	_ =	shalt  }
0x43: {  	_ =	shalt  }
0x44: {  	_ =	shalt  }
0x45: {  	_ =	shalt  }
0x46: {  	_ =	shalt  }
0x47: {  	_ =	shalt  }
0x48: {  	_ =	shalt  }
0x49: {  	_ =	shalt  }
0x4a: {  	_ =	shalt  }
0x4b: {  	_ =	shalt  }
0x4c: {  	_ =	shalt  }
0x4d: {  	_ =	shalt  }
0x4e: {  	_ =	shalt  }
0x4f: {  	_ =	shalt  }
0x50: {  	_ =	shalt  }
0x51: {  	_ =	shalt  }
0x52: {  	_ =	shalt  }
0x53: {  	_ =	shalt  }
0x54: {  	_ =	shalt  }
0x55: {  	_ =	shalt  }
0x56: {  	_ =	shalt  }
0x57: {  	_ =	shalt  }
0x58: {  	_ =	shalt  }
0x59: {  	_ =	shalt  }
0x5a: {  	_ =	shalt  }
0x5b: {  	_ =	shalt  }
0x5c: {  	_ =	shalt  }
0x5d: {  	_ =	shalt  }
0x5e: {  	_ =	shalt  }
0x5f: {  	_ =	shalt  }
0x60: {  	_ =	shalt  }
0x61: {  	_ =	shalt  }
0x62: {  	_ =	shalt  }
0x63: {  	_ =	shalt  }
0x64: {  	_ =	shalt  }
0x65: {  	_ =	shalt  }
0x66: {  	_ =	shalt  }
0x67: {  	_ =	shalt  }
0x68: {  	_ =	shalt  }
0x69: {  	_ =	shalt  }
0x6a: {  	_ =	shalt  }
0x6b: {  	_ =	shalt  }
0x6c: {  	_ =	shalt  }
0x6d: {  	_ =	shalt  }
0x6e: {  	_ =	shalt  }
0x6f: {  	_ =	shalt  }
0x70: {  	_ =	shalt  }
0x71: {  	_ =	shalt  }
0x72: {  	_ =	shalt  }
0x73: {  	_ =	shalt  }
0x74: {  	_ =	shalt  }
0x75: {  	_ =	shalt  }
0x76: {  	_ =	shalt  }
0x77: {  	_ =	shalt  }
0x78: {  	_ =	shalt  }
0x79: {  	_ =	shalt  }
0x7a: {  	_ =	shalt  }
0x7b: {  	_ =	shalt  }
0x7c: {  	_ =	shalt  }
0x7d: {  	_ =	shalt  }
0x7e: {  	_ =	shalt  }
0x7f: {  	_ =	shalt  }
0x80: {  	_ =	shalt  }
0x81: {  	_ =	shalt  }
0x82: {  	_ =	shalt  }
0x83: {  	_ =	shalt  }
0x84: {  	_ =	shalt  }
0x85: {  	_ =	shalt  }
0x86: {  	_ =	shalt  }
0x87: {  	_ =	shalt  }
.Lfunc_end0:
.L_simem_size_0:
called_computation.3_lowered:
.L_overlay_start_0:
0x88: {  	s2 =	sld [smem:$0x3FD9]  }
0x89: {  	s3 =	sld [smem:$0x3FFE];
	_ =	sdelay $0x1  }
0x8a: {  	s1 =	srdreg.scid  }
0x8b: {  	s0 =	sand.u32 $0x1, s1  }
0x8c: {  	s17 =	sshll.u32 s0, $0xA;
	s2 =	sadd.s32 s3, s2  }
0x8d: {  	s2 =	sadd.s32 s2, s17  }
0x8e: {  	[smem:$0x3FB5] =	sst s2  }
0x8f: {  	_ = 	snop  }
0x90: {  	(tm) =	ssettm $0x1  }
0x91: {  	s18 =	sld [smem:$0x3FFB];
	_ =	sdelay $0x3  }
0x92: {  	_ =	strace s18  }
0x93: {  	s2 =	sld [smem:$0x3FFC];
	_ =	sdelay $0x3  }
0x94: {  	_ =	strace s2  }
0x95: {  	s2 =	sld [smem:$0x3FFD];
	_ =	sdelay $0x3  }
0x96: {  	_ =	strace s2  }
0x97: {  	_ =	strace $0x8FFFFFFF  }
0x98: {  	s19 =	sld [smem:$0x3FDB];
	_ =	sdelay $0x1  }
0x99: {  	s20 =	simm.s32 $_scs_section_size  }
0x9a: {  	s4 =	simm.s32 $_size__tile_overlayer_lowered;
	s5 =	simm.s32 $_tile_overlayer_lowered  }
0x9b: {  	s6 =	simm.s32 $0x1BFF;
	s21 =	sshll.u32 s5, $0x1;
	s3 =	sadd.s32 s20, s19  }
0x9c: {  	s22 =	simm.s32 $0x0;
	s4 =	sshll.u32 s4, $0x1;
	s5 =	sadd.s32 s21, s3  }
0x9d: {  	[timem:s22], [sflag:s6] =	dma.local [hbm:s5], s4  }
0x9e: {  	_ =	swait.ge [sflag:s6], s4  }
0x9f: {  	s4 =	ssub.s32 $0x0, s4;
	[sflag:s6] =	ssyncset.done $0x0  }
0xa0: {  	[sflag:s6] =	ssyncadd.s32 s4;
	_ =	sdelay $0x1  }
0xa1: {  	s23 =	simm.s32 $0x1B8B  }
0xa2: {  	_ =	swait.ge [sflag:s23], $0x1  }
0xa3: {  	[sflag:s23] =	ssyncset.done $0x0  }
0xa4: {  	[sflag:s23] =	ssyncadd.s32 $0xFFFFFFFF  }
0xa5: {  	s4 =	sld [smem:$0x0]  }
0xa6: {  	s5 =	sand.u32 $0xFFFFFFFE, s1  }
0xa7: {  	p0 =	sne.s32 s1, s5  }
0xa8: {  	s5 =	sshll.u32 @p0 s5, $0xE  }
0xa9: {  	s5 =	sadd.s32 @p0 $0x11B8D, s5;
	s6 =	sshll.u32 @p0 s4, $0x11  }
0xaa: {  	s5 =	sor.u32 @p0 s6, s5  }
0xab: {  	[sflag:s5] =	ssyncadd.remote.s32 @p0 $0x1;
	_ =	sdelay $0x1  }
0xac: {  	s5 =	simm.s32 @p0 $0x1B8D  }
0xad: {  	_ =	swait.eq @p0 [sflag:s5], $0x1  }
0xae: {  	[sflag:s5] =	ssyncadd.s32 @p0 $0xFFFFFFFF  }
0xaf: {  	s6 =	sshll.u32 @!p0 s1, $0xE  }
0xb0: {  	s6 =	sor.u32 @!p0 $0x4000, s6;
	s5 =	simm.s32 @!p0 $0x1B8D  }
0xb1: {  	s4 =	sshll.u32 @!p0 s4, $0x11;
	s6 =	sadd.s32 @!p0 $0x11B8D, s6;
	_ =	swait.eq @!p0 [sflag:s5], $0x1  }
0xb2: {  	s4 =	sor.u32 @!p0 s4, s6;
	[sflag:s5] =	ssyncadd.s32 @!p0 $0xFFFFFFFF  }
0xb3: {  	s25 =	simm.s32 $0x1B8E;
	s24 =	sld [smem:$0x3FFE];
	[sflag:s4] =	ssyncadd.remote.s32 @!p0 $0x1  }
0xb4: {  	s26 =	simm.s32 $execute0_lowered;
	[smem:$0x3FD2] =	sst s25  }
0xb5: {  	s5 =	sshll.u32 s26, $0x1;
	_ =	strace $0x8000004F;
	[dreg:$0x1] =	wrdreg $0xFFFFFFFF  }
0xb6: {  	s28 =	simm.s32 $_size_execute0_lowered;
	s3 =	sadd.s32 s3, s5;
	[dreg:$0x0] =	wrdreg $0x0  }
0xb7: {  	s5 =	sshll.u32 s28, $0x1;
	[dreg:$0x2] =	wrdreg s3  }
0xb8: {  	[dreg:$0x3] =	wrdreg s5  }
0xb9: {  	[dreg:$0x4] =	wrdreg $0xC0  }
0xba: {  	_ =	task [dreg:s22], $0x5FFFF  }
0xbb: {  	[dreg:$0x1] =	wrdreg $0xFFFFFFFF  }
0xbc: {  	[dreg:$0x0] =	wrdreg $0x60  }
0xbd: {  	[dreg:$0x2] =	wrdreg s24  }
0xbe: {  	[dreg:$0x3] =	wrdreg $0xA0000  }
0xbf: {  	[dreg:$0x4] =	wrdreg $0xA  }
0xc0: {  	_ =	task.clear_ibuf [dreg:s22], $0x5FFFF;
	_ =	strace $0x9000004F  }
0xc1: {  	s29 =	simm.s32 $0xA;
	_ =	strace $0x80000051  }
0xc2: {  	_ =	swait.ge [sflag:s29], $0x1  }
0xc3: {  	[sflag:s29] =	ssyncadd.s32 $0xFFFFFFFF  }
0xc4: {  	_ =	strace $0x90000051  }
0xc5: {  	_ =	sfence  }
0xc6: {  	s30 =	sld [smem:$0x0];
	_ =	sdelay $0x2  }
0xc7: {  	s31 =	sshll.u32 s1, $0xD;
	s1 =	sshrl.u32 s1, $0x2  }
0xc8: {  	s4 =	sand.u32 $0x4000, s31;
	s1 =	sadd.s32 s1, s30  }
0xc9: {  	s0 =	sor.u32 s4, s0;
	s1 =	sshll.u32 s1, $0x11  }
0xca: {  	s0 =	sor.u32 s1, s0  }
0xcb: {  	s0 =	sadd.s32 $0x8F2B, s0  }
0xcc: {  	[sflag:s0] =	ssyncadd.remote.s32 $0x1  }
0xcd: {  	_ =	sfence.sel $0xFFFF  }
0xce: {  	[dreg:$0x0] =	wrdreg $0xFFFFFFFF;
	(pc) =	sbr.abs _section_cstart, $3  }
0xcf: {  	[dreg:$0x1] =	wrdreg $0xFFFFFFFF  }
0xd0: {  	_ =	task.clear_ibuf [dreg:s22], $0x2FFFF;
	_ =	strace $0x9FFFFFFF  }
0xd1: {  	(tm) =	ssettm $0x7FFFFFFF  }
tec
execute0_lowered:
.L_overlay_start_1:
0x0: {  	(tag) =	ssettag $0x1  }
0x1: {  	s6 =	rddreg [dreg:$0x0]  }
0x2: {  	s1 =	rddreg [dreg:$0x1]  }
0x3: {  	s0 =	rddreg [dreg:$0x2];
	s3 =	simm.s32 $0x0;
	s4 =	srdreg.scid  }
0x4: {  	s2 =	stileid.u32;
	s14 =	simm.s32 $0x40;
	s15 =	simm.s32 $0x2000  }
0x5: {  	s16 =	simm.s32 $0x4000;
	s17 =	simm.s32 $0x6000;
	s18 =	simm.s32 $0x8000  }
0x6: {  	s19 =	simm.s32 $0x1;
	s5 =	sand.u32 $0x1, s4;
	s4 =	smul.u32 $0x130, s2  }
0x7: {  	s20 =	simm.s32 $0x2;
	s21 =	simm.s32 $0x0;
	s9 =	smul.u32 $0x14000, s2  }
0x8: {  	[smem:$0x7FF] =	sst s3;
	s7 =	sshll.u32 s2, $0x4;
	s28 =	smul.u32 $0x50000, s2  }
0x9: {  	s31 =	sshll.u32 s2, $0x6;
	p0 =	seq.s32 s5, $0x0;
	s7 =	sor.u32 $0x1300, s7  }
0xa: {  	s8 =	smul.u32 $0x140000, s5;
	_ =	strace $0x80000050;
	s26 =	ssub.s32 $0x2, s5  }
0xb: {  	s5 =	sadd.s32 $0x2E600, s6;
	s7 =	smov.u32 @p0 s4;
	s4 =	sadd.s32 $0x6200, s6  }
0xc: {  	s29 =	sshrl.u32 s26, $0x1;
	s30 =	sshrl.u32 s28, $0x2;
	s7 =	sshll.u32 s7, $0x4  }
0xd: {  	s25 =	sadd.s32 s9, s8;
	s12 =	ssub.s32 s26, s29;
	s13 =	sadd.s32 s30, s1  }
0xe: {  	s11 =	sadd.s32 s7, s6;
	s7 =	sshrl.u32 s25, $0x3;
	s9 =	smax.u32 s12, $0x1  }
0xf: {  	s12 =	sshrl.u32 s13, $0x3;
	s10 =	sadd.s32 s7, s6;
	s6 =	simm.s32 $0x4C  }
0x10: {  	s13 =	simm.s32 $0x3;
	s7 =	sor.u32 $0x1C03, s31;
	s6 =	simm.s32 @!p0 $0x4  }
0x11: {  	s8 =	sadd.s32 $0xF9200, s10;
	s10 =	sadd.s32 $0x80E00, s11;
	s11 =	sadd.s32 $0xE5000, s11  }
.LBB2_1:
0x12: {  	[spmem:s12], [sflag:s7] =	dma.local [hbm:s5], $0x2800  }
0x13: {  	p1 =	sne.s32 s6, $0x1  }
.Ltmp0:
0x14: {  	_ =	swait.ge [sflag:s13], $0x2800;
	(pc) =	sbr.rel @!p1 .LBB2_2-.Ltmp0, $4  }
0x15: {  	[sflag:s13] =	ssyncset.done $0x0  }
0x16: {  	[sflag:s13] =	ssyncadd.s32 $0xFFFFD800  }
0x17: {  	s26 =	sand.u32 $0x7, s3;
	[bflag:$0x0] =	sbarrier.arrive $0xFFFF  }
0x18: {  	s22 =	simm.s32 $0x1;
	p0 =	por $0x0, $0x0;
	p2 =	sne.s32 s26, $0x0  }
0x19: {  	s23 =	simm.s32 @!p2 $0x0;
	s24 =	simm.s32 @!p2 $0x3  }
0x1a: {  	[tilespmem:s23], [sflag:$0x3] =	stream.linear.gather @!p2 [hbm4b:s11+s23], $0x1000, $0x38;
	[tilespmem:$0x1E000] =	vst v63  }
0x1b: {  	_ =	swait.ge @!p2 [sflag:s24], $0x1000  }
0x1c: {  	[sflag:s24] =	ssyncset.done @!p2 $0x0  }
0x1d: {  	s25 =	simm.s32 @!p2 $0x1000;
	[sflag:s24] =	ssyncadd.s32 @!p2 $0xFFFFF000  }
0x1e: {  	[tilespmem:s25], [sflag:$0x3] =	stream.linear.gather @!p2 [hbm4b:s10+s23], $0x1000, $0x38;
	[tilespmem:$0x1E000] =	vst v63  }
0x1f: {  	_ =	swait.ge @!p2 [sflag:s24], $0x1000  }
0x20: {  	[sflag:s24] =	ssyncset.done @!p2 $0x0  }
0x21: {  	s23 =	sshll.u32 s26, $0x9;
	[sflag:s24] =	ssyncadd.s32 @!p2 $0xFFFFF000  }
0x22: {  	[tilespmem:s15], [sflag:$0x1] =	stream.indirect.gather [hbm4b:s4+s14], $0x80, s23, s14, $0xb8;
	[tilespmem:$0x1E000] =	vst v63  }
0x23: {  	s25 =	sor.u32 $0x80, s23  }
0x24: {  	[tilespmem:s16], [sflag:$0x1] =	stream.indirect.gather [hbm4b:s4+s14], $0x80, s25, s14, $0xb8;
	[tilespmem:$0x1E000] =	vst v63  }
0x25: {  	s26 =	sor.u32 $0x100, s23  }
0x26: {  	[tilespmem:s17], [sflag:$0x1] =	stream.indirect.gather [hbm4b:s4+s14], $0x80, s26, s14, $0xb8;
	[tilespmem:$0x1E000] =	vst v63  }
0x27: {  	s28 =	sor.u32 $0x180, s23  }
0x28: {  	[tilespmem:s18], [sflag:$0x1] =	stream.indirect.gather [hbm4b:s4+s14], $0x80, s28, s14, $0xb8;
	[tilespmem:$0x1E000] =	vst v63  }
0x29: {  	_ =	swait.ge [sflag:s19], $0x2000  }
0x2a: {  	[sflag:s19] =	ssyncset.done $0x0  }
0x2b: {  	[sflag:s19] =	ssyncadd.s32 $0xFFFFE000  }
0x2c: {  	_ =	swait.ge [sflag:s19], $0x2000  }
0x2d: {  	[sflag:s19] =	ssyncset.done $0x0  }
0x2e: {  	[sflag:s19] =	ssyncadd.s32 $0xFFFFE000  }
0x2f: {  	_ =	swait.ge [sflag:s19], $0x2000  }
0x30: {  	[sflag:s19] =	ssyncset.done $0x0  }
0x31: {  	[sflag:s19] =	ssyncadd.s32 $0xFFFFE000  }
0x32: {  	_ =	swait.ge [sflag:s19], $0x2000  }
0x33: {  	[sflag:s19] =	ssyncset.done $0x0  }
0x34: {  	s29 =	sor.u32 $0x1000, s23;
	[sflag:s19] =	ssyncadd.s32 $0xFFFFE000  }
0x35: {  	[spmem:s1] =	stream.indirect.scatter.add.f32 [tilespmem:s15], [sflag:$0x2], $0x80, s29, s14, $0xb8;
	[tilespmem:$0x1E000] =	vst v63  }
0x36: {  	s30 =	sor.u32 $0x1080, s23  }
0x37: {  	[spmem:s1] =	stream.indirect.scatter.add.f32 [tilespmem:s16], [sflag:$0x2], $0x80, s30, s14, $0xb8;
	[tilespmem:$0x1E000] =	vst v63  }
0x38: {  	s31 =	sor.u32 $0x1100, s23  }
0x39: {  	[spmem:s1] =	stream.indirect.scatter.add.f32 [tilespmem:s17], [sflag:$0x2], $0x80, s31, s14, $0xb8;
	[tilespmem:$0x1E000] =	vst v63  }
0x3a: {  	s23 =	sor.u32 $0x1180, s23  }
0x3b: {  	[spmem:s1] =	stream.indirect.scatter.add.f32 [tilespmem:s18], [sflag:$0x2], $0x80, s23, s14, $0xb8;
	[tilespmem:$0x1E000] =	vst v63  }
0x3c: {  	_ =	swait.ge [sflag:s20], $0x2000  }
0x3d: {  	[sflag:s20] =	ssyncset.done $0x0  }
0x3e: {  	[sflag:s20] =	ssyncadd.s32 $0xFFFFE000  }
0x3f: {  	_ =	swait.ge [sflag:s20], $0x2000  }
0x40: {  	[sflag:s20] =	ssyncset.done $0x0  }
0x41: {  	p1 =	sne.s32 s6, $0x2;
	[sflag:s20] =	ssyncadd.s32 $0xFFFFE000  }
.Ltmp1:
0x42: {  	_ =	swait.ge [sflag:s20], $0x2000;
	(pc) =	sbr.rel @!p1 .LBB2_5-.Ltmp1, $4  }
0x43: {  	[sflag:s20] =	ssyncset.done $0x0  }
0x44: {  	p0 =	por $0x1, $0x1;
	s24 =	simm.s32 $0x2;
	[sflag:s20] =	ssyncadd.s32 $0xFFFFE000  }
0x45: {  	s26 =	sand.u32 $0x7, s22;
	s22 =	sadd.s32 $0x40, s10;
	_ =	swait.ge [sflag:s20], $0x2000  }
0x46: {  	p2 =	sne.s32 s26, $0x0;
	s23 =	sadd.s32 $0x40, s11;
	[sflag:s20] =	ssyncset.done $0x0  }
.LBB2_4:
0x47: {  	s28 =	simm.s32 @!p2 $0x0;
	s29 =	simm.s32 @!p2 $0x3;
	[sflag:s20] =	ssyncadd.s32 $0xFFFFE000  }
0x48: {  	[tilespmem:s28], [sflag:$0x3] =	stream.linear.gather @!p2 [hbm4b:s23+s28], $0x1000, $0x38;
	[tilespmem:$0x1E000] =	vst v63  }
0x49: {  	s25 =	smov.u32 s24;
	s24 =	sadd.s32 $0x1, s24;
	_ =	swait.ge @!p2 [sflag:s29], $0x1000  }
0x4a: {  	p1 =	sne.s32 s6, s24;
	[sflag:s29] =	ssyncset.done @!p2 $0x0  }
0x4b: {  	s30 =	simm.s32 @!p2 $0x1000;
	[sflag:s29] =	ssyncadd.s32 @!p2 $0xFFFFF000  }
0x4c: {  	[tilespmem:s30], [sflag:$0x3] =	stream.linear.gather @!p2 [hbm4b:s22+s28], $0x1000, $0x38;
	[tilespmem:$0x1E000] =	vst v63  }
0x4d: {  	_ =	swait.ge @!p2 [sflag:s29], $0x1000  }
0x4e: {  	[sflag:s29] =	ssyncset.done @!p2 $0x0  }
0x4f: {  	s26 =	sshll.u32 s26, $0x9;
	[sflag:s29] =	ssyncadd.s32 @!p2 $0xFFFFF000  }
0x50: {  	[tilespmem:s15], [sflag:$0x1] =	stream.indirect.gather [hbm4b:s4+s14], $0x80, s26, s14, $0xb8;
	[tilespmem:$0x1E000] =	vst v63  }
0x51: {  	s28 =	sor.u32 $0x80, s26  }
0x52: {  	[tilespmem:s16], [sflag:$0x1] =	stream.indirect.gather [hbm4b:s4+s14], $0x80, s28, s14, $0xb8;
	[tilespmem:$0x1E000] =	vst v63  }
0x53: {  	s28 =	sor.u32 $0x100, s26  }
0x54: {  	[tilespmem:s17], [sflag:$0x1] =	stream.indirect.gather [hbm4b:s4+s14], $0x80, s28, s14, $0xb8;
	[tilespmem:$0x1E000] =	vst v63  }
0x55: {  	s28 =	sor.u32 $0x180, s26  }
0x56: {  	[tilespmem:s18], [sflag:$0x1] =	stream.indirect.gather [hbm4b:s4+s14], $0x80, s28, s14, $0xb8;
	[tilespmem:$0x1E000] =	vst v63  }
0x57: {  	_ =	swait.ge [sflag:s19], $0x2000  }
0x58: {  	[sflag:s19] =	ssyncset.done $0x0  }
0x59: {  	[sflag:s19] =	ssyncadd.s32 $0xFFFFE000  }
0x5a: {  	_ =	swait.ge [sflag:s19], $0x2000  }
0x5b: {  	[sflag:s19] =	ssyncset.done $0x0  }
0x5c: {  	[sflag:s19] =	ssyncadd.s32 $0xFFFFE000  }
0x5d: {  	_ =	swait.ge [sflag:s19], $0x2000  }
0x5e: {  	[sflag:s19] =	ssyncset.done $0x0  }
0x5f: {  	[sflag:s19] =	ssyncadd.s32 $0xFFFFE000  }
0x60: {  	_ =	swait.ge [sflag:s19], $0x2000  }
0x61: {  	[sflag:s19] =	ssyncset.done $0x0  }
0x62: {  	s28 =	sor.u32 $0x1000, s26;
	[sflag:s19] =	ssyncadd.s32 $0xFFFFE000  }
0x63: {  	[spmem:s1] =	stream.indirect.scatter.add.f32 [tilespmem:s15], [sflag:$0x2], $0x80, s28, s14, $0xb8;
	[tilespmem:$0x1E000] =	vst v63  }
0x64: {  	s28 =	sor.u32 $0x1080, s26  }
0x65: {  	[spmem:s1] =	stream.indirect.scatter.add.f32 [tilespmem:s16], [sflag:$0x2], $0x80, s28, s14, $0xb8;
	[tilespmem:$0x1E000] =	vst v63  }
0x66: {  	s28 =	sor.u32 $0x1100, s26  }
0x67: {  	[spmem:s1] =	stream.indirect.scatter.add.f32 [tilespmem:s17], [sflag:$0x2], $0x80, s28, s14, $0xb8;
	[tilespmem:$0x1E000] =	vst v63  }
0x68: {  	s26 =	sor.u32 $0x1180, s26  }
0x69: {  	[spmem:s1] =	stream.indirect.scatter.add.f32 [tilespmem:s18], [sflag:$0x2], $0x80, s26, s14, $0xb8;
	[tilespmem:$0x1E000] =	vst v63  }
0x6a: {  	_ =	swait.ge [sflag:s20], $0x2000  }
0x6b: {  	[sflag:s20] =	ssyncset.done $0x0  }
0x6c: {  	[sflag:s20] =	ssyncadd.s32 $0xFFFFE000  }
0x6d: {  	_ =	swait.ge [sflag:s20], $0x2000  }
0x6e: {  	[sflag:s20] =	ssyncset.done $0x0  }
0x6f: {  	[sflag:s20] =	ssyncadd.s32 $0xFFFFE000  }
.Ltmp2:
0x70: {  	_ =	swait.ge [sflag:s20], $0x2000;
	(pc) =	sbr.rel @p1 .LBB2_4-.Ltmp2, $4  }
0x71: {  	[sflag:s20] =	ssyncset.done $0x0  }
0x72: {  	[sflag:s20] =	ssyncadd.s32 $0xFFFFE000  }
0x73: {  	s23 =	sadd.s32 $0x40, s23;
	s26 =	sand.u32 $0x7, s25;
	_ =	swait.ge [sflag:s20], $0x2000  }
0x74: {  	s22 =	sadd.s32 $0x40, s22;
	p2 =	sne.s32 s26, $0x0;
	[sflag:s20] =	ssyncset.done $0x0  }
.LBB2_5:
0x75: {  	s24 =	simm.s32 @!p2 $0x0;
	s25 =	simm.s32 @!p2 $0x3;
	[sflag:s20] =	ssyncadd.s32 @p0 $0xFFFFE000  }
0x76: {  	[tilespmem:s24], [sflag:$0x3] =	stream.linear.gather @!p2 [hbm4b:s23+s24], $0x1000, $0x38;
	[tilespmem:$0x1E000] =	vst v63  }
0x77: {  	_ =	swait.ge @!p2 [sflag:s25], $0x1000  }
0x78: {  	[sflag:s25] =	ssyncset.done @!p2 $0x0  }
0x79: {  	s23 =	simm.s32 @!p2 $0x1000;
	[sflag:s25] =	ssyncadd.s32 @!p2 $0xFFFFF000  }
0x7a: {  	[tilespmem:s23], [sflag:$0x3] =	stream.linear.gather @!p2 [hbm4b:s22+s24], $0x1000, $0x38;
	[tilespmem:$0x1E000] =	vst v63  }
0x7b: {  	_ =	swait.ge @!p2 [sflag:s25], $0x1000  }
0x7c: {  	[sflag:s25] =	ssyncset.done @!p2 $0x0  }
0x7d: {  	s24 =	sshll.u32 s26, $0x9;
	[sflag:s25] =	ssyncadd.s32 @!p2 $0xFFFFF000  }
0x7e: {  	[tilespmem:s15], [sflag:$0x1] =	stream.indirect.gather [hbm4b:s4+s14], $0x80, s24, s14, $0xb8;
	[tilespmem:$0x1E000] =	vst v63  }
0x7f: {  	s25 =	sor.u32 $0x80, s24  }
0x80: {  	[tilespmem:s16], [sflag:$0x1] =	stream.indirect.gather [hbm4b:s4+s14], $0x80, s25, s14, $0xb8;
	[tilespmem:$0x1E000] =	vst v63  }
0x81: {  	s26 =	sor.u32 $0x100, s24  }
0x82: {  	[tilespmem:s17], [sflag:$0x1] =	stream.indirect.gather [hbm4b:s4+s14], $0x80, s26, s14, $0xb8;
	[tilespmem:$0x1E000] =	vst v63  }
0x83: {  	s28 =	sor.u32 $0x180, s24  }
0x84: {  	[tilespmem:s18], [sflag:$0x1] =	stream.indirect.gather [hbm4b:s4+s14], $0x80, s28, s14, $0xb8;
	[tilespmem:$0x1E000] =	vst v63  }
0x85: {  	_ =	swait.ge [sflag:s19], $0x2000  }
0x86: {  	[sflag:s19] =	ssyncset.done $0x0  }
0x87: {  	[sflag:s19] =	ssyncadd.s32 $0xFFFFE000  }
0x88: {  	_ =	swait.ge [sflag:s19], $0x2000  }
0x89: {  	[sflag:s19] =	ssyncset.done $0x0  }
0x8a: {  	[sflag:s19] =	ssyncadd.s32 $0xFFFFE000  }
0x8b: {  	_ =	swait.ge [sflag:s19], $0x2000  }
0x8c: {  	[sflag:s19] =	ssyncset.done $0x0  }
0x8d: {  	[sflag:s19] =	ssyncadd.s32 $0xFFFFE000  }
0x8e: {  	_ =	swait.ge [sflag:s19], $0x2000  }
0x8f: {  	[sflag:s19] =	ssyncset.done $0x0  }
0x90: {  	s29 =	sor.u32 $0x1000, s24;
	[sflag:s19] =	ssyncadd.s32 $0xFFFFE000  }
0x91: {  	[spmem:s1] =	stream.indirect.scatter.add.f32 [tilespmem:s15], [sflag:$0x2], $0x80, s29, s14, $0xb8;
	[tilespmem:$0x1E000] =	vst v63  }
0x92: {  	s30 =	sor.u32 $0x1080, s24  }
0x93: {  	[spmem:s1] =	stream.indirect.scatter.add.f32 [tilespmem:s16], [sflag:$0x2], $0x80, s30, s14, $0xb8;
	[tilespmem:$0x1E000] =	vst v63  }
0x94: {  	s31 =	sor.u32 $0x1100, s24  }
0x95: {  	[spmem:s1] =	stream.indirect.scatter.add.f32 [tilespmem:s17], [sflag:$0x2], $0x80, s31, s14, $0xb8;
	[tilespmem:$0x1E000] =	vst v63  }
0x96: {  	s22 =	sor.u32 $0x1180, s24  }
0x97: {  	[spmem:s1] =	stream.indirect.scatter.add.f32 [tilespmem:s18], [sflag:$0x2], $0x80, s22, s14, $0xb8;
	[tilespmem:$0x1E000] =	vst v63  }
0x98: {  	_ =	swait.ge [sflag:s20], $0x2000  }
0x99: {  	[sflag:s20] =	ssyncset.done $0x0  }
0x9a: {  	[sflag:s20] =	ssyncadd.s32 $0xFFFFE000  }
0x9b: {  	_ =	swait.ge [sflag:s20], $0x2000  }
0x9c: {  	[sflag:s20] =	ssyncset.done $0x0  }
0x9d: {  	[sflag:s20] =	ssyncadd.s32 $0xFFFFE000  }
0x9e: {  	_ =	swait.ge [sflag:s20], $0x2000  }
0x9f: {  	[sflag:s20] =	ssyncset.done $0x0  }
0xa0: {  	[sflag:s20] =	ssyncadd.s32 $0xFFFFE000  }
0xa1: {  	_ =	swait.ge [sflag:s20], $0x2000  }
0xa2: {  	[sflag:s20] =	ssyncset.done $0x0  }
0xa3: {  	s21 =	sadd.s32 $0x1, s21;
	[sflag:s20] =	ssyncadd.s32 $0xFFFFE000  }
0xa4: {  	p0 =	sne.s32 s21, s9;
	[bflag:$0x0] =	sbarrier.arrive $0xFFFF  }
0xa5: {  	[hbm:s8], [sflag:s7] =	dma.local [spmem:s12], $0x2800  }
.Ltmp3:
0xa6: {  	_ = 	snop;
	(pc) =	sbr.rel @p0 .LBB2_1-.Ltmp3, $4  }
.Ltmp4:
0xa7: {  	_ = 	snop;
	(pc) =	sbr.rel @!p0 .LBB2_6-.Ltmp4, $4  }
0xa8: {  	_ =	swait.ge [sflag:s13], $0x2800  }
0xa9: {  	[sflag:s13] =	ssyncset.done $0x0  }
0xaa: {  	[sflag:s13] =	ssyncadd.s32 $0xFFFFD800  }
0xab: {  	_ = 	snop  }
.LBB2_2:
.Ltmp5:
0xac: {  	(pc) =	sbr.rel .LBB2_5-.Ltmp5, $2  }
0xad: {  	_ =	sdelay $0x2  }
0xae: {  	s23 =	smov.u32 s11;
	s22 =	smov.u32 s10  }
.LBB2_6:
0xaf: {  	_ =	sfence.sel $0x180000  }
0xb0: {  	[bflag:$0x0] =	sbarrier.arrive $0xFFFF  }
0xb1: {  	p0 =	sne.s32 s2, $0x0;
	_ =	strace $0x90000050  }
0xb2: {  	s0 =	sadd.s32 @!p0 $0x100000, s0;
	[bflag:$0x2] =	sbarrier.arrive $0xFFFF  }
0xb3: {  	[sflag:s0] =	ssyncadd.tile.s32 @!p0 $0x1;
	_ =	shalt  }
.Lfunc_end2:
_tile_overlayer_lowered:
.L_overlay_start_2:
0xb4: {  	(tag) =	ssettag $0x2  }
0xb5: {  	s0 =	rddreg [dreg:$0x0];
	s2 =	stileid.u32  }
0xb6: {  	s1 =	rddreg [dreg:$0x1];
	p0 =	sne.s32 s2, $0x0  }
0xb7: {  	s3 =	rddreg [dreg:$0x2];
	[bflag:$0x3] =	sbarrier.arrive $0xFFFF;
	s2 =	simm.s32 @!p0 $0x1C03  }
0xb8: {  	[timem:s3], [sflag:s2] =	dma.local @!p0 [hbm:s0], s1  }
0xb9: {  	s0 =	simm.s32 @!p0 $0x3  }
0xba: {  	_ =	swait.ge @!p0 [sflag:s0], s1  }
0xbb: {  	s1 =	ssub.s32 @!p0 $0x0, s1;
	[sflag:s0] =	ssyncset.done @!p0 $0x0  }
0xbc: {  	[sflag:s0] =	ssyncadd.s32 @!p0 s1  }
0xbd: {  	[bflag:$0x3] =	sbarrier.arrive $0xFFFF  }
0xbe: {  	_ =	shalt  }

// kernel: kernel.24.cloned.1.call-start
scs
__scs_entry_jumppad:
0x0: {  	(pc) =	sbr.rel $0x88, $3  }
0x1: {  	(tag) =	ssettag $0x0;
	lr =	simm.s32 $0x1  }
0x2: {  	[smem:$0x3F8E] =	sst lr;
	_ =	strace $0xD0000000  }
0x3: {  	_ = 	snop  }
0x4: {  	_ = 	snop  }
0x5: {  	_ = 	snop  }
0x6: {  	_ = 	snop  }
0x7: {  	_ = 	snop  }
__scs_overlays_trampoline_lowered:
0x8: {  	[smem:$0x3F9D] =	sst s0  }
0x9: {  	[smem:$0x3F9E] =	sst s1  }
0xa: {  	[smem:$0x3F9F] =	sst s2  }
0xb: {  	[smem:$0x3FA0] =	sst s3  }
0xc: {  	[smem:$0x3FA1] =	sst s4  }
0xd: {  	[smem:$0x3FA2] =	sst s5  }
0xe: {  	[smem:$0x3FA3] =	sst s6  }
0xf: {  	[smem:$0x3FA4] =	sst s7  }
0x10: {  	[smem:$0x3FA5] =	sst s8  }
0x11: {  	[smem:$0x3FA6] =	sst s9;
	s0 =	simm.s32 @!p0 $0x0  }
0x12: {  	s1 =	sld [smem:$0x3F8C];
	s0 =	simm.s32 @p0 $0x1  }
0x13: {  	[smem:$0x3FA7] =	sst s0;
	s0 =	simm.s32 @!p1 $0x0  }
0x14: {  	s2 =	sld [smem:$0x3F8B];
	s0 =	simm.s32 @p1 $0x1  }
0x15: {  	[smem:$0x3FA8] =	sst s0;
	s0 =	simm.s32 @!p2 $0x0  }
0x16: {  	s3 =	sld [smem:$0x3FDB];
	s0 =	simm.s32 @p2 $0x1  }
0x17: {  	s4 =	simm.s32 $0x1BF5;
	[smem:$0x3FAA] =	sst s0  }
0x18: {  	s0 =	sld [smem:$0x3F8D];
	_ =	swait.ge [sflag:s4], $0x0  }
0x19: {  	s7 =	sld [smem:$0x3F8E]  }
0x1a: {  	s8 =	sadd.s32 $0xFFFFE003, lr  }
0x1b: {  	s9 =	sadd.s32 $0xFFFFFEF7, lr;
	s5 =	simm.s32 $0xFFFFFFFF;
	p2 =	slt.u32 s8, $0xFFFFF086  }
0x1c: {  	p1 =	slt.u32 s9, $0xF7A;
	s5 =	simm.s32 @!p2 $0x0  }
0x1d: {  	s5 =	simm.s32 @p1 $0x1;
	p0 =	seq.s32 s7, s2  }
0x1e: {  	s7 =	smul.u32 @!p0 $0xF7A, s2;
	p2 =	seq.s32 @!p0 s5, $0x0  }
0x1f: {  	s9 =	smul.u32 $0xF7A, s1;
	s8 =	simm.s32 @!p0 $0x1BF5;
	p2 =	por !p2, p0  }
0x20: {  	[sflag:s8] =	ssyncset.s32 @!p0 $0xFFFFF086;
	s6 =	sadd.s32 @!p0 s3, s7;
	s7 =	simm.s32 @!p0 $0x108  }
0x21: {  	s3 =	sadd.s32 s3, s9;
	s6 =	sadd.s32 @!p0 $0x88, s6;
	s7 =	simm.s32 @p2 $0x1082  }
0x22: {  	[simem:s7], [sflag:s8] =	dma.local @!p0 [hbm:s6], $0xF7A  }
0x23: {  	s9 =	sor.u32 $0xD0000000, s2;
	s6 =	simm.s32 $0x108;
	_ =	swait.ge @!p0 [sflag:s8], $0x0  }
0x24: {  	s3 =	sadd.s32 $0x88, s3;
	s6 =	simm.s32 @!p1 $0x1082;
	[sflag:s4] =	ssyncset.s32 $0xFFFFF086  }
0x25: {  	[simem:s6], [sflag:s4] =	dma.local [hbm:s3], $0xF7A  }
0x26: {  	[smem:$0x3F8E] =	sst s1;
	(tag) =	ssettag s2;
	_ =	strace s9  }
0x27: {  	s1 =	sld [smem:$0x3F9E]  }
0x28: {  	s2 =	sld [smem:$0x3F9F]  }
0x29: {  	s4 =	sld [smem:$0x3FA1]  }
0x2a: {  	p0 =	seq.s32 s5, $0x0;
	s5 =	sld [smem:$0x3FA2]  }
0x2b: {  	s6 =	sld [smem:$0x3FA3]  }
0x2c: {  	s7 =	sld [smem:$0x3FA4]  }
0x2d: {  	s3 =	simm.s32 $0x108;
	s8 =	sld [smem:$0x3FA5]  }
0x2e: {  	s3 =	simm.s32 @!p0 $0x1082;
	s9 =	sld [smem:$0x3FA6]  }
0x2f: {  	lr =	sadd.s32 s0, s3;
	s0 =	sld [smem:$0x3F9D]  }
0x30: {  	s3 =	sld [smem:$0x3FA0]  }
0x31: {  	[smem:$0x3FA9] =	sst s10  }
0x32: {  	s10 =	sld [smem:$0x3FA7];
	_ =	sdelay $0x3  }
0x33: {  	p0 =	seq.s32 s10, $0x1;
	s10 =	sld [smem:$0x3FA9];
	_ =	sdelay $0x3  }
0x34: {  	[smem:$0x3FA9] =	sst s10  }
0x35: {  	s10 =	sld [smem:$0x3FA8];
	_ =	sdelay $0x3  }
0x36: {  	p1 =	seq.s32 s10, $0x1;
	s10 =	sld [smem:$0x3FA9];
	_ =	sdelay $0x3  }
0x37: {  	[smem:$0x3FA9] =	sst s10  }
0x38: {  	s10 =	sld [smem:$0x3FAA]  }
0x39: {  	_ = 	snop;
	(pc) =	sbr.ind lr, $3  }
0x3a: {  	_ = 	snop  }
0x3b: {  	_ = 	snop  }
0x3c: {  	p2 =	seq.s32 s10, $0x1;
	s10 =	sld [smem:$0x3FA9]  }
0x3d: {  	_ =	shalt  }
0x3e: {  	_ =	shalt  }
0x3f: {  	_ =	shalt  }
0x40: {  	_ =	shalt  }
0x41: {  	_ =	shalt  }
0x42: {  	_ =	shalt  }
0x43: {  	_ =	shalt  }
0x44: {  	_ =	shalt  }
0x45: {  	_ =	shalt  }
0x46: {  	_ =	shalt  }
0x47: {  	_ =	shalt  }
0x48: {  	_ =	shalt  }
0x49: {  	_ =	shalt  }
0x4a: {  	_ =	shalt  }
0x4b: {  	_ =	shalt  }
0x4c: {  	_ =	shalt  }
0x4d: {  	_ =	shalt  }
0x4e: {  	_ =	shalt  }
0x4f: {  	_ =	shalt  }
0x50: {  	_ =	shalt  }
0x51: {  	_ =	shalt  }
0x52: {  	_ =	shalt  }
0x53: {  	_ =	shalt  }
0x54: {  	_ =	shalt  }
0x55: {  	_ =	shalt  }
0x56: {  	_ =	shalt  }
0x57: {  	_ =	shalt  }
0x58: {  	_ =	shalt  }
0x59: {  	_ =	shalt  }
0x5a: {  	_ =	shalt  }
0x5b: {  	_ =	shalt  }
0x5c: {  	_ =	shalt  }
0x5d: {  	_ =	shalt  }
0x5e: {  	_ =	shalt  }
0x5f: {  	_ =	shalt  }
0x60: {  	_ =	shalt  }
0x61: {  	_ =	shalt  }
0x62: {  	_ =	shalt  }
0x63: {  	_ =	shalt  }
0x64: {  	_ =	shalt  }
0x65: {  	_ =	shalt  }
0x66: {  	_ =	shalt  }
0x67: {  	_ =	shalt  }
0x68: {  	_ =	shalt  }
0x69: {  	_ =	shalt  }
0x6a: {  	_ =	shalt  }
0x6b: {  	_ =	shalt  }
0x6c: {  	_ =	shalt  }
0x6d: {  	_ =	shalt  }
0x6e: {  	_ =	shalt  }
0x6f: {  	_ =	shalt  }
0x70: {  	_ =	shalt  }
0x71: {  	_ =	shalt  }
0x72: {  	_ =	shalt  }
0x73: {  	_ =	shalt  }
0x74: {  	_ =	shalt  }
0x75: {  	_ =	shalt  }
0x76: {  	_ =	shalt  }
0x77: {  	_ =	shalt  }
0x78: {  	_ =	shalt  }
0x79: {  	_ =	shalt  }
0x7a: {  	_ =	shalt  }
0x7b: {  	_ =	shalt  }
0x7c: {  	_ =	shalt  }
0x7d: {  	_ =	shalt  }
0x7e: {  	_ =	shalt  }
0x7f: {  	_ =	shalt  }
0x80: {  	_ =	shalt  }
0x81: {  	_ =	shalt  }
0x82: {  	_ =	shalt  }
0x83: {  	_ =	shalt  }
0x84: {  	_ =	shalt  }
0x85: {  	_ =	shalt  }
0x86: {  	_ =	shalt  }
0x87: {  	_ =	shalt  }
.Lfunc_end0:
.L_simem_size_0:
called_computation.4_lowered:
.L_overlay_start_0:
0x88: {  	s2 =	sld [smem:$0x3FD9]  }
0x89: {  	s3 =	sld [smem:$0x3FFE];
	_ =	sdelay $0x1  }
0x8a: {  	s1 =	srdreg.scid  }
0x8b: {  	s0 =	sand.u32 $0x1, s1  }
0x8c: {  	s15 =	sshll.u32 s0, $0xA;
	s2 =	sadd.s32 s3, s2  }
0x8d: {  	s2 =	sadd.s32 s2, s15  }
0x8e: {  	[smem:$0x3FB5] =	sst s2  }
0x8f: {  	_ = 	snop  }
0x90: {  	s2 =	sld [smem:$0x3FD0];
	_ =	sdelay $0x2  }
0x91: {  	s16 =	simm.s32 $0xB;
	s4 =	simm.s32 $0x10  }
0x92: {  	[smem:s4], [sflag:s16] =	dma.local [hbm:s2], $0x1  }
0x93: {  	_ =	swait.eq [sflag:s16], $0x1  }
0x94: {  	[sflag:s16] =	ssyncset.done $0x0  }
0x95: {  	[sflag:s16] =	ssyncadd.s32 $0xFFFFFFFF  }
0x96: {  	s17 =	sld [smem:$0x12];
	(tm) =	ssettm $0x1  }
0x97: {  	s18 =	sld [smem:$0x3FFB];
	_ =	sdelay $0x3  }
0x98: {  	_ =	strace s18  }
0x99: {  	s2 =	sld [smem:$0x3FFC];
	_ =	sdelay $0x3  }
0x9a: {  	_ =	strace s2  }
0x9b: {  	s2 =	sld [smem:$0x3FFD];
	_ =	sdelay $0x3  }
0x9c: {  	_ =	strace s2  }
0x9d: {  	_ =	strace $0x8FFFFFFF  }
0x9e: {  	s19 =	sld [smem:$0x3FDB];
	_ =	sdelay $0x1  }
0x9f: {  	s20 =	simm.s32 $_scs_section_size  }
0xa0: {  	s5 =	simm.s32 $_size__tile_overlayer_lowered;
	s6 =	simm.s32 $_tile_overlayer_lowered  }
0xa1: {  	s7 =	simm.s32 $0x1BFF;
	s21 =	sshll.u32 s6, $0x1;
	s4 =	sadd.s32 s20, s19  }
0xa2: {  	s22 =	simm.s32 $0x0;
	s5 =	sshll.u32 s5, $0x1;
	s6 =	sadd.s32 s21, s4  }
0xa3: {  	[timem:s22], [sflag:s7] =	dma.local [hbm:s6], s5  }
0xa4: {  	_ =	swait.ge [sflag:s7], s5  }
0xa5: {  	s5 =	ssub.s32 $0x0, s5;
	[sflag:s7] =	ssyncset.done $0x0  }
0xa6: {  	[sflag:s7] =	ssyncadd.s32 s5;
	_ =	sdelay $0x1  }
0xa7: {  	s23 =	simm.s32 $0x1B8B  }
0xa8: {  	_ =	swait.ge [sflag:s23], $0x1  }
0xa9: {  	[sflag:s23] =	ssyncset.done $0x0  }
0xaa: {  	[sflag:s23] =	ssyncadd.s32 $0xFFFFFFFF  }
0xab: {  	s5 =	sld [smem:$0x0]  }
0xac: {  	s6 =	sand.u32 $0xFFFFFFFE, s1  }
0xad: {  	p0 =	sne.s32 s1, s6  }
0xae: {  	s6 =	sshll.u32 @p0 s6, $0xE  }
0xaf: {  	s6 =	sadd.s32 @p0 $0x11B8D, s6;
	s7 =	sshll.u32 @p0 s5, $0x11  }
0xb0: {  	s6 =	sor.u32 @p0 s7, s6  }
0xb1: {  	[sflag:s6] =	ssyncadd.remote.s32 @p0 $0x1;
	_ =	sdelay $0x1  }
0xb2: {  	s6 =	simm.s32 @p0 $0x1B8D  }
0xb3: {  	_ =	swait.eq @p0 [sflag:s6], $0x1  }
0xb4: {  	[sflag:s6] =	ssyncadd.s32 @p0 $0xFFFFFFFF  }
0xb5: {  	s7 =	sshll.u32 @!p0 s1, $0xE  }
0xb6: {  	s7 =	sor.u32 @!p0 $0x4000, s7;
	s6 =	simm.s32 @!p0 $0x1B8D  }
0xb7: {  	s5 =	sshll.u32 @!p0 s5, $0x11;
	s7 =	sadd.s32 @!p0 $0x11B8D, s7;
	_ =	swait.eq @!p0 [sflag:s6], $0x1  }
0xb8: {  	s5 =	sor.u32 @!p0 s5, s7;
	[sflag:s6] =	ssyncadd.s32 @!p0 $0xFFFFFFFF  }
0xb9: {  	s25 =	simm.s32 $0x1B8E;
	s24 =	sld [smem:$0x3FFE];
	[sflag:s5] =	ssyncadd.remote.s32 @!p0 $0x1  }
0xba: {  	s26 =	simm.s32 $execute0_lowered;
	[smem:$0x3FD2] =	sst s25  }
0xbb: {  	s6 =	sshll.u32 s26, $0x1;
	_ =	strace $0x80000052;
	[dreg:$0x1] =	wrdreg $0xFFFFFFFF  }
0xbc: {  	s28 =	simm.s32 $_size_execute0_lowered;
	s4 =	sadd.s32 s4, s6;
	[dreg:$0x0] =	wrdreg $0x0  }
0xbd: {  	s6 =	sshll.u32 s28, $0x1;
	[dreg:$0x2] =	wrdreg s4  }
0xbe: {  	[dreg:$0x3] =	wrdreg s6  }
0xbf: {  	[dreg:$0x4] =	wrdreg $0xC0  }
0xc0: {  	_ =	task [dreg:s22], $0x5FFFF  }
0xc1: {  	[dreg:$0x1] =	wrdreg $0xFFFFFFFF  }
0xc2: {  	[dreg:$0x0] =	wrdreg $0x60  }
0xc3: {  	[dreg:$0x2] =	wrdreg s24  }
0xc4: {  	[dreg:$0x3] =	wrdreg s17  }
0xc5: {  	[dreg:$0x4] =	wrdreg $0xA0000  }
0xc6: {  	[dreg:$0x5] =	wrdreg $0x9  }
0xc7: {  	_ =	task.clear_ibuf [dreg:s22], $0x6FFFF;
	_ =	strace $0x90000052  }
0xc8: {  	s29 =	simm.s32 $0x9;
	_ =	strace $0x80000054  }
0xc9: {  	_ =	swait.ge [sflag:s29], $0x1  }
0xca: {  	[sflag:s29] =	ssyncadd.s32 $0xFFFFFFFF  }
0xcb: {  	_ =	strace $0x90000054  }
0xcc: {  	_ =	sfence  }
0xcd: {  	s30 =	sld [smem:$0x0];
	_ =	sdelay $0x2  }
0xce: {  	s31 =	sshll.u32 s1, $0xD;
	s1 =	sshrl.u32 s1, $0x2  }
0xcf: {  	s4 =	sand.u32 $0x4000, s31;
	s1 =	sadd.s32 s1, s30  }
0xd0: {  	s0 =	sor.u32 s4, s0;
	s1 =	sshll.u32 s1, $0x11  }
0xd1: {  	s0 =	sor.u32 s1, s0  }
0xd2: {  	s0 =	sadd.s32 $0x8F2B, s0  }
0xd3: {  	[sflag:s0] =	ssyncadd.remote.s32 $0x1  }
0xd4: {  	_ =	sfence.sel $0xFFFF  }
0xd5: {  	[dreg:$0x0] =	wrdreg $0xFFFFFFFF;
	(pc) =	sbr.abs _section_cstart, $3  }
0xd6: {  	[dreg:$0x1] =	wrdreg $0xFFFFFFFF  }
0xd7: {  	_ =	task.clear_ibuf [dreg:s22], $0x2FFFF;
	_ =	strace $0x9FFFFFFF  }
0xd8: {  	(tm) =	ssettm $0x7FFFFFFF  }
0xd9: {  	_ =	shalt  }
tec
execute0_lowered:
.L_overlay_start_1:
0x0: {  	(tag) =	ssettag $0x1  }
0x1: {  	s6 =	rddreg [dreg:$0x0]  }
0x2: {  	s11 =	rddreg [dreg:$0x1]  }
0x3: {  	s1 =	rddreg [dreg:$0x2]  }
0x4: {  	s0 =	rddreg [dreg:$0x3];
	s3 =	simm.s32 $0x0;
	s4 =	srdreg.scid  }
0x5: {  	s2 =	stileid.u32;
	s16 =	simm.s32 $0x4000;
	s17 =	simm.s32 $0x6000  }
0x6: {  	s18 =	simm.s32 $0x8000;
	s19 =	simm.s32 $0x1;
	s20 =	simm.s32 $0x2  }
0x7: {  	s21 =	simm.s32 $0x0;
	s5 =	sand.u32 $0x1, s4;
	s4 =	smul.u32 $0x130, s2  }
0x8: {  	[smem:$0x7FF] =	sst s3;
	s7 =	sshll.u32 s2, $0x4;
	s9 =	smul.u32 $0x14000, s2  }
0x9: {  	s28 =	smul.u32 $0x50000, s2;
	s31 =	sshll.u32 s2, $0x6;
	p0 =	seq.s32 s5, $0x0  }
0xa: {  	s7 =	sor.u32 $0x1300, s7;
	s8 =	smul.u32 $0x140000, s5;
	_ =	strace $0x80000053  }
0xb: {  	s26 =	ssub.s32 $0x2, s5;
	s5 =	sadd.s32 $0x2E600, s6;
	s7 =	smov.u32 @p0 s4  }
0xc: {  	s4 =	sadd.s32 $0x30E00, s6;
	s29 =	sshrl.u32 s26, $0x1;
	s30 =	sshrl.u32 s28, $0x2  }
0xd: {  	s12 =	sshll.u32 s7, $0x4;
	s25 =	sadd.s32 s9, s8;
	s14 =	ssub.s32 s26, s29  }
0xe: {  	s15 =	sadd.s32 s30, s1;
	s10 =	sadd.s32 s12, s6;
	s7 =	sshrl.u32 s25, $0x3  }
0xf: {  	s9 =	smax.u32 s14, $0x1;
	s11 =	sadd.s32 s12, s11;
	s12 =	sshrl.u32 s15, $0x3  }
0x10: {  	s14 =	simm.s32 $0x40;
	s15 =	simm.s32 $0x2000;
	s13 =	sadd.s32 s7, s6  }
0x11: {  	s6 =	simm.s32 $0x4C;
	s7 =	sor.u32 $0x1C03, s31;
	s10 =	sadd.s32 $0xBD000, s10  }
0x12: {  	s6 =	simm.s32 @!p0 $0x4;
	s8 =	sadd.s32 $0x149200, s13;
	s13 =	simm.s32 $0x3  }
.LBB2_1:
0x13: {  	[spmem:s12], [sflag:s7] =	dma.local [hbm:s5], $0x2800  }
0x14: {  	p1 =	sne.s32 s6, $0x1  }
.Ltmp0:
0x15: {  	_ =	swait.ge [sflag:s13], $0x2800;
	(pc) =	sbr.rel @!p1 .LBB2_2-.Ltmp0, $4  }
0x16: {  	[sflag:s13] =	ssyncset.done $0x0  }
0x17: {  	[sflag:s13] =	ssyncadd.s32 $0xFFFFD800  }
0x18: {  	s26 =	sand.u32 $0x7, s3;
	[bflag:$0x0] =	sbarrier.arrive $0xFFFF  }
0x19: {  	s22 =	simm.s32 $0x1;
	p0 =	por $0x0, $0x0;
	p2 =	sne.s32 s26, $0x0  }
0x1a: {  	s23 =	simm.s32 @!p2 $0x0;
	s24 =	simm.s32 @!p2 $0x3  }
0x1b: {  	[tilespmem:s23], [sflag:$0x3] =	stream.linear.gather @!p2 [hbm4b:s11+s23], $0x1000, $0x38;
	[tilespmem:$0x1E000] =	vst v63  }
0x1c: {  	_ =	swait.ge @!p2 [sflag:s24], $0x1000  }
0x1d: {  	[sflag:s24] =	ssyncset.done @!p2 $0x0  }
0x1e: {  	s25 =	simm.s32 @!p2 $0x1000;
	[sflag:s24] =	ssyncadd.s32 @!p2 $0xFFFFF000  }
0x1f: {  	[tilespmem:s25], [sflag:$0x3] =	stream.linear.gather @!p2 [hbm4b:s10+s23], $0x1000, $0x38;
	[tilespmem:$0x1E000] =	vst v63  }
0x20: {  	_ =	swait.ge @!p2 [sflag:s24], $0x1000  }
0x21: {  	[sflag:s24] =	ssyncset.done @!p2 $0x0  }
0x22: {  	s23 =	sshll.u32 s26, $0x9;
	[sflag:s24] =	ssyncadd.s32 @!p2 $0xFFFFF000  }
0x23: {  	[tilespmem:s15], [sflag:$0x1] =	stream.indirect.gather [hbm4b:s4+s14], $0x80, s23, s14, $0xb8;
	[tilespmem:$0x1E000] =	vst v63  }
0x24: {  	s25 =	sor.u32 $0x80, s23  }
0x25: {  	[tilespmem:s16], [sflag:$0x1] =	stream.indirect.gather [hbm4b:s4+s14], $0x80, s25, s14, $0xb8;
	[tilespmem:$0x1E000] =	vst v63  }
0x26: {  	s26 =	sor.u32 $0x100, s23  }
0x27: {  	[tilespmem:s17], [sflag:$0x1] =	stream.indirect.gather [hbm4b:s4+s14], $0x80, s26, s14, $0xb8;
	[tilespmem:$0x1E000] =	vst v63  }
0x28: {  	s28 =	sor.u32 $0x180, s23  }
0x29: {  	[tilespmem:s18], [sflag:$0x1] =	stream.indirect.gather [hbm4b:s4+s14], $0x80, s28, s14, $0xb8;
	[tilespmem:$0x1E000] =	vst v63  }
0x2a: {  	_ =	swait.ge [sflag:s19], $0x2000  }
0x2b: {  	[sflag:s19] =	ssyncset.done $0x0  }
0x2c: {  	[sflag:s19] =	ssyncadd.s32 $0xFFFFE000  }
0x2d: {  	_ =	swait.ge [sflag:s19], $0x2000  }
0x2e: {  	[sflag:s19] =	ssyncset.done $0x0  }
0x2f: {  	[sflag:s19] =	ssyncadd.s32 $0xFFFFE000  }
0x30: {  	_ =	swait.ge [sflag:s19], $0x2000  }
0x31: {  	[sflag:s19] =	ssyncset.done $0x0  }
0x32: {  	[sflag:s19] =	ssyncadd.s32 $0xFFFFE000  }
0x33: {  	_ =	swait.ge [sflag:s19], $0x2000  }
0x34: {  	[sflag:s19] =	ssyncset.done $0x0  }
0x35: {  	s29 =	sor.u32 $0x1000, s23;
	[sflag:s19] =	ssyncadd.s32 $0xFFFFE000  }
0x36: {  	[spmem:s1] =	stream.indirect.scatter.add.f32 [tilespmem:s15], [sflag:$0x2], $0x80, s29, s14, $0xb8;
	[tilespmem:$0x1E000] =	vst v63  }
0x37: {  	s30 =	sor.u32 $0x1080, s23  }
0x38: {  	[spmem:s1] =	stream.indirect.scatter.add.f32 [tilespmem:s16], [sflag:$0x2], $0x80, s30, s14, $0xb8;
	[tilespmem:$0x1E000] =	vst v63  }
0x39: {  	s31 =	sor.u32 $0x1100, s23  }
0x3a: {  	[spmem:s1] =	stream.indirect.scatter.add.f32 [tilespmem:s17], [sflag:$0x2], $0x80, s31, s14, $0xb8;
	[tilespmem:$0x1E000] =	vst v63  }
0x3b: {  	s23 =	sor.u32 $0x1180, s23  }
0x3c: {  	[spmem:s1] =	stream.indirect.scatter.add.f32 [tilespmem:s18], [sflag:$0x2], $0x80, s23, s14, $0xb8;
	[tilespmem:$0x1E000] =	vst v63  }
0x3d: {  	_ =	swait.ge [sflag:s20], $0x2000  }
0x3e: {  	[sflag:s20] =	ssyncset.done $0x0  }
0x3f: {  	[sflag:s20] =	ssyncadd.s32 $0xFFFFE000  }
0x40: {  	_ =	swait.ge [sflag:s20], $0x2000  }
0x41: {  	[sflag:s20] =	ssyncset.done $0x0  }
0x42: {  	p1 =	sne.s32 s6, $0x2;
	[sflag:s20] =	ssyncadd.s32 $0xFFFFE000  }
.Ltmp1:
0x43: {  	_ =	swait.ge [sflag:s20], $0x2000;
	(pc) =	sbr.rel @!p1 .LBB2_5-.Ltmp1, $4  }
0x44: {  	[sflag:s20] =	ssyncset.done $0x0  }
0x45: {  	p0 =	por $0x1, $0x1;
	s24 =	simm.s32 $0x2;
	[sflag:s20] =	ssyncadd.s32 $0xFFFFE000  }
0x46: {  	s26 =	sand.u32 $0x7, s22;
	s22 =	sadd.s32 $0x40, s10;
	_ =	swait.ge [sflag:s20], $0x2000  }
0x47: {  	p2 =	sne.s32 s26, $0x0;
	s23 =	sadd.s32 $0x40, s11;
	[sflag:s20] =	ssyncset.done $0x0  }
.LBB2_4:
0x48: {  	s28 =	simm.s32 @!p2 $0x0;
	s29 =	simm.s32 @!p2 $0x3;
	[sflag:s20] =	ssyncadd.s32 $0xFFFFE000  }
0x49: {  	[tilespmem:s28], [sflag:$0x3] =	stream.linear.gather @!p2 [hbm4b:s23+s28], $0x1000, $0x38;
	[tilespmem:$0x1E000] =	vst v63  }
0x4a: {  	s25 =	smov.u32 s24;
	s24 =	sadd.s32 $0x1, s24;
	_ =	swait.ge @!p2 [sflag:s29], $0x1000  }
0x4b: {  	p1 =	sne.s32 s6, s24;
	[sflag:s29] =	ssyncset.done @!p2 $0x0  }
0x4c: {  	s30 =	simm.s32 @!p2 $0x1000;
	[sflag:s29] =	ssyncadd.s32 @!p2 $0xFFFFF000  }
0x4d: {  	[tilespmem:s30], [sflag:$0x3] =	stream.linear.gather @!p2 [hbm4b:s22+s28], $0x1000, $0x38;
	[tilespmem:$0x1E000] =	vst v63  }
0x4e: {  	_ =	swait.ge @!p2 [sflag:s29], $0x1000  }
0x4f: {  	[sflag:s29] =	ssyncset.done @!p2 $0x0  }
0x50: {  	s26 =	sshll.u32 s26, $0x9;
	[sflag:s29] =	ssyncadd.s32 @!p2 $0xFFFFF000  }
0x51: {  	[tilespmem:s15], [sflag:$0x1] =	stream.indirect.gather [hbm4b:s4+s14], $0x80, s26, s14, $0xb8;
	[tilespmem:$0x1E000] =	vst v63  }
0x52: {  	s28 =	sor.u32 $0x80, s26  }
0x53: {  	[tilespmem:s16], [sflag:$0x1] =	stream.indirect.gather [hbm4b:s4+s14], $0x80, s28, s14, $0xb8;
	[tilespmem:$0x1E000] =	vst v63  }
0x54: {  	s28 =	sor.u32 $0x100, s26  }
0x55: {  	[tilespmem:s17], [sflag:$0x1] =	stream.indirect.gather [hbm4b:s4+s14], $0x80, s28, s14, $0xb8;
	[tilespmem:$0x1E000] =	vst v63  }
0x56: {  	s28 =	sor.u32 $0x180, s26  }
0x57: {  	[tilespmem:s18], [sflag:$0x1] =	stream.indirect.gather [hbm4b:s4+s14], $0x80, s28, s14, $0xb8;
	[tilespmem:$0x1E000] =	vst v63  }
0x58: {  	_ =	swait.ge [sflag:s19], $0x2000  }
0x59: {  	[sflag:s19] =	ssyncset.done $0x0  }
0x5a: {  	[sflag:s19] =	ssyncadd.s32 $0xFFFFE000  }
0x5b: {  	_ =	swait.ge [sflag:s19], $0x2000  }
0x5c: {  	[sflag:s19] =	ssyncset.done $0x0  }
0x5d: {  	[sflag:s19] =	ssyncadd.s32 $0xFFFFE000  }
0x5e: {  	_ =	swait.ge [sflag:s19], $0x2000  }
0x5f: {  	[sflag:s19] =	ssyncset.done $0x0  }
0x60: {  	[sflag:s19] =	ssyncadd.s32 $0xFFFFE000  }
0x61: {  	_ =	swait.ge [sflag:s19], $0x2000  }
0x62: {  	[sflag:s19] =	ssyncset.done $0x0  }
0x63: {  	s28 =	sor.u32 $0x1000, s26;
	[sflag:s19] =	ssyncadd.s32 $0xFFFFE000  }
0x64: {  	[spmem:s1] =	stream.indirect.scatter.add.f32 [tilespmem:s15], [sflag:$0x2], $0x80, s28, s14, $0xb8;
	[tilespmem:$0x1E000] =	vst v63  }
0x65: {  	s28 =	sor.u32 $0x1080, s26  }
0x66: {  	[spmem:s1] =	stream.indirect.scatter.add.f32 [tilespmem:s16], [sflag:$0x2], $0x80, s28, s14, $0xb8;
	[tilespmem:$0x1E000] =	vst v63  }
0x67: {  	s28 =	sor.u32 $0x1100, s26  }
0x68: {  	[spmem:s1] =	stream.indirect.scatter.add.f32 [tilespmem:s17], [sflag:$0x2], $0x80, s28, s14, $0xb8;
	[tilespmem:$0x1E000] =	vst v63  }
0x69: {  	s26 =	sor.u32 $0x1180, s26  }
0x6a: {  	[spmem:s1] =	stream.indirect.scatter.add.f32 [tilespmem:s18], [sflag:$0x2], $0x80, s26, s14, $0xb8;
	[tilespmem:$0x1E000] =	vst v63  }
0x6b: {  	_ =	swait.ge [sflag:s20], $0x2000  }
0x6c: {  	[sflag:s20] =	ssyncset.done $0x0  }
0x6d: {  	[sflag:s20] =	ssyncadd.s32 $0xFFFFE000  }
0x6e: {  	_ =	swait.ge [sflag:s20], $0x2000  }
0x6f: {  	[sflag:s20] =	ssyncset.done $0x0  }
0x70: {  	[sflag:s20] =	ssyncadd.s32 $0xFFFFE000  }
.Ltmp2:
0x71: {  	_ =	swait.ge [sflag:s20], $0x2000;
	(pc) =	sbr.rel @p1 .LBB2_4-.Ltmp2, $4  }
0x72: {  	[sflag:s20] =	ssyncset.done $0x0  }
0x73: {  	[sflag:s20] =	ssyncadd.s32 $0xFFFFE000  }
0x74: {  	s23 =	sadd.s32 $0x40, s23;
	s26 =	sand.u32 $0x7, s25;
	_ =	swait.ge [sflag:s20], $0x2000  }
0x75: {  	s22 =	sadd.s32 $0x40, s22;
	p2 =	sne.s32 s26, $0x0;
	[sflag:s20] =	ssyncset.done $0x0  }
.LBB2_5:
0x76: {  	s24 =	simm.s32 @!p2 $0x0;
	s25 =	simm.s32 @!p2 $0x3;
	[sflag:s20] =	ssyncadd.s32 @p0 $0xFFFFE000  }
0x77: {  	[tilespmem:s24], [sflag:$0x3] =	stream.linear.gather @!p2 [hbm4b:s23+s24], $0x1000, $0x38;
	[tilespmem:$0x1E000] =	vst v63  }
0x78: {  	_ =	swait.ge @!p2 [sflag:s25], $0x1000  }
0x79: {  	[sflag:s25] =	ssyncset.done @!p2 $0x0  }
0x7a: {  	s23 =	simm.s32 @!p2 $0x1000;
	[sflag:s25] =	ssyncadd.s32 @!p2 $0xFFFFF000  }
0x7b: {  	[tilespmem:s23], [sflag:$0x3] =	stream.linear.gather @!p2 [hbm4b:s22+s24], $0x1000, $0x38;
	[tilespmem:$0x1E000] =	vst v63  }
0x7c: {  	_ =	swait.ge @!p2 [sflag:s25], $0x1000  }
0x7d: {  	[sflag:s25] =	ssyncset.done @!p2 $0x0  }
0x7e: {  	s24 =	sshll.u32 s26, $0x9;
	[sflag:s25] =	ssyncadd.s32 @!p2 $0xFFFFF000  }
0x7f: {  	[tilespmem:s15], [sflag:$0x1] =	stream.indirect.gather [hbm4b:s4+s14], $0x80, s24, s14, $0xb8;
	[tilespmem:$0x1E000] =	vst v63  }
0x80: {  	s25 =	sor.u32 $0x80, s24  }
0x81: {  	[tilespmem:s16], [sflag:$0x1] =	stream.indirect.gather [hbm4b:s4+s14], $0x80, s25, s14, $0xb8;
	[tilespmem:$0x1E000] =	vst v63  }
0x82: {  	s26 =	sor.u32 $0x100, s24  }
0x83: {  	[tilespmem:s17], [sflag:$0x1] =	stream.indirect.gather [hbm4b:s4+s14], $0x80, s26, s14, $0xb8;
	[tilespmem:$0x1E000] =	vst v63  }
0x84: {  	s28 =	sor.u32 $0x180, s24  }
0x85: {  	[tilespmem:s18], [sflag:$0x1] =	stream.indirect.gather [hbm4b:s4+s14], $0x80, s28, s14, $0xb8;
	[tilespmem:$0x1E000] =	vst v63  }
0x86: {  	_ =	swait.ge [sflag:s19], $0x2000  }
0x87: {  	[sflag:s19] =	ssyncset.done $0x0  }
0x88: {  	[sflag:s19] =	ssyncadd.s32 $0xFFFFE000  }
0x89: {  	_ =	swait.ge [sflag:s19], $0x2000  }
0x8a: {  	[sflag:s19] =	ssyncset.done $0x0  }
0x8b: {  	[sflag:s19] =	ssyncadd.s32 $0xFFFFE000  }
0x8c: {  	_ =	swait.ge [sflag:s19], $0x2000  }
0x8d: {  	[sflag:s19] =	ssyncset.done $0x0  }
0x8e: {  	[sflag:s19] =	ssyncadd.s32 $0xFFFFE000  }
0x8f: {  	_ =	swait.ge [sflag:s19], $0x2000  }
0x90: {  	[sflag:s19] =	ssyncset.done $0x0  }
0x91: {  	s29 =	sor.u32 $0x1000, s24;
	[sflag:s19] =	ssyncadd.s32 $0xFFFFE000  }
0x92: {  	[spmem:s1] =	stream.indirect.scatter.add.f32 [tilespmem:s15], [sflag:$0x2], $0x80, s29, s14, $0xb8;
	[tilespmem:$0x1E000] =	vst v63  }
0x93: {  	s30 =	sor.u32 $0x1080, s24  }
0x94: {  	[spmem:s1] =	stream.indirect.scatter.add.f32 [tilespmem:s16], [sflag:$0x2], $0x80, s30, s14, $0xb8;
	[tilespmem:$0x1E000] =	vst v63  }
0x95: {  	s31 =	sor.u32 $0x1100, s24  }
0x96: {  	[spmem:s1] =	stream.indirect.scatter.add.f32 [tilespmem:s17], [sflag:$0x2], $0x80, s31, s14, $0xb8;
	[tilespmem:$0x1E000] =	vst v63  }
0x97: {  	s22 =	sor.u32 $0x1180, s24  }
0x98: {  	[spmem:s1] =	stream.indirect.scatter.add.f32 [tilespmem:s18], [sflag:$0x2], $0x80, s22, s14, $0xb8;
	[tilespmem:$0x1E000] =	vst v63  }
0x99: {  	_ =	swait.ge [sflag:s20], $0x2000  }
0x9a: {  	[sflag:s20] =	ssyncset.done $0x0  }
0x9b: {  	[sflag:s20] =	ssyncadd.s32 $0xFFFFE000  }
0x9c: {  	_ =	swait.ge [sflag:s20], $0x2000  }
0x9d: {  	[sflag:s20] =	ssyncset.done $0x0  }
0x9e: {  	[sflag:s20] =	ssyncadd.s32 $0xFFFFE000  }
0x9f: {  	_ =	swait.ge [sflag:s20], $0x2000  }
0xa0: {  	[sflag:s20] =	ssyncset.done $0x0  }
0xa1: {  	[sflag:s20] =	ssyncadd.s32 $0xFFFFE000  }
0xa2: {  	_ =	swait.ge [sflag:s20], $0x2000  }
0xa3: {  	[sflag:s20] =	ssyncset.done $0x0  }
0xa4: {  	s21 =	sadd.s32 $0x1, s21;
	[sflag:s20] =	ssyncadd.s32 $0xFFFFE000  }
0xa5: {  	p0 =	sne.s32 s21, s9;
	[bflag:$0x0] =	sbarrier.arrive $0xFFFF  }
0xa6: {  	[hbm:s8], [sflag:s7] =	dma.local [spmem:s12], $0x2800  }
.Ltmp3:
0xa7: {  	_ = 	snop;
	(pc) =	sbr.rel @p0 .LBB2_1-.Ltmp3, $4  }
.Ltmp4:
0xa8: {  	_ = 	snop;
	(pc) =	sbr.rel @!p0 .LBB2_6-.Ltmp4, $4  }
0xa9: {  	_ =	swait.ge [sflag:s13], $0x2800  }
0xaa: {  	[sflag:s13] =	ssyncset.done $0x0  }
0xab: {  	[sflag:s13] =	ssyncadd.s32 $0xFFFFD800  }
0xac: {  	_ = 	snop  }
.LBB2_2:
.Ltmp5:
0xad: {  	(pc) =	sbr.rel .LBB2_5-.Ltmp5, $2  }
0xae: {  	_ =	sdelay $0x2  }
0xaf: {  	s23 =	smov.u32 s11;
	s22 =	smov.u32 s10  }
.LBB2_6:
0xb0: {  	_ =	sfence.sel $0x180000  }
0xb1: {  	[bflag:$0x0] =	sbarrier.arrive $0xFFFF  }
0xb2: {  	p0 =	sne.s32 s2, $0x0;
	_ =	strace $0x90000053  }
0xb3: {  	s0 =	sadd.s32 @!p0 $0x100000, s0;
	[bflag:$0x2] =	sbarrier.arrive $0xFFFF  }
0xb4: {  	[sflag:s0] =	ssyncadd.tile.s32 @!p0 $0x1;
	_ =	shalt  }
.Lfunc_end2:
_tile_overlayer_lowered:
.L_overlay_start_2:
0xb5: {  	(tag) =	ssettag $0x2  }
0xb6: {  	s0 =	rddreg [dreg:$0x0];
	s2 =	stileid.u32  }
0xb7: {  	s1 =	rddreg [dreg:$0x1];
	p0 =	sne.s32 s2, $0x0  }
0xb8: {  	s3 =	rddreg [dreg:$0x2];
	[bflag:$0x3] =	sbarrier.arrive $0xFFFF;
	s2 =	simm.s32 @!p0 $0x1C03  }
0xb9: {  	[timem:s3], [sflag:s2] =	dma.local @!p0 [hbm:s0], s1  }
0xba: {  	s0 =	simm.s32 @!p0 $0x3  }
0xbb: {  	_ =	swait.ge @!p0 [sflag:s0], s1  }
0xbc: {  	s1 =	ssub.s32 @!p0 $0x0, s1;
	[sflag:s0] =	ssyncset.done @!p0 $0x0  }
0xbd: {  	[sflag:s0] =	ssyncadd.s32 @!p0 s1  }
0xbe: {  	[bflag:$0x3] =	sbarrier.arrive $0xFFFF  }
0xbf: {  	_ =	shalt  }

</sc_bundles>
